<compile_context>
chip_gen: v7x
topology: tpu7x:2x2x1
jax: 0.10.2.dev20260603
libtpu: 0.0.44.dev20260713+nightly
codegen_flags: <defaults>
</compile_context>

<pallas_src>
import jax
import jax.numpy as jnp
from jax import lax
from jax.experimental import pallas as pl
from jax.experimental.pallas import tpu as pltpu
from jax.experimental.pallas import tpu_sc as plsc

SIZE = 64
BATCH = 4
PART = 18
NPAIR = BATCH * PART
GSIZE = 13
PAD = 6
NC, NS = 2, 16
PLANE = SIZE * SIZE
WIN = 20


def _sc_body(coords_hbm, g2_hbm, g3_hbm, zin, o0, o1, o2, o3,
             coordsv, g2v, g3v, zbuf, pbig2, pbig3, zsem, psem):
    wid = lax.axis_index("s") * NC + lax.axis_index("c")
    lane = lax.iota(jnp.int32, 16)
    zero16 = jnp.zeros((16,), jnp.float32)

    sh = [
        pltpu.async_copy(coords_hbm, coordsv, zsem),
        pltpu.async_copy(g2_hbm, g2v, zsem),
        pltpu.async_copy(g3_hbm, g3v, zsem),
        pltpu.async_copy(zin, pbig3, zsem),
        pltpu.async_copy(zin.at[pl.ds(0, 4 * PLANE)], zbuf, zsem),
        pltpu.async_copy(zin.at[pl.ds(0, 3 * PLANE)], pbig2, zsem),
    ]
    for h in sh:
        h.wait()

    def do_pair(pair, issue_zeros=True):
        crow = coordsv[pl.ds(pair * 16, 16)]
        x0 = crow[0]
        y0 = crow[1]
        zz = crow[2]

        sx = 63 - x0
        yc = jnp.clip(y0 - PAD, 0, SIZE - GSIZE)
        syo = yc - y0 + PAD
        zidx3 = zz - 1
        zc = jnp.clip(zidx3 - PAD, 0, SIZE - GSIZE)
        szo = zc - zidx3 + PAD
        bb4 = jnp.minimum(zc // 4, (SIZE - WIN) // 4)
        bb = bb4 * 4
        dz = zc - bb

        zidx2 = (zz * 4 + 63) // 64 - 1
        zidx1 = (zz * 2 + 63) // 64 - 1
        zidx0 = (zz + 63) // 64 - 1
        pe2 = jnp.maximum(zidx2, 0)
        pe1 = jnp.maximum(zidx1, 0)
        zh = []
        if issue_zeros:
            for j in range(11):
                blk = j + 5 * (j >= bb4).astype(jnp.int32)
                zh.append(pltpu.async_copy(
                    zbuf,
                    o3.at[pl.ds((pair * 64 + blk * 4) * PLANE, 4 * PLANE)],
                    zsem))
            for k in range(3):
                pk = k + (k >= pe2).astype(jnp.int32)
                zh.append(pltpu.async_copy(
                    zbuf.at[pl.ds(0, PLANE)],
                    o2.at[pl.ds((pair * 4 + pk) * PLANE, PLANE)], zsem))
            pk1 = (pe1 == 0).astype(jnp.int32)
            zh.append(pltpu.async_copy(
                zbuf.at[pl.ds(0, PLANE)],
                o1.at[pl.ds((pair * 2 + pk1) * PLANE, PLANE)], zsem))

        def body_jz(jz, carry):
            zs = szo + jz
            vz = (zs >= 0) & (zs < GSIZE)
            zcl = jnp.full((16,), jnp.clip(zs, 0, GSIZE - 1), jnp.int32)

            def body_j(j, c2):
                ys = syo + j
                vy = (ys >= 0) & (ys < GSIZE)
                ycl = jnp.full((16,), jnp.clip(ys, 0, GSIZE - 1), jnp.int32)
                scale = jnp.where(vz & vy, 1.0, 0.0).astype(jnp.float32)
                base = ((dz + jz) * SIZE + yc + j) * SIZE
                for i in range(4):
                    cx = sx + i * 16 + lane - 57
                    vxf = jnp.where((cx >= 0) & (cx < GSIZE), scale, 0.0)
                    cxc = jnp.clip(cx, 0, GSIZE - 1)
                    v = plsc.load_gather(
                        g3v, [(zcl * GSIZE + ycl) * 16 + cxc]) * vxf
                    pbig3[pl.ds(base + i * 16, 16)] = v
                return c2

            lax.fori_loop(0, GSIZE, body_j, 0)
            return carry

        lax.fori_loop(0, GSIZE, body_jz, 0)

        v2 = (zidx2 >= 0).astype(jnp.float32)
        v1 = (zidx1 >= 0).astype(jnp.float32)
        v0 = (zidx0 >= 0).astype(jnp.float32)

        def body_j2(j, carry):
            ys = syo + j
            vy = (ys >= 0) & (ys < GSIZE)
            ycl = jnp.full((16,), jnp.clip(ys, 0, GSIZE - 1), jnp.int32)
            yscale = jnp.where(vy, 1.0, 0.0).astype(jnp.float32)
            for r, vr in ((0, v0), (1, v1), (2, v2)):
                rcl = jnp.full((16,), r, jnp.int32)
                scale = yscale * vr
                base = (r * SIZE + yc + j) * SIZE
                for i in range(4):
                    cx = sx + i * 16 + lane - 57
                    vxf = jnp.where((cx >= 0) & (cx < GSIZE), scale, 0.0)
                    cxc = jnp.clip(cx, 0, GSIZE - 1)
                    v = plsc.load_gather(
                        g2v, [(rcl * GSIZE + ycl) * 16 + cxc]) * vxf
                    pbig2[pl.ds(base + i * 16, 16)] = v
            return carry

        lax.fori_loop(0, GSIZE, body_j2, 0)

        ph = [
            pltpu.async_copy(
                pbig3, o3.at[pl.ds((pair * 64 + bb) * PLANE, WIN * PLANE)],
                psem),
            pltpu.async_copy(
                pbig2.at[pl.ds(2 * PLANE, PLANE)],
                o2.at[pl.ds((pair * 4 + pe2) * PLANE, PLANE)], psem),
            pltpu.async_copy(
                pbig2.at[pl.ds(1 * PLANE, PLANE)],
                o1.at[pl.ds((pair * 2 + pe1) * PLANE, PLANE)], psem),
            pltpu.async_copy(
                pbig2.at[pl.ds(0, PLANE)],
                o0.at[pl.ds(pair * PLANE, PLANE)], psem),
        ]
        for h in ph:
            h.wait()

        def rz3(jz, carry):
            def rzj(j, c2):
                base = ((dz + jz) * SIZE + yc + j) * SIZE
                for i in range(4):
                    pbig3[pl.ds(base + i * 16, 16)] = zero16
                return c2
            lax.fori_loop(0, GSIZE, rzj, 0)
            return carry

        lax.fori_loop(0, GSIZE, rz3, 0)

        def rz2(j, carry):
            for r in range(3):
                base = (r * SIZE + yc + j) * SIZE
                for i in range(4):
                    pbig2[pl.ds(base + i * 16, 16)] = zero16
            return carry

        lax.fori_loop(0, GSIZE, rz2, 0)
        return zh

    zh_a = do_pair(wid)
    zh_b = do_pair(wid + 32)

    @pl.when(wid + 64 < NPAIR)
    def _():
        for h in do_pair(wid + 64, issue_zeros=False):
            h.wait()

    def extra_geom(pair):
        crow = coordsv[pl.ds(pair * 16, 16)]
        zz = crow[2]
        zc = jnp.clip(zz - 1 - PAD, 0, SIZE - GSIZE)
        bb4 = jnp.minimum(zc // 4, (SIZE - WIN) // 4)
        pe2 = jnp.maximum((zz * 4 + 63) // 64 - 1, 0)
        pe1 = jnp.maximum((zz * 2 + 63) // 64 - 1, 0)
        return bb4, pe2, pe1

    @pl.when((wid >= 8) & (wid < 16))
    def _():
        pair = 64 + wid - 8
        bb4, _pe2, _pe1 = extra_geom(pair)
        hs = []
        for j in range(6):
            blk = j + 5 * (j >= bb4).astype(jnp.int32)
            hs.append(pltpu.async_copy(
                zbuf,
                o3.at[pl.ds((pair * 64 + blk * 4) * PLANE, 4 * PLANE)],
                zsem))
        for h in hs:
            h.wait()

    @pl.when((wid >= 16) & (wid < 24))
    def _():
        pair = 64 + wid - 16
        bb4, pe2, pe1 = extra_geom(pair)
        hs = []
        for j in range(6, 11):
            blk = j + 5 * (j >= bb4).astype(jnp.int32)
            hs.append(pltpu.async_copy(
                zbuf,
                o3.at[pl.ds((pair * 64 + blk * 4) * PLANE, 4 * PLANE)],
                zsem))
        for k in range(3):
            pk = k + (k >= pe2).astype(jnp.int32)
            hs.append(pltpu.async_copy(
                zbuf.at[pl.ds(0, PLANE)],
                o2.at[pl.ds((pair * 4 + pk) * PLANE, PLANE)], zsem))
        pk1 = (pe1 == 0).astype(jnp.int32)
        hs.append(pltpu.async_copy(
            zbuf.at[pl.ds(0, PLANE)],
            o1.at[pl.ds((pair * 2 + pk1) * PLANE, PLANE)], zsem))
        for h in hs:
            h.wait()

    for h in zh_a + zh_b:
        h.wait()


@jax.jit
def kernel(coords, g0, g1, g2, g3):
    f32 = jnp.float32
    coords16 = jnp.zeros((NPAIR, 16), jnp.int32)
    coords16 = coords16.at[:, :3].set(coords.reshape(NPAIR, 3))
    g2s = jnp.zeros((3, GSIZE, 16), f32)
    g2s = g2s.at[:, :, :GSIZE].set(jnp.stack([g0[0], g1[0], g2[0]]).astype(f32))
    g3s = jnp.zeros((GSIZE, GSIZE, 16), f32)
    g3s = g3s.at[:, :, :GSIZE].set(g3.astype(f32))

    mesh = plsc.VectorSubcoreMesh(
        core_axis_name="c", subcore_axis_name="s",
        num_cores=NC, num_subcores=NS)
    out_type = [
        jax.ShapeDtypeStruct((NPAIR * 1 * PLANE,), f32),
        jax.ShapeDtypeStruct((NPAIR * 2 * PLANE,), f32),
        jax.ShapeDtypeStruct((NPAIR * 4 * PLANE,), f32),
        jax.ShapeDtypeStruct((NPAIR * 64 * PLANE,), f32),
    ]
    scratch = [
        pltpu.VMEM((NPAIR * 16,), jnp.int32),
        pltpu.VMEM((3 * GSIZE * 16,), f32),
        pltpu.VMEM((GSIZE * GSIZE * 16,), f32),
        pltpu.VMEM((4 * PLANE,), f32),
        pltpu.VMEM((3 * PLANE,), f32),
        pltpu.VMEM((WIN * PLANE,), f32),
        pltpu.SemaphoreType.DMA,
        pltpu.SemaphoreType.DMA,
    ]
    o0, o1, o2, o3 = pl.kernel(
        _sc_body, out_type=out_type, mesh=mesh, scratch_types=scratch,
        compiler_params=pltpu.CompilerParams(needs_layout_passes=False),
    )(coords16.reshape(-1), g2s.reshape(-1), g3s.reshape(-1),
      jnp.zeros((WIN * PLANE,), f32))
    return (
        o0.reshape(BATCH, PART, 1, SIZE, SIZE),
        o1.reshape(BATCH, PART, 2, SIZE, SIZE),
        o2.reshape(BATCH, PART, 4, SIZE, SIZE),
        o3.reshape(BATCH, PART, 64, SIZE, SIZE),
    )

# --- scband reference (transcript-rebuilt; emitter-appended) ---
"""Pipeline reference for scband-gaussian-voxel-83889301225807 (READ-ONLY COPY).

The authoritative reference and input builder live on the scoring server;
editing this copy changes nothing except your own understanding.
"""

import jax, jax.numpy as jnp
import numpy as np

SIZE = 64
BATCH = 4
PART = 18
XY_COEFF = 2
Z_RES_LIST = [1, 2, 4, 64]
# heatmap_z_coeff = 2*floor((6*xy_coeff*z_res/z_max + 1)/2) + 1  -> [1, 1, 1, 13]
Z_COEFF = [1, 1, 1, 13]
ZPAD = [0, 0, 0, 6]  # floor(z_coeff/2)
GSIZE = 3 * 2 * XY_COEFF + 1  # 13


def gaussian_3d(size, depth, sigma=0.25, mean=0.5, amplitude=1.0):
    width = size
    height = size
    mean_u = mean * width + 0.5
    mean_v = mean * height + 0.5
    mean_r = mean * depth + 0.5
    over_sigma_u = 1.0 / (sigma * width)
    over_sigma_v = 1.0 / (sigma * height)
    over_sigma_r = 1.0 / (sigma * depth)
    x = jnp.arange(0, width, 1, dtype=jnp.float32)
    y = x.reshape(-1, 1)
    z = jnp.arange(0, depth, 1, dtype=jnp.float32).reshape(-1, 1, 1)
    du = (x + 1 - mean_u) * over_sigma_u
    dv = (y + 1 - mean_v) * over_sigma_v
    dr = (z + 1 - mean_r) * over_sigma_r
    return amplitude * jnp.exp(-0.5 * (du * du + dv * dv + dr * dr))


def setup_inputs(seed: int = 0) -> dict:
    key = jax.random.key(seed)
    coords = jax.random.randint(key, (BATCH, PART, 3), 0, SIZE).astype(jnp.int32)
    gs = [gaussian_3d(GSIZE, d) for d in Z_COEFF]
    return {"coords": coords, "g0": gs[0], "g1": gs[1], "g2": gs[2], "g3": gs[3]}


def _forward(coords, gaussians):
    pad = 3 * XY_COEFF
    z_max = float(Z_RES_LIST[-1])
    x0 = coords[:, :, 0]
    y0 = coords[:, :, 1]
    zv = coords[:, :, 2].astype(jnp.float32)
    voxels = []
    for z_res, zpad, g in zip(Z_RES_LIST, ZPAD, gaussians):
        depth = g.shape[0]
        zidx = jnp.ceil(zv * z_res / z_max).astype(jnp.int32) - 1
        src_x = jnp.arange(SIZE)[None, None, :] - (x0[:, :, None] - pad)
        src_y = jnp.arange(SIZE)[None, None, :] - (y0[:, :, None] - pad)
        src_z = jnp.arange(z_res)[None, None, :] - (zidx[:, :, None] - zpad)
        vx = (src_x >= 0) & (src_x < GSIZE)
        vy = (src_y >= 0) & (src_y < GSIZE)
        vz = (src_z >= 0) & (src_z < depth)
        ix = jnp.clip(src_x, 0, GSIZE - 1)[:, :, None, None, :]
        iy = jnp.clip(src_y, 0, GSIZE - 1)[:, :, None, :, None]
        iz = jnp.clip(src_z, 0, depth - 1)[:, :, :, None, None]
        valid = vz[:, :, :, None, None] & vy[:, :, None, :, None] & vx[:, :, None, None, :]
        vol = jnp.where(valid, g[iz, iy, ix], jnp.float32(0.0))
        voxels.append(vol.astype(jnp.float32))
    return tuple(voxels)


def reference(coords, g0, g1, g2, g3):
    return _forward(coords, [g0, g1, g2, g3])

if __name__ == "__main__":
    import jax
    _d = setup_inputs()
    print(jax.jit(kernel)(*tuple(_d.values())))

</pallas_src>

<mosaic_0001>
#map = affine_map<(d0, d1) -> (0)>
module attributes {stable_mosaic.version = 14 : i64} {
  func.func @_sc_body(%arg0: i32, %arg1: i32, %arg2: memref<1152xi32, #tpu.memory_space<hbm>>, %arg3: memref<624xf32, #tpu.memory_space<hbm>>, %arg4: memref<2704xf32, #tpu.memory_space<hbm>>, %arg5: memref<81920xf32, #tpu.memory_space<hbm>>, %arg6: memref<294912xf32, #tpu.memory_space<hbm>>, %arg7: memref<589824xf32, #tpu.memory_space<hbm>>, %arg8: memref<1179648xf32, #tpu.memory_space<hbm>>, %arg9: memref<18874368xf32, #tpu.memory_space<hbm>>, %arg10: memref<1152xi32, #tpu.memory_space<vmem>>, %arg11: memref<624xf32, #tpu.memory_space<vmem>>, %arg12: memref<2704xf32, #tpu.memory_space<vmem>>, %arg13: memref<16384xf32, #tpu.memory_space<vmem>>, %arg14: memref<12288xf32, #tpu.memory_space<vmem>>, %arg15: memref<81920xf32, #tpu.memory_space<vmem>>, %arg16: memref<!tpu.dma_semaphore, #tpu.memory_space<semaphore_mem>>, %arg17: memref<!tpu.dma_semaphore, #tpu.memory_space<semaphore_mem>>) attributes {dimension_semantics = [#tpu.dimension_semantics<core_parallel>, #tpu.dimension_semantics<subcore_parallel>], iteration_bounds = array<i64: 2, 16>, scalar_prefetch = 0 : i64, scratch_operands = 8 : i64, tpu.core_type = #tpu.core_type<sc_vector_subcore>, window_params = [{transform_indices = #map}, {transform_indices = #map}, {transform_indices = #map}, {transform_indices = #map}, {transform_indices = #map}, {transform_indices = #map}, {transform_indices = #map}, {transform_indices = #map}]} {
    %mul3A = arith.constant 2 : i32
    %mul3A_0 = arith.muli %arg1, %mul3A : i32
    %add3A = arith.addi %mul3A_0, %arg0 : i32
    %iota3A = tpu.iota {dimensions = array<i32: 0>} : vector<16xi32>
    %broadcast_in_dim3A = arith.constant 0.000000e+00 : f32
    %broadcast_in_dim3A_1 = vector.broadcast %broadcast_in_dim3A : f32 to vector<16xf32>
    tpu.enqueue_dma source(%arg2 : memref<1152xi32, #tpu.memory_space<hbm>>) target(%arg10 : memref<1152xi32, #tpu.memory_space<vmem>>) target_semaphore(%arg16 : memref<!tpu.dma_semaphore, #tpu.memory_space<semaphore_mem>>)
    tpu.enqueue_dma source(%arg3 : memref<624xf32, #tpu.memory_space<hbm>>) target(%arg11 : memref<624xf32, #tpu.memory_space<vmem>>) target_semaphore(%arg16 : memref<!tpu.dma_semaphore, #tpu.memory_space<semaphore_mem>>)
    tpu.enqueue_dma source(%arg4 : memref<2704xf32, #tpu.memory_space<hbm>>) target(%arg12 : memref<2704xf32, #tpu.memory_space<vmem>>) target_semaphore(%arg16 : memref<!tpu.dma_semaphore, #tpu.memory_space<semaphore_mem>>)
    tpu.enqueue_dma source(%arg5 : memref<81920xf32, #tpu.memory_space<hbm>>) target(%arg15 : memref<81920xf32, #tpu.memory_space<vmem>>) target_semaphore(%arg16 : memref<!tpu.dma_semaphore, #tpu.memory_space<semaphore_mem>>)
    %dma_start3A = arith.constant 0 : i32
    %dma_start3A_2 = tpu.memref_slice %arg5[%dma_start3A] : memref<81920xf32, #tpu.memory_space<hbm>> -> memref<16384xf32, #tpu.memory_space<hbm>>
    %dma_start3A_3 = arith.constant 0 : i32
    %dma_start3A_4 = tpu.memref_slice %arg5[%dma_start3A_3] : memref<81920xf32, #tpu.memory_space<hbm>> -> memref<16384xf32, #tpu.memory_space<hbm>>
    tpu.enqueue_dma source(%dma_start3A_4 : memref<16384xf32, #tpu.memory_space<hbm>>) target(%arg13 : memref<16384xf32, #tpu.memory_space<vmem>>) target_semaphore(%arg16 : memref<!tpu.dma_semaphore, #tpu.memory_space<semaphore_mem>>)
    %dma_start3A_5 = arith.constant 0 : i32
    %dma_start3A_6 = tpu.memref_slice %arg5[%dma_start3A_5] : memref<81920xf32, #tpu.memory_space<hbm>> -> memref<12288xf32, #tpu.memory_space<hbm>>
    %dma_start3A_7 = arith.constant 0 : i32
    %dma_start3A_8 = tpu.memref_slice %arg5[%dma_start3A_7] : memref<81920xf32, #tpu.memory_space<hbm>> -> memref<12288xf32, #tpu.memory_space<hbm>>
    tpu.enqueue_dma source(%dma_start3A_8 : memref<12288xf32, #tpu.memory_space<hbm>>) target(%arg14 : memref<12288xf32, #tpu.memory_space<vmem>>) target_semaphore(%arg16 : memref<!tpu.dma_semaphore, #tpu.memory_space<semaphore_mem>>)
    tpu.wait_dma2 semaphore(%arg16 : memref<!tpu.dma_semaphore, #tpu.memory_space<semaphore_mem>>) src(%arg2 : memref<1152xi32, #tpu.memory_space<hbm>>) dst(%arg10 : memref<1152xi32, #tpu.memory_space<vmem>>)
    tpu.wait_dma2 semaphore(%arg16 : memref<!tpu.dma_semaphore, #tpu.memory_space<semaphore_mem>>) src(%arg3 : memref<624xf32, #tpu.memory_space<hbm>>) dst(%arg11 : memref<624xf32, #tpu.memory_space<vmem>>)
    tpu.wait_dma2 semaphore(%arg16 : memref<!tpu.dma_semaphore, #tpu.memory_space<semaphore_mem>>) src(%arg4 : memref<2704xf32, #tpu.memory_space<hbm>>) dst(%arg12 : memref<2704xf32, #tpu.memory_space<vmem>>)
    tpu.wait_dma2 semaphore(%arg16 : memref<!tpu.dma_semaphore, #tpu.memory_space<semaphore_mem>>) src(%arg5 : memref<81920xf32, #tpu.memory_space<hbm>>) dst(%arg15 : memref<81920xf32, #tpu.memory_space<vmem>>)
    %dma_wait3A = arith.constant 0 : i32
    %dma_wait3A_9 = tpu.memref_slice %arg5[%dma_wait3A] : memref<81920xf32, #tpu.memory_space<hbm>> -> memref<16384xf32, #tpu.memory_space<hbm>>
    %dma_wait3A_10 = arith.constant 0 : i32
    %dma_wait3A_11 = tpu.memref_slice %arg5[%dma_wait3A_10] : memref<81920xf32, #tpu.memory_space<hbm>> -> memref<16384xf32, #tpu.memory_space<hbm>>
    tpu.wait_dma2 semaphore(%arg16 : memref<!tpu.dma_semaphore, #tpu.memory_space<semaphore_mem>>) src(%dma_wait3A_11 : memref<16384xf32, #tpu.memory_space<hbm>>) dst(%arg13 : memref<16384xf32, #tpu.memory_space<vmem>>)
    %dma_wait3A_12 = arith.constant 0 : i32
    %dma_wait3A_13 = tpu.memref_slice %arg5[%dma_wait3A_12] : memref<81920xf32, #tpu.memory_space<hbm>> -> memref<12288xf32, #tpu.memory_space<hbm>>
    %dma_wait3A_14 = arith.constant 0 : i32
    %dma_wait3A_15 = tpu.memref_slice %arg5[%dma_wait3A_14] : memref<81920xf32, #tpu.memory_space<hbm>> -> memref<12288xf32, #tpu.memory_space<hbm>>
    tpu.wait_dma2 semaphore(%arg16 : memref<!tpu.dma_semaphore, #tpu.memory_space<semaphore_mem>>) src(%dma_wait3A_15 : memref<12288xf32, #tpu.memory_space<hbm>>) dst(%arg14 : memref<12288xf32, #tpu.memory_space<vmem>>)
    %mul3A_16 = arith.constant 16 : i32
    %mul3A_17 = arith.muli %add3A, %mul3A_16 : i32
    %get3A = arith.index_cast %mul3A_17 : i32 to index
    %get3A_18 = tpu.vector_load %arg10[%get3A] {strides = array<i32>} : memref<1152xi32, #tpu.memory_space<vmem>>, vector<16xi32>,
    %slice3A = vector.extract_strided_slice %get3A_18 {offsets = [0], sizes = [1], strides = [1]} : vector<16xi32> to vector<1xi32>
    %squeeze3A = vector.extract %slice3A[0] : i32 from vector<1xi32>
    %slice3A_19 = vector.extract_strided_slice %get3A_18 {offsets = [1], sizes = [1], strides = [1]} : vector<16xi32> to vector<1xi32>
    %squeeze3A_20 = vector.extract %slice3A_19[0] : i32 from vector<1xi32>
    %slice3A_21 = vector.extract_strided_slice %get3A_18 {offsets = [2], sizes = [1], strides = [1]} : vector<16xi32> to vector<1xi32>
    %squeeze3A_22 = vector.extract %slice3A_21[0] : i32 from vector<1xi32>
    %sub3A = arith.constant 63 : i32
    %sub3A_23 = arith.subi %sub3A, %squeeze3A : i32
    %sub3A_24 = arith.constant 6 : i32
    %sub3A_25 = arith.subi %squeeze3A_20, %sub3A_24 : i32
    %jit3A = arith.constant 0 : i32
    %jit3A_26 = arith.constant 51 : i32
    %max3A = arith.maxsi %jit3A, %sub3A_25 : i32
    %min3A = arith.minsi %jit3A_26, %max3A : i32
    %sub3A_27 = arith.subi %min3A, %squeeze3A_20 : i32
    %add3A_28 = arith.constant 6 : i32
    %add3A_29 = arith.addi %sub3A_27, %add3A_28 : i32
    %sub3A_30 = arith.constant 1 : i32
    %sub3A_31 = arith.subi %squeeze3A_22, %sub3A_30 : i32
    %sub3A_32 = arith.constant 6 : i32
    %sub3A_33 = arith.subi %sub3A_31, %sub3A_32 : i32
    %jit3A_34 = arith.constant 0 : i32
    %jit3A_35 = arith.constant 51 : i32
    %max3A_36 = arith.maxsi %jit3A_34, %sub3A_33 : i32
    %min3A_37 = arith.minsi %jit3A_35, %max3A_36 : i32
    %sub3A_38 = arith.subi %min3A_37, %sub3A_31 : i32
    %add3A_39 = arith.constant 6 : i32
    %add3A_40 = arith.addi %sub3A_38, %add3A_39 : i32
    %jit3A_41 = arith.constant 4 : i32
    %div3A = arith.divsi %min3A_37, %jit3A_41 : i32
    %sign3A = arith.constant 0 : i32
    %sign3A_42 = arith.cmpi sgt, %min3A_37, %sign3A : i32
    %sign3A_43 = arith.extui %sign3A_42 : i1 to i32
    %sign3A_44 = arith.constant 0 : i32
    %sign3A_45 = arith.cmpi slt, %min3A_37, %sign3A_44 : i32
    %sign3A_46 = arith.extui %sign3A_45 : i1 to i32
    %sign3A_47 = arith.subi %sign3A_43, %sign3A_46 : i32
    %sign3A_48 = arith.constant 0 : i32
    %sign3A_49 = arith.cmpi sgt, %jit3A_41, %sign3A_48 : i32
    %sign3A_50 = arith.extui %sign3A_49 : i1 to i32
    %sign3A_51 = arith.constant 0 : i32
    %sign3A_52 = arith.cmpi slt, %jit3A_41, %sign3A_51 : i32
    %sign3A_53 = arith.extui %sign3A_52 : i1 to i32
    %sign3A_54 = arith.subi %sign3A_50, %sign3A_53 : i32
    %ne3A = arith.cmpi ne, %sign3A_47, %sign3A_54 : i32
    %rem3A = arith.remsi %min3A_37, %jit3A_41 : i32
    %ne3A_55 = arith.constant 0 : i32
    %ne3A_56 = arith.cmpi ne, %rem3A, %ne3A_55 : i32
    %and3A = arith.andi %ne3A, %ne3A_56 : i1
    %sub3A_57 = arith.constant 1 : i32
    %sub3A_58 = arith.subi %div3A, %sub3A_57 : i32
    %select_n3A = arith.select %and3A, %sub3A_58, %div3A : i32
    %min3A_59 = arith.constant 11 : i32
    %min3A_60 = arith.minsi %select_n3A, %min3A_59 : i32
    %mul3A_61 = arith.constant 4 : i32
    %mul3A_62 = arith.muli %min3A_60, %mul3A_61 : i32
    %sub3A_63 = arith.subi %min3A_37, %mul3A_62 : i32
    %mul3A_64 = arith.constant 4 : i32
    %mul3A_65 = arith.muli %squeeze3A_22, %mul3A_64 : i32
    %add3A_66 = arith.constant 63 : i32
    %add3A_67 = arith.addi %mul3A_65, %add3A_66 : i32
    %jit3A_68 = arith.constant 64 : i32
    %div3A_69 = arith.divsi %add3A_67, %jit3A_68 : i32
    %sign3A_70 = arith.constant 0 : i32
    %sign3A_71 = arith.cmpi sgt, %add3A_67, %sign3A_70 : i32
    %sign3A_72 = arith.extui %sign3A_71 : i1 to i32
    %sign3A_73 = arith.constant 0 : i32
    %sign3A_74 = arith.cmpi slt, %add3A_67, %sign3A_73 : i32
    %sign3A_75 = arith.extui %sign3A_74 : i1 to i32
    %sign3A_76 = arith.subi %sign3A_72, %sign3A_75 : i32
    %sign3A_77 = arith.constant 0 : i32
    %sign3A_78 = arith.cmpi sgt, %jit3A_68, %sign3A_77 : i32
    %sign3A_79 = arith.extui %sign3A_78 : i1 to i32
    %sign3A_80 = arith.constant 0 : i32
    %sign3A_81 = arith.cmpi slt, %jit3A_68, %sign3A_80 : i32
    %sign3A_82 = arith.extui %sign3A_81 : i1 to i32
    %sign3A_83 = arith.subi %sign3A_79, %sign3A_82 : i32
    %ne3A_84 = arith.cmpi ne, %sign3A_76, %sign3A_83 : i32
    %rem3A_85 = arith.remsi %add3A_67, %jit3A_68 : i32
    %ne3A_86 = arith.constant 0 : i32
    %ne3A_87 = arith.cmpi ne, %rem3A_85, %ne3A_86 : i32
    %and3A_88 = arith.andi %ne3A_84, %ne3A_87 : i1
    %sub3A_89 = arith.constant 1 : i32
    %sub3A_90 = arith.subi %div3A_69, %sub3A_89 : i32
    %select_n3A_91 = arith.select %and3A_88, %sub3A_90, %div3A_69 : i32
    %sub3A_92 = arith.constant 1 : i32
    %sub3A_93 = arith.subi %select_n3A_91, %sub3A_92 : i32
    %mul3A_94 = arith.constant 2 : i32
    %mul3A_95 = arith.muli %squeeze3A_22, %mul3A_94 : i32
    %add3A_96 = arith.constant 63 : i32
    %add3A_97 = arith.addi %mul3A_95, %add3A_96 : i32
    %jit3A_98 = arith.constant 64 : i32
    %div3A_99 = arith.divsi %add3A_97, %jit3A_98 : i32
    %sign3A_100 = arith.constant 0 : i32
    %sign3A_101 = arith.cmpi sgt, %add3A_97, %sign3A_100 : i32
    %sign3A_102 = arith.extui %sign3A_101 : i1 to i32
    %sign3A_103 = arith.constant 0 : i32
    %sign3A_104 = arith.cmpi slt, %add3A_97, %sign3A_103 : i32
    %sign3A_105 = arith.extui %sign3A_104 : i1 to i32
    %sign3A_106 = arith.subi %sign3A_102, %sign3A_105 : i32
    %sign3A_107 = arith.constant 0 : i32
    %sign3A_108 = arith.cmpi sgt, %jit3A_98, %sign3A_107 : i32
    %sign3A_109 = arith.extui %sign3A_108 : i1 to i32
    %sign3A_110 = arith.constant 0 : i32
    %sign3A_111 = arith.cmpi slt, %jit3A_98, %sign3A_110 : i32
    %sign3A_112 = arith.extui %sign3A_111 : i1 to i32
    %sign3A_113 = arith.subi %sign3A_109, %sign3A_112 : i32
    %ne3A_114 = arith.cmpi ne, %sign3A_106, %sign3A_113 : i32
    %rem3A_115 = arith.remsi %add3A_97, %jit3A_98 : i32
    %ne3A_116 = arith.constant 0 : i32
    %ne3A_117 = arith.cmpi ne, %rem3A_115, %ne3A_116 : i32
    %and3A_118 = arith.andi %ne3A_114, %ne3A_117 : i1
    %sub3A_119 = arith.constant 1 : i32
    %sub3A_120 = arith.subi %div3A_99, %sub3A_119 : i32
    %select_n3A_121 = arith.select %and3A_118, %sub3A_120, %div3A_99 : i32
    %sub3A_122 = arith.constant 1 : i32
    %sub3A_123 = arith.subi %select_n3A_121, %sub3A_122 : i32
    %add3A_124 = arith.constant 63 : i32
    %add3A_125 = arith.addi %squeeze3A_22, %add3A_124 : i32
    %jit3A_126 = arith.constant 64 : i32
    %div3A_127 = arith.divsi %add3A_125, %jit3A_126 : i32
    %sign3A_128 = arith.constant 0 : i32
    %sign3A_129 = arith.cmpi sgt, %add3A_125, %sign3A_128 : i32
    %sign3A_130 = arith.extui %sign3A_129 : i1 to i32
    %sign3A_131 = arith.constant 0 : i32
    %sign3A_132 = arith.cmpi slt, %add3A_125, %sign3A_131 : i32
    %sign3A_133 = arith.extui %sign3A_132 : i1 to i32
    %sign3A_134 = arith.subi %sign3A_130, %sign3A_133 : i32
    %sign3A_135 = arith.constant 0 : i32
    %sign3A_136 = arith.cmpi sgt, %jit3A_126, %sign3A_135 : i32
    %sign3A_137 = arith.extui %sign3A_136 : i1 to i32
    %sign3A_138 = arith.constant 0 : i32
    %sign3A_139 = arith.cmpi slt, %jit3A_126, %sign3A_138 : i32
    %sign3A_140 = arith.extui %sign3A_139 : i1 to i32
    %sign3A_141 = arith.subi %sign3A_137, %sign3A_140 : i32
    %ne3A_142 = arith.cmpi ne, %sign3A_134, %sign3A_141 : i32
    %rem3A_143 = arith.remsi %add3A_125, %jit3A_126 : i32
    %ne3A_144 = arith.constant 0 : i32
    %ne3A_145 = arith.cmpi ne, %rem3A_143, %ne3A_144 : i32
    %and3A_146 = arith.andi %ne3A_142, %ne3A_145 : i1
    %sub3A_147 = arith.constant 1 : i32
    %sub3A_148 = arith.subi %div3A_127, %sub3A_147 : i32
    %select_n3A_149 = arith.select %and3A_146, %sub3A_148, %div3A_127 : i32
    %sub3A_150 = arith.constant 1 : i32
    %sub3A_151 = arith.subi %select_n3A_149, %sub3A_150 : i32
    %max3A_152 = arith.constant 0 : i32
    %max3A_153 = arith.maxsi %sub3A_93, %max3A_152 : i32
    %max3A_154 = arith.constant 0 : i32
    %max3A_155 = arith.maxsi %sub3A_123, %max3A_154 : i32
    %le3A = arith.constant 0 : i32
    %le3A_156 = arith.cmpi sle, %min3A_60, %le3A : i32
    %convert_element_type3A = arith.extui %le3A_156 : i1 to i32
    %mul3A_157 = arith.constant 5 : i32
    %mul3A_158 = arith.muli %mul3A_157, %convert_element_type3A : i32
    %add3A_159 = arith.constant 0 : i32
    %add3A_160 = arith.addi %add3A_159, %mul3A_158 : i32
    %mul3A_161 = arith.constant 64 : i32
    %mul3A_162 = arith.muli %add3A, %mul3A_161 : i32
    %mul3A_163 = arith.constant 4 : i32
    %mul3A_164 = arith.muli %add3A_160, %mul3A_163 : i32
    %add3A_165 = arith.addi %mul3A_162, %mul3A_164 : i32
    %mul3A_166 = arith.constant 4096 : i32
    %mul3A_167 = arith.muli %add3A_165, %mul3A_166 : i32
    %dma_start3A_168 = tpu.memref_slice %arg9[%mul3A_167] : memref<18874368xf32, #tpu.memory_space<hbm>> -> memref<16384xf32, #tpu.memory_space<hbm>>
    %dma_start3A_169 = tpu.memref_slice %arg9[%mul3A_167] : memref<18874368xf32, #tpu.memory_space<hbm>> -> memref<16384xf32, #tpu.memory_space<hbm>>
    tpu.enqueue_dma source(%arg13 : memref<16384xf32, #tpu.memory_space<vmem>>) target(%dma_start3A_169 : memref<16384xf32, #tpu.memory_space<hbm>>) target_semaphore(%arg16 : memref<!tpu.dma_semaphore, #tpu.memory_space<semaphore_mem>>)
    %le3A_170 = arith.constant 1 : i32
    %le3A_171 = arith.cmpi sle, %min3A_60, %le3A_170 : i32
    %convert_element_type3A_172 = arith.extui %le3A_171 : i1 to i32
    %mul3A_173 = arith.constant 5 : i32
    %mul3A_174 = arith.muli %mul3A_173, %convert_element_type3A_172 : i32
    %add3A_175 = arith.constant 1 : i32
    %add3A_176 = arith.addi %add3A_175, %mul3A_174 : i32
    %mul3A_177 = arith.constant 64 : i32
    %mul3A_178 = arith.muli %add3A, %mul3A_177 : i32
    %mul3A_179 = arith.constant 4 : i32
    %mul3A_180 = arith.muli %add3A_176, %mul3A_179 : i32
    %add3A_181 = arith.addi %mul3A_178, %mul3A_180 : i32
    %mul3A_182 = arith.constant 4096 : i32
    %mul3A_183 = arith.muli %add3A_181, %mul3A_182 : i32
    %dma_start3A_184 = tpu.memref_slice %arg9[%mul3A_183] : memref<18874368xf32, #tpu.memory_space<hbm>> -> memref<16384xf32, #tpu.memory_space<hbm>>
    %dma_start3A_185 = tpu.memref_slice %arg9[%mul3A_183] : memref<18874368xf32, #tpu.memory_space<hbm>> -> memref<16384xf32, #tpu.memory_space<hbm>>
    tpu.enqueue_dma source(%arg13 : memref<16384xf32, #tpu.memory_space<vmem>>) target(%dma_start3A_185 : memref<16384xf32, #tpu.memory_space<hbm>>) target_semaphore(%arg16 : memref<!tpu.dma_semaphore, #tpu.memory_space<semaphore_mem>>)
    %le3A_186 = arith.constant 2 : i32
    %le3A_187 = arith.cmpi sle, %min3A_60, %le3A_186 : i32
    %convert_element_type3A_188 = arith.extui %le3A_187 : i1 to i32
    %mul3A_189 = arith.constant 5 : i32
    %mul3A_190 = arith.muli %mul3A_189, %convert_element_type3A_188 : i32
    %add3A_191 = arith.constant 2 : i32
    %add3A_192 = arith.addi %add3A_191, %mul3A_190 : i32
    %mul3A_193 = arith.constant 64 : i32
    %mul3A_194 = arith.muli %add3A, %mul3A_193 : i32
    %mul3A_195 = arith.constant 4 : i32
    %mul3A_196 = arith.muli %add3A_192, %mul3A_195 : i32
    %add3A_197 = arith.addi %mul3A_194, %mul3A_196 : i32
    %mul3A_198 = arith.constant 4096 : i32
    %mul3A_199 = arith.muli %add3A_197, %mul3A_198 : i32
    %dma_start3A_200 = tpu.memref_slice %arg9[%mul3A_199] : memref<18874368xf32, #tpu.memory_space<hbm>> -> memref<16384xf32, #tpu.memory_space<hbm>>
    %dma_start3A_201 = tpu.memref_slice %arg9[%mul3A_199] : memref<18874368xf32, #tpu.memory_space<hbm>> -> memref<16384xf32, #tpu.memory_space<hbm>>
    tpu.enqueue_dma source(%arg13 : memref<16384xf32, #tpu.memory_space<vmem>>) target(%dma_start3A_201 : memref<16384xf32, #tpu.memory_space<hbm>>) target_semaphore(%arg16 : memref<!tpu.dma_semaphore, #tpu.memory_space<semaphore_mem>>)
    %le3A_202 = arith.constant 3 : i32
    %le3A_203 = arith.cmpi sle, %min3A_60, %le3A_202 : i32
    %convert_element_type3A_204 = arith.extui %le3A_203 : i1 to i32
    %mul3A_205 = arith.constant 5 : i32
    %mul3A_206 = arith.muli %mul3A_205, %convert_element_type3A_204 : i32
    %add3A_207 = arith.constant 3 : i32
    %add3A_208 = arith.addi %add3A_207, %mul3A_206 : i32
    %mul3A_209 = arith.constant 64 : i32
    %mul3A_210 = arith.muli %add3A, %mul3A_209 : i32
    %mul3A_211 = arith.constant 4 : i32
    %mul3A_212 = arith.muli %add3A_208, %mul3A_211 : i32
    %add3A_213 = arith.addi %mul3A_210, %mul3A_212 : i32
    %mul3A_214 = arith.constant 4096 : i32
    %mul3A_215 = arith.muli %add3A_213, %mul3A_214 : i32
    %dma_start3A_216 = tpu.memref_slice %arg9[%mul3A_215] : memref<18874368xf32, #tpu.memory_space<hbm>> -> memref<16384xf32, #tpu.memory_space<hbm>>
    %dma_start3A_217 = tpu.memref_slice %arg9[%mul3A_215] : memref<18874368xf32, #tpu.memory_space<hbm>> -> memref<16384xf32, #tpu.memory_space<hbm>>
    tpu.enqueue_dma source(%arg13 : memref<16384xf32, #tpu.memory_space<vmem>>) target(%dma_start3A_217 : memref<16384xf32, #tpu.memory_space<hbm>>) target_semaphore(%arg16 : memref<!tpu.dma_semaphore, #tpu.memory_space<semaphore_mem>>)
    %le3A_218 = arith.constant 4 : i32
    %le3A_219 = arith.cmpi sle, %min3A_60, %le3A_218 : i32
    %convert_element_type3A_220 = arith.extui %le3A_219 : i1 to i32
    %mul3A_221 = arith.constant 5 : i32
    %mul3A_222 = arith.muli %mul3A_221, %convert_element_type3A_220 : i32
    %add3A_223 = arith.constant 4 : i32
    %add3A_224 = arith.addi %add3A_223, %mul3A_222 : i32
    %mul3A_225 = arith.constant 64 : i32
    %mul3A_226 = arith.muli %add3A, %mul3A_225 : i32
    %mul3A_227 = arith.constant 4 : i32
    %mul3A_228 = arith.muli %add3A_224, %mul3A_227 : i32
    %add3A_229 = arith.addi %mul3A_226, %mul3A_228 : i32
    %mul3A_230 = arith.constant 4096 : i32
    %mul3A_231 = arith.muli %add3A_229, %mul3A_230 : i32
    %dma_start3A_232 = tpu.memref_slice %arg9[%mul3A_231] : memref<18874368xf32, #tpu.memory_space<hbm>> -> memref<16384xf32, #tpu.memory_space<hbm>>
    %dma_start3A_233 = tpu.memref_slice %arg9[%mul3A_231] : memref<18874368xf32, #tpu.memory_space<hbm>> -> memref<16384xf32, #tpu.memory_space<hbm>>
    tpu.enqueue_dma source(%arg13 : memref<16384xf32, #tpu.memory_space<vmem>>) target(%dma_start3A_233 : memref<16384xf32, #tpu.memory_space<hbm>>) target_semaphore(%arg16 : memref<!tpu.dma_semaphore, #tpu.memory_space<semaphore_mem>>)
    %le3A_234 = arith.constant 5 : i32
    %le3A_235 = arith.cmpi sle, %min3A_60, %le3A_234 : i32
    %convert_element_type3A_236 = arith.extui %le3A_235 : i1 to i32
    %mul3A_237 = arith.constant 5 : i32
    %mul3A_238 = arith.muli %mul3A_237, %convert_element_type3A_236 : i32
    %add3A_239 = arith.constant 5 : i32
    %add3A_240 = arith.addi %add3A_239, %mul3A_238 : i32
    %mul3A_241 = arith.constant 64 : i32
    %mul3A_242 = arith.muli %add3A, %mul3A_241 : i32
    %mul3A_243 = arith.constant 4 : i32
    %mul3A_244 = arith.muli %add3A_240, %mul3A_243 : i32
    %add3A_245 = arith.addi %mul3A_242, %mul3A_244 : i32
    %mul3A_246 = arith.constant 4096 : i32
    %mul3A_247 = arith.muli %add3A_245, %mul3A_246 : i32
    %dma_start3A_248 = tpu.memref_slice %arg9[%mul3A_247] : memref<18874368xf32, #tpu.memory_space<hbm>> -> memref<16384xf32, #tpu.memory_space<hbm>>
    %dma_start3A_249 = tpu.memref_slice %arg9[%mul3A_247] : memref<18874368xf32, #tpu.memory_space<hbm>> -> memref<16384xf32, #tpu.memory_space<hbm>>
    tpu.enqueue_dma source(%arg13 : memref<16384xf32, #tpu.memory_space<vmem>>) target(%dma_start3A_249 : memref<16384xf32, #tpu.memory_space<hbm>>) target_semaphore(%arg16 : memref<!tpu.dma_semaphore, #tpu.memory_space<semaphore_mem>>)
    %le3A_250 = arith.constant 6 : i32
    %le3A_251 = arith.cmpi sle, %min3A_60, %le3A_250 : i32
    %convert_element_type3A_252 = arith.extui %le3A_251 : i1 to i32
    %mul3A_253 = arith.constant 5 : i32
    %mul3A_254 = arith.muli %mul3A_253, %convert_element_type3A_252 : i32
    %add3A_255 = arith.constant 6 : i32
    %add3A_256 = arith.addi %add3A_255, %mul3A_254 : i32
    %mul3A_257 = arith.constant 64 : i32
    %mul3A_258 = arith.muli %add3A, %mul3A_257 : i32
    %mul3A_259 = arith.constant 4 : i32
    %mul3A_260 = arith.muli %add3A_256, %mul3A_259 : i32
    %add3A_261 = arith.addi %mul3A_258, %mul3A_260 : i32
    %mul3A_262 = arith.constant 4096 : i32
    %mul3A_263 = arith.muli %add3A_261, %mul3A_262 : i32
    %dma_start3A_264 = tpu.memref_slice %arg9[%mul3A_263] : memref<18874368xf32, #tpu.memory_space<hbm>> -> memref<16384xf32, #tpu.memory_space<hbm>>
    %dma_start3A_265 = tpu.memref_slice %arg9[%mul3A_263] : memref<18874368xf32, #tpu.memory_space<hbm>> -> memref<16384xf32, #tpu.memory_space<hbm>>
    tpu.enqueue_dma source(%arg13 : memref<16384xf32, #tpu.memory_space<vmem>>) target(%dma_start3A_265 : memref<16384xf32, #tpu.memory_space<hbm>>) target_semaphore(%arg16 : memref<!tpu.dma_semaphore, #tpu.memory_space<semaphore_mem>>)
    %le3A_266 = arith.constant 7 : i32
    %le3A_267 = arith.cmpi sle, %min3A_60, %le3A_266 : i32
    %convert_element_type3A_268 = arith.extui %le3A_267 : i1 to i32
    %mul3A_269 = arith.constant 5 : i32
    %mul3A_270 = arith.muli %mul3A_269, %convert_element_type3A_268 : i32
    %add3A_271 = arith.constant 7 : i32
    %add3A_272 = arith.addi %add3A_271, %mul3A_270 : i32
    %mul3A_273 = arith.constant 64 : i32
    %mul3A_274 = arith.muli %add3A, %mul3A_273 : i32
    %mul3A_275 = arith.constant 4 : i32
    %mul3A_276 = arith.muli %add3A_272, %mul3A_275 : i32
    %add3A_277 = arith.addi %mul3A_274, %mul3A_276 : i32
    %mul3A_278 = arith.constant 4096 : i32
    %mul3A_279 = arith.muli %add3A_277, %mul3A_278 : i32
    %dma_start3A_280 = tpu.memref_slice %arg9[%mul3A_279] : memref<18874368xf32, #tpu.memory_space<hbm>> -> memref<16384xf32, #tpu.memory_space<hbm>>
    %dma_start3A_281 = tpu.memref_slice %arg9[%mul3A_279] : memref<18874368xf32, #tpu.memory_space<hbm>> -> memref<16384xf32, #tpu.memory_space<hbm>>
    tpu.enqueue_dma source(%arg13 : memref<16384xf32, #tpu.memory_space<vmem>>) target(%dma_start3A_281 : memref<16384xf32, #tpu.memory_space<hbm>>) target_semaphore(%arg16 : memref<!tpu.dma_semaphore, #tpu.memory_space<semaphore_mem>>)
    %le3A_282 = arith.constant 8 : i32
    %le3A_283 = arith.cmpi sle, %min3A_60, %le3A_282 : i32
    %convert_element_type3A_284 = arith.extui %le3A_283 : i1 to i32
    %mul3A_285 = arith.constant 5 : i32
    %mul3A_286 = arith.muli %mul3A_285, %convert_element_type3A_284 : i32
    %add3A_287 = arith.constant 8 : i32
    %add3A_288 = arith.addi %add3A_287, %mul3A_286 : i32
    %mul3A_289 = arith.constant 64 : i32
    %mul3A_290 = arith.muli %add3A, %mul3A_289 : i32
    %mul3A_291 = arith.constant 4 : i32
    %mul3A_292 = arith.muli %add3A_288, %mul3A_291 : i32
    %add3A_293 = arith.addi %mul3A_290, %mul3A_292 : i32
    %mul3A_294 = arith.constant 4096 : i32
    %mul3A_295 = arith.muli %add3A_293, %mul3A_294 : i32
    %dma_start3A_296 = tpu.memref_slice %arg9[%mul3A_295] : memref<18874368xf32, #tpu.memory_space<hbm>> -> memref<16384xf32, #tpu.memory_space<hbm>>
    %dma_start3A_297 = tpu.memref_slice %arg9[%mul3A_295] : memref<18874368xf32, #tpu.memory_space<hbm>> -> memref<16384xf32, #tpu.memory_space<hbm>>
    tpu.enqueue_dma source(%arg13 : memref<16384xf32, #tpu.memory_space<vmem>>) target(%dma_start3A_297 : memref<16384xf32, #tpu.memory_space<hbm>>) target_semaphore(%arg16 : memref<!tpu.dma_semaphore, #tpu.memory_space<semaphore_mem>>)
    %le3A_298 = arith.constant 9 : i32
    %le3A_299 = arith.cmpi sle, %min3A_60, %le3A_298 : i32
    %convert_element_type3A_300 = arith.extui %le3A_299 : i1 to i32
    %mul3A_301 = arith.constant 5 : i32
    %mul3A_302 = arith.muli %mul3A_301, %convert_element_type3A_300 : i32
    %add3A_303 = arith.constant 9 : i32
    %add3A_304 = arith.addi %add3A_303, %mul3A_302 : i32
    %mul3A_305 = arith.constant 64 : i32
    %mul3A_306 = arith.muli %add3A, %mul3A_305 : i32
    %mul3A_307 = arith.constant 4 : i32
    %mul3A_308 = arith.muli %add3A_304, %mul3A_307 : i32
    %add3A_309 = arith.addi %mul3A_306, %mul3A_308 : i32
    %mul3A_310 = arith.constant 4096 : i32
    %mul3A_311 = arith.muli %add3A_309, %mul3A_310 : i32
    %dma_start3A_312 = tpu.memref_slice %arg9[%mul3A_311] : memref<18874368xf32, #tpu.memory_space<hbm>> -> memref<16384xf32, #tpu.memory_space<hbm>>
    %dma_start3A_313 = tpu.memref_slice %arg9[%mul3A_311] : memref<18874368xf32, #tpu.memory_space<hbm>> -> memref<16384xf32, #tpu.memory_space<hbm>>
    tpu.enqueue_dma source(%arg13 : memref<16384xf32, #tpu.memory_space<vmem>>) target(%dma_start3A_313 : memref<16384xf32, #tpu.memory_space<hbm>>) target_semaphore(%arg16 : memref<!tpu.dma_semaphore, #tpu.memory_space<semaphore_mem>>)
    %le3A_314 = arith.constant 10 : i32
    %le3A_315 = arith.cmpi sle, %min3A_60, %le3A_314 : i32
    %convert_element_type3A_316 = arith.extui %le3A_315 : i1 to i32
    %mul3A_317 = arith.constant 5 : i32
    %mul3A_318 = arith.muli %mul3A_317, %convert_element_type3A_316 : i32
    %add3A_319 = arith.constant 10 : i32
    %add3A_320 = arith.addi %add3A_319, %mul3A_318 : i32
    %mul3A_321 = arith.constant 64 : i32
    %mul3A_322 = arith.muli %add3A, %mul3A_321 : i32
    %mul3A_323 = arith.constant 4 : i32
    %mul3A_324 = arith.muli %add3A_320, %mul3A_323 : i32
    %add3A_325 = arith.addi %mul3A_322, %mul3A_324 : i32
    %mul3A_326 = arith.constant 4096 : i32
    %mul3A_327 = arith.muli %add3A_325, %mul3A_326 : i32
    %dma_start3A_328 = tpu.memref_slice %arg9[%mul3A_327] : memref<18874368xf32, #tpu.memory_space<hbm>> -> memref<16384xf32, #tpu.memory_space<hbm>>
    %dma_start3A_329 = tpu.memref_slice %arg9[%mul3A_327] : memref<18874368xf32, #tpu.memory_space<hbm>> -> memref<16384xf32, #tpu.memory_space<hbm>>
    tpu.enqueue_dma source(%arg13 : memref<16384xf32, #tpu.memory_space<vmem>>) target(%dma_start3A_329 : memref<16384xf32, #tpu.memory_space<hbm>>) target_semaphore(%arg16 : memref<!tpu.dma_semaphore, #tpu.memory_space<semaphore_mem>>)
    %le3A_330 = arith.constant 0 : i32
    %le3A_331 = arith.cmpi sle, %max3A_153, %le3A_330 : i32
    %convert_element_type3A_332 = arith.extui %le3A_331 : i1 to i32
    %add3A_333 = arith.constant 0 : i32
    %add3A_334 = arith.addi %add3A_333, %convert_element_type3A_332 : i32
    %mul3A_335 = arith.constant 4 : i32
    %mul3A_336 = arith.muli %add3A, %mul3A_335 : i32
    %add3A_337 = arith.addi %mul3A_336, %add3A_334 : i32
    %mul3A_338 = arith.constant 4096 : i32
    %mul3A_339 = arith.muli %add3A_337, %mul3A_338 : i32
    %dma_start3A_340 = arith.constant 0 : i32
    %dma_start3A_341 = tpu.memref_slice %arg13[%dma_start3A_340] : memref<16384xf32, #tpu.memory_space<vmem>> -> memref<4096xf32, #tpu.memory_space<vmem>>
    %dma_start3A_342 = tpu.memref_slice %arg8[%mul3A_339] : memref<1179648xf32, #tpu.memory_space<hbm>> -> memref<4096xf32, #tpu.memory_space<hbm>>
    %dma_start3A_343 = tpu.memref_slice %arg8[%mul3A_339] : memref<1179648xf32, #tpu.memory_space<hbm>> -> memref<4096xf32, #tpu.memory_space<hbm>>
    %dma_start3A_344 = arith.constant 0 : i32
    %dma_start3A_345 = tpu.memref_slice %arg13[%dma_start3A_344] : memref<16384xf32, #tpu.memory_space<vmem>> -> memref<4096xf32, #tpu.memory_space<vmem>>
    tpu.enqueue_dma source(%dma_start3A_345 : memref<4096xf32, #tpu.memory_space<vmem>>) target(%dma_start3A_343 : memref<4096xf32, #tpu.memory_space<hbm>>) target_semaphore(%arg16 : memref<!tpu.dma_semaphore, #tpu.memory_space<semaphore_mem>>)
    %le3A_346 = arith.constant 1 : i32
    %le3A_347 = arith.cmpi sle, %max3A_153, %le3A_346 : i32
    %convert_element_type3A_348 = arith.extui %le3A_347 : i1 to i32
    %add3A_349 = arith.constant 1 : i32
    %add3A_350 = arith.addi %add3A_349, %convert_element_type3A_348 : i32
    %mul3A_351 = arith.constant 4 : i32
    %mul3A_352 = arith.muli %add3A, %mul3A_351 : i32
    %add3A_353 = arith.addi %mul3A_352, %add3A_350 : i32
    %mul3A_354 = arith.constant 4096 : i32
    %mul3A_355 = arith.muli %add3A_353, %mul3A_354 : i32
    %dma_start3A_356 = arith.constant 0 : i32
    %dma_start3A_357 = tpu.memref_slice %arg13[%dma_start3A_356] : memref<16384xf32, #tpu.memory_space<vmem>> -> memref<4096xf32, #tpu.memory_space<vmem>>
    %dma_start3A_358 = tpu.memref_slice %arg8[%mul3A_355] : memref<1179648xf32, #tpu.memory_space<hbm>> -> memref<4096xf32, #tpu.memory_space<hbm>>
    %dma_start3A_359 = tpu.memref_slice %arg8[%mul3A_355] : memref<1179648xf32, #tpu.memory_space<hbm>> -> memref<4096xf32, #tpu.memory_space<hbm>>
    %dma_start3A_360 = arith.constant 0 : i32
    %dma_start3A_361 = tpu.memref_slice %arg13[%dma_start3A_360] : memref<16384xf32, #tpu.memory_space<vmem>> -> memref<4096xf32, #tpu.memory_space<vmem>>
    tpu.enqueue_dma source(%dma_start3A_361 : memref<4096xf32, #tpu.memory_space<vmem>>) target(%dma_start3A_359 : memref<4096xf32, #tpu.memory_space<hbm>>) target_semaphore(%arg16 : memref<!tpu.dma_semaphore, #tpu.memory_space<semaphore_mem>>)
    %le3A_362 = arith.constant 2 : i32
    %le3A_363 = arith.cmpi sle, %max3A_153, %le3A_362 : i32
    %convert_element_type3A_364 = arith.extui %le3A_363 : i1 to i32
    %add3A_365 = arith.constant 2 : i32
    %add3A_366 = arith.addi %add3A_365, %convert_element_type3A_364 : i32
    %mul3A_367 = arith.constant 4 : i32
    %mul3A_368 = arith.muli %add3A, %mul3A_367 : i32
    %add3A_369 = arith.addi %mul3A_368, %add3A_366 : i32
    %mul3A_370 = arith.constant 4096 : i32
    %mul3A_371 = arith.muli %add3A_369, %mul3A_370 : i32
    %dma_start3A_372 = arith.constant 0 : i32
    %dma_start3A_373 = tpu.memref_slice %arg13[%dma_start3A_372] : memref<16384xf32, #tpu.memory_space<vmem>> -> memref<4096xf32, #tpu.memory_space<vmem>>
    %dma_start3A_374 = tpu.memref_slice %arg8[%mul3A_371] : memref<1179648xf32, #tpu.memory_space<hbm>> -> memref<4096xf32, #tpu.memory_space<hbm>>
    %dma_start3A_375 = tpu.memref_slice %arg8[%mul3A_371] : memref<1179648xf32, #tpu.memory_space<hbm>> -> memref<4096xf32, #tpu.memory_space<hbm>>
    %dma_start3A_376 = arith.constant 0 : i32
    %dma_start3A_377 = tpu.memref_slice %arg13[%dma_start3A_376] : memref<16384xf32, #tpu.memory_space<vmem>> -> memref<4096xf32, #tpu.memory_space<vmem>>
    tpu.enqueue_dma source(%dma_start3A_377 : memref<4096xf32, #tpu.memory_space<vmem>>) target(%dma_start3A_375 : memref<4096xf32, #tpu.memory_space<hbm>>) target_semaphore(%arg16 : memref<!tpu.dma_semaphore, #tpu.memory_space<semaphore_mem>>)
    %eq3A = arith.constant 0 : i32
    %eq3A_378 = arith.cmpi eq, %max3A_155, %eq3A : i32
    %convert_element_type3A_379 = arith.extui %eq3A_378 : i1 to i32
    %mul3A_380 = arith.constant 2 : i32
    %mul3A_381 = arith.muli %add3A, %mul3A_380 : i32
    %add3A_382 = arith.addi %mul3A_381, %convert_element_type3A_379 : i32
    %mul3A_383 = arith.constant 4096 : i32
    %mul3A_384 = arith.muli %add3A_382, %mul3A_383 : i32
    %dma_start3A_385 = arith.constant 0 : i32
    %dma_start3A_386 = tpu.memref_slice %arg13[%dma_start3A_385] : memref<16384xf32, #tpu.memory_space<vmem>> -> memref<4096xf32, #tpu.memory_space<vmem>>
    %dma_start3A_387 = tpu.memref_slice %arg7[%mul3A_384] : memref<589824xf32, #tpu.memory_space<hbm>> -> memref<4096xf32, #tpu.memory_space<hbm>>
    %dma_start3A_388 = tpu.memref_slice %arg7[%mul3A_384] : memref<589824xf32, #tpu.memory_space<hbm>> -> memref<4096xf32, #tpu.memory_space<hbm>>
    %dma_start3A_389 = arith.constant 0 : i32
    %dma_start3A_390 = tpu.memref_slice %arg13[%dma_start3A_389] : memref<16384xf32, #tpu.memory_space<vmem>> -> memref<4096xf32, #tpu.memory_space<vmem>>
    tpu.enqueue_dma source(%dma_start3A_390 : memref<4096xf32, #tpu.memory_space<vmem>>) target(%dma_start3A_388 : memref<4096xf32, #tpu.memory_space<hbm>>) target_semaphore(%arg16 : memref<!tpu.dma_semaphore, #tpu.memory_space<semaphore_mem>>)
    %scan3A = arith.constant 0 : i32
    %scan3A_391 = arith.constant 0 : i32
    %scan3A_392 = arith.constant 13 : i32
    %scan3A_393 = arith.addi %scan3A_391, %scan3A_392 : i32
    %scan3A_394 = arith.constant 1 : i32
    scf.for %scan3A_1081 = %scan3A_391 to %scan3A_393 step %scan3A_394  : i32 {
      %add3A_1082 = arith.addi %add3A_40, %scan3A_1081 : i32
      %ge3A_1083 = arith.constant 0 : i32
      %ge3A_1084 = arith.cmpi sge, %add3A_1082, %ge3A_1083 : i32
      %lt3A_1085 = arith.constant 13 : i32
      %lt3A_1086 = arith.cmpi slt, %add3A_1082, %lt3A_1085 : i32
      %and3A_1087 = arith.andi %ge3A_1084, %lt3A_1086 : i1
      %jit3A_1088 = arith.constant 0 : i32
      %jit3A_1089 = arith.constant 12 : i32
      %max3A_1090 = arith.maxsi %jit3A_1088, %add3A_1082 : i32
      %min3A_1091 = arith.minsi %jit3A_1089, %max3A_1090 : i32
      %broadcast_in_dim3A_1092 = vector.broadcast %min3A_1091 : i32 to vector<16xi32>
      %scan3A_1093 = arith.constant 0 : i32
      %scan3A_1094 = arith.constant 0 : i32
      %scan3A_1095 = arith.constant 13 : i32
      %scan3A_1096 = arith.addi %scan3A_1094, %scan3A_1095 : i32
      %scan3A_1097 = arith.constant 1 : i32
      scf.for %scan3A_1099 = %scan3A_1094 to %scan3A_1096 step %scan3A_1097  : i32 {
        %add3A_1100 = arith.addi %add3A_29, %scan3A_1099 : i32
        %ge3A_1101 = arith.constant 0 : i32
        %ge3A_1102 = arith.cmpi sge, %add3A_1100, %ge3A_1101 : i32
        %lt3A_1103 = arith.constant 13 : i32
        %lt3A_1104 = arith.cmpi slt, %add3A_1100, %lt3A_1103 : i32
        %and3A_1105 = arith.andi %ge3A_1102, %lt3A_1104 : i1
        %jit3A_1106 = arith.constant 0 : i32
        %jit3A_1107 = arith.constant 12 : i32
        %max3A_1108 = arith.maxsi %jit3A_1106, %add3A_1100 : i32
        %min3A_1109 = arith.minsi %jit3A_1107, %max3A_1108 : i32
        %broadcast_in_dim3A_1110 = vector.broadcast %min3A_1109 : i32 to vector<16xi32>
        %and3A_1111 = arith.andi %and3A_1087, %and3A_1105 : i1
        %jit3A_1112 = arith.constant 1.000000e+00 : f32
        %jit3A_1113 = arith.constant 0.000000e+00 : f32
        %select_n3A_1114 = arith.select %and3A_1111, %jit3A_1112, %jit3A_1113 : f32
        %add3A_1115 = arith.addi %sub3A_63, %scan3A_1081 : i32
        %mul3A_1116 = arith.constant 64 : i32
        %mul3A_1117 = arith.muli %add3A_1115, %mul3A_1116 : i32
        %add3A_1118 = arith.addi %mul3A_1117, %min3A : i32
        %add3A_1119 = arith.addi %add3A_1118, %scan3A_1099 : i32
        %mul3A_1120 = arith.constant 64 : i32
        %mul3A_1121 = arith.muli %add3A_1119, %mul3A_1120 : i32
        %add3A_1122 = arith.constant 0 : i32
        %add3A_1123 = arith.addi %sub3A_23, %add3A_1122 : i32
        %add3A_1124 = vector.broadcast %add3A_1123 : i32 to vector<16xi32>
        %add3A_1125 = arith.addi %add3A_1124, %iota3A : vector<16xi32>
        %sub3A_1126 = arith.constant 57 : i32
        %sub3A_1127 = vector.broadcast %sub3A_1126 : i32 to vector<16xi32>
        %sub3A_1128 = arith.subi %add3A_1125, %sub3A_1127 : vector<16xi32>
        %ge3A_1129 = arith.constant 0 : i32
        %ge3A_1130 = vector.broadcast %ge3A_1129 : i32 to vector<16xi32>
        %ge3A_1131 = arith.cmpi sge, %sub3A_1128, %ge3A_1130 : vector<16xi32>
        %lt3A_1132 = arith.constant 13 : i32
        %lt3A_1133 = vector.broadcast %lt3A_1132 : i32 to vector<16xi32>
        %lt3A_1134 = arith.cmpi slt, %sub3A_1128, %lt3A_1133 : vector<16xi32>
        %and3A_1135 = arith.andi %ge3A_1131, %lt3A_1134 : vector<16xi1>
        %jit3A_1136 = arith.constant 0.000000e+00 : f32
        %broadcast_in_dim3A_1137 = vector.broadcast %select_n3A_1114 : f32 to vector<16xf32>
        %broadcast_in_dim3A_1138 = vector.broadcast %jit3A_1136 : f32 to vector<16xf32>
        %select_n3A_1139 = arith.select %and3A_1135, %broadcast_in_dim3A_1137, %broadcast_in_dim3A_1138 : vector<16xi1>, vector<16xf32>
        %jit3A_1140 = arith.constant 0 : i32
        %jit3A_1141 = arith.constant 12 : i32
        %max3A_1142 = vector.broadcast %jit3A_1140 : i32 to vector<16xi32>
        %max3A_1143 = arith.maxsi %max3A_1142, %sub3A_1128 : vector<16xi32>
        %min3A_1144 = vector.broadcast %jit3A_1141 : i32 to vector<16xi32>
        %min3A_1145 = arith.minsi %min3A_1144, %max3A_1143 : vector<16xi32>
        %mul3A_1146 = arith.constant 13 : i32
        %mul3A_1147 = vector.broadcast %mul3A_1146 : i32 to vector<16xi32>
        %mul3A_1148 = arith.muli %broadcast_in_dim3A_1092, %mul3A_1147 : vector<16xi32>
        %add3A_1149 = arith.addi %mul3A_1148, %broadcast_in_dim3A_1110 : vector<16xi32>
        %mul3A_1150 = arith.constant 16 : i32
        %mul3A_1151 = vector.broadcast %mul3A_1150 : i32 to vector<16xi32>
        %mul3A_1152 = arith.muli %add3A_1149, %mul3A_1151 : vector<16xi32>
        %add3A_1153 = arith.addi %mul3A_1152, %min3A_1145 : vector<16xi32>
        %gather3A = tpu.vector_load_idx %arg12[%add3A_1153] : memref<2704xf32, #tpu.memory_space<vmem>>[vector<16xi32>], vector<16xf32>,
        %mul3A_1154 = arith.mulf %gather3A, %select_n3A_1139 : vector<16xf32>
        %add3A_1155 = arith.constant 0 : i32
        %add3A_1156 = arith.addi %mul3A_1121, %add3A_1155 : i32
        %swap3A = arith.index_cast %add3A_1156 : i32 to index
        %swap3A_1157 = tpu.vector_load %arg15[%swap3A] {strides = array<i32>} : memref<81920xf32, #tpu.memory_space<vmem>>, vector<16xf32>,
        tpu.vector_store %arg15[%swap3A], %mul3A_1154 {strides = array<i32>} : memref<81920xf32, #tpu.memory_space<vmem>>, vector<16xf32>,
        %add3A_1158 = arith.constant 16 : i32
        %add3A_1159 = arith.addi %sub3A_23, %add3A_1158 : i32
        %add3A_1160 = vector.broadcast %add3A_1159 : i32 to vector<16xi32>
        %add3A_1161 = arith.addi %add3A_1160, %iota3A : vector<16xi32>
        %sub3A_1162 = arith.constant 57 : i32
        %sub3A_1163 = vector.broadcast %sub3A_1162 : i32 to vector<16xi32>
        %sub3A_1164 = arith.subi %add3A_1161, %sub3A_1163 : vector<16xi32>
        %ge3A_1165 = arith.constant 0 : i32
        %ge3A_1166 = vector.broadcast %ge3A_1165 : i32 to vector<16xi32>
        %ge3A_1167 = arith.cmpi sge, %sub3A_1164, %ge3A_1166 : vector<16xi32>
        %lt3A_1168 = arith.constant 13 : i32
        %lt3A_1169 = vector.broadcast %lt3A_1168 : i32 to vector<16xi32>
        %lt3A_1170 = arith.cmpi slt, %sub3A_1164, %lt3A_1169 : vector<16xi32>
        %and3A_1171 = arith.andi %ge3A_1167, %lt3A_1170 : vector<16xi1>
        %jit3A_1172 = arith.constant 0.000000e+00 : f32
        %broadcast_in_dim3A_1173 = vector.broadcast %select_n3A_1114 : f32 to vector<16xf32>
        %broadcast_in_dim3A_1174 = vector.broadcast %jit3A_1172 : f32 to vector<16xf32>
        %select_n3A_1175 = arith.select %and3A_1171, %broadcast_in_dim3A_1173, %broadcast_in_dim3A_1174 : vector<16xi1>, vector<16xf32>
        %jit3A_1176 = arith.constant 0 : i32
        %jit3A_1177 = arith.constant 12 : i32
        %max3A_1178 = vector.broadcast %jit3A_1176 : i32 to vector<16xi32>
        %max3A_1179 = arith.maxsi %max3A_1178, %sub3A_1164 : vector<16xi32>
        %min3A_1180 = vector.broadcast %jit3A_1177 : i32 to vector<16xi32>
        %min3A_1181 = arith.minsi %min3A_1180, %max3A_1179 : vector<16xi32>
        %mul3A_1182 = arith.constant 13 : i32
        %mul3A_1183 = vector.broadcast %mul3A_1182 : i32 to vector<16xi32>
        %mul3A_1184 = arith.muli %broadcast_in_dim3A_1092, %mul3A_1183 : vector<16xi32>
        %add3A_1185 = arith.addi %mul3A_1184, %broadcast_in_dim3A_1110 : vector<16xi32>
        %mul3A_1186 = arith.constant 16 : i32
        %mul3A_1187 = vector.broadcast %mul3A_1186 : i32 to vector<16xi32>
        %mul3A_1188 = arith.muli %add3A_1185, %mul3A_1187 : vector<16xi32>
        %add3A_1189 = arith.addi %mul3A_1188, %min3A_1181 : vector<16xi32>
        %gather3A_1190 = tpu.vector_load_idx %arg12[%add3A_1189] : memref<2704xf32, #tpu.memory_space<vmem>>[vector<16xi32>], vector<16xf32>,
        %mul3A_1191 = arith.mulf %gather3A_1190, %select_n3A_1175 : vector<16xf32>
        %add3A_1192 = arith.constant 16 : i32
        %add3A_1193 = arith.addi %mul3A_1121, %add3A_1192 : i32
        %swap3A_1194 = arith.index_cast %add3A_1193 : i32 to index
        %swap3A_1195 = tpu.vector_load %arg15[%swap3A_1194] {strides = array<i32>} : memref<81920xf32, #tpu.memory_space<vmem>>, vector<16xf32>,
        tpu.vector_store %arg15[%swap3A_1194], %mul3A_1191 {strides = array<i32>} : memref<81920xf32, #tpu.memory_space<vmem>>, vector<16xf32>,
        %add3A_1196 = arith.constant 32 : i32
        %add3A_1197 = arith.addi %sub3A_23, %add3A_1196 : i32
        %add3A_1198 = vector.broadcast %add3A_1197 : i32 to vector<16xi32>
        %add3A_1199 = arith.addi %add3A_1198, %iota3A : vector<16xi32>
        %sub3A_1200 = arith.constant 57 : i32
        %sub3A_1201 = vector.broadcast %sub3A_1200 : i32 to vector<16xi32>
        %sub3A_1202 = arith.subi %add3A_1199, %sub3A_1201 : vector<16xi32>
        %ge3A_1203 = arith.constant 0 : i32
        %ge3A_1204 = vector.broadcast %ge3A_1203 : i32 to vector<16xi32>
        %ge3A_1205 = arith.cmpi sge, %sub3A_1202, %ge3A_1204 : vector<16xi32>
        %lt3A_1206 = arith.constant 13 : i32
        %lt3A_1207 = vector.broadcast %lt3A_1206 : i32 to vector<16xi32>
        %lt3A_1208 = arith.cmpi slt, %sub3A_1202, %lt3A_1207 : vector<16xi32>
        %and3A_1209 = arith.andi %ge3A_1205, %lt3A_1208 : vector<16xi1>
        %jit3A_1210 = arith.constant 0.000000e+00 : f32
        %broadcast_in_dim3A_1211 = vector.broadcast %select_n3A_1114 : f32 to vector<16xf32>
        %broadcast_in_dim3A_1212 = vector.broadcast %jit3A_1210 : f32 to vector<16xf32>
        %select_n3A_1213 = arith.select %and3A_1209, %broadcast_in_dim3A_1211, %broadcast_in_dim3A_1212 : vector<16xi1>, vector<16xf32>
        %jit3A_1214 = arith.constant 0 : i32
        %jit3A_1215 = arith.constant 12 : i32
        %max3A_1216 = vector.broadcast %jit3A_1214 : i32 to vector<16xi32>
        %max3A_1217 = arith.maxsi %max3A_1216, %sub3A_1202 : vector<16xi32>
        %min3A_1218 = vector.broadcast %jit3A_1215 : i32 to vector<16xi32>
        %min3A_1219 = arith.minsi %min3A_1218, %max3A_1217 : vector<16xi32>
        %mul3A_1220 = arith.constant 13 : i32
        %mul3A_1221 = vector.broadcast %mul3A_1220 : i32 to vector<16xi32>
        %mul3A_1222 = arith.muli %broadcast_in_dim3A_1092, %mul3A_1221 : vector<16xi32>
        %add3A_1223 = arith.addi %mul3A_1222, %broadcast_in_dim3A_1110 : vector<16xi32>
        %mul3A_1224 = arith.constant 16 : i32
        %mul3A_1225 = vector.broadcast %mul3A_1224 : i32 to vector<16xi32>
        %mul3A_1226 = arith.muli %add3A_1223, %mul3A_1225 : vector<16xi32>
        %add3A_1227 = arith.addi %mul3A_1226, %min3A_1219 : vector<16xi32>
        %gather3A_1228 = tpu.vector_load_idx %arg12[%add3A_1227] : memref<2704xf32, #tpu.memory_space<vmem>>[vector<16xi32>], vector<16xf32>,
        %mul3A_1229 = arith.mulf %gather3A_1228, %select_n3A_1213 : vector<16xf32>
        %add3A_1230 = arith.constant 32 : i32
        %add3A_1231 = arith.addi %mul3A_1121, %add3A_1230 : i32
        %swap3A_1232 = arith.index_cast %add3A_1231 : i32 to index
        %swap3A_1233 = tpu.vector_load %arg15[%swap3A_1232] {strides = array<i32>} : memref<81920xf32, #tpu.memory_space<vmem>>, vector<16xf32>,
        tpu.vector_store %arg15[%swap3A_1232], %mul3A_1229 {strides = array<i32>} : memref<81920xf32, #tpu.memory_space<vmem>>, vector<16xf32>,
        %add3A_1234 = arith.constant 48 : i32
        %add3A_1235 = arith.addi %sub3A_23, %add3A_1234 : i32
        %add3A_1236 = vector.broadcast %add3A_1235 : i32 to vector<16xi32>
        %add3A_1237 = arith.addi %add3A_1236, %iota3A : vector<16xi32>
        %sub3A_1238 = arith.constant 57 : i32
        %sub3A_1239 = vector.broadcast %sub3A_1238 : i32 to vector<16xi32>
        %sub3A_1240 = arith.subi %add3A_1237, %sub3A_1239 : vector<16xi32>
        %ge3A_1241 = arith.constant 0 : i32
        %ge3A_1242 = vector.broadcast %ge3A_1241 : i32 to vector<16xi32>
        %ge3A_1243 = arith.cmpi sge, %sub3A_1240, %ge3A_1242 : vector<16xi32>
        %lt3A_1244 = arith.constant 13 : i32
        %lt3A_1245 = vector.broadcast %lt3A_1244 : i32 to vector<16xi32>
        %lt3A_1246 = arith.cmpi slt, %sub3A_1240, %lt3A_1245 : vector<16xi32>
        %and3A_1247 = arith.andi %ge3A_1243, %lt3A_1246 : vector<16xi1>
        %jit3A_1248 = arith.constant 0.000000e+00 : f32
        %broadcast_in_dim3A_1249 = vector.broadcast %select_n3A_1114 : f32 to vector<16xf32>
        %broadcast_in_dim3A_1250 = vector.broadcast %jit3A_1248 : f32 to vector<16xf32>
        %select_n3A_1251 = arith.select %and3A_1247, %broadcast_in_dim3A_1249, %broadcast_in_dim3A_1250 : vector<16xi1>, vector<16xf32>
        %jit3A_1252 = arith.constant 0 : i32
        %jit3A_1253 = arith.constant 12 : i32
        %max3A_1254 = vector.broadcast %jit3A_1252 : i32 to vector<16xi32>
        %max3A_1255 = arith.maxsi %max3A_1254, %sub3A_1240 : vector<16xi32>
        %min3A_1256 = vector.broadcast %jit3A_1253 : i32 to vector<16xi32>
        %min3A_1257 = arith.minsi %min3A_1256, %max3A_1255 : vector<16xi32>
        %mul3A_1258 = arith.constant 13 : i32
        %mul3A_1259 = vector.broadcast %mul3A_1258 : i32 to vector<16xi32>
        %mul3A_1260 = arith.muli %broadcast_in_dim3A_1092, %mul3A_1259 : vector<16xi32>
        %add3A_1261 = arith.addi %mul3A_1260, %broadcast_in_dim3A_1110 : vector<16xi32>
        %mul3A_1262 = arith.constant 16 : i32
        %mul3A_1263 = vector.broadcast %mul3A_1262 : i32 to vector<16xi32>
        %mul3A_1264 = arith.muli %add3A_1261, %mul3A_1263 : vector<16xi32>
        %add3A_1265 = arith.addi %mul3A_1264, %min3A_1257 : vector<16xi32>
        %gather3A_1266 = tpu.vector_load_idx %arg12[%add3A_1265] : memref<2704xf32, #tpu.memory_space<vmem>>[vector<16xi32>], vector<16xf32>,
        %mul3A_1267 = arith.mulf %gather3A_1266, %select_n3A_1251 : vector<16xf32>
        %add3A_1268 = arith.constant 48 : i32
        %add3A_1269 = arith.addi %mul3A_1121, %add3A_1268 : i32
        %swap3A_1270 = arith.index_cast %add3A_1269 : i32 to index
        %swap3A_1271 = tpu.vector_load %arg15[%swap3A_1270] {strides = array<i32>} : memref<81920xf32, #tpu.memory_space<vmem>>, vector<16xf32>,
        tpu.vector_store %arg15[%swap3A_1270], %mul3A_1267 {strides = array<i32>} : memref<81920xf32, #tpu.memory_space<vmem>>, vector<16xf32>,
      }
      %scan3A_1098 = arith.constant 13 : i32
    }
    %scan3A_395 = arith.constant 13 : i32
    %ge3A = arith.constant 0 : i32
    %ge3A_396 = arith.cmpi sge, %sub3A_93, %ge3A : i32
    %convert_element_type3A_397 = arith.extui %ge3A_396 : i1 to i32
    %convert_element_type3A_398 = arith.sitofp %convert_element_type3A_397 : i32 to f32
    %ge3A_399 = arith.constant 0 : i32
    %ge3A_400 = arith.cmpi sge, %sub3A_123, %ge3A_399 : i32
    %convert_element_type3A_401 = arith.extui %ge3A_400 : i1 to i32
    %convert_element_type3A_402 = arith.sitofp %convert_element_type3A_401 : i32 to f32
    %ge3A_403 = arith.constant 0 : i32
    %ge3A_404 = arith.cmpi sge, %sub3A_151, %ge3A_403 : i32
    %convert_element_type3A_405 = arith.extui %ge3A_404 : i1 to i32
    %convert_element_type3A_406 = arith.sitofp %convert_element_type3A_405 : i32 to f32
    %scan3A_407 = arith.constant 0 : i32
    %scan3A_408 = arith.constant 0 : i32
    %scan3A_409 = arith.constant 13 : i32
    %scan3A_410 = arith.addi %scan3A_408, %scan3A_409 : i32
    %scan3A_411 = arith.constant 1 : i32
    scf.for %scan3A_1081 = %scan3A_408 to %scan3A_410 step %scan3A_411  : i32 {
      %add3A_1082 = arith.addi %add3A_29, %scan3A_1081 : i32
      %ge3A_1083 = arith.constant 0 : i32
      %ge3A_1084 = arith.cmpi sge, %add3A_1082, %ge3A_1083 : i32
      %lt3A_1085 = arith.constant 13 : i32
      %lt3A_1086 = arith.cmpi slt, %add3A_1082, %lt3A_1085 : i32
      %and3A_1087 = arith.andi %ge3A_1084, %lt3A_1086 : i1
      %jit3A_1088 = arith.constant 0 : i32
      %jit3A_1089 = arith.constant 12 : i32
      %max3A_1090 = arith.maxsi %jit3A_1088, %add3A_1082 : i32
      %min3A_1091 = arith.minsi %jit3A_1089, %max3A_1090 : i32
      %broadcast_in_dim3A_1092 = vector.broadcast %min3A_1091 : i32 to vector<16xi32>
      %jit3A_1093 = arith.constant 1.000000e+00 : f32
      %jit3A_1094 = arith.constant 0.000000e+00 : f32
      %select_n3A_1095 = arith.select %and3A_1087, %jit3A_1093, %jit3A_1094 : f32
      %broadcast_in_dim3A_1096 = arith.constant 0 : i32
      %broadcast_in_dim3A_1097 = vector.broadcast %broadcast_in_dim3A_1096 : i32 to vector<16xi32>
      %mul3A_1098 = arith.mulf %select_n3A_1095, %convert_element_type3A_406 : f32
      %add3A_1099 = arith.constant 0 : i32
      %add3A_1100 = arith.addi %add3A_1099, %min3A : i32
      %add3A_1101 = arith.addi %add3A_1100, %scan3A_1081 : i32
      %mul3A_1102 = arith.constant 64 : i32
      %mul3A_1103 = arith.muli %add3A_1101, %mul3A_1102 : i32
      %add3A_1104 = arith.constant 0 : i32
      %add3A_1105 = arith.addi %sub3A_23, %add3A_1104 : i32
      %add3A_1106 = vector.broadcast %add3A_1105 : i32 to vector<16xi32>
      %add3A_1107 = arith.addi %add3A_1106, %iota3A : vector<16xi32>
      %sub3A_1108 = arith.constant 57 : i32
      %sub3A_1109 = vector.broadcast %sub3A_1108 : i32 to vector<16xi32>
      %sub3A_1110 = arith.subi %add3A_1107, %sub3A_1109 : vector<16xi32>
      %ge3A_1111 = arith.constant 0 : i32
      %ge3A_1112 = vector.broadcast %ge3A_1111 : i32 to vector<16xi32>
      %ge3A_1113 = arith.cmpi sge, %sub3A_1110, %ge3A_1112 : vector<16xi32>
      %lt3A_1114 = arith.constant 13 : i32
      %lt3A_1115 = vector.broadcast %lt3A_1114 : i32 to vector<16xi32>
      %lt3A_1116 = arith.cmpi slt, %sub3A_1110, %lt3A_1115 : vector<16xi32>
      %and3A_1117 = arith.andi %ge3A_1113, %lt3A_1116 : vector<16xi1>
      %jit3A_1118 = arith.constant 0.000000e+00 : f32
      %broadcast_in_dim3A_1119 = vector.broadcast %mul3A_1098 : f32 to vector<16xf32>
      %broadcast_in_dim3A_1120 = vector.broadcast %jit3A_1118 : f32 to vector<16xf32>
      %select_n3A_1121 = arith.select %and3A_1117, %broadcast_in_dim3A_1119, %broadcast_in_dim3A_1120 : vector<16xi1>, vector<16xf32>
      %jit3A_1122 = arith.constant 0 : i32
      %jit3A_1123 = arith.constant 12 : i32
      %max3A_1124 = vector.broadcast %jit3A_1122 : i32 to vector<16xi32>
      %max3A_1125 = arith.maxsi %max3A_1124, %sub3A_1110 : vector<16xi32>
      %min3A_1126 = vector.broadcast %jit3A_1123 : i32 to vector<16xi32>
      %min3A_1127 = arith.minsi %min3A_1126, %max3A_1125 : vector<16xi32>
      %mul3A_1128 = arith.constant 13 : i32
      %mul3A_1129 = vector.broadcast %mul3A_1128 : i32 to vector<16xi32>
      %mul3A_1130 = arith.muli %broadcast_in_dim3A_1097, %mul3A_1129 : vector<16xi32>
      %add3A_1131 = arith.addi %mul3A_1130, %broadcast_in_dim3A_1092 : vector<16xi32>
      %mul3A_1132 = arith.constant 16 : i32
      %mul3A_1133 = vector.broadcast %mul3A_1132 : i32 to vector<16xi32>
      %mul3A_1134 = arith.muli %add3A_1131, %mul3A_1133 : vector<16xi32>
      %add3A_1135 = arith.addi %mul3A_1134, %min3A_1127 : vector<16xi32>
      %gather3A = tpu.vector_load_idx %arg11[%add3A_1135] : memref<624xf32, #tpu.memory_space<vmem>>[vector<16xi32>], vector<16xf32>,
      %mul3A_1136 = arith.mulf %gather3A, %select_n3A_1121 : vector<16xf32>
      %add3A_1137 = arith.constant 0 : i32
      %add3A_1138 = arith.addi %mul3A_1103, %add3A_1137 : i32
      %swap3A = arith.index_cast %add3A_1138 : i32 to index
      %swap3A_1139 = tpu.vector_load %arg14[%swap3A] {strides = array<i32>} : memref<12288xf32, #tpu.memory_space<vmem>>, vector<16xf32>,
      tpu.vector_store %arg14[%swap3A], %mul3A_1136 {strides = array<i32>} : memref<12288xf32, #tpu.memory_space<vmem>>, vector<16xf32>,
      %add3A_1140 = arith.constant 16 : i32
      %add3A_1141 = arith.addi %sub3A_23, %add3A_1140 : i32
      %add3A_1142 = vector.broadcast %add3A_1141 : i32 to vector<16xi32>
      %add3A_1143 = arith.addi %add3A_1142, %iota3A : vector<16xi32>
      %sub3A_1144 = arith.constant 57 : i32
      %sub3A_1145 = vector.broadcast %sub3A_1144 : i32 to vector<16xi32>
      %sub3A_1146 = arith.subi %add3A_1143, %sub3A_1145 : vector<16xi32>
      %ge3A_1147 = arith.constant 0 : i32
      %ge3A_1148 = vector.broadcast %ge3A_1147 : i32 to vector<16xi32>
      %ge3A_1149 = arith.cmpi sge, %sub3A_1146, %ge3A_1148 : vector<16xi32>
      %lt3A_1150 = arith.constant 13 : i32
      %lt3A_1151 = vector.broadcast %lt3A_1150 : i32 to vector<16xi32>
      %lt3A_1152 = arith.cmpi slt, %sub3A_1146, %lt3A_1151 : vector<16xi32>
      %and3A_1153 = arith.andi %ge3A_1149, %lt3A_1152 : vector<16xi1>
      %jit3A_1154 = arith.constant 0.000000e+00 : f32
      %broadcast_in_dim3A_1155 = vector.broadcast %mul3A_1098 : f32 to vector<16xf32>
      %broadcast_in_dim3A_1156 = vector.broadcast %jit3A_1154 : f32 to vector<16xf32>
      %select_n3A_1157 = arith.select %and3A_1153, %broadcast_in_dim3A_1155, %broadcast_in_dim3A_1156 : vector<16xi1>, vector<16xf32>
      %jit3A_1158 = arith.constant 0 : i32
      %jit3A_1159 = arith.constant 12 : i32
      %max3A_1160 = vector.broadcast %jit3A_1158 : i32 to vector<16xi32>
      %max3A_1161 = arith.maxsi %max3A_1160, %sub3A_1146 : vector<16xi32>
      %min3A_1162 = vector.broadcast %jit3A_1159 : i32 to vector<16xi32>
      %min3A_1163 = arith.minsi %min3A_1162, %max3A_1161 : vector<16xi32>
      %mul3A_1164 = arith.constant 13 : i32
      %mul3A_1165 = vector.broadcast %mul3A_1164 : i32 to vector<16xi32>
      %mul3A_1166 = arith.muli %broadcast_in_dim3A_1097, %mul3A_1165 : vector<16xi32>
      %add3A_1167 = arith.addi %mul3A_1166, %broadcast_in_dim3A_1092 : vector<16xi32>
      %mul3A_1168 = arith.constant 16 : i32
      %mul3A_1169 = vector.broadcast %mul3A_1168 : i32 to vector<16xi32>
      %mul3A_1170 = arith.muli %add3A_1167, %mul3A_1169 : vector<16xi32>
      %add3A_1171 = arith.addi %mul3A_1170, %min3A_1163 : vector<16xi32>
      %gather3A_1172 = tpu.vector_load_idx %arg11[%add3A_1171] : memref<624xf32, #tpu.memory_space<vmem>>[vector<16xi32>], vector<16xf32>,
      %mul3A_1173 = arith.mulf %gather3A_1172, %select_n3A_1157 : vector<16xf32>
      %add3A_1174 = arith.constant 16 : i32
      %add3A_1175 = arith.addi %mul3A_1103, %add3A_1174 : i32
      %swap3A_1176 = arith.index_cast %add3A_1175 : i32 to index
      %swap3A_1177 = tpu.vector_load %arg14[%swap3A_1176] {strides = array<i32>} : memref<12288xf32, #tpu.memory_space<vmem>>, vector<16xf32>,
      tpu.vector_store %arg14[%swap3A_1176], %mul3A_1173 {strides = array<i32>} : memref<12288xf32, #tpu.memory_space<vmem>>, vector<16xf32>,
      %add3A_1178 = arith.constant 32 : i32
      %add3A_1179 = arith.addi %sub3A_23, %add3A_1178 : i32
      %add3A_1180 = vector.broadcast %add3A_1179 : i32 to vector<16xi32>
      %add3A_1181 = arith.addi %add3A_1180, %iota3A : vector<16xi32>
      %sub3A_1182 = arith.constant 57 : i32
      %sub3A_1183 = vector.broadcast %sub3A_1182 : i32 to vector<16xi32>
      %sub3A_1184 = arith.subi %add3A_1181, %sub3A_1183 : vector<16xi32>
      %ge3A_1185 = arith.constant 0 : i32
      %ge3A_1186 = vector.broadcast %ge3A_1185 : i32 to vector<16xi32>
      %ge3A_1187 = arith.cmpi sge, %sub3A_1184, %ge3A_1186 : vector<16xi32>
      %lt3A_1188 = arith.constant 13 : i32
      %lt3A_1189 = vector.broadcast %lt3A_1188 : i32 to vector<16xi32>
      %lt3A_1190 = arith.cmpi slt, %sub3A_1184, %lt3A_1189 : vector<16xi32>
      %and3A_1191 = arith.andi %ge3A_1187, %lt3A_1190 : vector<16xi1>
      %jit3A_1192 = arith.constant 0.000000e+00 : f32
      %broadcast_in_dim3A_1193 = vector.broadcast %mul3A_1098 : f32 to vector<16xf32>
      %broadcast_in_dim3A_1194 = vector.broadcast %jit3A_1192 : f32 to vector<16xf32>
      %select_n3A_1195 = arith.select %and3A_1191, %broadcast_in_dim3A_1193, %broadcast_in_dim3A_1194 : vector<16xi1>, vector<16xf32>
      %jit3A_1196 = arith.constant 0 : i32
      %jit3A_1197 = arith.constant 12 : i32
      %max3A_1198 = vector.broadcast %jit3A_1196 : i32 to vector<16xi32>
      %max3A_1199 = arith.maxsi %max3A_1198, %sub3A_1184 : vector<16xi32>
      %min3A_1200 = vector.broadcast %jit3A_1197 : i32 to vector<16xi32>
      %min3A_1201 = arith.minsi %min3A_1200, %max3A_1199 : vector<16xi32>
      %mul3A_1202 = arith.constant 13 : i32
      %mul3A_1203 = vector.broadcast %mul3A_1202 : i32 to vector<16xi32>
      %mul3A_1204 = arith.muli %broadcast_in_dim3A_1097, %mul3A_1203 : vector<16xi32>
      %add3A_1205 = arith.addi %mul3A_1204, %broadcast_in_dim3A_1092 : vector<16xi32>
      %mul3A_1206 = arith.constant 16 : i32
      %mul3A_1207 = vector.broadcast %mul3A_1206 : i32 to vector<16xi32>
      %mul3A_1208 = arith.muli %add3A_1205, %mul3A_1207 : vector<16xi32>
      %add3A_1209 = arith.addi %mul3A_1208, %min3A_1201 : vector<16xi32>
      %gather3A_1210 = tpu.vector_load_idx %arg11[%add3A_1209] : memref<624xf32, #tpu.memory_space<vmem>>[vector<16xi32>], vector<16xf32>,
      %mul3A_1211 = arith.mulf %gather3A_1210, %select_n3A_1195 : vector<16xf32>
      %add3A_1212 = arith.constant 32 : i32
      %add3A_1213 = arith.addi %mul3A_1103, %add3A_1212 : i32
      %swap3A_1214 = arith.index_cast %add3A_1213 : i32 to index
      %swap3A_1215 = tpu.vector_load %arg14[%swap3A_1214] {strides = array<i32>} : memref<12288xf32, #tpu.memory_space<vmem>>, vector<16xf32>,
      tpu.vector_store %arg14[%swap3A_1214], %mul3A_1211 {strides = array<i32>} : memref<12288xf32, #tpu.memory_space<vmem>>, vector<16xf32>,
      %add3A_1216 = arith.constant 48 : i32
      %add3A_1217 = arith.addi %sub3A_23, %add3A_1216 : i32
      %add3A_1218 = vector.broadcast %add3A_1217 : i32 to vector<16xi32>
      %add3A_1219 = arith.addi %add3A_1218, %iota3A : vector<16xi32>
      %sub3A_1220 = arith.constant 57 : i32
      %sub3A_1221 = vector.broadcast %sub3A_1220 : i32 to vector<16xi32>
      %sub3A_1222 = arith.subi %add3A_1219, %sub3A_1221 : vector<16xi32>
      %ge3A_1223 = arith.constant 0 : i32
      %ge3A_1224 = vector.broadcast %ge3A_1223 : i32 to vector<16xi32>
      %ge3A_1225 = arith.cmpi sge, %sub3A_1222, %ge3A_1224 : vector<16xi32>
      %lt3A_1226 = arith.constant 13 : i32
      %lt3A_1227 = vector.broadcast %lt3A_1226 : i32 to vector<16xi32>
      %lt3A_1228 = arith.cmpi slt, %sub3A_1222, %lt3A_1227 : vector<16xi32>
      %and3A_1229 = arith.andi %ge3A_1225, %lt3A_1228 : vector<16xi1>
      %jit3A_1230 = arith.constant 0.000000e+00 : f32
      %broadcast_in_dim3A_1231 = vector.broadcast %mul3A_1098 : f32 to vector<16xf32>
      %broadcast_in_dim3A_1232 = vector.broadcast %jit3A_1230 : f32 to vector<16xf32>
      %select_n3A_1233 = arith.select %and3A_1229, %broadcast_in_dim3A_1231, %broadcast_in_dim3A_1232 : vector<16xi1>, vector<16xf32>
      %jit3A_1234 = arith.constant 0 : i32
      %jit3A_1235 = arith.constant 12 : i32
      %max3A_1236 = vector.broadcast %jit3A_1234 : i32 to vector<16xi32>
      %max3A_1237 = arith.maxsi %max3A_1236, %sub3A_1222 : vector<16xi32>
      %min3A_1238 = vector.broadcast %jit3A_1235 : i32 to vector<16xi32>
      %min3A_1239 = arith.minsi %min3A_1238, %max3A_1237 : vector<16xi32>
      %mul3A_1240 = arith.constant 13 : i32
      %mul3A_1241 = vector.broadcast %mul3A_1240 : i32 to vector<16xi32>
      %mul3A_1242 = arith.muli %broadcast_in_dim3A_1097, %mul3A_1241 : vector<16xi32>
      %add3A_1243 = arith.addi %mul3A_1242, %broadcast_in_dim3A_1092 : vector<16xi32>
      %mul3A_1244 = arith.constant 16 : i32
      %mul3A_1245 = vector.broadcast %mul3A_1244 : i32 to vector<16xi32>
      %mul3A_1246 = arith.muli %add3A_1243, %mul3A_1245 : vector<16xi32>
      %add3A_1247 = arith.addi %mul3A_1246, %min3A_1239 : vector<16xi32>
      %gather3A_1248 = tpu.vector_load_idx %arg11[%add3A_1247] : memref<624xf32, #tpu.memory_space<vmem>>[vector<16xi32>], vector<16xf32>,
      %mul3A_1249 = arith.mulf %gather3A_1248, %select_n3A_1233 : vector<16xf32>
      %add3A_1250 = arith.constant 48 : i32
      %add3A_1251 = arith.addi %mul3A_1103, %add3A_1250 : i32
      %swap3A_1252 = arith.index_cast %add3A_1251 : i32 to index
      %swap3A_1253 = tpu.vector_load %arg14[%swap3A_1252] {strides = array<i32>} : memref<12288xf32, #tpu.memory_space<vmem>>, vector<16xf32>,
      tpu.vector_store %arg14[%swap3A_1252], %mul3A_1249 {strides = array<i32>} : memref<12288xf32, #tpu.memory_space<vmem>>, vector<16xf32>,
      %broadcast_in_dim3A_1254 = arith.constant 1 : i32
      %broadcast_in_dim3A_1255 = vector.broadcast %broadcast_in_dim3A_1254 : i32 to vector<16xi32>
      %mul3A_1256 = arith.mulf %select_n3A_1095, %convert_element_type3A_402 : f32
      %add3A_1257 = arith.constant 64 : i32
      %add3A_1258 = arith.addi %add3A_1257, %min3A : i32
      %add3A_1259 = arith.addi %add3A_1258, %scan3A_1081 : i32
      %mul3A_1260 = arith.constant 64 : i32
      %mul3A_1261 = arith.muli %add3A_1259, %mul3A_1260 : i32
      %add3A_1262 = arith.constant 0 : i32
      %add3A_1263 = arith.addi %sub3A_23, %add3A_1262 : i32
      %add3A_1264 = vector.broadcast %add3A_1263 : i32 to vector<16xi32>
      %add3A_1265 = arith.addi %add3A_1264, %iota3A : vector<16xi32>
      %sub3A_1266 = arith.constant 57 : i32
      %sub3A_1267 = vector.broadcast %sub3A_1266 : i32 to vector<16xi32>
      %sub3A_1268 = arith.subi %add3A_1265, %sub3A_1267 : vector<16xi32>
      %ge3A_1269 = arith.constant 0 : i32
      %ge3A_1270 = vector.broadcast %ge3A_1269 : i32 to vector<16xi32>
      %ge3A_1271 = arith.cmpi sge, %sub3A_1268, %ge3A_1270 : vector<16xi32>
      %lt3A_1272 = arith.constant 13 : i32
      %lt3A_1273 = vector.broadcast %lt3A_1272 : i32 to vector<16xi32>
      %lt3A_1274 = arith.cmpi slt, %sub3A_1268, %lt3A_1273 : vector<16xi32>
      %and3A_1275 = arith.andi %ge3A_1271, %lt3A_1274 : vector<16xi1>
      %jit3A_1276 = arith.constant 0.000000e+00 : f32
      %broadcast_in_dim3A_1277 = vector.broadcast %mul3A_1256 : f32 to vector<16xf32>
      %broadcast_in_dim3A_1278 = vector.broadcast %jit3A_1276 : f32 to vector<16xf32>
      %select_n3A_1279 = arith.select %and3A_1275, %broadcast_in_dim3A_1277, %broadcast_in_dim3A_1278 : vector<16xi1>, vector<16xf32>
      %jit3A_1280 = arith.constant 0 : i32
      %jit3A_1281 = arith.constant 12 : i32
      %max3A_1282 = vector.broadcast %jit3A_1280 : i32 to vector<16xi32>
      %max3A_1283 = arith.maxsi %max3A_1282, %sub3A_1268 : vector<16xi32>
      %min3A_1284 = vector.broadcast %jit3A_1281 : i32 to vector<16xi32>
      %min3A_1285 = arith.minsi %min3A_1284, %max3A_1283 : vector<16xi32>
      %mul3A_1286 = arith.constant 13 : i32
      %mul3A_1287 = vector.broadcast %mul3A_1286 : i32 to vector<16xi32>
      %mul3A_1288 = arith.muli %broadcast_in_dim3A_1255, %mul3A_1287 : vector<16xi32>
      %add3A_1289 = arith.addi %mul3A_1288, %broadcast_in_dim3A_1092 : vector<16xi32>
      %mul3A_1290 = arith.constant 16 : i32
      %mul3A_1291 = vector.broadcast %mul3A_1290 : i32 to vector<16xi32>
      %mul3A_1292 = arith.muli %add3A_1289, %mul3A_1291 : vector<16xi32>
      %add3A_1293 = arith.addi %mul3A_1292, %min3A_1285 : vector<16xi32>
      %gather3A_1294 = tpu.vector_load_idx %arg11[%add3A_1293] : memref<624xf32, #tpu.memory_space<vmem>>[vector<16xi32>], vector<16xf32>,
      %mul3A_1295 = arith.mulf %gather3A_1294, %select_n3A_1279 : vector<16xf32>
      %add3A_1296 = arith.constant 0 : i32
      %add3A_1297 = arith.addi %mul3A_1261, %add3A_1296 : i32
      %swap3A_1298 = arith.index_cast %add3A_1297 : i32 to index
      %swap3A_1299 = tpu.vector_load %arg14[%swap3A_1298] {strides = array<i32>} : memref<12288xf32, #tpu.memory_space<vmem>>, vector<16xf32>,
      tpu.vector_store %arg14[%swap3A_1298], %mul3A_1295 {strides = array<i32>} : memref<12288xf32, #tpu.memory_space<vmem>>, vector<16xf32>,
      %add3A_1300 = arith.constant 16 : i32
      %add3A_1301 = arith.addi %sub3A_23, %add3A_1300 : i32
      %add3A_1302 = vector.broadcast %add3A_1301 : i32 to vector<16xi32>
      %add3A_1303 = arith.addi %add3A_1302, %iota3A : vector<16xi32>
      %sub3A_1304 = arith.constant 57 : i32
      %sub3A_1305 = vector.broadcast %sub3A_1304 : i32 to vector<16xi32>
      %sub3A_1306 = arith.subi %add3A_1303, %sub3A_1305 : vector<16xi32>
      %ge3A_1307 = arith.constant 0 : i32
      %ge3A_1308 = vector.broadcast %ge3A_1307 : i32 to vector<16xi32>
      %ge3A_1309 = arith.cmpi sge, %sub3A_1306, %ge3A_1308 : vector<16xi32>
      %lt3A_1310 = arith.constant 13 : i32
      %lt3A_1311 = vector.broadcast %lt3A_1310 : i32 to vector<16xi32>
      %lt3A_1312 = arith.cmpi slt, %sub3A_1306, %lt3A_1311 : vector<16xi32>
      %and3A_1313 = arith.andi %ge3A_1309, %lt3A_1312 : vector<16xi1>
      %jit3A_1314 = arith.constant 0.000000e+00 : f32
      %broadcast_in_dim3A_1315 = vector.broadcast %mul3A_1256 : f32 to vector<16xf32>
      %broadcast_in_dim3A_1316 = vector.broadcast %jit3A_1314 : f32 to vector<16xf32>
      %select_n3A_1317 = arith.select %and3A_1313, %broadcast_in_dim3A_1315, %broadcast_in_dim3A_1316 : vector<16xi1>, vector<16xf32>
      %jit3A_1318 = arith.constant 0 : i32
      %jit3A_1319 = arith.constant 12 : i32
      %max3A_1320 = vector.broadcast %jit3A_1318 : i32 to vector<16xi32>
      %max3A_1321 = arith.maxsi %max3A_1320, %sub3A_1306 : vector<16xi32>
      %min3A_1322 = vector.broadcast %jit3A_1319 : i32 to vector<16xi32>
      %min3A_1323 = arith.minsi %min3A_1322, %max3A_1321 : vector<16xi32>
      %mul3A_1324 = arith.constant 13 : i32
      %mul3A_1325 = vector.broadcast %mul3A_1324 : i32 to vector<16xi32>
      %mul3A_1326 = arith.muli %broadcast_in_dim3A_1255, %mul3A_1325 : vector<16xi32>
      %add3A_1327 = arith.addi %mul3A_1326, %broadcast_in_dim3A_1092 : vector<16xi32>
      %mul3A_1328 = arith.constant 16 : i32
      %mul3A_1329 = vector.broadcast %mul3A_1328 : i32 to vector<16xi32>
      %mul3A_1330 = arith.muli %add3A_1327, %mul3A_1329 : vector<16xi32>
      %add3A_1331 = arith.addi %mul3A_1330, %min3A_1323 : vector<16xi32>
      %gather3A_1332 = tpu.vector_load_idx %arg11[%add3A_1331] : memref<624xf32, #tpu.memory_space<vmem>>[vector<16xi32>], vector<16xf32>,
      %mul3A_1333 = arith.mulf %gather3A_1332, %select_n3A_1317 : vector<16xf32>
      %add3A_1334 = arith.constant 16 : i32
      %add3A_1335 = arith.addi %mul3A_1261, %add3A_1334 : i32
      %swap3A_1336 = arith.index_cast %add3A_1335 : i32 to index
      %swap3A_1337 = tpu.vector_load %arg14[%swap3A_1336] {strides = array<i32>} : memref<12288xf32, #tpu.memory_space<vmem>>, vector<16xf32>,
      tpu.vector_store %arg14[%swap3A_1336], %mul3A_1333 {strides = array<i32>} : memref<12288xf32, #tpu.memory_space<vmem>>, vector<16xf32>,
      %add3A_1338 = arith.constant 32 : i32
      %add3A_1339 = arith.addi %sub3A_23, %add3A_1338 : i32
      %add3A_1340 = vector.broadcast %add3A_1339 : i32 to vector<16xi32>
      %add3A_1341 = arith.addi %add3A_1340, %iota3A : vector<16xi32>
      %sub3A_1342 = arith.constant 57 : i32
      %sub3A_1343 = vector.broadcast %sub3A_1342 : i32 to vector<16xi32>
      %sub3A_1344 = arith.subi %add3A_1341, %sub3A_1343 : vector<16xi32>
      %ge3A_1345 = arith.constant 0 : i32
      %ge3A_1346 = vector.broadcast %ge3A_1345 : i32 to vector<16xi32>
      %ge3A_1347 = arith.cmpi sge, %sub3A_1344, %ge3A_1346 : vector<16xi32>
      %lt3A_1348 = arith.constant 13 : i32
      %lt3A_1349 = vector.broadcast %lt3A_1348 : i32 to vector<16xi32>
      %lt3A_1350 = arith.cmpi slt, %sub3A_1344, %lt3A_1349 : vector<16xi32>
      %and3A_1351 = arith.andi %ge3A_1347, %lt3A_1350 : vector<16xi1>
      %jit3A_1352 = arith.constant 0.000000e+00 : f32
      %broadcast_in_dim3A_1353 = vector.broadcast %mul3A_1256 : f32 to vector<16xf32>
      %broadcast_in_dim3A_1354 = vector.broadcast %jit3A_1352 : f32 to vector<16xf32>
      %select_n3A_1355 = arith.select %and3A_1351, %broadcast_in_dim3A_1353, %broadcast_in_dim3A_1354 : vector<16xi1>, vector<16xf32>
      %jit3A_1356 = arith.constant 0 : i32
      %jit3A_1357 = arith.constant 12 : i32
      %max3A_1358 = vector.broadcast %jit3A_1356 : i32 to vector<16xi32>
      %max3A_1359 = arith.maxsi %max3A_1358, %sub3A_1344 : vector<16xi32>
      %min3A_1360 = vector.broadcast %jit3A_1357 : i32 to vector<16xi32>
      %min3A_1361 = arith.minsi %min3A_1360, %max3A_1359 : vector<16xi32>
      %mul3A_1362 = arith.constant 13 : i32
      %mul3A_1363 = vector.broadcast %mul3A_1362 : i32 to vector<16xi32>
      %mul3A_1364 = arith.muli %broadcast_in_dim3A_1255, %mul3A_1363 : vector<16xi32>
      %add3A_1365 = arith.addi %mul3A_1364, %broadcast_in_dim3A_1092 : vector<16xi32>
      %mul3A_1366 = arith.constant 16 : i32
      %mul3A_1367 = vector.broadcast %mul3A_1366 : i32 to vector<16xi32>
      %mul3A_1368 = arith.muli %add3A_1365, %mul3A_1367 : vector<16xi32>
      %add3A_1369 = arith.addi %mul3A_1368, %min3A_1361 : vector<16xi32>
      %gather3A_1370 = tpu.vector_load_idx %arg11[%add3A_1369] : memref<624xf32, #tpu.memory_space<vmem>>[vector<16xi32>], vector<16xf32>,
      %mul3A_1371 = arith.mulf %gather3A_1370, %select_n3A_1355 : vector<16xf32>
      %add3A_1372 = arith.constant 32 : i32
      %add3A_1373 = arith.addi %mul3A_1261, %add3A_1372 : i32
      %swap3A_1374 = arith.index_cast %add3A_1373 : i32 to index
      %swap3A_1375 = tpu.vector_load %arg14[%swap3A_1374] {strides = array<i32>} : memref<12288xf32, #tpu.memory_space<vmem>>, vector<16xf32>,
      tpu.vector_store %arg14[%swap3A_1374], %mul3A_1371 {strides = array<i32>} : memref<12288xf32, #tpu.memory_space<vmem>>, vector<16xf32>,
      %add3A_1376 = arith.constant 48 : i32
      %add3A_1377 = arith.addi %sub3A_23, %add3A_1376 : i32
      %add3A_1378 = vector.broadcast %add3A_1377 : i32 to vector<16xi32>
      %add3A_1379 = arith.addi %add3A_1378, %iota3A : vector<16xi32>
      %sub3A_1380 = arith.constant 57 : i32
      %sub3A_1381 = vector.broadcast %sub3A_1380 : i32 to vector<16xi32>
      %sub3A_1382 = arith.subi %add3A_1379, %sub3A_1381 : vector<16xi32>
      %ge3A_1383 = arith.constant 0 : i32
      %ge3A_1384 = vector.broadcast %ge3A_1383 : i32 to vector<16xi32>
      %ge3A_1385 = arith.cmpi sge, %sub3A_1382, %ge3A_1384 : vector<16xi32>
      %lt3A_1386 = arith.constant 13 : i32
      %lt3A_1387 = vector.broadcast %lt3A_1386 : i32 to vector<16xi32>
      %lt3A_1388 = arith.cmpi slt, %sub3A_1382, %lt3A_1387 : vector<16xi32>
      %and3A_1389 = arith.andi %ge3A_1385, %lt3A_1388 : vector<16xi1>
      %jit3A_1390 = arith.constant 0.000000e+00 : f32
      %broadcast_in_dim3A_1391 = vector.broadcast %mul3A_1256 : f32 to vector<16xf32>
      %broadcast_in_dim3A_1392 = vector.broadcast %jit3A_1390 : f32 to vector<16xf32>
      %select_n3A_1393 = arith.select %and3A_1389, %broadcast_in_dim3A_1391, %broadcast_in_dim3A_1392 : vector<16xi1>, vector<16xf32>
      %jit3A_1394 = arith.constant 0 : i32
      %jit3A_1395 = arith.constant 12 : i32
      %max3A_1396 = vector.broadcast %jit3A_1394 : i32 to vector<16xi32>
      %max3A_1397 = arith.maxsi %max3A_1396, %sub3A_1382 : vector<16xi32>
      %min3A_1398 = vector.broadcast %jit3A_1395 : i32 to vector<16xi32>
      %min3A_1399 = arith.minsi %min3A_1398, %max3A_1397 : vector<16xi32>
      %mul3A_1400 = arith.constant 13 : i32
      %mul3A_1401 = vector.broadcast %mul3A_1400 : i32 to vector<16xi32>
      %mul3A_1402 = arith.muli %broadcast_in_dim3A_1255, %mul3A_1401 : vector<16xi32>
      %add3A_1403 = arith.addi %mul3A_1402, %broadcast_in_dim3A_1092 : vector<16xi32>
      %mul3A_1404 = arith.constant 16 : i32
      %mul3A_1405 = vector.broadcast %mul3A_1404 : i32 to vector<16xi32>
      %mul3A_1406 = arith.muli %add3A_1403, %mul3A_1405 : vector<16xi32>
      %add3A_1407 = arith.addi %mul3A_1406, %min3A_1399 : vector<16xi32>
      %gather3A_1408 = tpu.vector_load_idx %arg11[%add3A_1407] : memref<624xf32, #tpu.memory_space<vmem>>[vector<16xi32>], vector<16xf32>,
      %mul3A_1409 = arith.mulf %gather3A_1408, %select_n3A_1393 : vector<16xf32>
      %add3A_1410 = arith.constant 48 : i32
      %add3A_1411 = arith.addi %mul3A_1261, %add3A_1410 : i32
      %swap3A_1412 = arith.index_cast %add3A_1411 : i32 to index
      %swap3A_1413 = tpu.vector_load %arg14[%swap3A_1412] {strides = array<i32>} : memref<12288xf32, #tpu.memory_space<vmem>>, vector<16xf32>,
      tpu.vector_store %arg14[%swap3A_1412], %mul3A_1409 {strides = array<i32>} : memref<12288xf32, #tpu.memory_space<vmem>>, vector<16xf32>,
      %broadcast_in_dim3A_1414 = arith.constant 2 : i32
      %broadcast_in_dim3A_1415 = vector.broadcast %broadcast_in_dim3A_1414 : i32 to vector<16xi32>
      %mul3A_1416 = arith.mulf %select_n3A_1095, %convert_element_type3A_398 : f32
      %add3A_1417 = arith.constant 128 : i32
      %add3A_1418 = arith.addi %add3A_1417, %min3A : i32
      %add3A_1419 = arith.addi %add3A_1418, %scan3A_1081 : i32
      %mul3A_1420 = arith.constant 64 : i32
      %mul3A_1421 = arith.muli %add3A_1419, %mul3A_1420 : i32
      %add3A_1422 = arith.constant 0 : i32
      %add3A_1423 = arith.addi %sub3A_23, %add3A_1422 : i32
      %add3A_1424 = vector.broadcast %add3A_1423 : i32 to vector<16xi32>
      %add3A_1425 = arith.addi %add3A_1424, %iota3A : vector<16xi32>
      %sub3A_1426 = arith.constant 57 : i32
      %sub3A_1427 = vector.broadcast %sub3A_1426 : i32 to vector<16xi32>
      %sub3A_1428 = arith.subi %add3A_1425, %sub3A_1427 : vector<16xi32>
      %ge3A_1429 = arith.constant 0 : i32
      %ge3A_1430 = vector.broadcast %ge3A_1429 : i32 to vector<16xi32>
      %ge3A_1431 = arith.cmpi sge, %sub3A_1428, %ge3A_1430 : vector<16xi32>
      %lt3A_1432 = arith.constant 13 : i32
      %lt3A_1433 = vector.broadcast %lt3A_1432 : i32 to vector<16xi32>
      %lt3A_1434 = arith.cmpi slt, %sub3A_1428, %lt3A_1433 : vector<16xi32>
      %and3A_1435 = arith.andi %ge3A_1431, %lt3A_1434 : vector<16xi1>
      %jit3A_1436 = arith.constant 0.000000e+00 : f32
      %broadcast_in_dim3A_1437 = vector.broadcast %mul3A_1416 : f32 to vector<16xf32>
      %broadcast_in_dim3A_1438 = vector.broadcast %jit3A_1436 : f32 to vector<16xf32>
      %select_n3A_1439 = arith.select %and3A_1435, %broadcast_in_dim3A_1437, %broadcast_in_dim3A_1438 : vector<16xi1>, vector<16xf32>
      %jit3A_1440 = arith.constant 0 : i32
      %jit3A_1441 = arith.constant 12 : i32
      %max3A_1442 = vector.broadcast %jit3A_1440 : i32 to vector<16xi32>
      %max3A_1443 = arith.maxsi %max3A_1442, %sub3A_1428 : vector<16xi32>
      %min3A_1444 = vector.broadcast %jit3A_1441 : i32 to vector<16xi32>
      %min3A_1445 = arith.minsi %min3A_1444, %max3A_1443 : vector<16xi32>
      %mul3A_1446 = arith.constant 13 : i32
      %mul3A_1447 = vector.broadcast %mul3A_1446 : i32 to vector<16xi32>
      %mul3A_1448 = arith.muli %broadcast_in_dim3A_1415, %mul3A_1447 : vector<16xi32>
      %add3A_1449 = arith.addi %mul3A_1448, %broadcast_in_dim3A_1092 : vector<16xi32>
      %mul3A_1450 = arith.constant 16 : i32
      %mul3A_1451 = vector.broadcast %mul3A_1450 : i32 to vector<16xi32>
      %mul3A_1452 = arith.muli %add3A_1449, %mul3A_1451 : vector<16xi32>
      %add3A_1453 = arith.addi %mul3A_1452, %min3A_1445 : vector<16xi32>
      %gather3A_1454 = tpu.vector_load_idx %arg11[%add3A_1453] : memref<624xf32, #tpu.memory_space<vmem>>[vector<16xi32>], vector<16xf32>,
      %mul3A_1455 = arith.mulf %gather3A_1454, %select_n3A_1439 : vector<16xf32>
      %add3A_1456 = arith.constant 0 : i32
      %add3A_1457 = arith.addi %mul3A_1421, %add3A_1456 : i32
      %swap3A_1458 = arith.index_cast %add3A_1457 : i32 to index
      %swap3A_1459 = tpu.vector_load %arg14[%swap3A_1458] {strides = array<i32>} : memref<12288xf32, #tpu.memory_space<vmem>>, vector<16xf32>,
      tpu.vector_store %arg14[%swap3A_1458], %mul3A_1455 {strides = array<i32>} : memref<12288xf32, #tpu.memory_space<vmem>>, vector<16xf32>,
      %add3A_1460 = arith.constant 16 : i32
      %add3A_1461 = arith.addi %sub3A_23, %add3A_1460 : i32
      %add3A_1462 = vector.broadcast %add3A_1461 : i32 to vector<16xi32>
      %add3A_1463 = arith.addi %add3A_1462, %iota3A : vector<16xi32>
      %sub3A_1464 = arith.constant 57 : i32
      %sub3A_1465 = vector.broadcast %sub3A_1464 : i32 to vector<16xi32>
      %sub3A_1466 = arith.subi %add3A_1463, %sub3A_1465 : vector<16xi32>
      %ge3A_1467 = arith.constant 0 : i32
      %ge3A_1468 = vector.broadcast %ge3A_1467 : i32 to vector<16xi32>
      %ge3A_1469 = arith.cmpi sge, %sub3A_1466, %ge3A_1468 : vector<16xi32>
      %lt3A_1470 = arith.constant 13 : i32
      %lt3A_1471 = vector.broadcast %lt3A_1470 : i32 to vector<16xi32>
      %lt3A_1472 = arith.cmpi slt, %sub3A_1466, %lt3A_1471 : vector<16xi32>
      %and3A_1473 = arith.andi %ge3A_1469, %lt3A_1472 : vector<16xi1>
      %jit3A_1474 = arith.constant 0.000000e+00 : f32
      %broadcast_in_dim3A_1475 = vector.broadcast %mul3A_1416 : f32 to vector<16xf32>
      %broadcast_in_dim3A_1476 = vector.broadcast %jit3A_1474 : f32 to vector<16xf32>
      %select_n3A_1477 = arith.select %and3A_1473, %broadcast_in_dim3A_1475, %broadcast_in_dim3A_1476 : vector<16xi1>, vector<16xf32>
      %jit3A_1478 = arith.constant 0 : i32
      %jit3A_1479 = arith.constant 12 : i32
      %max3A_1480 = vector.broadcast %jit3A_1478 : i32 to vector<16xi32>
      %max3A_1481 = arith.maxsi %max3A_1480, %sub3A_1466 : vector<16xi32>
      %min3A_1482 = vector.broadcast %jit3A_1479 : i32 to vector<16xi32>
      %min3A_1483 = arith.minsi %min3A_1482, %max3A_1481 : vector<16xi32>
      %mul3A_1484 = arith.constant 13 : i32
      %mul3A_1485 = vector.broadcast %mul3A_1484 : i32 to vector<16xi32>
      %mul3A_1486 = arith.muli %broadcast_in_dim3A_1415, %mul3A_1485 : vector<16xi32>
      %add3A_1487 = arith.addi %mul3A_1486, %broadcast_in_dim3A_1092 : vector<16xi32>
      %mul3A_1488 = arith.constant 16 : i32
      %mul3A_1489 = vector.broadcast %mul3A_1488 : i32 to vector<16xi32>
      %mul3A_1490 = arith.muli %add3A_1487, %mul3A_1489 : vector<16xi32>
      %add3A_1491 = arith.addi %mul3A_1490, %min3A_1483 : vector<16xi32>
      %gather3A_1492 = tpu.vector_load_idx %arg11[%add3A_1491] : memref<624xf32, #tpu.memory_space<vmem>>[vector<16xi32>], vector<16xf32>,
      %mul3A_1493 = arith.mulf %gather3A_1492, %select_n3A_1477 : vector<16xf32>
      %add3A_1494 = arith.constant 16 : i32
      %add3A_1495 = arith.addi %mul3A_1421, %add3A_1494 : i32
      %swap3A_1496 = arith.index_cast %add3A_1495 : i32 to index
      %swap3A_1497 = tpu.vector_load %arg14[%swap3A_1496] {strides = array<i32>} : memref<12288xf32, #tpu.memory_space<vmem>>, vector<16xf32>,
      tpu.vector_store %arg14[%swap3A_1496], %mul3A_1493 {strides = array<i32>} : memref<12288xf32, #tpu.memory_space<vmem>>, vector<16xf32>,
      %add3A_1498 = arith.constant 32 : i32
      %add3A_1499 = arith.addi %sub3A_23, %add3A_1498 : i32
      %add3A_1500 = vector.broadcast %add3A_1499 : i32 to vector<16xi32>
      %add3A_1501 = arith.addi %add3A_1500, %iota3A : vector<16xi32>
      %sub3A_1502 = arith.constant 57 : i32
      %sub3A_1503 = vector.broadcast %sub3A_1502 : i32 to vector<16xi32>
      %sub3A_1504 = arith.subi %add3A_1501, %sub3A_1503 : vector<16xi32>
      %ge3A_1505 = arith.constant 0 : i32
      %ge3A_1506 = vector.broadcast %ge3A_1505 : i32 to vector<16xi32>
      %ge3A_1507 = arith.cmpi sge, %sub3A_1504, %ge3A_1506 : vector<16xi32>
      %lt3A_1508 = arith.constant 13 : i32
      %lt3A_1509 = vector.broadcast %lt3A_1508 : i32 to vector<16xi32>
      %lt3A_1510 = arith.cmpi slt, %sub3A_1504, %lt3A_1509 : vector<16xi32>
      %and3A_1511 = arith.andi %ge3A_1507, %lt3A_1510 : vector<16xi1>
      %jit3A_1512 = arith.constant 0.000000e+00 : f32
      %broadcast_in_dim3A_1513 = vector.broadcast %mul3A_1416 : f32 to vector<16xf32>
      %broadcast_in_dim3A_1514 = vector.broadcast %jit3A_1512 : f32 to vector<16xf32>
      %select_n3A_1515 = arith.select %and3A_1511, %broadcast_in_dim3A_1513, %broadcast_in_dim3A_1514 : vector<16xi1>, vector<16xf32>
      %jit3A_1516 = arith.constant 0 : i32
      %jit3A_1517 = arith.constant 12 : i32
      %max3A_1518 = vector.broadcast %jit3A_1516 : i32 to vector<16xi32>
      %max3A_1519 = arith.maxsi %max3A_1518, %sub3A_1504 : vector<16xi32>
      %min3A_1520 = vector.broadcast %jit3A_1517 : i32 to vector<16xi32>
      %min3A_1521 = arith.minsi %min3A_1520, %max3A_1519 : vector<16xi32>
      %mul3A_1522 = arith.constant 13 : i32
      %mul3A_1523 = vector.broadcast %mul3A_1522 : i32 to vector<16xi32>
      %mul3A_1524 = arith.muli %broadcast_in_dim3A_1415, %mul3A_1523 : vector<16xi32>
      %add3A_1525 = arith.addi %mul3A_1524, %broadcast_in_dim3A_1092 : vector<16xi32>
      %mul3A_1526 = arith.constant 16 : i32
      %mul3A_1527 = vector.broadcast %mul3A_1526 : i32 to vector<16xi32>
      %mul3A_1528 = arith.muli %add3A_1525, %mul3A_1527 : vector<16xi32>
      %add3A_1529 = arith.addi %mul3A_1528, %min3A_1521 : vector<16xi32>
      %gather3A_1530 = tpu.vector_load_idx %arg11[%add3A_1529] : memref<624xf32, #tpu.memory_space<vmem>>[vector<16xi32>], vector<16xf32>,
      %mul3A_1531 = arith.mulf %gather3A_1530, %select_n3A_1515 : vector<16xf32>
      %add3A_1532 = arith.constant 32 : i32
      %add3A_1533 = arith.addi %mul3A_1421, %add3A_1532 : i32
      %swap3A_1534 = arith.index_cast %add3A_1533 : i32 to index
      %swap3A_1535 = tpu.vector_load %arg14[%swap3A_1534] {strides = array<i32>} : memref<12288xf32, #tpu.memory_space<vmem>>, vector<16xf32>,
      tpu.vector_store %arg14[%swap3A_1534], %mul3A_1531 {strides = array<i32>} : memref<12288xf32, #tpu.memory_space<vmem>>, vector<16xf32>,
      %add3A_1536 = arith.constant 48 : i32
      %add3A_1537 = arith.addi %sub3A_23, %add3A_1536 : i32
      %add3A_1538 = vector.broadcast %add3A_1537 : i32 to vector<16xi32>
      %add3A_1539 = arith.addi %add3A_1538, %iota3A : vector<16xi32>
      %sub3A_1540 = arith.constant 57 : i32
      %sub3A_1541 = vector.broadcast %sub3A_1540 : i32 to vector<16xi32>
      %sub3A_1542 = arith.subi %add3A_1539, %sub3A_1541 : vector<16xi32>
      %ge3A_1543 = arith.constant 0 : i32
      %ge3A_1544 = vector.broadcast %ge3A_1543 : i32 to vector<16xi32>
      %ge3A_1545 = arith.cmpi sge, %sub3A_1542, %ge3A_1544 : vector<16xi32>
      %lt3A_1546 = arith.constant 13 : i32
      %lt3A_1547 = vector.broadcast %lt3A_1546 : i32 to vector<16xi32>
      %lt3A_1548 = arith.cmpi slt, %sub3A_1542, %lt3A_1547 : vector<16xi32>
      %and3A_1549 = arith.andi %ge3A_1545, %lt3A_1548 : vector<16xi1>
      %jit3A_1550 = arith.constant 0.000000e+00 : f32
      %broadcast_in_dim3A_1551 = vector.broadcast %mul3A_1416 : f32 to vector<16xf32>
      %broadcast_in_dim3A_1552 = vector.broadcast %jit3A_1550 : f32 to vector<16xf32>
      %select_n3A_1553 = arith.select %and3A_1549, %broadcast_in_dim3A_1551, %broadcast_in_dim3A_1552 : vector<16xi1>, vector<16xf32>
      %jit3A_1554 = arith.constant 0 : i32
      %jit3A_1555 = arith.constant 12 : i32
      %max3A_1556 = vector.broadcast %jit3A_1554 : i32 to vector<16xi32>
      %max3A_1557 = arith.maxsi %max3A_1556, %sub3A_1542 : vector<16xi32>
      %min3A_1558 = vector.broadcast %jit3A_1555 : i32 to vector<16xi32>
      %min3A_1559 = arith.minsi %min3A_1558, %max3A_1557 : vector<16xi32>
      %mul3A_1560 = arith.constant 13 : i32
      %mul3A_1561 = vector.broadcast %mul3A_1560 : i32 to vector<16xi32>
      %mul3A_1562 = arith.muli %broadcast_in_dim3A_1415, %mul3A_1561 : vector<16xi32>
      %add3A_1563 = arith.addi %mul3A_1562, %broadcast_in_dim3A_1092 : vector<16xi32>
      %mul3A_1564 = arith.constant 16 : i32
      %mul3A_1565 = vector.broadcast %mul3A_1564 : i32 to vector<16xi32>
      %mul3A_1566 = arith.muli %add3A_1563, %mul3A_1565 : vector<16xi32>
      %add3A_1567 = arith.addi %mul3A_1566, %min3A_1559 : vector<16xi32>
      %gather3A_1568 = tpu.vector_load_idx %arg11[%add3A_1567] : memref<624xf32, #tpu.memory_space<vmem>>[vector<16xi32>], vector<16xf32>,
      %mul3A_1569 = arith.mulf %gather3A_1568, %select_n3A_1553 : vector<16xf32>
      %add3A_1570 = arith.constant 48 : i32
      %add3A_1571 = arith.addi %mul3A_1421, %add3A_1570 : i32
      %swap3A_1572 = arith.index_cast %add3A_1571 : i32 to index
      %swap3A_1573 = tpu.vector_load %arg14[%swap3A_1572] {strides = array<i32>} : memref<12288xf32, #tpu.memory_space<vmem>>, vector<16xf32>,
      tpu.vector_store %arg14[%swap3A_1572], %mul3A_1569 {strides = array<i32>} : memref<12288xf32, #tpu.memory_space<vmem>>, vector<16xf32>,
    }
    %scan3A_412 = arith.constant 13 : i32
    %mul3A_413 = arith.constant 64 : i32
    %mul3A_414 = arith.muli %add3A, %mul3A_413 : i32
    %add3A_415 = arith.addi %mul3A_414, %mul3A_62 : i32
    %mul3A_416 = arith.constant 4096 : i32
    %mul3A_417 = arith.muli %add3A_415, %mul3A_416 : i32
    %dma_start3A_418 = tpu.memref_slice %arg9[%mul3A_417] : memref<18874368xf32, #tpu.memory_space<hbm>> -> memref<81920xf32, #tpu.memory_space<hbm>>
    %dma_start3A_419 = tpu.memref_slice %arg9[%mul3A_417] : memref<18874368xf32, #tpu.memory_space<hbm>> -> memref<81920xf32, #tpu.memory_space<hbm>>
    tpu.enqueue_dma source(%arg15 : memref<81920xf32, #tpu.memory_space<vmem>>) target(%dma_start3A_419 : memref<81920xf32, #tpu.memory_space<hbm>>) target_semaphore(%arg17 : memref<!tpu.dma_semaphore, #tpu.memory_space<semaphore_mem>>)
    %mul3A_420 = arith.constant 4 : i32
    %mul3A_421 = arith.muli %add3A, %mul3A_420 : i32
    %add3A_422 = arith.addi %mul3A_421, %max3A_153 : i32
    %mul3A_423 = arith.constant 4096 : i32
    %mul3A_424 = arith.muli %add3A_422, %mul3A_423 : i32
    %dma_start3A_425 = arith.constant 8192 : i32
    %dma_start3A_426 = tpu.memref_slice %arg14[%dma_start3A_425] : memref<12288xf32, #tpu.memory_space<vmem>> -> memref<4096xf32, #tpu.memory_space<vmem>>
    %dma_start3A_427 = tpu.memref_slice %arg8[%mul3A_424] : memref<1179648xf32, #tpu.memory_space<hbm>> -> memref<4096xf32, #tpu.memory_space<hbm>>
    %dma_start3A_428 = tpu.memref_slice %arg8[%mul3A_424] : memref<1179648xf32, #tpu.memory_space<hbm>> -> memref<4096xf32, #tpu.memory_space<hbm>>
    %dma_start3A_429 = arith.constant 8192 : i32
    %dma_start3A_430 = tpu.memref_slice %arg14[%dma_start3A_429] : memref<12288xf32, #tpu.memory_space<vmem>> -> memref<4096xf32, #tpu.memory_space<vmem>>
    tpu.enqueue_dma source(%dma_start3A_430 : memref<4096xf32, #tpu.memory_space<vmem>>) target(%dma_start3A_428 : memref<4096xf32, #tpu.memory_space<hbm>>) target_semaphore(%arg17 : memref<!tpu.dma_semaphore, #tpu.memory_space<semaphore_mem>>)
    %mul3A_431 = arith.constant 2 : i32
    %mul3A_432 = arith.muli %add3A, %mul3A_431 : i32
    %add3A_433 = arith.addi %mul3A_432, %max3A_155 : i32
    %mul3A_434 = arith.constant 4096 : i32
    %mul3A_435 = arith.muli %add3A_433, %mul3A_434 : i32
    %dma_start3A_436 = arith.constant 4096 : i32
    %dma_start3A_437 = tpu.memref_slice %arg14[%dma_start3A_436] : memref<12288xf32, #tpu.memory_space<vmem>> -> memref<4096xf32, #tpu.memory_space<vmem>>
    %dma_start3A_438 = tpu.memref_slice %arg7[%mul3A_435] : memref<589824xf32, #tpu.memory_space<hbm>> -> memref<4096xf32, #tpu.memory_space<hbm>>
    %dma_start3A_439 = tpu.memref_slice %arg7[%mul3A_435] : memref<589824xf32, #tpu.memory_space<hbm>> -> memref<4096xf32, #tpu.memory_space<hbm>>
    %dma_start3A_440 = arith.constant 4096 : i32
    %dma_start3A_441 = tpu.memref_slice %arg14[%dma_start3A_440] : memref<12288xf32, #tpu.memory_space<vmem>> -> memref<4096xf32, #tpu.memory_space<vmem>>
    tpu.enqueue_dma source(%dma_start3A_441 : memref<4096xf32, #tpu.memory_space<vmem>>) target(%dma_start3A_439 : memref<4096xf32, #tpu.memory_space<hbm>>) target_semaphore(%arg17 : memref<!tpu.dma_semaphore, #tpu.memory_space<semaphore_mem>>)
    %mul3A_442 = arith.constant 4096 : i32
    %mul3A_443 = arith.muli %add3A, %mul3A_442 : i32
    %dma_start3A_444 = arith.constant 0 : i32
    %dma_start3A_445 = tpu.memref_slice %arg14[%dma_start3A_444] : memref<12288xf32, #tpu.memory_space<vmem>> -> memref<4096xf32, #tpu.memory_space<vmem>>
    %dma_start3A_446 = tpu.memref_slice %arg6[%mul3A_443] : memref<294912xf32, #tpu.memory_space<hbm>> -> memref<4096xf32, #tpu.memory_space<hbm>>
    %dma_start3A_447 = tpu.memref_slice %arg6[%mul3A_443] : memref<294912xf32, #tpu.memory_space<hbm>> -> memref<4096xf32, #tpu.memory_space<hbm>>
    %dma_start3A_448 = arith.constant 0 : i32
    %dma_start3A_449 = tpu.memref_slice %arg14[%dma_start3A_448] : memref<12288xf32, #tpu.memory_space<vmem>> -> memref<4096xf32, #tpu.memory_space<vmem>>
    tpu.enqueue_dma source(%dma_start3A_449 : memref<4096xf32, #tpu.memory_space<vmem>>) target(%dma_start3A_447 : memref<4096xf32, #tpu.memory_space<hbm>>) target_semaphore(%arg17 : memref<!tpu.dma_semaphore, #tpu.memory_space<semaphore_mem>>)
    %dma_wait3A_450 = tpu.memref_slice %arg9[%mul3A_417] : memref<18874368xf32, #tpu.memory_space<hbm>> -> memref<81920xf32, #tpu.memory_space<hbm>>
    %dma_wait3A_451 = tpu.memref_slice %arg9[%mul3A_417] : memref<18874368xf32, #tpu.memory_space<hbm>> -> memref<81920xf32, #tpu.memory_space<hbm>>
    tpu.wait_dma2 semaphore(%arg17 : memref<!tpu.dma_semaphore, #tpu.memory_space<semaphore_mem>>) src(%arg15 : memref<81920xf32, #tpu.memory_space<vmem>>) dst(%dma_wait3A_451 : memref<81920xf32, #tpu.memory_space<hbm>>)
    %dma_wait3A_452 = arith.constant 8192 : i32
    %dma_wait3A_453 = tpu.memref_slice %arg14[%dma_wait3A_452] : memref<12288xf32, #tpu.memory_space<vmem>> -> memref<4096xf32, #tpu.memory_space<vmem>>
    %dma_wait3A_454 = tpu.memref_slice %arg8[%mul3A_424] : memref<1179648xf32, #tpu.memory_space<hbm>> -> memref<4096xf32, #tpu.memory_space<hbm>>
    %dma_wait3A_455 = tpu.memref_slice %arg8[%mul3A_424] : memref<1179648xf32, #tpu.memory_space<hbm>> -> memref<4096xf32, #tpu.memory_space<hbm>>
    %dma_wait3A_456 = arith.constant 8192 : i32
    %dma_wait3A_457 = tpu.memref_slice %arg14[%dma_wait3A_456] : memref<12288xf32, #tpu.memory_space<vmem>> -> memref<4096xf32, #tpu.memory_space<vmem>>
    tpu.wait_dma2 semaphore(%arg17 : memref<!tpu.dma_semaphore, #tpu.memory_space<semaphore_mem>>) src(%dma_wait3A_457 : memref<4096xf32, #tpu.memory_space<vmem>>) dst(%dma_wait3A_455 : memref<4096xf32, #tpu.memory_space<hbm>>)
    %dma_wait3A_458 = arith.constant 4096 : i32
    %dma_wait3A_459 = tpu.memref_slice %arg14[%dma_wait3A_458] : memref<12288xf32, #tpu.memory_space<vmem>> -> memref<4096xf32, #tpu.memory_space<vmem>>
    %dma_wait3A_460 = tpu.memref_slice %arg7[%mul3A_435] : memref<589824xf32, #tpu.memory_space<hbm>> -> memref<4096xf32, #tpu.memory_space<hbm>>
    %dma_wait3A_461 = tpu.memref_slice %arg7[%mul3A_435] : memref<589824xf32, #tpu.memory_space<hbm>> -> memref<4096xf32, #tpu.memory_space<hbm>>
    %dma_wait3A_462 = arith.constant 4096 : i32
    %dma_wait3A_463 = tpu.memref_slice %arg14[%dma_wait3A_462] : memref<12288xf32, #tpu.memory_space<vmem>> -> memref<4096xf32, #tpu.memory_space<vmem>>
    tpu.wait_dma2 semaphore(%arg17 : memref<!tpu.dma_semaphore, #tpu.memory_space<semaphore_mem>>) src(%dma_wait3A_463 : memref<4096xf32, #tpu.memory_space<vmem>>) dst(%dma_wait3A_461 : memref<4096xf32, #tpu.memory_space<hbm>>)
    %dma_wait3A_464 = arith.constant 0 : i32
    %dma_wait3A_465 = tpu.memref_slice %arg14[%dma_wait3A_464] : memref<12288xf32, #tpu.memory_space<vmem>> -> memref<4096xf32, #tpu.memory_space<vmem>>
    %dma_wait3A_466 = tpu.memref_slice %arg6[%mul3A_443] : memref<294912xf32, #tpu.memory_space<hbm>> -> memref<4096xf32, #tpu.memory_space<hbm>>
    %dma_wait3A_467 = tpu.memref_slice %arg6[%mul3A_443] : memref<294912xf32, #tpu.memory_space<hbm>> -> memref<4096xf32, #tpu.memory_space<hbm>>
    %dma_wait3A_468 = arith.constant 0 : i32
    %dma_wait3A_469 = tpu.memref_slice %arg14[%dma_wait3A_468] : memref<12288xf32, #tpu.memory_space<vmem>> -> memref<4096xf32, #tpu.memory_space<vmem>>
    tpu.wait_dma2 semaphore(%arg17 : memref<!tpu.dma_semaphore, #tpu.memory_space<semaphore_mem>>) src(%dma_wait3A_469 : memref<4096xf32, #tpu.memory_space<vmem>>) dst(%dma_wait3A_467 : memref<4096xf32, #tpu.memory_space<hbm>>)
    %scan3A_470 = arith.constant 0 : i32
    %scan3A_471 = arith.constant 0 : i32
    %scan3A_472 = arith.constant 13 : i32
    %scan3A_473 = arith.addi %scan3A_471, %scan3A_472 : i32
    %scan3A_474 = arith.constant 1 : i32
    scf.for %scan3A_1081 = %scan3A_471 to %scan3A_473 step %scan3A_474  : i32 {
      %scan3A_1082 = arith.constant 0 : i32
      %scan3A_1083 = arith.constant 0 : i32
      %scan3A_1084 = arith.constant 13 : i32
      %scan3A_1085 = arith.addi %scan3A_1083, %scan3A_1084 : i32
      %scan3A_1086 = arith.constant 1 : i32
      scf.for %scan3A_1088 = %scan3A_1083 to %scan3A_1085 step %scan3A_1086  : i32 {
        %add3A_1089 = arith.addi %sub3A_63, %scan3A_1081 : i32
        %mul3A_1090 = arith.constant 64 : i32
        %mul3A_1091 = arith.muli %add3A_1089, %mul3A_1090 : i32
        %add3A_1092 = arith.addi %mul3A_1091, %min3A : i32
        %add3A_1093 = arith.addi %add3A_1092, %scan3A_1088 : i32
        %mul3A_1094 = arith.constant 64 : i32
        %mul3A_1095 = arith.muli %add3A_1093, %mul3A_1094 : i32
        %add3A_1096 = arith.constant 0 : i32
        %add3A_1097 = arith.addi %mul3A_1095, %add3A_1096 : i32
        %swap3A = arith.index_cast %add3A_1097 : i32 to index
        %swap3A_1098 = tpu.vector_load %arg15[%swap3A] {strides = array<i32>} : memref<81920xf32, #tpu.memory_space<vmem>>, vector<16xf32>,
        tpu.vector_store %arg15[%swap3A], %broadcast_in_dim3A_1 {strides = array<i32>} : memref<81920xf32, #tpu.memory_space<vmem>>, vector<16xf32>,
        %add3A_1099 = arith.constant 16 : i32
        %add3A_1100 = arith.addi %mul3A_1095, %add3A_1099 : i32
        %swap3A_1101 = arith.index_cast %add3A_1100 : i32 to index
        %swap3A_1102 = tpu.vector_load %arg15[%swap3A_1101] {strides = array<i32>} : memref<81920xf32, #tpu.memory_space<vmem>>, vector<16xf32>,
        tpu.vector_store %arg15[%swap3A_1101], %broadcast_in_dim3A_1 {strides = array<i32>} : memref<81920xf32, #tpu.memory_space<vmem>>, vector<16xf32>,
        %add3A_1103 = arith.constant 32 : i32
        %add3A_1104 = arith.addi %mul3A_1095, %add3A_1103 : i32
        %swap3A_1105 = arith.index_cast %add3A_1104 : i32 to index
        %swap3A_1106 = tpu.vector_load %arg15[%swap3A_1105] {strides = array<i32>} : memref<81920xf32, #tpu.memory_space<vmem>>, vector<16xf32>,
        tpu.vector_store %arg15[%swap3A_1105], %broadcast_in_dim3A_1 {strides = array<i32>} : memref<81920xf32, #tpu.memory_space<vmem>>, vector<16xf32>,
        %add3A_1107 = arith.constant 48 : i32
        %add3A_1108 = arith.addi %mul3A_1095, %add3A_1107 : i32
        %swap3A_1109 = arith.index_cast %add3A_1108 : i32 to index
        %swap3A_1110 = tpu.vector_load %arg15[%swap3A_1109] {strides = array<i32>} : memref<81920xf32, #tpu.memory_space<vmem>>, vector<16xf32>,
        tpu.vector_store %arg15[%swap3A_1109], %broadcast_in_dim3A_1 {strides = array<i32>} : memref<81920xf32, #tpu.memory_space<vmem>>, vector<16xf32>,
      }
      %scan3A_1087 = arith.constant 13 : i32
    }
    %scan3A_475 = arith.constant 13 : i32
    %scan3A_476 = arith.constant 0 : i32
    %scan3A_477 = arith.constant 0 : i32
    %scan3A_478 = arith.constant 13 : i32
    %scan3A_479 = arith.addi %scan3A_477, %scan3A_478 : i32
    %scan3A_480 = arith.constant 1 : i32
    scf.for %scan3A_1081 = %scan3A_477 to %scan3A_479 step %scan3A_480  : i32 {
      %add3A_1082 = arith.constant 0 : i32
      %add3A_1083 = arith.addi %add3A_1082, %min3A : i32
      %add3A_1084 = arith.addi %add3A_1083, %scan3A_1081 : i32
      %mul3A_1085 = arith.constant 64 : i32
      %mul3A_1086 = arith.muli %add3A_1084, %mul3A_1085 : i32
      %add3A_1087 = arith.constant 0 : i32
      %add3A_1088 = arith.addi %mul3A_1086, %add3A_1087 : i32
      %swap3A = arith.index_cast %add3A_1088 : i32 to index
      %swap3A_1089 = tpu.vector_load %arg14[%swap3A] {strides = array<i32>} : memref<12288xf32, #tpu.memory_space<vmem>>, vector<16xf32>,
      tpu.vector_store %arg14[%swap3A], %broadcast_in_dim3A_1 {strides = array<i32>} : memref<12288xf32, #tpu.memory_space<vmem>>, vector<16xf32>,
      %add3A_1090 = arith.constant 16 : i32
      %add3A_1091 = arith.addi %mul3A_1086, %add3A_1090 : i32
      %swap3A_1092 = arith.index_cast %add3A_1091 : i32 to index
      %swap3A_1093 = tpu.vector_load %arg14[%swap3A_1092] {strides = array<i32>} : memref<12288xf32, #tpu.memory_space<vmem>>, vector<16xf32>,
      tpu.vector_store %arg14[%swap3A_1092], %broadcast_in_dim3A_1 {strides = array<i32>} : memref<12288xf32, #tpu.memory_space<vmem>>, vector<16xf32>,
      %add3A_1094 = arith.constant 32 : i32
      %add3A_1095 = arith.addi %mul3A_1086, %add3A_1094 : i32
      %swap3A_1096 = arith.index_cast %add3A_1095 : i32 to index
      %swap3A_1097 = tpu.vector_load %arg14[%swap3A_1096] {strides = array<i32>} : memref<12288xf32, #tpu.memory_space<vmem>>, vector<16xf32>,
      tpu.vector_store %arg14[%swap3A_1096], %broadcast_in_dim3A_1 {strides = array<i32>} : memref<12288xf32, #tpu.memory_space<vmem>>, vector<16xf32>,
      %add3A_1098 = arith.constant 48 : i32
      %add3A_1099 = arith.addi %mul3A_1086, %add3A_1098 : i32
      %swap3A_1100 = arith.index_cast %add3A_1099 : i32 to index
      %swap3A_1101 = tpu.vector_load %arg14[%swap3A_1100] {strides = array<i32>} : memref<12288xf32, #tpu.memory_space<vmem>>, vector<16xf32>,
      tpu.vector_store %arg14[%swap3A_1100], %broadcast_in_dim3A_1 {strides = array<i32>} : memref<12288xf32, #tpu.memory_space<vmem>>, vector<16xf32>,
      %add3A_1102 = arith.constant 64 : i32
      %add3A_1103 = arith.addi %add3A_1102, %min3A : i32
      %add3A_1104 = arith.addi %add3A_1103, %scan3A_1081 : i32
      %mul3A_1105 = arith.constant 64 : i32
      %mul3A_1106 = arith.muli %add3A_1104, %mul3A_1105 : i32
      %add3A_1107 = arith.constant 0 : i32
      %add3A_1108 = arith.addi %mul3A_1106, %add3A_1107 : i32
      %swap3A_1109 = arith.index_cast %add3A_1108 : i32 to index
      %swap3A_1110 = tpu.vector_load %arg14[%swap3A_1109] {strides = array<i32>} : memref<12288xf32, #tpu.memory_space<vmem>>, vector<16xf32>,
      tpu.vector_store %arg14[%swap3A_1109], %broadcast_in_dim3A_1 {strides = array<i32>} : memref<12288xf32, #tpu.memory_space<vmem>>, vector<16xf32>,
      %add3A_1111 = arith.constant 16 : i32
      %add3A_1112 = arith.addi %mul3A_1106, %add3A_1111 : i32
      %swap3A_1113 = arith.index_cast %add3A_1112 : i32 to index
      %swap3A_1114 = tpu.vector_load %arg14[%swap3A_1113] {strides = array<i32>} : memref<12288xf32, #tpu.memory_space<vmem>>, vector<16xf32>,
      tpu.vector_store %arg14[%swap3A_1113], %broadcast_in_dim3A_1 {strides = array<i32>} : memref<12288xf32, #tpu.memory_space<vmem>>, vector<16xf32>,
      %add3A_1115 = arith.constant 32 : i32
      %add3A_1116 = arith.addi %mul3A_1106, %add3A_1115 : i32
      %swap3A_1117 = arith.index_cast %add3A_1116 : i32 to index
      %swap3A_1118 = tpu.vector_load %arg14[%swap3A_1117] {strides = array<i32>} : memref<12288xf32, #tpu.memory_space<vmem>>, vector<16xf32>,
      tpu.vector_store %arg14[%swap3A_1117], %broadcast_in_dim3A_1 {strides = array<i32>} : memref<12288xf32, #tpu.memory_space<vmem>>, vector<16xf32>,
      %add3A_1119 = arith.constant 48 : i32
      %add3A_1120 = arith.addi %mul3A_1106, %add3A_1119 : i32
      %swap3A_1121 = arith.index_cast %add3A_1120 : i32 to index
      %swap3A_1122 = tpu.vector_load %arg14[%swap3A_1121] {strides = array<i32>} : memref<12288xf32, #tpu.memory_space<vmem>>, vector<16xf32>,
      tpu.vector_store %arg14[%swap3A_1121], %broadcast_in_dim3A_1 {strides = array<i32>} : memref<12288xf32, #tpu.memory_space<vmem>>, vector<16xf32>,
      %add3A_1123 = arith.constant 128 : i32
      %add3A_1124 = arith.addi %add3A_1123, %min3A : i32
      %add3A_1125 = arith.addi %add3A_1124, %scan3A_1081 : i32
      %mul3A_1126 = arith.constant 64 : i32
      %mul3A_1127 = arith.muli %add3A_1125, %mul3A_1126 : i32
      %add3A_1128 = arith.constant 0 : i32
      %add3A_1129 = arith.addi %mul3A_1127, %add3A_1128 : i32
      %swap3A_1130 = arith.index_cast %add3A_1129 : i32 to index
      %swap3A_1131 = tpu.vector_load %arg14[%swap3A_1130] {strides = array<i32>} : memref<12288xf32, #tpu.memory_space<vmem>>, vector<16xf32>,
      tpu.vector_store %arg14[%swap3A_1130], %broadcast_in_dim3A_1 {strides = array<i32>} : memref<12288xf32, #tpu.memory_space<vmem>>, vector<16xf32>,
      %add3A_1132 = arith.constant 16 : i32
      %add3A_1133 = arith.addi %mul3A_1127, %add3A_1132 : i32
      %swap3A_1134 = arith.index_cast %add3A_1133 : i32 to index
      %swap3A_1135 = tpu.vector_load %arg14[%swap3A_1134] {strides = array<i32>} : memref<12288xf32, #tpu.memory_space<vmem>>, vector<16xf32>,
      tpu.vector_store %arg14[%swap3A_1134], %broadcast_in_dim3A_1 {strides = array<i32>} : memref<12288xf32, #tpu.memory_space<vmem>>, vector<16xf32>,
      %add3A_1136 = arith.constant 32 : i32
      %add3A_1137 = arith.addi %mul3A_1127, %add3A_1136 : i32
      %swap3A_1138 = arith.index_cast %add3A_1137 : i32 to index
      %swap3A_1139 = tpu.vector_load %arg14[%swap3A_1138] {strides = array<i32>} : memref<12288xf32, #tpu.memory_space<vmem>>, vector<16xf32>,
      tpu.vector_store %arg14[%swap3A_1138], %broadcast_in_dim3A_1 {strides = array<i32>} : memref<12288xf32, #tpu.memory_space<vmem>>, vector<16xf32>,
      %add3A_1140 = arith.constant 48 : i32
      %add3A_1141 = arith.addi %mul3A_1127, %add3A_1140 : i32
      %swap3A_1142 = arith.index_cast %add3A_1141 : i32 to index
      %swap3A_1143 = tpu.vector_load %arg14[%swap3A_1142] {strides = array<i32>} : memref<12288xf32, #tpu.memory_space<vmem>>, vector<16xf32>,
      tpu.vector_store %arg14[%swap3A_1142], %broadcast_in_dim3A_1 {strides = array<i32>} : memref<12288xf32, #tpu.memory_space<vmem>>, vector<16xf32>,
    }
    %scan3A_481 = arith.constant 13 : i32
    %add3A_482 = arith.constant 32 : i32
    %add3A_483 = arith.addi %add3A, %add3A_482 : i32
    %mul3A_484 = arith.constant 16 : i32
    %mul3A_485 = arith.muli %add3A_483, %mul3A_484 : i32
    %get3A_486 = arith.index_cast %mul3A_485 : i32 to index
    %get3A_487 = tpu.vector_load %arg10[%get3A_486] {strides = array<i32>} : memref<1152xi32, #tpu.memory_space<vmem>>, vector<16xi32>,
    %slice3A_488 = vector.extract_strided_slice %get3A_487 {offsets = [0], sizes = [1], strides = [1]} : vector<16xi32> to vector<1xi32>
    %squeeze3A_489 = vector.extract %slice3A_488[0] : i32 from vector<1xi32>
    %slice3A_490 = vector.extract_strided_slice %get3A_487 {offsets = [1], sizes = [1], strides = [1]} : vector<16xi32> to vector<1xi32>
    %squeeze3A_491 = vector.extract %slice3A_490[0] : i32 from vector<1xi32>
    %slice3A_492 = vector.extract_strided_slice %get3A_487 {offsets = [2], sizes = [1], strides = [1]} : vector<16xi32> to vector<1xi32>
    %squeeze3A_493 = vector.extract %slice3A_492[0] : i32 from vector<1xi32>
    %sub3A_494 = arith.constant 63 : i32
    %sub3A_495 = arith.subi %sub3A_494, %squeeze3A_489 : i32
    %sub3A_496 = arith.constant 6 : i32
    %sub3A_497 = arith.subi %squeeze3A_491, %sub3A_496 : i32
    %jit3A_498 = arith.constant 0 : i32
    %jit3A_499 = arith.constant 51 : i32
    %max3A_500 = arith.maxsi %jit3A_498, %sub3A_497 : i32
    %min3A_501 = arith.minsi %jit3A_499, %max3A_500 : i32
    %sub3A_502 = arith.subi %min3A_501, %squeeze3A_491 : i32
    %add3A_503 = arith.constant 6 : i32
    %add3A_504 = arith.addi %sub3A_502, %add3A_503 : i32
    %sub3A_505 = arith.constant 1 : i32
    %sub3A_506 = arith.subi %squeeze3A_493, %sub3A_505 : i32
    %sub3A_507 = arith.constant 6 : i32
    %sub3A_508 = arith.subi %sub3A_506, %sub3A_507 : i32
    %jit3A_509 = arith.constant 0 : i32
    %jit3A_510 = arith.constant 51 : i32
    %max3A_511 = arith.maxsi %jit3A_509, %sub3A_508 : i32
    %min3A_512 = arith.minsi %jit3A_510, %max3A_511 : i32
    %sub3A_513 = arith.subi %min3A_512, %sub3A_506 : i32
    %add3A_514 = arith.constant 6 : i32
    %add3A_515 = arith.addi %sub3A_513, %add3A_514 : i32
    %jit3A_516 = arith.constant 4 : i32
    %div3A_517 = arith.divsi %min3A_512, %jit3A_516 : i32
    %sign3A_518 = arith.constant 0 : i32
    %sign3A_519 = arith.cmpi sgt, %min3A_512, %sign3A_518 : i32
    %sign3A_520 = arith.extui %sign3A_519 : i1 to i32
    %sign3A_521 = arith.constant 0 : i32
    %sign3A_522 = arith.cmpi slt, %min3A_512, %sign3A_521 : i32
    %sign3A_523 = arith.extui %sign3A_522 : i1 to i32
    %sign3A_524 = arith.subi %sign3A_520, %sign3A_523 : i32
    %sign3A_525 = arith.constant 0 : i32
    %sign3A_526 = arith.cmpi sgt, %jit3A_516, %sign3A_525 : i32
    %sign3A_527 = arith.extui %sign3A_526 : i1 to i32
    %sign3A_528 = arith.constant 0 : i32
    %sign3A_529 = arith.cmpi slt, %jit3A_516, %sign3A_528 : i32
    %sign3A_530 = arith.extui %sign3A_529 : i1 to i32
    %sign3A_531 = arith.subi %sign3A_527, %sign3A_530 : i32
    %ne3A_532 = arith.cmpi ne, %sign3A_524, %sign3A_531 : i32
    %rem3A_533 = arith.remsi %min3A_512, %jit3A_516 : i32
    %ne3A_534 = arith.constant 0 : i32
    %ne3A_535 = arith.cmpi ne, %rem3A_533, %ne3A_534 : i32
    %and3A_536 = arith.andi %ne3A_532, %ne3A_535 : i1
    %sub3A_537 = arith.constant 1 : i32
    %sub3A_538 = arith.subi %div3A_517, %sub3A_537 : i32
    %select_n3A_539 = arith.select %and3A_536, %sub3A_538, %div3A_517 : i32
    %min3A_540 = arith.constant 11 : i32
    %min3A_541 = arith.minsi %select_n3A_539, %min3A_540 : i32
    %mul3A_542 = arith.constant 4 : i32
    %mul3A_543 = arith.muli %min3A_541, %mul3A_542 : i32
    %sub3A_544 = arith.subi %min3A_512, %mul3A_543 : i32
    %mul3A_545 = arith.constant 4 : i32
    %mul3A_546 = arith.muli %squeeze3A_493, %mul3A_545 : i32
    %add3A_547 = arith.constant 63 : i32
    %add3A_548 = arith.addi %mul3A_546, %add3A_547 : i32
    %jit3A_549 = arith.constant 64 : i32
    %div3A_550 = arith.divsi %add3A_548, %jit3A_549 : i32
    %sign3A_551 = arith.constant 0 : i32
    %sign3A_552 = arith.cmpi sgt, %add3A_548, %sign3A_551 : i32
    %sign3A_553 = arith.extui %sign3A_552 : i1 to i32
    %sign3A_554 = arith.constant 0 : i32
    %sign3A_555 = arith.cmpi slt, %add3A_548, %sign3A_554 : i32
    %sign3A_556 = arith.extui %sign3A_555 : i1 to i32
    %sign3A_557 = arith.subi %sign3A_553, %sign3A_556 : i32
    %sign3A_558 = arith.constant 0 : i32
    %sign3A_559 = arith.cmpi sgt, %jit3A_549, %sign3A_558 : i32
    %sign3A_560 = arith.extui %sign3A_559 : i1 to i32
    %sign3A_561 = arith.constant 0 : i32
    %sign3A_562 = arith.cmpi slt, %jit3A_549, %sign3A_561 : i32
    %sign3A_563 = arith.extui %sign3A_562 : i1 to i32
    %sign3A_564 = arith.subi %sign3A_560, %sign3A_563 : i32
    %ne3A_565 = arith.cmpi ne, %sign3A_557, %sign3A_564 : i32
    %rem3A_566 = arith.remsi %add3A_548, %jit3A_549 : i32
    %ne3A_567 = arith.constant 0 : i32
    %ne3A_568 = arith.cmpi ne, %rem3A_566, %ne3A_567 : i32
    %and3A_569 = arith.andi %ne3A_565, %ne3A_568 : i1
    %sub3A_570 = arith.constant 1 : i32
    %sub3A_571 = arith.subi %div3A_550, %sub3A_570 : i32
    %select_n3A_572 = arith.select %and3A_569, %sub3A_571, %div3A_550 : i32
    %sub3A_573 = arith.constant 1 : i32
    %sub3A_574 = arith.subi %select_n3A_572, %sub3A_573 : i32
    %mul3A_575 = arith.constant 2 : i32
    %mul3A_576 = arith.muli %squeeze3A_493, %mul3A_575 : i32
    %add3A_577 = arith.constant 63 : i32
    %add3A_578 = arith.addi %mul3A_576, %add3A_577 : i32
    %jit3A_579 = arith.constant 64 : i32
    %div3A_580 = arith.divsi %add3A_578, %jit3A_579 : i32
    %sign3A_581 = arith.constant 0 : i32
    %sign3A_582 = arith.cmpi sgt, %add3A_578, %sign3A_581 : i32
    %sign3A_583 = arith.extui %sign3A_582 : i1 to i32
    %sign3A_584 = arith.constant 0 : i32
    %sign3A_585 = arith.cmpi slt, %add3A_578, %sign3A_584 : i32
    %sign3A_586 = arith.extui %sign3A_585 : i1 to i32
    %sign3A_587 = arith.subi %sign3A_583, %sign3A_586 : i32
    %sign3A_588 = arith.constant 0 : i32
    %sign3A_589 = arith.cmpi sgt, %jit3A_579, %sign3A_588 : i32
    %sign3A_590 = arith.extui %sign3A_589 : i1 to i32
    %sign3A_591 = arith.constant 0 : i32
    %sign3A_592 = arith.cmpi slt, %jit3A_579, %sign3A_591 : i32
    %sign3A_593 = arith.extui %sign3A_592 : i1 to i32
    %sign3A_594 = arith.subi %sign3A_590, %sign3A_593 : i32
    %ne3A_595 = arith.cmpi ne, %sign3A_587, %sign3A_594 : i32
    %rem3A_596 = arith.remsi %add3A_578, %jit3A_579 : i32
    %ne3A_597 = arith.constant 0 : i32
    %ne3A_598 = arith.cmpi ne, %rem3A_596, %ne3A_597 : i32
    %and3A_599 = arith.andi %ne3A_595, %ne3A_598 : i1
    %sub3A_600 = arith.constant 1 : i32
    %sub3A_601 = arith.subi %div3A_580, %sub3A_600 : i32
    %select_n3A_602 = arith.select %and3A_599, %sub3A_601, %div3A_580 : i32
    %sub3A_603 = arith.constant 1 : i32
    %sub3A_604 = arith.subi %select_n3A_602, %sub3A_603 : i32
    %add3A_605 = arith.constant 63 : i32
    %add3A_606 = arith.addi %squeeze3A_493, %add3A_605 : i32
    %jit3A_607 = arith.constant 64 : i32
    %div3A_608 = arith.divsi %add3A_606, %jit3A_607 : i32
    %sign3A_609 = arith.constant 0 : i32
    %sign3A_610 = arith.cmpi sgt, %add3A_606, %sign3A_609 : i32
    %sign3A_611 = arith.extui %sign3A_610 : i1 to i32
    %sign3A_612 = arith.constant 0 : i32
    %sign3A_613 = arith.cmpi slt, %add3A_606, %sign3A_612 : i32
    %sign3A_614 = arith.extui %sign3A_613 : i1 to i32
    %sign3A_615 = arith.subi %sign3A_611, %sign3A_614 : i32
    %sign3A_616 = arith.constant 0 : i32
    %sign3A_617 = arith.cmpi sgt, %jit3A_607, %sign3A_616 : i32
    %sign3A_618 = arith.extui %sign3A_617 : i1 to i32
    %sign3A_619 = arith.constant 0 : i32
    %sign3A_620 = arith.cmpi slt, %jit3A_607, %sign3A_619 : i32
    %sign3A_621 = arith.extui %sign3A_620 : i1 to i32
    %sign3A_622 = arith.subi %sign3A_618, %sign3A_621 : i32
    %ne3A_623 = arith.cmpi ne, %sign3A_615, %sign3A_622 : i32
    %rem3A_624 = arith.remsi %add3A_606, %jit3A_607 : i32
    %ne3A_625 = arith.constant 0 : i32
    %ne3A_626 = arith.cmpi ne, %rem3A_624, %ne3A_625 : i32
    %and3A_627 = arith.andi %ne3A_623, %ne3A_626 : i1
    %sub3A_628 = arith.constant 1 : i32
    %sub3A_629 = arith.subi %div3A_608, %sub3A_628 : i32
    %select_n3A_630 = arith.select %and3A_627, %sub3A_629, %div3A_608 : i32
    %sub3A_631 = arith.constant 1 : i32
    %sub3A_632 = arith.subi %select_n3A_630, %sub3A_631 : i32
    %max3A_633 = arith.constant 0 : i32
    %max3A_634 = arith.maxsi %sub3A_574, %max3A_633 : i32
    %max3A_635 = arith.constant 0 : i32
    %max3A_636 = arith.maxsi %sub3A_604, %max3A_635 : i32
    %le3A_637 = arith.constant 0 : i32
    %le3A_638 = arith.cmpi sle, %min3A_541, %le3A_637 : i32
    %convert_element_type3A_639 = arith.extui %le3A_638 : i1 to i32
    %mul3A_640 = arith.constant 5 : i32
    %mul3A_641 = arith.muli %mul3A_640, %convert_element_type3A_639 : i32
    %add3A_642 = arith.constant 0 : i32
    %add3A_643 = arith.addi %add3A_642, %mul3A_641 : i32
    %mul3A_644 = arith.constant 64 : i32
    %mul3A_645 = arith.muli %add3A_483, %mul3A_644 : i32
    %mul3A_646 = arith.constant 4 : i32
    %mul3A_647 = arith.muli %add3A_643, %mul3A_646 : i32
    %add3A_648 = arith.addi %mul3A_645, %mul3A_647 : i32
    %mul3A_649 = arith.constant 4096 : i32
    %mul3A_650 = arith.muli %add3A_648, %mul3A_649 : i32
    %dma_start3A_651 = tpu.memref_slice %arg9[%mul3A_650] : memref<18874368xf32, #tpu.memory_space<hbm>> -> memref<16384xf32, #tpu.memory_space<hbm>>
    %dma_start3A_652 = tpu.memref_slice %arg9[%mul3A_650] : memref<18874368xf32, #tpu.memory_space<hbm>> -> memref<16384xf32, #tpu.memory_space<hbm>>
    tpu.enqueue_dma source(%arg13 : memref<16384xf32, #tpu.memory_space<vmem>>) target(%dma_start3A_652 : memref<16384xf32, #tpu.memory_space<hbm>>) target_semaphore(%arg16 : memref<!tpu.dma_semaphore, #tpu.memory_space<semaphore_mem>>)
    %le3A_653 = arith.constant 1 : i32
    %le3A_654 = arith.cmpi sle, %min3A_541, %le3A_653 : i32
    %convert_element_type3A_655 = arith.extui %le3A_654 : i1 to i32
    %mul3A_656 = arith.constant 5 : i32
    %mul3A_657 = arith.muli %mul3A_656, %convert_element_type3A_655 : i32
    %add3A_658 = arith.constant 1 : i32
    %add3A_659 = arith.addi %add3A_658, %mul3A_657 : i32
    %mul3A_660 = arith.constant 64 : i32
    %mul3A_661 = arith.muli %add3A_483, %mul3A_660 : i32
    %mul3A_662 = arith.constant 4 : i32
    %mul3A_663 = arith.muli %add3A_659, %mul3A_662 : i32
    %add3A_664 = arith.addi %mul3A_661, %mul3A_663 : i32
    %mul3A_665 = arith.constant 4096 : i32
    %mul3A_666 = arith.muli %add3A_664, %mul3A_665 : i32
    %dma_start3A_667 = tpu.memref_slice %arg9[%mul3A_666] : memref<18874368xf32, #tpu.memory_space<hbm>> -> memref<16384xf32, #tpu.memory_space<hbm>>
    %dma_start3A_668 = tpu.memref_slice %arg9[%mul3A_666] : memref<18874368xf32, #tpu.memory_space<hbm>> -> memref<16384xf32, #tpu.memory_space<hbm>>
    tpu.enqueue_dma source(%arg13 : memref<16384xf32, #tpu.memory_space<vmem>>) target(%dma_start3A_668 : memref<16384xf32, #tpu.memory_space<hbm>>) target_semaphore(%arg16 : memref<!tpu.dma_semaphore, #tpu.memory_space<semaphore_mem>>)
    %le3A_669 = arith.constant 2 : i32
    %le3A_670 = arith.cmpi sle, %min3A_541, %le3A_669 : i32
    %convert_element_type3A_671 = arith.extui %le3A_670 : i1 to i32
    %mul3A_672 = arith.constant 5 : i32
    %mul3A_673 = arith.muli %mul3A_672, %convert_element_type3A_671 : i32
    %add3A_674 = arith.constant 2 : i32
    %add3A_675 = arith.addi %add3A_674, %mul3A_673 : i32
    %mul3A_676 = arith.constant 64 : i32
    %mul3A_677 = arith.muli %add3A_483, %mul3A_676 : i32
    %mul3A_678 = arith.constant 4 : i32
    %mul3A_679 = arith.muli %add3A_675, %mul3A_678 : i32
    %add3A_680 = arith.addi %mul3A_677, %mul3A_679 : i32
    %mul3A_681 = arith.constant 4096 : i32
    %mul3A_682 = arith.muli %add3A_680, %mul3A_681 : i32
    %dma_start3A_683 = tpu.memref_slice %arg9[%mul3A_682] : memref<18874368xf32, #tpu.memory_space<hbm>> -> memref<16384xf32, #tpu.memory_space<hbm>>
    %dma_start3A_684 = tpu.memref_slice %arg9[%mul3A_682] : memref<18874368xf32, #tpu.memory_space<hbm>> -> memref<16384xf32, #tpu.memory_space<hbm>>
    tpu.enqueue_dma source(%arg13 : memref<16384xf32, #tpu.memory_space<vmem>>) target(%dma_start3A_684 : memref<16384xf32, #tpu.memory_space<hbm>>) target_semaphore(%arg16 : memref<!tpu.dma_semaphore, #tpu.memory_space<semaphore_mem>>)
    %le3A_685 = arith.constant 3 : i32
    %le3A_686 = arith.cmpi sle, %min3A_541, %le3A_685 : i32
    %convert_element_type3A_687 = arith.extui %le3A_686 : i1 to i32
    %mul3A_688 = arith.constant 5 : i32
    %mul3A_689 = arith.muli %mul3A_688, %convert_element_type3A_687 : i32
    %add3A_690 = arith.constant 3 : i32
    %add3A_691 = arith.addi %add3A_690, %mul3A_689 : i32
    %mul3A_692 = arith.constant 64 : i32
    %mul3A_693 = arith.muli %add3A_483, %mul3A_692 : i32
    %mul3A_694 = arith.constant 4 : i32
    %mul3A_695 = arith.muli %add3A_691, %mul3A_694 : i32
    %add3A_696 = arith.addi %mul3A_693, %mul3A_695 : i32
    %mul3A_697 = arith.constant 4096 : i32
    %mul3A_698 = arith.muli %add3A_696, %mul3A_697 : i32
    %dma_start3A_699 = tpu.memref_slice %arg9[%mul3A_698] : memref<18874368xf32, #tpu.memory_space<hbm>> -> memref<16384xf32, #tpu.memory_space<hbm>>
    %dma_start3A_700 = tpu.memref_slice %arg9[%mul3A_698] : memref<18874368xf32, #tpu.memory_space<hbm>> -> memref<16384xf32, #tpu.memory_space<hbm>>
    tpu.enqueue_dma source(%arg13 : memref<16384xf32, #tpu.memory_space<vmem>>) target(%dma_start3A_700 : memref<16384xf32, #tpu.memory_space<hbm>>) target_semaphore(%arg16 : memref<!tpu.dma_semaphore, #tpu.memory_space<semaphore_mem>>)
    %le3A_701 = arith.constant 4 : i32
    %le3A_702 = arith.cmpi sle, %min3A_541, %le3A_701 : i32
    %convert_element_type3A_703 = arith.extui %le3A_702 : i1 to i32
    %mul3A_704 = arith.constant 5 : i32
    %mul3A_705 = arith.muli %mul3A_704, %convert_element_type3A_703 : i32
    %add3A_706 = arith.constant 4 : i32
    %add3A_707 = arith.addi %add3A_706, %mul3A_705 : i32
    %mul3A_708 = arith.constant 64 : i32
    %mul3A_709 = arith.muli %add3A_483, %mul3A_708 : i32
    %mul3A_710 = arith.constant 4 : i32
    %mul3A_711 = arith.muli %add3A_707, %mul3A_710 : i32
    %add3A_712 = arith.addi %mul3A_709, %mul3A_711 : i32
    %mul3A_713 = arith.constant 4096 : i32
    %mul3A_714 = arith.muli %add3A_712, %mul3A_713 : i32
    %dma_start3A_715 = tpu.memref_slice %arg9[%mul3A_714] : memref<18874368xf32, #tpu.memory_space<hbm>> -> memref<16384xf32, #tpu.memory_space<hbm>>
    %dma_start3A_716 = tpu.memref_slice %arg9[%mul3A_714] : memref<18874368xf32, #tpu.memory_space<hbm>> -> memref<16384xf32, #tpu.memory_space<hbm>>
    tpu.enqueue_dma source(%arg13 : memref<16384xf32, #tpu.memory_space<vmem>>) target(%dma_start3A_716 : memref<16384xf32, #tpu.memory_space<hbm>>) target_semaphore(%arg16 : memref<!tpu.dma_semaphore, #tpu.memory_space<semaphore_mem>>)
    %le3A_717 = arith.constant 5 : i32
    %le3A_718 = arith.cmpi sle, %min3A_541, %le3A_717 : i32
    %convert_element_type3A_719 = arith.extui %le3A_718 : i1 to i32
    %mul3A_720 = arith.constant 5 : i32
    %mul3A_721 = arith.muli %mul3A_720, %convert_element_type3A_719 : i32
    %add3A_722 = arith.constant 5 : i32
    %add3A_723 = arith.addi %add3A_722, %mul3A_721 : i32
    %mul3A_724 = arith.constant 64 : i32
    %mul3A_725 = arith.muli %add3A_483, %mul3A_724 : i32
    %mul3A_726 = arith.constant 4 : i32
    %mul3A_727 = arith.muli %add3A_723, %mul3A_726 : i32
    %add3A_728 = arith.addi %mul3A_725, %mul3A_727 : i32
    %mul3A_729 = arith.constant 4096 : i32
    %mul3A_730 = arith.muli %add3A_728, %mul3A_729 : i32
    %dma_start3A_731 = tpu.memref_slice %arg9[%mul3A_730] : memref<18874368xf32, #tpu.memory_space<hbm>> -> memref<16384xf32, #tpu.memory_space<hbm>>
    %dma_start3A_732 = tpu.memref_slice %arg9[%mul3A_730] : memref<18874368xf32, #tpu.memory_space<hbm>> -> memref<16384xf32, #tpu.memory_space<hbm>>
    tpu.enqueue_dma source(%arg13 : memref<16384xf32, #tpu.memory_space<vmem>>) target(%dma_start3A_732 : memref<16384xf32, #tpu.memory_space<hbm>>) target_semaphore(%arg16 : memref<!tpu.dma_semaphore, #tpu.memory_space<semaphore_mem>>)
    %le3A_733 = arith.constant 6 : i32
    %le3A_734 = arith.cmpi sle, %min3A_541, %le3A_733 : i32
    %convert_element_type3A_735 = arith.extui %le3A_734 : i1 to i32
    %mul3A_736 = arith.constant 5 : i32
    %mul3A_737 = arith.muli %mul3A_736, %convert_element_type3A_735 : i32
    %add3A_738 = arith.constant 6 : i32
    %add3A_739 = arith.addi %add3A_738, %mul3A_737 : i32
    %mul3A_740 = arith.constant 64 : i32
    %mul3A_741 = arith.muli %add3A_483, %mul3A_740 : i32
    %mul3A_742 = arith.constant 4 : i32
    %mul3A_743 = arith.muli %add3A_739, %mul3A_742 : i32
    %add3A_744 = arith.addi %mul3A_741, %mul3A_743 : i32
    %mul3A_745 = arith.constant 4096 : i32
    %mul3A_746 = arith.muli %add3A_744, %mul3A_745 : i32
    %dma_start3A_747 = tpu.memref_slice %arg9[%mul3A_746] : memref<18874368xf32, #tpu.memory_space<hbm>> -> memref<16384xf32, #tpu.memory_space<hbm>>
    %dma_start3A_748 = tpu.memref_slice %arg9[%mul3A_746] : memref<18874368xf32, #tpu.memory_space<hbm>> -> memref<16384xf32, #tpu.memory_space<hbm>>
    tpu.enqueue_dma source(%arg13 : memref<16384xf32, #tpu.memory_space<vmem>>) target(%dma_start3A_748 : memref<16384xf32, #tpu.memory_space<hbm>>) target_semaphore(%arg16 : memref<!tpu.dma_semaphore, #tpu.memory_space<semaphore_mem>>)
    %le3A_749 = arith.constant 7 : i32
    %le3A_750 = arith.cmpi sle, %min3A_541, %le3A_749 : i32
    %convert_element_type3A_751 = arith.extui %le3A_750 : i1 to i32
    %mul3A_752 = arith.constant 5 : i32
    %mul3A_753 = arith.muli %mul3A_752, %convert_element_type3A_751 : i32
    %add3A_754 = arith.constant 7 : i32
    %add3A_755 = arith.addi %add3A_754, %mul3A_753 : i32
    %mul3A_756 = arith.constant 64 : i32
    %mul3A_757 = arith.muli %add3A_483, %mul3A_756 : i32
    %mul3A_758 = arith.constant 4 : i32
    %mul3A_759 = arith.muli %add3A_755, %mul3A_758 : i32
    %add3A_760 = arith.addi %mul3A_757, %mul3A_759 : i32
    %mul3A_761 = arith.constant 4096 : i32
    %mul3A_762 = arith.muli %add3A_760, %mul3A_761 : i32
    %dma_start3A_763 = tpu.memref_slice %arg9[%mul3A_762] : memref<18874368xf32, #tpu.memory_space<hbm>> -> memref<16384xf32, #tpu.memory_space<hbm>>
    %dma_start3A_764 = tpu.memref_slice %arg9[%mul3A_762] : memref<18874368xf32, #tpu.memory_space<hbm>> -> memref<16384xf32, #tpu.memory_space<hbm>>
    tpu.enqueue_dma source(%arg13 : memref<16384xf32, #tpu.memory_space<vmem>>) target(%dma_start3A_764 : memref<16384xf32, #tpu.memory_space<hbm>>) target_semaphore(%arg16 : memref<!tpu.dma_semaphore, #tpu.memory_space<semaphore_mem>>)
    %le3A_765 = arith.constant 8 : i32
    %le3A_766 = arith.cmpi sle, %min3A_541, %le3A_765 : i32
    %convert_element_type3A_767 = arith.extui %le3A_766 : i1 to i32
    %mul3A_768 = arith.constant 5 : i32
    %mul3A_769 = arith.muli %mul3A_768, %convert_element_type3A_767 : i32
    %add3A_770 = arith.constant 8 : i32
    %add3A_771 = arith.addi %add3A_770, %mul3A_769 : i32
    %mul3A_772 = arith.constant 64 : i32
    %mul3A_773 = arith.muli %add3A_483, %mul3A_772 : i32
    %mul3A_774 = arith.constant 4 : i32
    %mul3A_775 = arith.muli %add3A_771, %mul3A_774 : i32
    %add3A_776 = arith.addi %mul3A_773, %mul3A_775 : i32
    %mul3A_777 = arith.constant 4096 : i32
    %mul3A_778 = arith.muli %add3A_776, %mul3A_777 : i32
    %dma_start3A_779 = tpu.memref_slice %arg9[%mul3A_778] : memref<18874368xf32, #tpu.memory_space<hbm>> -> memref<16384xf32, #tpu.memory_space<hbm>>
    %dma_start3A_780 = tpu.memref_slice %arg9[%mul3A_778] : memref<18874368xf32, #tpu.memory_space<hbm>> -> memref<16384xf32, #tpu.memory_space<hbm>>
    tpu.enqueue_dma source(%arg13 : memref<16384xf32, #tpu.memory_space<vmem>>) target(%dma_start3A_780 : memref<16384xf32, #tpu.memory_space<hbm>>) target_semaphore(%arg16 : memref<!tpu.dma_semaphore, #tpu.memory_space<semaphore_mem>>)
    %le3A_781 = arith.constant 9 : i32
    %le3A_782 = arith.cmpi sle, %min3A_541, %le3A_781 : i32
    %convert_element_type3A_783 = arith.extui %le3A_782 : i1 to i32
    %mul3A_784 = arith.constant 5 : i32
    %mul3A_785 = arith.muli %mul3A_784, %convert_element_type3A_783 : i32
    %add3A_786 = arith.constant 9 : i32
    %add3A_787 = arith.addi %add3A_786, %mul3A_785 : i32
    %mul3A_788 = arith.constant 64 : i32
    %mul3A_789 = arith.muli %add3A_483, %mul3A_788 : i32
    %mul3A_790 = arith.constant 4 : i32
    %mul3A_791 = arith.muli %add3A_787, %mul3A_790 : i32
    %add3A_792 = arith.addi %mul3A_789, %mul3A_791 : i32
    %mul3A_793 = arith.constant 4096 : i32
    %mul3A_794 = arith.muli %add3A_792, %mul3A_793 : i32
    %dma_start3A_795 = tpu.memref_slice %arg9[%mul3A_794] : memref<18874368xf32, #tpu.memory_space<hbm>> -> memref<16384xf32, #tpu.memory_space<hbm>>
    %dma_start3A_796 = tpu.memref_slice %arg9[%mul3A_794] : memref<18874368xf32, #tpu.memory_space<hbm>> -> memref<16384xf32, #tpu.memory_space<hbm>>
    tpu.enqueue_dma source(%arg13 : memref<16384xf32, #tpu.memory_space<vmem>>) target(%dma_start3A_796 : memref<16384xf32, #tpu.memory_space<hbm>>) target_semaphore(%arg16 : memref<!tpu.dma_semaphore, #tpu.memory_space<semaphore_mem>>)
    %le3A_797 = arith.constant 10 : i32
    %le3A_798 = arith.cmpi sle, %min3A_541, %le3A_797 : i32
    %convert_element_type3A_799 = arith.extui %le3A_798 : i1 to i32
    %mul3A_800 = arith.constant 5 : i32
    %mul3A_801 = arith.muli %mul3A_800, %convert_element_type3A_799 : i32
    %add3A_802 = arith.constant 10 : i32
    %add3A_803 = arith.addi %add3A_802, %mul3A_801 : i32
    %mul3A_804 = arith.constant 64 : i32
    %mul3A_805 = arith.muli %add3A_483, %mul3A_804 : i32
    %mul3A_806 = arith.constant 4 : i32
    %mul3A_807 = arith.muli %add3A_803, %mul3A_806 : i32
    %add3A_808 = arith.addi %mul3A_805, %mul3A_807 : i32
    %mul3A_809 = arith.constant 4096 : i32
    %mul3A_810 = arith.muli %add3A_808, %mul3A_809 : i32
    %dma_start3A_811 = tpu.memref_slice %arg9[%mul3A_810] : memref<18874368xf32, #tpu.memory_space<hbm>> -> memref<16384xf32, #tpu.memory_space<hbm>>
    %dma_start3A_812 = tpu.memref_slice %arg9[%mul3A_810] : memref<18874368xf32, #tpu.memory_space<hbm>> -> memref<16384xf32, #tpu.memory_space<hbm>>
    tpu.enqueue_dma source(%arg13 : memref<16384xf32, #tpu.memory_space<vmem>>) target(%dma_start3A_812 : memref<16384xf32, #tpu.memory_space<hbm>>) target_semaphore(%arg16 : memref<!tpu.dma_semaphore, #tpu.memory_space<semaphore_mem>>)
    %le3A_813 = arith.constant 0 : i32
    %le3A_814 = arith.cmpi sle, %max3A_634, %le3A_813 : i32
    %convert_element_type3A_815 = arith.extui %le3A_814 : i1 to i32
    %add3A_816 = arith.constant 0 : i32
    %add3A_817 = arith.addi %add3A_816, %convert_element_type3A_815 : i32
    %mul3A_818 = arith.constant 4 : i32
    %mul3A_819 = arith.muli %add3A_483, %mul3A_818 : i32
    %add3A_820 = arith.addi %mul3A_819, %add3A_817 : i32
    %mul3A_821 = arith.constant 4096 : i32
    %mul3A_822 = arith.muli %add3A_820, %mul3A_821 : i32
    %dma_start3A_823 = arith.constant 0 : i32
    %dma_start3A_824 = tpu.memref_slice %arg13[%dma_start3A_823] : memref<16384xf32, #tpu.memory_space<vmem>> -> memref<4096xf32, #tpu.memory_space<vmem>>
    %dma_start3A_825 = tpu.memref_slice %arg8[%mul3A_822] : memref<1179648xf32, #tpu.memory_space<hbm>> -> memref<4096xf32, #tpu.memory_space<hbm>>
    %dma_start3A_826 = tpu.memref_slice %arg8[%mul3A_822] : memref<1179648xf32, #tpu.memory_space<hbm>> -> memref<4096xf32, #tpu.memory_space<hbm>>
    %dma_start3A_827 = arith.constant 0 : i32
    %dma_start3A_828 = tpu.memref_slice %arg13[%dma_start3A_827] : memref<16384xf32, #tpu.memory_space<vmem>> -> memref<4096xf32, #tpu.memory_space<vmem>>
    tpu.enqueue_dma source(%dma_start3A_828 : memref<4096xf32, #tpu.memory_space<vmem>>) target(%dma_start3A_826 : memref<4096xf32, #tpu.memory_space<hbm>>) target_semaphore(%arg16 : memref<!tpu.dma_semaphore, #tpu.memory_space<semaphore_mem>>)
    %le3A_829 = arith.constant 1 : i32
    %le3A_830 = arith.cmpi sle, %max3A_634, %le3A_829 : i32
    %convert_element_type3A_831 = arith.extui %le3A_830 : i1 to i32
    %add3A_832 = arith.constant 1 : i32
    %add3A_833 = arith.addi %add3A_832, %convert_element_type3A_831 : i32
    %mul3A_834 = arith.constant 4 : i32
    %mul3A_835 = arith.muli %add3A_483, %mul3A_834 : i32
    %add3A_836 = arith.addi %mul3A_835, %add3A_833 : i32
    %mul3A_837 = arith.constant 4096 : i32
    %mul3A_838 = arith.muli %add3A_836, %mul3A_837 : i32
    %dma_start3A_839 = arith.constant 0 : i32
    %dma_start3A_840 = tpu.memref_slice %arg13[%dma_start3A_839] : memref<16384xf32, #tpu.memory_space<vmem>> -> memref<4096xf32, #tpu.memory_space<vmem>>
    %dma_start3A_841 = tpu.memref_slice %arg8[%mul3A_838] : memref<1179648xf32, #tpu.memory_space<hbm>> -> memref<4096xf32, #tpu.memory_space<hbm>>
    %dma_start3A_842 = tpu.memref_slice %arg8[%mul3A_838] : memref<1179648xf32, #tpu.memory_space<hbm>> -> memref<4096xf32, #tpu.memory_space<hbm>>
    %dma_start3A_843 = arith.constant 0 : i32
    %dma_start3A_844 = tpu.memref_slice %arg13[%dma_start3A_843] : memref<16384xf32, #tpu.memory_space<vmem>> -> memref<4096xf32, #tpu.memory_space<vmem>>
    tpu.enqueue_dma source(%dma_start3A_844 : memref<4096xf32, #tpu.memory_space<vmem>>) target(%dma_start3A_842 : memref<4096xf32, #tpu.memory_space<hbm>>) target_semaphore(%arg16 : memref<!tpu.dma_semaphore, #tpu.memory_space<semaphore_mem>>)
    %le3A_845 = arith.constant 2 : i32
    %le3A_846 = arith.cmpi sle, %max3A_634, %le3A_845 : i32
    %convert_element_type3A_847 = arith.extui %le3A_846 : i1 to i32
    %add3A_848 = arith.constant 2 : i32
    %add3A_849 = arith.addi %add3A_848, %convert_element_type3A_847 : i32
    %mul3A_850 = arith.constant 4 : i32
    %mul3A_851 = arith.muli %add3A_483, %mul3A_850 : i32
    %add3A_852 = arith.addi %mul3A_851, %add3A_849 : i32
    %mul3A_853 = arith.constant 4096 : i32
    %mul3A_854 = arith.muli %add3A_852, %mul3A_853 : i32
    %dma_start3A_855 = arith.constant 0 : i32
    %dma_start3A_856 = tpu.memref_slice %arg13[%dma_start3A_855] : memref<16384xf32, #tpu.memory_space<vmem>> -> memref<4096xf32, #tpu.memory_space<vmem>>
    %dma_start3A_857 = tpu.memref_slice %arg8[%mul3A_854] : memref<1179648xf32, #tpu.memory_space<hbm>> -> memref<4096xf32, #tpu.memory_space<hbm>>
    %dma_start3A_858 = tpu.memref_slice %arg8[%mul3A_854] : memref<1179648xf32, #tpu.memory_space<hbm>> -> memref<4096xf32, #tpu.memory_space<hbm>>
    %dma_start3A_859 = arith.constant 0 : i32
    %dma_start3A_860 = tpu.memref_slice %arg13[%dma_start3A_859] : memref<16384xf32, #tpu.memory_space<vmem>> -> memref<4096xf32, #tpu.memory_space<vmem>>
    tpu.enqueue_dma source(%dma_start3A_860 : memref<4096xf32, #tpu.memory_space<vmem>>) target(%dma_start3A_858 : memref<4096xf32, #tpu.memory_space<hbm>>) target_semaphore(%arg16 : memref<!tpu.dma_semaphore, #tpu.memory_space<semaphore_mem>>)
    %eq3A_861 = arith.constant 0 : i32
    %eq3A_862 = arith.cmpi eq, %max3A_636, %eq3A_861 : i32
    %convert_element_type3A_863 = arith.extui %eq3A_862 : i1 to i32
    %mul3A_864 = arith.constant 2 : i32
    %mul3A_865 = arith.muli %add3A_483, %mul3A_864 : i32
    %add3A_866 = arith.addi %mul3A_865, %convert_element_type3A_863 : i32
    %mul3A_867 = arith.constant 4096 : i32
    %mul3A_868 = arith.muli %add3A_866, %mul3A_867 : i32
    %dma_start3A_869 = arith.constant 0 : i32
    %dma_start3A_870 = tpu.memref_slice %arg13[%dma_start3A_869] : memref<16384xf32, #tpu.memory_space<vmem>> -> memref<4096xf32, #tpu.memory_space<vmem>>
    %dma_start3A_871 = tpu.memref_slice %arg7[%mul3A_868] : memref<589824xf32, #tpu.memory_space<hbm>> -> memref<4096xf32, #tpu.memory_space<hbm>>
    %dma_start3A_872 = tpu.memref_slice %arg7[%mul3A_868] : memref<589824xf32, #tpu.memory_space<hbm>> -> memref<4096xf32, #tpu.memory_space<hbm>>
    %dma_start3A_873 = arith.constant 0 : i32
    %dma_start3A_874 = tpu.memref_slice %arg13[%dma_start3A_873] : memref<16384xf32, #tpu.memory_space<vmem>> -> memref<4096xf32, #tpu.memory_space<vmem>>
    tpu.enqueue_dma source(%dma_start3A_874 : memref<4096xf32, #tpu.memory_space<vmem>>) target(%dma_start3A_872 : memref<4096xf32, #tpu.memory_space<hbm>>) target_semaphore(%arg16 : memref<!tpu.dma_semaphore, #tpu.memory_space<semaphore_mem>>)
    %scan3A_875 = arith.constant 0 : i32
    %scan3A_876 = arith.constant 0 : i32
    %scan3A_877 = arith.constant 13 : i32
    %scan3A_878 = arith.addi %scan3A_876, %scan3A_877 : i32
    %scan3A_879 = arith.constant 1 : i32
    scf.for %scan3A_1081 = %scan3A_876 to %scan3A_878 step %scan3A_879  : i32 {
      %add3A_1082 = arith.addi %add3A_515, %scan3A_1081 : i32
      %ge3A_1083 = arith.constant 0 : i32
      %ge3A_1084 = arith.cmpi sge, %add3A_1082, %ge3A_1083 : i32
      %lt3A_1085 = arith.constant 13 : i32
      %lt3A_1086 = arith.cmpi slt, %add3A_1082, %lt3A_1085 : i32
      %and3A_1087 = arith.andi %ge3A_1084, %lt3A_1086 : i1
      %jit3A_1088 = arith.constant 0 : i32
      %jit3A_1089 = arith.constant 12 : i32
      %max3A_1090 = arith.maxsi %jit3A_1088, %add3A_1082 : i32
      %min3A_1091 = arith.minsi %jit3A_1089, %max3A_1090 : i32
      %broadcast_in_dim3A_1092 = vector.broadcast %min3A_1091 : i32 to vector<16xi32>
      %scan3A_1093 = arith.constant 0 : i32
      %scan3A_1094 = arith.constant 0 : i32
      %scan3A_1095 = arith.constant 13 : i32
      %scan3A_1096 = arith.addi %scan3A_1094, %scan3A_1095 : i32
      %scan3A_1097 = arith.constant 1 : i32
      scf.for %scan3A_1099 = %scan3A_1094 to %scan3A_1096 step %scan3A_1097  : i32 {
        %add3A_1100 = arith.addi %add3A_504, %scan3A_1099 : i32
        %ge3A_1101 = arith.constant 0 : i32
        %ge3A_1102 = arith.cmpi sge, %add3A_1100, %ge3A_1101 : i32
        %lt3A_1103 = arith.constant 13 : i32
        %lt3A_1104 = arith.cmpi slt, %add3A_1100, %lt3A_1103 : i32
        %and3A_1105 = arith.andi %ge3A_1102, %lt3A_1104 : i1
        %jit3A_1106 = arith.constant 0 : i32
        %jit3A_1107 = arith.constant 12 : i32
        %max3A_1108 = arith.maxsi %jit3A_1106, %add3A_1100 : i32
        %min3A_1109 = arith.minsi %jit3A_1107, %max3A_1108 : i32
        %broadcast_in_dim3A_1110 = vector.broadcast %min3A_1109 : i32 to vector<16xi32>
        %and3A_1111 = arith.andi %and3A_1087, %and3A_1105 : i1
        %jit3A_1112 = arith.constant 1.000000e+00 : f32
        %jit3A_1113 = arith.constant 0.000000e+00 : f32
        %select_n3A_1114 = arith.select %and3A_1111, %jit3A_1112, %jit3A_1113 : f32
        %add3A_1115 = arith.addi %sub3A_544, %scan3A_1081 : i32
        %mul3A_1116 = arith.constant 64 : i32
        %mul3A_1117 = arith.muli %add3A_1115, %mul3A_1116 : i32
        %add3A_1118 = arith.addi %mul3A_1117, %min3A_501 : i32
        %add3A_1119 = arith.addi %add3A_1118, %scan3A_1099 : i32
        %mul3A_1120 = arith.constant 64 : i32
        %mul3A_1121 = arith.muli %add3A_1119, %mul3A_1120 : i32
        %add3A_1122 = arith.constant 0 : i32
        %add3A_1123 = arith.addi %sub3A_495, %add3A_1122 : i32
        %add3A_1124 = vector.broadcast %add3A_1123 : i32 to vector<16xi32>
        %add3A_1125 = arith.addi %add3A_1124, %iota3A : vector<16xi32>
        %sub3A_1126 = arith.constant 57 : i32
        %sub3A_1127 = vector.broadcast %sub3A_1126 : i32 to vector<16xi32>
        %sub3A_1128 = arith.subi %add3A_1125, %sub3A_1127 : vector<16xi32>
        %ge3A_1129 = arith.constant 0 : i32
        %ge3A_1130 = vector.broadcast %ge3A_1129 : i32 to vector<16xi32>
        %ge3A_1131 = arith.cmpi sge, %sub3A_1128, %ge3A_1130 : vector<16xi32>
        %lt3A_1132 = arith.constant 13 : i32
        %lt3A_1133 = vector.broadcast %lt3A_1132 : i32 to vector<16xi32>
        %lt3A_1134 = arith.cmpi slt, %sub3A_1128, %lt3A_1133 : vector<16xi32>
        %and3A_1135 = arith.andi %ge3A_1131, %lt3A_1134 : vector<16xi1>
        %jit3A_1136 = arith.constant 0.000000e+00 : f32
        %broadcast_in_dim3A_1137 = vector.broadcast %select_n3A_1114 : f32 to vector<16xf32>
        %broadcast_in_dim3A_1138 = vector.broadcast %jit3A_1136 : f32 to vector<16xf32>
        %select_n3A_1139 = arith.select %and3A_1135, %broadcast_in_dim3A_1137, %broadcast_in_dim3A_1138 : vector<16xi1>, vector<16xf32>
        %jit3A_1140 = arith.constant 0 : i32
        %jit3A_1141 = arith.constant 12 : i32
        %max3A_1142 = vector.broadcast %jit3A_1140 : i32 to vector<16xi32>
        %max3A_1143 = arith.maxsi %max3A_1142, %sub3A_1128 : vector<16xi32>
        %min3A_1144 = vector.broadcast %jit3A_1141 : i32 to vector<16xi32>
        %min3A_1145 = arith.minsi %min3A_1144, %max3A_1143 : vector<16xi32>
        %mul3A_1146 = arith.constant 13 : i32
        %mul3A_1147 = vector.broadcast %mul3A_1146 : i32 to vector<16xi32>
        %mul3A_1148 = arith.muli %broadcast_in_dim3A_1092, %mul3A_1147 : vector<16xi32>
        %add3A_1149 = arith.addi %mul3A_1148, %broadcast_in_dim3A_1110 : vector<16xi32>
        %mul3A_1150 = arith.constant 16 : i32
        %mul3A_1151 = vector.broadcast %mul3A_1150 : i32 to vector<16xi32>
        %mul3A_1152 = arith.muli %add3A_1149, %mul3A_1151 : vector<16xi32>
        %add3A_1153 = arith.addi %mul3A_1152, %min3A_1145 : vector<16xi32>
        %gather3A = tpu.vector_load_idx %arg12[%add3A_1153] : memref<2704xf32, #tpu.memory_space<vmem>>[vector<16xi32>], vector<16xf32>,
        %mul3A_1154 = arith.mulf %gather3A, %select_n3A_1139 : vector<16xf32>
        %add3A_1155 = arith.constant 0 : i32
        %add3A_1156 = arith.addi %mul3A_1121, %add3A_1155 : i32
        %swap3A = arith.index_cast %add3A_1156 : i32 to index
        %swap3A_1157 = tpu.vector_load %arg15[%swap3A] {strides = array<i32>} : memref<81920xf32, #tpu.memory_space<vmem>>, vector<16xf32>,
        tpu.vector_store %arg15[%swap3A], %mul3A_1154 {strides = array<i32>} : memref<81920xf32, #tpu.memory_space<vmem>>, vector<16xf32>,
        %add3A_1158 = arith.constant 16 : i32
        %add3A_1159 = arith.addi %sub3A_495, %add3A_1158 : i32
        %add3A_1160 = vector.broadcast %add3A_1159 : i32 to vector<16xi32>
        %add3A_1161 = arith.addi %add3A_1160, %iota3A : vector<16xi32>
        %sub3A_1162 = arith.constant 57 : i32
        %sub3A_1163 = vector.broadcast %sub3A_1162 : i32 to vector<16xi32>
        %sub3A_1164 = arith.subi %add3A_1161, %sub3A_1163 : vector<16xi32>
        %ge3A_1165 = arith.constant 0 : i32
        %ge3A_1166 = vector.broadcast %ge3A_1165 : i32 to vector<16xi32>
        %ge3A_1167 = arith.cmpi sge, %sub3A_1164, %ge3A_1166 : vector<16xi32>
        %lt3A_1168 = arith.constant 13 : i32
        %lt3A_1169 = vector.broadcast %lt3A_1168 : i32 to vector<16xi32>
        %lt3A_1170 = arith.cmpi slt, %sub3A_1164, %lt3A_1169 : vector<16xi32>
        %and3A_1171 = arith.andi %ge3A_1167, %lt3A_1170 : vector<16xi1>
        %jit3A_1172 = arith.constant 0.000000e+00 : f32
        %broadcast_in_dim3A_1173 = vector.broadcast %select_n3A_1114 : f32 to vector<16xf32>
        %broadcast_in_dim3A_1174 = vector.broadcast %jit3A_1172 : f32 to vector<16xf32>
        %select_n3A_1175 = arith.select %and3A_1171, %broadcast_in_dim3A_1173, %broadcast_in_dim3A_1174 : vector<16xi1>, vector<16xf32>
        %jit3A_1176 = arith.constant 0 : i32
        %jit3A_1177 = arith.constant 12 : i32
        %max3A_1178 = vector.broadcast %jit3A_1176 : i32 to vector<16xi32>
        %max3A_1179 = arith.maxsi %max3A_1178, %sub3A_1164 : vector<16xi32>
        %min3A_1180 = vector.broadcast %jit3A_1177 : i32 to vector<16xi32>
        %min3A_1181 = arith.minsi %min3A_1180, %max3A_1179 : vector<16xi32>
        %mul3A_1182 = arith.constant 13 : i32
        %mul3A_1183 = vector.broadcast %mul3A_1182 : i32 to vector<16xi32>
        %mul3A_1184 = arith.muli %broadcast_in_dim3A_1092, %mul3A_1183 : vector<16xi32>
        %add3A_1185 = arith.addi %mul3A_1184, %broadcast_in_dim3A_1110 : vector<16xi32>
        %mul3A_1186 = arith.constant 16 : i32
        %mul3A_1187 = vector.broadcast %mul3A_1186 : i32 to vector<16xi32>
        %mul3A_1188 = arith.muli %add3A_1185, %mul3A_1187 : vector<16xi32>
        %add3A_1189 = arith.addi %mul3A_1188, %min3A_1181 : vector<16xi32>
        %gather3A_1190 = tpu.vector_load_idx %arg12[%add3A_1189] : memref<2704xf32, #tpu.memory_space<vmem>>[vector<16xi32>], vector<16xf32>,
        %mul3A_1191 = arith.mulf %gather3A_1190, %select_n3A_1175 : vector<16xf32>
        %add3A_1192 = arith.constant 16 : i32
        %add3A_1193 = arith.addi %mul3A_1121, %add3A_1192 : i32
        %swap3A_1194 = arith.index_cast %add3A_1193 : i32 to index
        %swap3A_1195 = tpu.vector_load %arg15[%swap3A_1194] {strides = array<i32>} : memref<81920xf32, #tpu.memory_space<vmem>>, vector<16xf32>,
        tpu.vector_store %arg15[%swap3A_1194], %mul3A_1191 {strides = array<i32>} : memref<81920xf32, #tpu.memory_space<vmem>>, vector<16xf32>,
        %add3A_1196 = arith.constant 32 : i32
        %add3A_1197 = arith.addi %sub3A_495, %add3A_1196 : i32
        %add3A_1198 = vector.broadcast %add3A_1197 : i32 to vector<16xi32>
        %add3A_1199 = arith.addi %add3A_1198, %iota3A : vector<16xi32>
        %sub3A_1200 = arith.constant 57 : i32
        %sub3A_1201 = vector.broadcast %sub3A_1200 : i32 to vector<16xi32>
        %sub3A_1202 = arith.subi %add3A_1199, %sub3A_1201 : vector<16xi32>
        %ge3A_1203 = arith.constant 0 : i32
        %ge3A_1204 = vector.broadcast %ge3A_1203 : i32 to vector<16xi32>
        %ge3A_1205 = arith.cmpi sge, %sub3A_1202, %ge3A_1204 : vector<16xi32>
        %lt3A_1206 = arith.constant 13 : i32
        %lt3A_1207 = vector.broadcast %lt3A_1206 : i32 to vector<16xi32>
        %lt3A_1208 = arith.cmpi slt, %sub3A_1202, %lt3A_1207 : vector<16xi32>
        %and3A_1209 = arith.andi %ge3A_1205, %lt3A_1208 : vector<16xi1>
        %jit3A_1210 = arith.constant 0.000000e+00 : f32
        %broadcast_in_dim3A_1211 = vector.broadcast %select_n3A_1114 : f32 to vector<16xf32>
        %broadcast_in_dim3A_1212 = vector.broadcast %jit3A_1210 : f32 to vector<16xf32>
        %select_n3A_1213 = arith.select %and3A_1209, %broadcast_in_dim3A_1211, %broadcast_in_dim3A_1212 : vector<16xi1>, vector<16xf32>
        %jit3A_1214 = arith.constant 0 : i32
        %jit3A_1215 = arith.constant 12 : i32
        %max3A_1216 = vector.broadcast %jit3A_1214 : i32 to vector<16xi32>
        %max3A_1217 = arith.maxsi %max3A_1216, %sub3A_1202 : vector<16xi32>
        %min3A_1218 = vector.broadcast %jit3A_1215 : i32 to vector<16xi32>
        %min3A_1219 = arith.minsi %min3A_1218, %max3A_1217 : vector<16xi32>
        %mul3A_1220 = arith.constant 13 : i32
        %mul3A_1221 = vector.broadcast %mul3A_1220 : i32 to vector<16xi32>
        %mul3A_1222 = arith.muli %broadcast_in_dim3A_1092, %mul3A_1221 : vector<16xi32>
        %add3A_1223 = arith.addi %mul3A_1222, %broadcast_in_dim3A_1110 : vector<16xi32>
        %mul3A_1224 = arith.constant 16 : i32
        %mul3A_1225 = vector.broadcast %mul3A_1224 : i32 to vector<16xi32>
        %mul3A_1226 = arith.muli %add3A_1223, %mul3A_1225 : vector<16xi32>
        %add3A_1227 = arith.addi %mul3A_1226, %min3A_1219 : vector<16xi32>
        %gather3A_1228 = tpu.vector_load_idx %arg12[%add3A_1227] : memref<2704xf32, #tpu.memory_space<vmem>>[vector<16xi32>], vector<16xf32>,
        %mul3A_1229 = arith.mulf %gather3A_1228, %select_n3A_1213 : vector<16xf32>
        %add3A_1230 = arith.constant 32 : i32
        %add3A_1231 = arith.addi %mul3A_1121, %add3A_1230 : i32
        %swap3A_1232 = arith.index_cast %add3A_1231 : i32 to index
        %swap3A_1233 = tpu.vector_load %arg15[%swap3A_1232] {strides = array<i32>} : memref<81920xf32, #tpu.memory_space<vmem>>, vector<16xf32>,
        tpu.vector_store %arg15[%swap3A_1232], %mul3A_1229 {strides = array<i32>} : memref<81920xf32, #tpu.memory_space<vmem>>, vector<16xf32>,
        %add3A_1234 = arith.constant 48 : i32
        %add3A_1235 = arith.addi %sub3A_495, %add3A_1234 : i32
        %add3A_1236 = vector.broadcast %add3A_1235 : i32 to vector<16xi32>
        %add3A_1237 = arith.addi %add3A_1236, %iota3A : vector<16xi32>
        %sub3A_1238 = arith.constant 57 : i32
        %sub3A_1239 = vector.broadcast %sub3A_1238 : i32 to vector<16xi32>
        %sub3A_1240 = arith.subi %add3A_1237, %sub3A_1239 : vector<16xi32>
        %ge3A_1241 = arith.constant 0 : i32
        %ge3A_1242 = vector.broadcast %ge3A_1241 : i32 to vector<16xi32>
        %ge3A_1243 = arith.cmpi sge, %sub3A_1240, %ge3A_1242 : vector<16xi32>
        %lt3A_1244 = arith.constant 13 : i32
        %lt3A_1245 = vector.broadcast %lt3A_1244 : i32 to vector<16xi32>
        %lt3A_1246 = arith.cmpi slt, %sub3A_1240, %lt3A_1245 : vector<16xi32>
        %and3A_1247 = arith.andi %ge3A_1243, %lt3A_1246 : vector<16xi1>
        %jit3A_1248 = arith.constant 0.000000e+00 : f32
        %broadcast_in_dim3A_1249 = vector.broadcast %select_n3A_1114 : f32 to vector<16xf32>
        %broadcast_in_dim3A_1250 = vector.broadcast %jit3A_1248 : f32 to vector<16xf32>
        %select_n3A_1251 = arith.select %and3A_1247, %broadcast_in_dim3A_1249, %broadcast_in_dim3A_1250 : vector<16xi1>, vector<16xf32>
        %jit3A_1252 = arith.constant 0 : i32
        %jit3A_1253 = arith.constant 12 : i32
        %max3A_1254 = vector.broadcast %jit3A_1252 : i32 to vector<16xi32>
        %max3A_1255 = arith.maxsi %max3A_1254, %sub3A_1240 : vector<16xi32>
        %min3A_1256 = vector.broadcast %jit3A_1253 : i32 to vector<16xi32>
        %min3A_1257 = arith.minsi %min3A_1256, %max3A_1255 : vector<16xi32>
        %mul3A_1258 = arith.constant 13 : i32
        %mul3A_1259 = vector.broadcast %mul3A_1258 : i32 to vector<16xi32>
        %mul3A_1260 = arith.muli %broadcast_in_dim3A_1092, %mul3A_1259 : vector<16xi32>
        %add3A_1261 = arith.addi %mul3A_1260, %broadcast_in_dim3A_1110 : vector<16xi32>
        %mul3A_1262 = arith.constant 16 : i32
        %mul3A_1263 = vector.broadcast %mul3A_1262 : i32 to vector<16xi32>
        %mul3A_1264 = arith.muli %add3A_1261, %mul3A_1263 : vector<16xi32>
        %add3A_1265 = arith.addi %mul3A_1264, %min3A_1257 : vector<16xi32>
        %gather3A_1266 = tpu.vector_load_idx %arg12[%add3A_1265] : memref<2704xf32, #tpu.memory_space<vmem>>[vector<16xi32>], vector<16xf32>,
        %mul3A_1267 = arith.mulf %gather3A_1266, %select_n3A_1251 : vector<16xf32>
        %add3A_1268 = arith.constant 48 : i32
        %add3A_1269 = arith.addi %mul3A_1121, %add3A_1268 : i32
        %swap3A_1270 = arith.index_cast %add3A_1269 : i32 to index
        %swap3A_1271 = tpu.vector_load %arg15[%swap3A_1270] {strides = array<i32>} : memref<81920xf32, #tpu.memory_space<vmem>>, vector<16xf32>,
        tpu.vector_store %arg15[%swap3A_1270], %mul3A_1267 {strides = array<i32>} : memref<81920xf32, #tpu.memory_space<vmem>>, vector<16xf32>,
      }
      %scan3A_1098 = arith.constant 13 : i32
    }
    %scan3A_880 = arith.constant 13 : i32
    %ge3A_881 = arith.constant 0 : i32
    %ge3A_882 = arith.cmpi sge, %sub3A_574, %ge3A_881 : i32
    %convert_element_type3A_883 = arith.extui %ge3A_882 : i1 to i32
    %convert_element_type3A_884 = arith.sitofp %convert_element_type3A_883 : i32 to f32
    %ge3A_885 = arith.constant 0 : i32
    %ge3A_886 = arith.cmpi sge, %sub3A_604, %ge3A_885 : i32
    %convert_element_type3A_887 = arith.extui %ge3A_886 : i1 to i32
    %convert_element_type3A_888 = arith.sitofp %convert_element_type3A_887 : i32 to f32
    %ge3A_889 = arith.constant 0 : i32
    %ge3A_890 = arith.cmpi sge, %sub3A_632, %ge3A_889 : i32
    %convert_element_type3A_891 = arith.extui %ge3A_890 : i1 to i32
    %convert_element_type3A_892 = arith.sitofp %convert_element_type3A_891 : i32 to f32
    %scan3A_893 = arith.constant 0 : i32
    %scan3A_894 = arith.constant 0 : i32
    %scan3A_895 = arith.constant 13 : i32
    %scan3A_896 = arith.addi %scan3A_894, %scan3A_895 : i32
    %scan3A_897 = arith.constant 1 : i32
    scf.for %scan3A_1081 = %scan3A_894 to %scan3A_896 step %scan3A_897  : i32 {
      %add3A_1082 = arith.addi %add3A_504, %scan3A_1081 : i32
      %ge3A_1083 = arith.constant 0 : i32
      %ge3A_1084 = arith.cmpi sge, %add3A_1082, %ge3A_1083 : i32
      %lt3A_1085 = arith.constant 13 : i32
      %lt3A_1086 = arith.cmpi slt, %add3A_1082, %lt3A_1085 : i32
      %and3A_1087 = arith.andi %ge3A_1084, %lt3A_1086 : i1
      %jit3A_1088 = arith.constant 0 : i32
      %jit3A_1089 = arith.constant 12 : i32
      %max3A_1090 = arith.maxsi %jit3A_1088, %add3A_1082 : i32
      %min3A_1091 = arith.minsi %jit3A_1089, %max3A_1090 : i32
      %broadcast_in_dim3A_1092 = vector.broadcast %min3A_1091 : i32 to vector<16xi32>
      %jit3A_1093 = arith.constant 1.000000e+00 : f32
      %jit3A_1094 = arith.constant 0.000000e+00 : f32
      %select_n3A_1095 = arith.select %and3A_1087, %jit3A_1093, %jit3A_1094 : f32
      %broadcast_in_dim3A_1096 = arith.constant 0 : i32
      %broadcast_in_dim3A_1097 = vector.broadcast %broadcast_in_dim3A_1096 : i32 to vector<16xi32>
      %mul3A_1098 = arith.mulf %select_n3A_1095, %convert_element_type3A_892 : f32
      %add3A_1099 = arith.constant 0 : i32
      %add3A_1100 = arith.addi %add3A_1099, %min3A_501 : i32
      %add3A_1101 = arith.addi %add3A_1100, %scan3A_1081 : i32
      %mul3A_1102 = arith.constant 64 : i32
      %mul3A_1103 = arith.muli %add3A_1101, %mul3A_1102 : i32
      %add3A_1104 = arith.constant 0 : i32
      %add3A_1105 = arith.addi %sub3A_495, %add3A_1104 : i32
      %add3A_1106 = vector.broadcast %add3A_1105 : i32 to vector<16xi32>
      %add3A_1107 = arith.addi %add3A_1106, %iota3A : vector<16xi32>
      %sub3A_1108 = arith.constant 57 : i32
      %sub3A_1109 = vector.broadcast %sub3A_1108 : i32 to vector<16xi32>
      %sub3A_1110 = arith.subi %add3A_1107, %sub3A_1109 : vector<16xi32>
      %ge3A_1111 = arith.constant 0 : i32
      %ge3A_1112 = vector.broadcast %ge3A_1111 : i32 to vector<16xi32>
      %ge3A_1113 = arith.cmpi sge, %sub3A_1110, %ge3A_1112 : vector<16xi32>
      %lt3A_1114 = arith.constant 13 : i32
      %lt3A_1115 = vector.broadcast %lt3A_1114 : i32 to vector<16xi32>
      %lt3A_1116 = arith.cmpi slt, %sub3A_1110, %lt3A_1115 : vector<16xi32>
      %and3A_1117 = arith.andi %ge3A_1113, %lt3A_1116 : vector<16xi1>
      %jit3A_1118 = arith.constant 0.000000e+00 : f32
      %broadcast_in_dim3A_1119 = vector.broadcast %mul3A_1098 : f32 to vector<16xf32>
      %broadcast_in_dim3A_1120 = vector.broadcast %jit3A_1118 : f32 to vector<16xf32>
      %select_n3A_1121 = arith.select %and3A_1117, %broadcast_in_dim3A_1119, %broadcast_in_dim3A_1120 : vector<16xi1>, vector<16xf32>
      %jit3A_1122 = arith.constant 0 : i32
      %jit3A_1123 = arith.constant 12 : i32
      %max3A_1124 = vector.broadcast %jit3A_1122 : i32 to vector<16xi32>
      %max3A_1125 = arith.maxsi %max3A_1124, %sub3A_1110 : vector<16xi32>
      %min3A_1126 = vector.broadcast %jit3A_1123 : i32 to vector<16xi32>
      %min3A_1127 = arith.minsi %min3A_1126, %max3A_1125 : vector<16xi32>
      %mul3A_1128 = arith.constant 13 : i32
      %mul3A_1129 = vector.broadcast %mul3A_1128 : i32 to vector<16xi32>
      %mul3A_1130 = arith.muli %broadcast_in_dim3A_1097, %mul3A_1129 : vector<16xi32>
      %add3A_1131 = arith.addi %mul3A_1130, %broadcast_in_dim3A_1092 : vector<16xi32>
      %mul3A_1132 = arith.constant 16 : i32
      %mul3A_1133 = vector.broadcast %mul3A_1132 : i32 to vector<16xi32>
      %mul3A_1134 = arith.muli %add3A_1131, %mul3A_1133 : vector<16xi32>
      %add3A_1135 = arith.addi %mul3A_1134, %min3A_1127 : vector<16xi32>
      %gather3A = tpu.vector_load_idx %arg11[%add3A_1135] : memref<624xf32, #tpu.memory_space<vmem>>[vector<16xi32>], vector<16xf32>,
      %mul3A_1136 = arith.mulf %gather3A, %select_n3A_1121 : vector<16xf32>
      %add3A_1137 = arith.constant 0 : i32
      %add3A_1138 = arith.addi %mul3A_1103, %add3A_1137 : i32
      %swap3A = arith.index_cast %add3A_1138 : i32 to index
      %swap3A_1139 = tpu.vector_load %arg14[%swap3A] {strides = array<i32>} : memref<12288xf32, #tpu.memory_space<vmem>>, vector<16xf32>,
      tpu.vector_store %arg14[%swap3A], %mul3A_1136 {strides = array<i32>} : memref<12288xf32, #tpu.memory_space<vmem>>, vector<16xf32>,
      %add3A_1140 = arith.constant 16 : i32
      %add3A_1141 = arith.addi %sub3A_495, %add3A_1140 : i32
      %add3A_1142 = vector.broadcast %add3A_1141 : i32 to vector<16xi32>
      %add3A_1143 = arith.addi %add3A_1142, %iota3A : vector<16xi32>
      %sub3A_1144 = arith.constant 57 : i32
      %sub3A_1145 = vector.broadcast %sub3A_1144 : i32 to vector<16xi32>
      %sub3A_1146 = arith.subi %add3A_1143, %sub3A_1145 : vector<16xi32>
      %ge3A_1147 = arith.constant 0 : i32
      %ge3A_1148 = vector.broadcast %ge3A_1147 : i32 to vector<16xi32>
      %ge3A_1149 = arith.cmpi sge, %sub3A_1146, %ge3A_1148 : vector<16xi32>
      %lt3A_1150 = arith.constant 13 : i32
      %lt3A_1151 = vector.broadcast %lt3A_1150 : i32 to vector<16xi32>
      %lt3A_1152 = arith.cmpi slt, %sub3A_1146, %lt3A_1151 : vector<16xi32>
      %and3A_1153 = arith.andi %ge3A_1149, %lt3A_1152 : vector<16xi1>
      %jit3A_1154 = arith.constant 0.000000e+00 : f32
      %broadcast_in_dim3A_1155 = vector.broadcast %mul3A_1098 : f32 to vector<16xf32>
      %broadcast_in_dim3A_1156 = vector.broadcast %jit3A_1154 : f32 to vector<16xf32>
      %select_n3A_1157 = arith.select %and3A_1153, %broadcast_in_dim3A_1155, %broadcast_in_dim3A_1156 : vector<16xi1>, vector<16xf32>
      %jit3A_1158 = arith.constant 0 : i32
      %jit3A_1159 = arith.constant 12 : i32
      %max3A_1160 = vector.broadcast %jit3A_1158 : i32 to vector<16xi32>
      %max3A_1161 = arith.maxsi %max3A_1160, %sub3A_1146 : vector<16xi32>
      %min3A_1162 = vector.broadcast %jit3A_1159 : i32 to vector<16xi32>
      %min3A_1163 = arith.minsi %min3A_1162, %max3A_1161 : vector<16xi32>
      %mul3A_1164 = arith.constant 13 : i32
      %mul3A_1165 = vector.broadcast %mul3A_1164 : i32 to vector<16xi32>
      %mul3A_1166 = arith.muli %broadcast_in_dim3A_1097, %mul3A_1165 : vector<16xi32>
      %add3A_1167 = arith.addi %mul3A_1166, %broadcast_in_dim3A_1092 : vector<16xi32>
      %mul3A_1168 = arith.constant 16 : i32
      %mul3A_1169 = vector.broadcast %mul3A_1168 : i32 to vector<16xi32>
      %mul3A_1170 = arith.muli %add3A_1167, %mul3A_1169 : vector<16xi32>
      %add3A_1171 = arith.addi %mul3A_1170, %min3A_1163 : vector<16xi32>
      %gather3A_1172 = tpu.vector_load_idx %arg11[%add3A_1171] : memref<624xf32, #tpu.memory_space<vmem>>[vector<16xi32>], vector<16xf32>,
      %mul3A_1173 = arith.mulf %gather3A_1172, %select_n3A_1157 : vector<16xf32>
      %add3A_1174 = arith.constant 16 : i32
      %add3A_1175 = arith.addi %mul3A_1103, %add3A_1174 : i32
      %swap3A_1176 = arith.index_cast %add3A_1175 : i32 to index
      %swap3A_1177 = tpu.vector_load %arg14[%swap3A_1176] {strides = array<i32>} : memref<12288xf32, #tpu.memory_space<vmem>>, vector<16xf32>,
      tpu.vector_store %arg14[%swap3A_1176], %mul3A_1173 {strides = array<i32>} : memref<12288xf32, #tpu.memory_space<vmem>>, vector<16xf32>,
      %add3A_1178 = arith.constant 32 : i32
      %add3A_1179 = arith.addi %sub3A_495, %add3A_1178 : i32
      %add3A_1180 = vector.broadcast %add3A_1179 : i32 to vector<16xi32>
      %add3A_1181 = arith.addi %add3A_1180, %iota3A : vector<16xi32>
      %sub3A_1182 = arith.constant 57 : i32
      %sub3A_1183 = vector.broadcast %sub3A_1182 : i32 to vector<16xi32>
      %sub3A_1184 = arith.subi %add3A_1181, %sub3A_1183 : vector<16xi32>
      %ge3A_1185 = arith.constant 0 : i32
      %ge3A_1186 = vector.broadcast %ge3A_1185 : i32 to vector<16xi32>
      %ge3A_1187 = arith.cmpi sge, %sub3A_1184, %ge3A_1186 : vector<16xi32>
      %lt3A_1188 = arith.constant 13 : i32
      %lt3A_1189 = vector.broadcast %lt3A_1188 : i32 to vector<16xi32>
      %lt3A_1190 = arith.cmpi slt, %sub3A_1184, %lt3A_1189 : vector<16xi32>
      %and3A_1191 = arith.andi %ge3A_1187, %lt3A_1190 : vector<16xi1>
      %jit3A_1192 = arith.constant 0.000000e+00 : f32
      %broadcast_in_dim3A_1193 = vector.broadcast %mul3A_1098 : f32 to vector<16xf32>
      %broadcast_in_dim3A_1194 = vector.broadcast %jit3A_1192 : f32 to vector<16xf32>
      %select_n3A_1195 = arith.select %and3A_1191, %broadcast_in_dim3A_1193, %broadcast_in_dim3A_1194 : vector<16xi1>, vector<16xf32>
      %jit3A_1196 = arith.constant 0 : i32
      %jit3A_1197 = arith.constant 12 : i32
      %max3A_1198 = vector.broadcast %jit3A_1196 : i32 to vector<16xi32>
      %max3A_1199 = arith.maxsi %max3A_1198, %sub3A_1184 : vector<16xi32>
      %min3A_1200 = vector.broadcast %jit3A_1197 : i32 to vector<16xi32>
      %min3A_1201 = arith.minsi %min3A_1200, %max3A_1199 : vector<16xi32>
      %mul3A_1202 = arith.constant 13 : i32
      %mul3A_1203 = vector.broadcast %mul3A_1202 : i32 to vector<16xi32>
      %mul3A_1204 = arith.muli %broadcast_in_dim3A_1097, %mul3A_1203 : vector<16xi32>
      %add3A_1205 = arith.addi %mul3A_1204, %broadcast_in_dim3A_1092 : vector<16xi32>
      %mul3A_1206 = arith.constant 16 : i32
      %mul3A_1207 = vector.broadcast %mul3A_1206 : i32 to vector<16xi32>
      %mul3A_1208 = arith.muli %add3A_1205, %mul3A_1207 : vector<16xi32>
      %add3A_1209 = arith.addi %mul3A_1208, %min3A_1201 : vector<16xi32>
      %gather3A_1210 = tpu.vector_load_idx %arg11[%add3A_1209] : memref<624xf32, #tpu.memory_space<vmem>>[vector<16xi32>], vector<16xf32>,
      %mul3A_1211 = arith.mulf %gather3A_1210, %select_n3A_1195 : vector<16xf32>
      %add3A_1212 = arith.constant 32 : i32
      %add3A_1213 = arith.addi %mul3A_1103, %add3A_1212 : i32
      %swap3A_1214 = arith.index_cast %add3A_1213 : i32 to index
      %swap3A_1215 = tpu.vector_load %arg14[%swap3A_1214] {strides = array<i32>} : memref<12288xf32, #tpu.memory_space<vmem>>, vector<16xf32>,
      tpu.vector_store %arg14[%swap3A_1214], %mul3A_1211 {strides = array<i32>} : memref<12288xf32, #tpu.memory_space<vmem>>, vector<16xf32>,
      %add3A_1216 = arith.constant 48 : i32
      %add3A_1217 = arith.addi %sub3A_495, %add3A_1216 : i32
      %add3A_1218 = vector.broadcast %add3A_1217 : i32 to vector<16xi32>
      %add3A_1219 = arith.addi %add3A_1218, %iota3A : vector<16xi32>
      %sub3A_1220 = arith.constant 57 : i32
      %sub3A_1221 = vector.broadcast %sub3A_1220 : i32 to vector<16xi32>
      %sub3A_1222 = arith.subi %add3A_1219, %sub3A_1221 : vector<16xi32>
      %ge3A_1223 = arith.constant 0 : i32
      %ge3A_1224 = vector.broadcast %ge3A_1223 : i32 to vector<16xi32>
      %ge3A_1225 = arith.cmpi sge, %sub3A_1222, %ge3A_1224 : vector<16xi32>
      %lt3A_1226 = arith.constant 13 : i32
      %lt3A_1227 = vector.broadcast %lt3A_1226 : i32 to vector<16xi32>
      %lt3A_1228 = arith.cmpi slt, %sub3A_1222, %lt3A_1227 : vector<16xi32>
      %and3A_1229 = arith.andi %ge3A_1225, %lt3A_1228 : vector<16xi1>
      %jit3A_1230 = arith.constant 0.000000e+00 : f32
      %broadcast_in_dim3A_1231 = vector.broadcast %mul3A_1098 : f32 to vector<16xf32>
      %broadcast_in_dim3A_1232 = vector.broadcast %jit3A_1230 : f32 to vector<16xf32>
      %select_n3A_1233 = arith.select %and3A_1229, %broadcast_in_dim3A_1231, %broadcast_in_dim3A_1232 : vector<16xi1>, vector<16xf32>
      %jit3A_1234 = arith.constant 0 : i32
      %jit3A_1235 = arith.constant 12 : i32
      %max3A_1236 = vector.broadcast %jit3A_1234 : i32 to vector<16xi32>
      %max3A_1237 = arith.maxsi %max3A_1236, %sub3A_1222 : vector<16xi32>
      %min3A_1238 = vector.broadcast %jit3A_1235 : i32 to vector<16xi32>
      %min3A_1239 = arith.minsi %min3A_1238, %max3A_1237 : vector<16xi32>
      %mul3A_1240 = arith.constant 13 : i32
      %mul3A_1241 = vector.broadcast %mul3A_1240 : i32 to vector<16xi32>
      %mul3A_1242 = arith.muli %broadcast_in_dim3A_1097, %mul3A_1241 : vector<16xi32>
      %add3A_1243 = arith.addi %mul3A_1242, %broadcast_in_dim3A_1092 : vector<16xi32>
      %mul3A_1244 = arith.constant 16 : i32
      %mul3A_1245 = vector.broadcast %mul3A_1244 : i32 to vector<16xi32>
      %mul3A_1246 = arith.muli %add3A_1243, %mul3A_1245 : vector<16xi32>
      %add3A_1247 = arith.addi %mul3A_1246, %min3A_1239 : vector<16xi32>
      %gather3A_1248 = tpu.vector_load_idx %arg11[%add3A_1247] : memref<624xf32, #tpu.memory_space<vmem>>[vector<16xi32>], vector<16xf32>,
      %mul3A_1249 = arith.mulf %gather3A_1248, %select_n3A_1233 : vector<16xf32>
      %add3A_1250 = arith.constant 48 : i32
      %add3A_1251 = arith.addi %mul3A_1103, %add3A_1250 : i32
      %swap3A_1252 = arith.index_cast %add3A_1251 : i32 to index
      %swap3A_1253 = tpu.vector_load %arg14[%swap3A_1252] {strides = array<i32>} : memref<12288xf32, #tpu.memory_space<vmem>>, vector<16xf32>,
      tpu.vector_store %arg14[%swap3A_1252], %mul3A_1249 {strides = array<i32>} : memref<12288xf32, #tpu.memory_space<vmem>>, vector<16xf32>,
      %broadcast_in_dim3A_1254 = arith.constant 1 : i32
      %broadcast_in_dim3A_1255 = vector.broadcast %broadcast_in_dim3A_1254 : i32 to vector<16xi32>
      %mul3A_1256 = arith.mulf %select_n3A_1095, %convert_element_type3A_888 : f32
      %add3A_1257 = arith.constant 64 : i32
      %add3A_1258 = arith.addi %add3A_1257, %min3A_501 : i32
      %add3A_1259 = arith.addi %add3A_1258, %scan3A_1081 : i32
      %mul3A_1260 = arith.constant 64 : i32
      %mul3A_1261 = arith.muli %add3A_1259, %mul3A_1260 : i32
      %add3A_1262 = arith.constant 0 : i32
      %add3A_1263 = arith.addi %sub3A_495, %add3A_1262 : i32
      %add3A_1264 = vector.broadcast %add3A_1263 : i32 to vector<16xi32>
      %add3A_1265 = arith.addi %add3A_1264, %iota3A : vector<16xi32>
      %sub3A_1266 = arith.constant 57 : i32
      %sub3A_1267 = vector.broadcast %sub3A_1266 : i32 to vector<16xi32>
      %sub3A_1268 = arith.subi %add3A_1265, %sub3A_1267 : vector<16xi32>
      %ge3A_1269 = arith.constant 0 : i32
      %ge3A_1270 = vector.broadcast %ge3A_1269 : i32 to vector<16xi32>
      %ge3A_1271 = arith.cmpi sge, %sub3A_1268, %ge3A_1270 : vector<16xi32>
      %lt3A_1272 = arith.constant 13 : i32
      %lt3A_1273 = vector.broadcast %lt3A_1272 : i32 to vector<16xi32>
      %lt3A_1274 = arith.cmpi slt, %sub3A_1268, %lt3A_1273 : vector<16xi32>
      %and3A_1275 = arith.andi %ge3A_1271, %lt3A_1274 : vector<16xi1>
      %jit3A_1276 = arith.constant 0.000000e+00 : f32
      %broadcast_in_dim3A_1277 = vector.broadcast %mul3A_1256 : f32 to vector<16xf32>
      %broadcast_in_dim3A_1278 = vector.broadcast %jit3A_1276 : f32 to vector<16xf32>
      %select_n3A_1279 = arith.select %and3A_1275, %broadcast_in_dim3A_1277, %broadcast_in_dim3A_1278 : vector<16xi1>, vector<16xf32>
      %jit3A_1280 = arith.constant 0 : i32
      %jit3A_1281 = arith.constant 12 : i32
      %max3A_1282 = vector.broadcast %jit3A_1280 : i32 to vector<16xi32>
      %max3A_1283 = arith.maxsi %max3A_1282, %sub3A_1268 : vector<16xi32>
      %min3A_1284 = vector.broadcast %jit3A_1281 : i32 to vector<16xi32>
      %min3A_1285 = arith.minsi %min3A_1284, %max3A_1283 : vector<16xi32>
      %mul3A_1286 = arith.constant 13 : i32
      %mul3A_1287 = vector.broadcast %mul3A_1286 : i32 to vector<16xi32>
      %mul3A_1288 = arith.muli %broadcast_in_dim3A_1255, %mul3A_1287 : vector<16xi32>
      %add3A_1289 = arith.addi %mul3A_1288, %broadcast_in_dim3A_1092 : vector<16xi32>
      %mul3A_1290 = arith.constant 16 : i32
      %mul3A_1291 = vector.broadcast %mul3A_1290 : i32 to vector<16xi32>
      %mul3A_1292 = arith.muli %add3A_1289, %mul3A_1291 : vector<16xi32>
      %add3A_1293 = arith.addi %mul3A_1292, %min3A_1285 : vector<16xi32>
      %gather3A_1294 = tpu.vector_load_idx %arg11[%add3A_1293] : memref<624xf32, #tpu.memory_space<vmem>>[vector<16xi32>], vector<16xf32>,
      %mul3A_1295 = arith.mulf %gather3A_1294, %select_n3A_1279 : vector<16xf32>
      %add3A_1296 = arith.constant 0 : i32
      %add3A_1297 = arith.addi %mul3A_1261, %add3A_1296 : i32
      %swap3A_1298 = arith.index_cast %add3A_1297 : i32 to index
      %swap3A_1299 = tpu.vector_load %arg14[%swap3A_1298] {strides = array<i32>} : memref<12288xf32, #tpu.memory_space<vmem>>, vector<16xf32>,
      tpu.vector_store %arg14[%swap3A_1298], %mul3A_1295 {strides = array<i32>} : memref<12288xf32, #tpu.memory_space<vmem>>, vector<16xf32>,
      %add3A_1300 = arith.constant 16 : i32
      %add3A_1301 = arith.addi %sub3A_495, %add3A_1300 : i32
      %add3A_1302 = vector.broadcast %add3A_1301 : i32 to vector<16xi32>
      %add3A_1303 = arith.addi %add3A_1302, %iota3A : vector<16xi32>
      %sub3A_1304 = arith.constant 57 : i32
      %sub3A_1305 = vector.broadcast %sub3A_1304 : i32 to vector<16xi32>
      %sub3A_1306 = arith.subi %add3A_1303, %sub3A_1305 : vector<16xi32>
      %ge3A_1307 = arith.constant 0 : i32
      %ge3A_1308 = vector.broadcast %ge3A_1307 : i32 to vector<16xi32>
      %ge3A_1309 = arith.cmpi sge, %sub3A_1306, %ge3A_1308 : vector<16xi32>
      %lt3A_1310 = arith.constant 13 : i32
      %lt3A_1311 = vector.broadcast %lt3A_1310 : i32 to vector<16xi32>
      %lt3A_1312 = arith.cmpi slt, %sub3A_1306, %lt3A_1311 : vector<16xi32>
      %and3A_1313 = arith.andi %ge3A_1309, %lt3A_1312 : vector<16xi1>
      %jit3A_1314 = arith.constant 0.000000e+00 : f32
      %broadcast_in_dim3A_1315 = vector.broadcast %mul3A_1256 : f32 to vector<16xf32>
      %broadcast_in_dim3A_1316 = vector.broadcast %jit3A_1314 : f32 to vector<16xf32>
      %select_n3A_1317 = arith.select %and3A_1313, %broadcast_in_dim3A_1315, %broadcast_in_dim3A_1316 : vector<16xi1>, vector<16xf32>
      %jit3A_1318 = arith.constant 0 : i32
      %jit3A_1319 = arith.constant 12 : i32
      %max3A_1320 = vector.broadcast %jit3A_1318 : i32 to vector<16xi32>
      %max3A_1321 = arith.maxsi %max3A_1320, %sub3A_1306 : vector<16xi32>
      %min3A_1322 = vector.broadcast %jit3A_1319 : i32 to vector<16xi32>
      %min3A_1323 = arith.minsi %min3A_1322, %max3A_1321 : vector<16xi32>
      %mul3A_1324 = arith.constant 13 : i32
      %mul3A_1325 = vector.broadcast %mul3A_1324 : i32 to vector<16xi32>
      %mul3A_1326 = arith.muli %broadcast_in_dim3A_1255, %mul3A_1325 : vector<16xi32>
      %add3A_1327 = arith.addi %mul3A_1326, %broadcast_in_dim3A_1092 : vector<16xi32>
      %mul3A_1328 = arith.constant 16 : i32
      %mul3A_1329 = vector.broadcast %mul3A_1328 : i32 to vector<16xi32>
      %mul3A_1330 = arith.muli %add3A_1327, %mul3A_1329 : vector<16xi32>
      %add3A_1331 = arith.addi %mul3A_1330, %min3A_1323 : vector<16xi32>
      %gather3A_1332 = tpu.vector_load_idx %arg11[%add3A_1331] : memref<624xf32, #tpu.memory_space<vmem>>[vector<16xi32>], vector<16xf32>,
      %mul3A_1333 = arith.mulf %gather3A_1332, %select_n3A_1317 : vector<16xf32>
      %add3A_1334 = arith.constant 16 : i32
      %add3A_1335 = arith.addi %mul3A_1261, %add3A_1334 : i32
      %swap3A_1336 = arith.index_cast %add3A_1335 : i32 to index
      %swap3A_1337 = tpu.vector_load %arg14[%swap3A_1336] {strides = array<i32>} : memref<12288xf32, #tpu.memory_space<vmem>>, vector<16xf32>,
      tpu.vector_store %arg14[%swap3A_1336], %mul3A_1333 {strides = array<i32>} : memref<12288xf32, #tpu.memory_space<vmem>>, vector<16xf32>,
      %add3A_1338 = arith.constant 32 : i32
      %add3A_1339 = arith.addi %sub3A_495, %add3A_1338 : i32
      %add3A_1340 = vector.broadcast %add3A_1339 : i32 to vector<16xi32>
      %add3A_1341 = arith.addi %add3A_1340, %iota3A : vector<16xi32>
      %sub3A_1342 = arith.constant 57 : i32
      %sub3A_1343 = vector.broadcast %sub3A_1342 : i32 to vector<16xi32>
      %sub3A_1344 = arith.subi %add3A_1341, %sub3A_1343 : vector<16xi32>
      %ge3A_1345 = arith.constant 0 : i32
      %ge3A_1346 = vector.broadcast %ge3A_1345 : i32 to vector<16xi32>
      %ge3A_1347 = arith.cmpi sge, %sub3A_1344, %ge3A_1346 : vector<16xi32>
      %lt3A_1348 = arith.constant 13 : i32
      %lt3A_1349 = vector.broadcast %lt3A_1348 : i32 to vector<16xi32>
      %lt3A_1350 = arith.cmpi slt, %sub3A_1344, %lt3A_1349 : vector<16xi32>
      %and3A_1351 = arith.andi %ge3A_1347, %lt3A_1350 : vector<16xi1>
      %jit3A_1352 = arith.constant 0.000000e+00 : f32
      %broadcast_in_dim3A_1353 = vector.broadcast %mul3A_1256 : f32 to vector<16xf32>
      %broadcast_in_dim3A_1354 = vector.broadcast %jit3A_1352 : f32 to vector<16xf32>
      %select_n3A_1355 = arith.select %and3A_1351, %broadcast_in_dim3A_1353, %broadcast_in_dim3A_1354 : vector<16xi1>, vector<16xf32>
      %jit3A_1356 = arith.constant 0 : i32
      %jit3A_1357 = arith.constant 12 : i32
      %max3A_1358 = vector.broadcast %jit3A_1356 : i32 to vector<16xi32>
      %max3A_1359 = arith.maxsi %max3A_1358, %sub3A_1344 : vector<16xi32>
      %min3A_1360 = vector.broadcast %jit3A_1357 : i32 to vector<16xi32>
      %min3A_1361 = arith.minsi %min3A_1360, %max3A_1359 : vector<16xi32>
      %mul3A_1362 = arith.constant 13 : i32
      %mul3A_1363 = vector.broadcast %mul3A_1362 : i32 to vector<16xi32>
      %mul3A_1364 = arith.muli %broadcast_in_dim3A_1255, %mul3A_1363 : vector<16xi32>
      %add3A_1365 = arith.addi %mul3A_1364, %broadcast_in_dim3A_1092 : vector<16xi32>
      %mul3A_1366 = arith.constant 16 : i32
      %mul3A_1367 = vector.broadcast %mul3A_1366 : i32 to vector<16xi32>
      %mul3A_1368 = arith.muli %add3A_1365, %mul3A_1367 : vector<16xi32>
      %add3A_1369 = arith.addi %mul3A_1368, %min3A_1361 : vector<16xi32>
      %gather3A_1370 = tpu.vector_load_idx %arg11[%add3A_1369] : memref<624xf32, #tpu.memory_space<vmem>>[vector<16xi32>], vector<16xf32>,
      %mul3A_1371 = arith.mulf %gather3A_1370, %select_n3A_1355 : vector<16xf32>
      %add3A_1372 = arith.constant 32 : i32
      %add3A_1373 = arith.addi %mul3A_1261, %add3A_1372 : i32
      %swap3A_1374 = arith.index_cast %add3A_1373 : i32 to index
      %swap3A_1375 = tpu.vector_load %arg14[%swap3A_1374] {strides = array<i32>} : memref<12288xf32, #tpu.memory_space<vmem>>, vector<16xf32>,
      tpu.vector_store %arg14[%swap3A_1374], %mul3A_1371 {strides = array<i32>} : memref<12288xf32, #tpu.memory_space<vmem>>, vector<16xf32>,
      %add3A_1376 = arith.constant 48 : i32
      %add3A_1377 = arith.addi %sub3A_495, %add3A_1376 : i32
      %add3A_1378 = vector.broadcast %add3A_1377 : i32 to vector<16xi32>
      %add3A_1379 = arith.addi %add3A_1378, %iota3A : vector<16xi32>
      %sub3A_1380 = arith.constant 57 : i32
      %sub3A_1381 = vector.broadcast %sub3A_1380 : i32 to vector<16xi32>
      %sub3A_1382 = arith.subi %add3A_1379, %sub3A_1381 : vector<16xi32>
      %ge3A_1383 = arith.constant 0 : i32
      %ge3A_1384 = vector.broadcast %ge3A_1383 : i32 to vector<16xi32>
      %ge3A_1385 = arith.cmpi sge, %sub3A_1382, %ge3A_1384 : vector<16xi32>
      %lt3A_1386 = arith.constant 13 : i32
      %lt3A_1387 = vector.broadcast %lt3A_1386 : i32 to vector<16xi32>
      %lt3A_1388 = arith.cmpi slt, %sub3A_1382, %lt3A_1387 : vector<16xi32>
      %and3A_1389 = arith.andi %ge3A_1385, %lt3A_1388 : vector<16xi1>
      %jit3A_1390 = arith.constant 0.000000e+00 : f32
      %broadcast_in_dim3A_1391 = vector.broadcast %mul3A_1256 : f32 to vector<16xf32>
      %broadcast_in_dim3A_1392 = vector.broadcast %jit3A_1390 : f32 to vector<16xf32>
      %select_n3A_1393 = arith.select %and3A_1389, %broadcast_in_dim3A_1391, %broadcast_in_dim3A_1392 : vector<16xi1>, vector<16xf32>
      %jit3A_1394 = arith.constant 0 : i32
      %jit3A_1395 = arith.constant 12 : i32
      %max3A_1396 = vector.broadcast %jit3A_1394 : i32 to vector<16xi32>
      %max3A_1397 = arith.maxsi %max3A_1396, %sub3A_1382 : vector<16xi32>
      %min3A_1398 = vector.broadcast %jit3A_1395 : i32 to vector<16xi32>
      %min3A_1399 = arith.minsi %min3A_1398, %max3A_1397 : vector<16xi32>
      %mul3A_1400 = arith.constant 13 : i32
      %mul3A_1401 = vector.broadcast %mul3A_1400 : i32 to vector<16xi32>
      %mul3A_1402 = arith.muli %broadcast_in_dim3A_1255, %mul3A_1401 : vector<16xi32>
      %add3A_1403 = arith.addi %mul3A_1402, %broadcast_in_dim3A_1092 : vector<16xi32>
      %mul3A_1404 = arith.constant 16 : i32
      %mul3A_1405 = vector.broadcast %mul3A_1404 : i32 to vector<16xi32>
      %mul3A_1406 = arith.muli %add3A_1403, %mul3A_1405 : vector<16xi32>
      %add3A_1407 = arith.addi %mul3A_1406, %min3A_1399 : vector<16xi32>
      %gather3A_1408 = tpu.vector_load_idx %arg11[%add3A_1407] : memref<624xf32, #tpu.memory_space<vmem>>[vector<16xi32>], vector<16xf32>,
      %mul3A_1409 = arith.mulf %gather3A_1408, %select_n3A_1393 : vector<16xf32>
      %add3A_1410 = arith.constant 48 : i32
      %add3A_1411 = arith.addi %mul3A_1261, %add3A_1410 : i32
      %swap3A_1412 = arith.index_cast %add3A_1411 : i32 to index
      %swap3A_1413 = tpu.vector_load %arg14[%swap3A_1412] {strides = array<i32>} : memref<12288xf32, #tpu.memory_space<vmem>>, vector<16xf32>,
      tpu.vector_store %arg14[%swap3A_1412], %mul3A_1409 {strides = array<i32>} : memref<12288xf32, #tpu.memory_space<vmem>>, vector<16xf32>,
      %broadcast_in_dim3A_1414 = arith.constant 2 : i32
      %broadcast_in_dim3A_1415 = vector.broadcast %broadcast_in_dim3A_1414 : i32 to vector<16xi32>
      %mul3A_1416 = arith.mulf %select_n3A_1095, %convert_element_type3A_884 : f32
      %add3A_1417 = arith.constant 128 : i32
      %add3A_1418 = arith.addi %add3A_1417, %min3A_501 : i32
      %add3A_1419 = arith.addi %add3A_1418, %scan3A_1081 : i32
      %mul3A_1420 = arith.constant 64 : i32
      %mul3A_1421 = arith.muli %add3A_1419, %mul3A_1420 : i32
      %add3A_1422 = arith.constant 0 : i32
      %add3A_1423 = arith.addi %sub3A_495, %add3A_1422 : i32
      %add3A_1424 = vector.broadcast %add3A_1423 : i32 to vector<16xi32>
      %add3A_1425 = arith.addi %add3A_1424, %iota3A : vector<16xi32>
      %sub3A_1426 = arith.constant 57 : i32
      %sub3A_1427 = vector.broadcast %sub3A_1426 : i32 to vector<16xi32>
      %sub3A_1428 = arith.subi %add3A_1425, %sub3A_1427 : vector<16xi32>
      %ge3A_1429 = arith.constant 0 : i32
      %ge3A_1430 = vector.broadcast %ge3A_1429 : i32 to vector<16xi32>
      %ge3A_1431 = arith.cmpi sge, %sub3A_1428, %ge3A_1430 : vector<16xi32>
      %lt3A_1432 = arith.constant 13 : i32
      %lt3A_1433 = vector.broadcast %lt3A_1432 : i32 to vector<16xi32>
      %lt3A_1434 = arith.cmpi slt, %sub3A_1428, %lt3A_1433 : vector<16xi32>
      %and3A_1435 = arith.andi %ge3A_1431, %lt3A_1434 : vector<16xi1>
      %jit3A_1436 = arith.constant 0.000000e+00 : f32
      %broadcast_in_dim3A_1437 = vector.broadcast %mul3A_1416 : f32 to vector<16xf32>
      %broadcast_in_dim3A_1438 = vector.broadcast %jit3A_1436 : f32 to vector<16xf32>
      %select_n3A_1439 = arith.select %and3A_1435, %broadcast_in_dim3A_1437, %broadcast_in_dim3A_1438 : vector<16xi1>, vector<16xf32>
      %jit3A_1440 = arith.constant 0 : i32
      %jit3A_1441 = arith.constant 12 : i32
      %max3A_1442 = vector.broadcast %jit3A_1440 : i32 to vector<16xi32>
      %max3A_1443 = arith.maxsi %max3A_1442, %sub3A_1428 : vector<16xi32>
      %min3A_1444 = vector.broadcast %jit3A_1441 : i32 to vector<16xi32>
      %min3A_1445 = arith.minsi %min3A_1444, %max3A_1443 : vector<16xi32>
      %mul3A_1446 = arith.constant 13 : i32
      %mul3A_1447 = vector.broadcast %mul3A_1446 : i32 to vector<16xi32>
      %mul3A_1448 = arith.muli %broadcast_in_dim3A_1415, %mul3A_1447 : vector<16xi32>
      %add3A_1449 = arith.addi %mul3A_1448, %broadcast_in_dim3A_1092 : vector<16xi32>
      %mul3A_1450 = arith.constant 16 : i32
      %mul3A_1451 = vector.broadcast %mul3A_1450 : i32 to vector<16xi32>
      %mul3A_1452 = arith.muli %add3A_1449, %mul3A_1451 : vector<16xi32>
      %add3A_1453 = arith.addi %mul3A_1452, %min3A_1445 : vector<16xi32>
      %gather3A_1454 = tpu.vector_load_idx %arg11[%add3A_1453] : memref<624xf32, #tpu.memory_space<vmem>>[vector<16xi32>], vector<16xf32>,
      %mul3A_1455 = arith.mulf %gather3A_1454, %select_n3A_1439 : vector<16xf32>
      %add3A_1456 = arith.constant 0 : i32
      %add3A_1457 = arith.addi %mul3A_1421, %add3A_1456 : i32
      %swap3A_1458 = arith.index_cast %add3A_1457 : i32 to index
      %swap3A_1459 = tpu.vector_load %arg14[%swap3A_1458] {strides = array<i32>} : memref<12288xf32, #tpu.memory_space<vmem>>, vector<16xf32>,
      tpu.vector_store %arg14[%swap3A_1458], %mul3A_1455 {strides = array<i32>} : memref<12288xf32, #tpu.memory_space<vmem>>, vector<16xf32>,
      %add3A_1460 = arith.constant 16 : i32
      %add3A_1461 = arith.addi %sub3A_495, %add3A_1460 : i32
      %add3A_1462 = vector.broadcast %add3A_1461 : i32 to vector<16xi32>
      %add3A_1463 = arith.addi %add3A_1462, %iota3A : vector<16xi32>
      %sub3A_1464 = arith.constant 57 : i32
      %sub3A_1465 = vector.broadcast %sub3A_1464 : i32 to vector<16xi32>
      %sub3A_1466 = arith.subi %add3A_1463, %sub3A_1465 : vector<16xi32>
      %ge3A_1467 = arith.constant 0 : i32
      %ge3A_1468 = vector.broadcast %ge3A_1467 : i32 to vector<16xi32>
      %ge3A_1469 = arith.cmpi sge, %sub3A_1466, %ge3A_1468 : vector<16xi32>
      %lt3A_1470 = arith.constant 13 : i32
      %lt3A_1471 = vector.broadcast %lt3A_1470 : i32 to vector<16xi32>
      %lt3A_1472 = arith.cmpi slt, %sub3A_1466, %lt3A_1471 : vector<16xi32>
      %and3A_1473 = arith.andi %ge3A_1469, %lt3A_1472 : vector<16xi1>
      %jit3A_1474 = arith.constant 0.000000e+00 : f32
      %broadcast_in_dim3A_1475 = vector.broadcast %mul3A_1416 : f32 to vector<16xf32>
      %broadcast_in_dim3A_1476 = vector.broadcast %jit3A_1474 : f32 to vector<16xf32>
      %select_n3A_1477 = arith.select %and3A_1473, %broadcast_in_dim3A_1475, %broadcast_in_dim3A_1476 : vector<16xi1>, vector<16xf32>
      %jit3A_1478 = arith.constant 0 : i32
      %jit3A_1479 = arith.constant 12 : i32
      %max3A_1480 = vector.broadcast %jit3A_1478 : i32 to vector<16xi32>
      %max3A_1481 = arith.maxsi %max3A_1480, %sub3A_1466 : vector<16xi32>
      %min3A_1482 = vector.broadcast %jit3A_1479 : i32 to vector<16xi32>
      %min3A_1483 = arith.minsi %min3A_1482, %max3A_1481 : vector<16xi32>
      %mul3A_1484 = arith.constant 13 : i32
      %mul3A_1485 = vector.broadcast %mul3A_1484 : i32 to vector<16xi32>
      %mul3A_1486 = arith.muli %broadcast_in_dim3A_1415, %mul3A_1485 : vector<16xi32>
      %add3A_1487 = arith.addi %mul3A_1486, %broadcast_in_dim3A_1092 : vector<16xi32>
      %mul3A_1488 = arith.constant 16 : i32
      %mul3A_1489 = vector.broadcast %mul3A_1488 : i32 to vector<16xi32>
      %mul3A_1490 = arith.muli %add3A_1487, %mul3A_1489 : vector<16xi32>
      %add3A_1491 = arith.addi %mul3A_1490, %min3A_1483 : vector<16xi32>
      %gather3A_1492 = tpu.vector_load_idx %arg11[%add3A_1491] : memref<624xf32, #tpu.memory_space<vmem>>[vector<16xi32>], vector<16xf32>,
      %mul3A_1493 = arith.mulf %gather3A_1492, %select_n3A_1477 : vector<16xf32>
      %add3A_1494 = arith.constant 16 : i32
      %add3A_1495 = arith.addi %mul3A_1421, %add3A_1494 : i32
      %swap3A_1496 = arith.index_cast %add3A_1495 : i32 to index
      %swap3A_1497 = tpu.vector_load %arg14[%swap3A_1496] {strides = array<i32>} : memref<12288xf32, #tpu.memory_space<vmem>>, vector<16xf32>,
      tpu.vector_store %arg14[%swap3A_1496], %mul3A_1493 {strides = array<i32>} : memref<12288xf32, #tpu.memory_space<vmem>>, vector<16xf32>,
      %add3A_1498 = arith.constant 32 : i32
      %add3A_1499 = arith.addi %sub3A_495, %add3A_1498 : i32
      %add3A_1500 = vector.broadcast %add3A_1499 : i32 to vector<16xi32>
      %add3A_1501 = arith.addi %add3A_1500, %iota3A : vector<16xi32>
      %sub3A_1502 = arith.constant 57 : i32
      %sub3A_1503 = vector.broadcast %sub3A_1502 : i32 to vector<16xi32>
      %sub3A_1504 = arith.subi %add3A_1501, %sub3A_1503 : vector<16xi32>
      %ge3A_1505 = arith.constant 0 : i32
      %ge3A_1506 = vector.broadcast %ge3A_1505 : i32 to vector<16xi32>
      %ge3A_1507 = arith.cmpi sge, %sub3A_1504, %ge3A_1506 : vector<16xi32>
      %lt3A_1508 = arith.constant 13 : i32
      %lt3A_1509 = vector.broadcast %lt3A_1508 : i32 to vector<16xi32>
      %lt3A_1510 = arith.cmpi slt, %sub3A_1504, %lt3A_1509 : vector<16xi32>
      %and3A_1511 = arith.andi %ge3A_1507, %lt3A_1510 : vector<16xi1>
      %jit3A_1512 = arith.constant 0.000000e+00 : f32
      %broadcast_in_dim3A_1513 = vector.broadcast %mul3A_1416 : f32 to vector<16xf32>
      %broadcast_in_dim3A_1514 = vector.broadcast %jit3A_1512 : f32 to vector<16xf32>
      %select_n3A_1515 = arith.select %and3A_1511, %broadcast_in_dim3A_1513, %broadcast_in_dim3A_1514 : vector<16xi1>, vector<16xf32>
      %jit3A_1516 = arith.constant 0 : i32
      %jit3A_1517 = arith.constant 12 : i32
      %max3A_1518 = vector.broadcast %jit3A_1516 : i32 to vector<16xi32>
      %max3A_1519 = arith.maxsi %max3A_1518, %sub3A_1504 : vector<16xi32>
      %min3A_1520 = vector.broadcast %jit3A_1517 : i32 to vector<16xi32>
      %min3A_1521 = arith.minsi %min3A_1520, %max3A_1519 : vector<16xi32>
      %mul3A_1522 = arith.constant 13 : i32
      %mul3A_1523 = vector.broadcast %mul3A_1522 : i32 to vector<16xi32>
      %mul3A_1524 = arith.muli %broadcast_in_dim3A_1415, %mul3A_1523 : vector<16xi32>
      %add3A_1525 = arith.addi %mul3A_1524, %broadcast_in_dim3A_1092 : vector<16xi32>
      %mul3A_1526 = arith.constant 16 : i32
      %mul3A_1527 = vector.broadcast %mul3A_1526 : i32 to vector<16xi32>
      %mul3A_1528 = arith.muli %add3A_1525, %mul3A_1527 : vector<16xi32>
      %add3A_1529 = arith.addi %mul3A_1528, %min3A_1521 : vector<16xi32>
      %gather3A_1530 = tpu.vector_load_idx %arg11[%add3A_1529] : memref<624xf32, #tpu.memory_space<vmem>>[vector<16xi32>], vector<16xf32>,
      %mul3A_1531 = arith.mulf %gather3A_1530, %select_n3A_1515 : vector<16xf32>
      %add3A_1532 = arith.constant 32 : i32
      %add3A_1533 = arith.addi %mul3A_1421, %add3A_1532 : i32
      %swap3A_1534 = arith.index_cast %add3A_1533 : i32 to index
      %swap3A_1535 = tpu.vector_load %arg14[%swap3A_1534] {strides = array<i32>} : memref<12288xf32, #tpu.memory_space<vmem>>, vector<16xf32>,
      tpu.vector_store %arg14[%swap3A_1534], %mul3A_1531 {strides = array<i32>} : memref<12288xf32, #tpu.memory_space<vmem>>, vector<16xf32>,
      %add3A_1536 = arith.constant 48 : i32
      %add3A_1537 = arith.addi %sub3A_495, %add3A_1536 : i32
      %add3A_1538 = vector.broadcast %add3A_1537 : i32 to vector<16xi32>
      %add3A_1539 = arith.addi %add3A_1538, %iota3A : vector<16xi32>
      %sub3A_1540 = arith.constant 57 : i32
      %sub3A_1541 = vector.broadcast %sub3A_1540 : i32 to vector<16xi32>
      %sub3A_1542 = arith.subi %add3A_1539, %sub3A_1541 : vector<16xi32>
      %ge3A_1543 = arith.constant 0 : i32
      %ge3A_1544 = vector.broadcast %ge3A_1543 : i32 to vector<16xi32>
      %ge3A_1545 = arith.cmpi sge, %sub3A_1542, %ge3A_1544 : vector<16xi32>
      %lt3A_1546 = arith.constant 13 : i32
      %lt3A_1547 = vector.broadcast %lt3A_1546 : i32 to vector<16xi32>
      %lt3A_1548 = arith.cmpi slt, %sub3A_1542, %lt3A_1547 : vector<16xi32>
      %and3A_1549 = arith.andi %ge3A_1545, %lt3A_1548 : vector<16xi1>
      %jit3A_1550 = arith.constant 0.000000e+00 : f32
      %broadcast_in_dim3A_1551 = vector.broadcast %mul3A_1416 : f32 to vector<16xf32>
      %broadcast_in_dim3A_1552 = vector.broadcast %jit3A_1550 : f32 to vector<16xf32>
      %select_n3A_1553 = arith.select %and3A_1549, %broadcast_in_dim3A_1551, %broadcast_in_dim3A_1552 : vector<16xi1>, vector<16xf32>
      %jit3A_1554 = arith.constant 0 : i32
      %jit3A_1555 = arith.constant 12 : i32
      %max3A_1556 = vector.broadcast %jit3A_1554 : i32 to vector<16xi32>
      %max3A_1557 = arith.maxsi %max3A_1556, %sub3A_1542 : vector<16xi32>
      %min3A_1558 = vector.broadcast %jit3A_1555 : i32 to vector<16xi32>
      %min3A_1559 = arith.minsi %min3A_1558, %max3A_1557 : vector<16xi32>
      %mul3A_1560 = arith.constant 13 : i32
      %mul3A_1561 = vector.broadcast %mul3A_1560 : i32 to vector<16xi32>
      %mul3A_1562 = arith.muli %broadcast_in_dim3A_1415, %mul3A_1561 : vector<16xi32>
      %add3A_1563 = arith.addi %mul3A_1562, %broadcast_in_dim3A_1092 : vector<16xi32>
      %mul3A_1564 = arith.constant 16 : i32
      %mul3A_1565 = vector.broadcast %mul3A_1564 : i32 to vector<16xi32>
      %mul3A_1566 = arith.muli %add3A_1563, %mul3A_1565 : vector<16xi32>
      %add3A_1567 = arith.addi %mul3A_1566, %min3A_1559 : vector<16xi32>
      %gather3A_1568 = tpu.vector_load_idx %arg11[%add3A_1567] : memref<624xf32, #tpu.memory_space<vmem>>[vector<16xi32>], vector<16xf32>,
      %mul3A_1569 = arith.mulf %gather3A_1568, %select_n3A_1553 : vector<16xf32>
      %add3A_1570 = arith.constant 48 : i32
      %add3A_1571 = arith.addi %mul3A_1421, %add3A_1570 : i32
      %swap3A_1572 = arith.index_cast %add3A_1571 : i32 to index
      %swap3A_1573 = tpu.vector_load %arg14[%swap3A_1572] {strides = array<i32>} : memref<12288xf32, #tpu.memory_space<vmem>>, vector<16xf32>,
      tpu.vector_store %arg14[%swap3A_1572], %mul3A_1569 {strides = array<i32>} : memref<12288xf32, #tpu.memory_space<vmem>>, vector<16xf32>,
    }
    %scan3A_898 = arith.constant 13 : i32
    %mul3A_899 = arith.constant 64 : i32
    %mul3A_900 = arith.muli %add3A_483, %mul3A_899 : i32
    %add3A_901 = arith.addi %mul3A_900, %mul3A_543 : i32
    %mul3A_902 = arith.constant 4096 : i32
    %mul3A_903 = arith.muli %add3A_901, %mul3A_902 : i32
    %dma_start3A_904 = tpu.memref_slice %arg9[%mul3A_903] : memref<18874368xf32, #tpu.memory_space<hbm>> -> memref<81920xf32, #tpu.memory_space<hbm>>
    %dma_start3A_905 = tpu.memref_slice %arg9[%mul3A_903] : memref<18874368xf32, #tpu.memory_space<hbm>> -> memref<81920xf32, #tpu.memory_space<hbm>>
    tpu.enqueue_dma source(%arg15 : memref<81920xf32, #tpu.memory_space<vmem>>) target(%dma_start3A_905 : memref<81920xf32, #tpu.memory_space<hbm>>) target_semaphore(%arg17 : memref<!tpu.dma_semaphore, #tpu.memory_space<semaphore_mem>>)
    %mul3A_906 = arith.constant 4 : i32
    %mul3A_907 = arith.muli %add3A_483, %mul3A_906 : i32
    %add3A_908 = arith.addi %mul3A_907, %max3A_634 : i32
    %mul3A_909 = arith.constant 4096 : i32
    %mul3A_910 = arith.muli %add3A_908, %mul3A_909 : i32
    %dma_start3A_911 = arith.constant 8192 : i32
    %dma_start3A_912 = tpu.memref_slice %arg14[%dma_start3A_911] : memref<12288xf32, #tpu.memory_space<vmem>> -> memref<4096xf32, #tpu.memory_space<vmem>>
    %dma_start3A_913 = tpu.memref_slice %arg8[%mul3A_910] : memref<1179648xf32, #tpu.memory_space<hbm>> -> memref<4096xf32, #tpu.memory_space<hbm>>
    %dma_start3A_914 = tpu.memref_slice %arg8[%mul3A_910] : memref<1179648xf32, #tpu.memory_space<hbm>> -> memref<4096xf32, #tpu.memory_space<hbm>>
    %dma_start3A_915 = arith.constant 8192 : i32
    %dma_start3A_916 = tpu.memref_slice %arg14[%dma_start3A_915] : memref<12288xf32, #tpu.memory_space<vmem>> -> memref<4096xf32, #tpu.memory_space<vmem>>
    tpu.enqueue_dma source(%dma_start3A_916 : memref<4096xf32, #tpu.memory_space<vmem>>) target(%dma_start3A_914 : memref<4096xf32, #tpu.memory_space<hbm>>) target_semaphore(%arg17 : memref<!tpu.dma_semaphore, #tpu.memory_space<semaphore_mem>>)
    %mul3A_917 = arith.constant 2 : i32
    %mul3A_918 = arith.muli %add3A_483, %mul3A_917 : i32
    %add3A_919 = arith.addi %mul3A_918, %max3A_636 : i32
    %mul3A_920 = arith.constant 4096 : i32
    %mul3A_921 = arith.muli %add3A_919, %mul3A_920 : i32
    %dma_start3A_922 = arith.constant 4096 : i32
    %dma_start3A_923 = tpu.memref_slice %arg14[%dma_start3A_922] : memref<12288xf32, #tpu.memory_space<vmem>> -> memref<4096xf32, #tpu.memory_space<vmem>>
    %dma_start3A_924 = tpu.memref_slice %arg7[%mul3A_921] : memref<589824xf32, #tpu.memory_space<hbm>> -> memref<4096xf32, #tpu.memory_space<hbm>>
    %dma_start3A_925 = tpu.memref_slice %arg7[%mul3A_921] : memref<589824xf32, #tpu.memory_space<hbm>> -> memref<4096xf32, #tpu.memory_space<hbm>>
    %dma_start3A_926 = arith.constant 4096 : i32
    %dma_start3A_927 = tpu.memref_slice %arg14[%dma_start3A_926] : memref<12288xf32, #tpu.memory_space<vmem>> -> memref<4096xf32, #tpu.memory_space<vmem>>
    tpu.enqueue_dma source(%dma_start3A_927 : memref<4096xf32, #tpu.memory_space<vmem>>) target(%dma_start3A_925 : memref<4096xf32, #tpu.memory_space<hbm>>) target_semaphore(%arg17 : memref<!tpu.dma_semaphore, #tpu.memory_space<semaphore_mem>>)
    %mul3A_928 = arith.constant 4096 : i32
    %mul3A_929 = arith.muli %add3A_483, %mul3A_928 : i32
    %dma_start3A_930 = arith.constant 0 : i32
    %dma_start3A_931 = tpu.memref_slice %arg14[%dma_start3A_930] : memref<12288xf32, #tpu.memory_space<vmem>> -> memref<4096xf32, #tpu.memory_space<vmem>>
    %dma_start3A_932 = tpu.memref_slice %arg6[%mul3A_929] : memref<294912xf32, #tpu.memory_space<hbm>> -> memref<4096xf32, #tpu.memory_space<hbm>>
    %dma_start3A_933 = tpu.memref_slice %arg6[%mul3A_929] : memref<294912xf32, #tpu.memory_space<hbm>> -> memref<4096xf32, #tpu.memory_space<hbm>>
    %dma_start3A_934 = arith.constant 0 : i32
    %dma_start3A_935 = tpu.memref_slice %arg14[%dma_start3A_934] : memref<12288xf32, #tpu.memory_space<vmem>> -> memref<4096xf32, #tpu.memory_space<vmem>>
    tpu.enqueue_dma source(%dma_start3A_935 : memref<4096xf32, #tpu.memory_space<vmem>>) target(%dma_start3A_933 : memref<4096xf32, #tpu.memory_space<hbm>>) target_semaphore(%arg17 : memref<!tpu.dma_semaphore, #tpu.memory_space<semaphore_mem>>)
    %dma_wait3A_936 = tpu.memref_slice %arg9[%mul3A_903] : memref<18874368xf32, #tpu.memory_space<hbm>> -> memref<81920xf32, #tpu.memory_space<hbm>>
    %dma_wait3A_937 = tpu.memref_slice %arg9[%mul3A_903] : memref<18874368xf32, #tpu.memory_space<hbm>> -> memref<81920xf32, #tpu.memory_space<hbm>>
    tpu.wait_dma2 semaphore(%arg17 : memref<!tpu.dma_semaphore, #tpu.memory_space<semaphore_mem>>) src(%arg15 : memref<81920xf32, #tpu.memory_space<vmem>>) dst(%dma_wait3A_937 : memref<81920xf32, #tpu.memory_space<hbm>>)
    %dma_wait3A_938 = arith.constant 8192 : i32
    %dma_wait3A_939 = tpu.memref_slice %arg14[%dma_wait3A_938] : memref<12288xf32, #tpu.memory_space<vmem>> -> memref<4096xf32, #tpu.memory_space<vmem>>
    %dma_wait3A_940 = tpu.memref_slice %arg8[%mul3A_910] : memref<1179648xf32, #tpu.memory_space<hbm>> -> memref<4096xf32, #tpu.memory_space<hbm>>
    %dma_wait3A_941 = tpu.memref_slice %arg8[%mul3A_910] : memref<1179648xf32, #tpu.memory_space<hbm>> -> memref<4096xf32, #tpu.memory_space<hbm>>
    %dma_wait3A_942 = arith.constant 8192 : i32
    %dma_wait3A_943 = tpu.memref_slice %arg14[%dma_wait3A_942] : memref<12288xf32, #tpu.memory_space<vmem>> -> memref<4096xf32, #tpu.memory_space<vmem>>
    tpu.wait_dma2 semaphore(%arg17 : memref<!tpu.dma_semaphore, #tpu.memory_space<semaphore_mem>>) src(%dma_wait3A_943 : memref<4096xf32, #tpu.memory_space<vmem>>) dst(%dma_wait3A_941 : memref<4096xf32, #tpu.memory_space<hbm>>)
    %dma_wait3A_944 = arith.constant 4096 : i32
    %dma_wait3A_945 = tpu.memref_slice %arg14[%dma_wait3A_944] : memref<12288xf32, #tpu.memory_space<vmem>> -> memref<4096xf32, #tpu.memory_space<vmem>>
    %dma_wait3A_946 = tpu.memref_slice %arg7[%mul3A_921] : memref<589824xf32, #tpu.memory_space<hbm>> -> memref<4096xf32, #tpu.memory_space<hbm>>
    %dma_wait3A_947 = tpu.memref_slice %arg7[%mul3A_921] : memref<589824xf32, #tpu.memory_space<hbm>> -> memref<4096xf32, #tpu.memory_space<hbm>>
    %dma_wait3A_948 = arith.constant 4096 : i32
    %dma_wait3A_949 = tpu.memref_slice %arg14[%dma_wait3A_948] : memref<12288xf32, #tpu.memory_space<vmem>> -> memref<4096xf32, #tpu.memory_space<vmem>>
    tpu.wait_dma2 semaphore(%arg17 : memref<!tpu.dma_semaphore, #tpu.memory_space<semaphore_mem>>) src(%dma_wait3A_949 : memref<4096xf32, #tpu.memory_space<vmem>>) dst(%dma_wait3A_947 : memref<4096xf32, #tpu.memory_space<hbm>>)
    %dma_wait3A_950 = arith.constant 0 : i32
    %dma_wait3A_951 = tpu.memref_slice %arg14[%dma_wait3A_950] : memref<12288xf32, #tpu.memory_space<vmem>> -> memref<4096xf32, #tpu.memory_space<vmem>>
    %dma_wait3A_952 = tpu.memref_slice %arg6[%mul3A_929] : memref<294912xf32, #tpu.memory_space<hbm>> -> memref<4096xf32, #tpu.memory_space<hbm>>
    %dma_wait3A_953 = tpu.memref_slice %arg6[%mul3A_929] : memref<294912xf32, #tpu.memory_space<hbm>> -> memref<4096xf32, #tpu.memory_space<hbm>>
    %dma_wait3A_954 = arith.constant 0 : i32
    %dma_wait3A_955 = tpu.memref_slice %arg14[%dma_wait3A_954] : memref<12288xf32, #tpu.memory_space<vmem>> -> memref<4096xf32, #tpu.memory_space<vmem>>
    tpu.wait_dma2 semaphore(%arg17 : memref<!tpu.dma_semaphore, #tpu.memory_space<semaphore_mem>>) src(%dma_wait3A_955 : memref<4096xf32, #tpu.memory_space<vmem>>) dst(%dma_wait3A_953 : memref<4096xf32, #tpu.memory_space<hbm>>)
    %scan3A_956 = arith.constant 0 : i32
    %scan3A_957 = arith.constant 0 : i32
    %scan3A_958 = arith.constant 13 : i32
    %scan3A_959 = arith.addi %scan3A_957, %scan3A_958 : i32
    %scan3A_960 = arith.constant 1 : i32
    scf.for %scan3A_1081 = %scan3A_957 to %scan3A_959 step %scan3A_960  : i32 {
      %scan3A_1082 = arith.constant 0 : i32
      %scan3A_1083 = arith.constant 0 : i32
      %scan3A_1084 = arith.constant 13 : i32
      %scan3A_1085 = arith.addi %scan3A_1083, %scan3A_1084 : i32
      %scan3A_1086 = arith.constant 1 : i32
      scf.for %scan3A_1088 = %scan3A_1083 to %scan3A_1085 step %scan3A_1086  : i32 {
        %add3A_1089 = arith.addi %sub3A_544, %scan3A_1081 : i32
        %mul3A_1090 = arith.constant 64 : i32
        %mul3A_1091 = arith.muli %add3A_1089, %mul3A_1090 : i32
        %add3A_1092 = arith.addi %mul3A_1091, %min3A_501 : i32
        %add3A_1093 = arith.addi %add3A_1092, %scan3A_1088 : i32
        %mul3A_1094 = arith.constant 64 : i32
        %mul3A_1095 = arith.muli %add3A_1093, %mul3A_1094 : i32
        %add3A_1096 = arith.constant 0 : i32
        %add3A_1097 = arith.addi %mul3A_1095, %add3A_1096 : i32
        %swap3A = arith.index_cast %add3A_1097 : i32 to index
        %swap3A_1098 = tpu.vector_load %arg15[%swap3A] {strides = array<i32>} : memref<81920xf32, #tpu.memory_space<vmem>>, vector<16xf32>,
        tpu.vector_store %arg15[%swap3A], %broadcast_in_dim3A_1 {strides = array<i32>} : memref<81920xf32, #tpu.memory_space<vmem>>, vector<16xf32>,
        %add3A_1099 = arith.constant 16 : i32
        %add3A_1100 = arith.addi %mul3A_1095, %add3A_1099 : i32
        %swap3A_1101 = arith.index_cast %add3A_1100 : i32 to index
        %swap3A_1102 = tpu.vector_load %arg15[%swap3A_1101] {strides = array<i32>} : memref<81920xf32, #tpu.memory_space<vmem>>, vector<16xf32>,
        tpu.vector_store %arg15[%swap3A_1101], %broadcast_in_dim3A_1 {strides = array<i32>} : memref<81920xf32, #tpu.memory_space<vmem>>, vector<16xf32>,
        %add3A_1103 = arith.constant 32 : i32
        %add3A_1104 = arith.addi %mul3A_1095, %add3A_1103 : i32
        %swap3A_1105 = arith.index_cast %add3A_1104 : i32 to index
        %swap3A_1106 = tpu.vector_load %arg15[%swap3A_1105] {strides = array<i32>} : memref<81920xf32, #tpu.memory_space<vmem>>, vector<16xf32>,
        tpu.vector_store %arg15[%swap3A_1105], %broadcast_in_dim3A_1 {strides = array<i32>} : memref<81920xf32, #tpu.memory_space<vmem>>, vector<16xf32>,
        %add3A_1107 = arith.constant 48 : i32
        %add3A_1108 = arith.addi %mul3A_1095, %add3A_1107 : i32
        %swap3A_1109 = arith.index_cast %add3A_1108 : i32 to index
        %swap3A_1110 = tpu.vector_load %arg15[%swap3A_1109] {strides = array<i32>} : memref<81920xf32, #tpu.memory_space<vmem>>, vector<16xf32>,
        tpu.vector_store %arg15[%swap3A_1109], %broadcast_in_dim3A_1 {strides = array<i32>} : memref<81920xf32, #tpu.memory_space<vmem>>, vector<16xf32>,
      }
      %scan3A_1087 = arith.constant 13 : i32
    }
    %scan3A_961 = arith.constant 13 : i32
    %scan3A_962 = arith.constant 0 : i32
    %scan3A_963 = arith.constant 0 : i32
    %scan3A_964 = arith.constant 13 : i32
    %scan3A_965 = arith.addi %scan3A_963, %scan3A_964 : i32
    %scan3A_966 = arith.constant 1 : i32
    scf.for %scan3A_1081 = %scan3A_963 to %scan3A_965 step %scan3A_966  : i32 {
      %add3A_1082 = arith.constant 0 : i32
      %add3A_1083 = arith.addi %add3A_1082, %min3A_501 : i32
      %add3A_1084 = arith.addi %add3A_1083, %scan3A_1081 : i32
      %mul3A_1085 = arith.constant 64 : i32
      %mul3A_1086 = arith.muli %add3A_1084, %mul3A_1085 : i32
      %add3A_1087 = arith.constant 0 : i32
      %add3A_1088 = arith.addi %mul3A_1086, %add3A_1087 : i32
      %swap3A = arith.index_cast %add3A_1088 : i32 to index
      %swap3A_1089 = tpu.vector_load %arg14[%swap3A] {strides = array<i32>} : memref<12288xf32, #tpu.memory_space<vmem>>, vector<16xf32>,
      tpu.vector_store %arg14[%swap3A], %broadcast_in_dim3A_1 {strides = array<i32>} : memref<12288xf32, #tpu.memory_space<vmem>>, vector<16xf32>,
      %add3A_1090 = arith.constant 16 : i32
      %add3A_1091 = arith.addi %mul3A_1086, %add3A_1090 : i32
      %swap3A_1092 = arith.index_cast %add3A_1091 : i32 to index
      %swap3A_1093 = tpu.vector_load %arg14[%swap3A_1092] {strides = array<i32>} : memref<12288xf32, #tpu.memory_space<vmem>>, vector<16xf32>,
      tpu.vector_store %arg14[%swap3A_1092], %broadcast_in_dim3A_1 {strides = array<i32>} : memref<12288xf32, #tpu.memory_space<vmem>>, vector<16xf32>,
      %add3A_1094 = arith.constant 32 : i32
      %add3A_1095 = arith.addi %mul3A_1086, %add3A_1094 : i32
      %swap3A_1096 = arith.index_cast %add3A_1095 : i32 to index
      %swap3A_1097 = tpu.vector_load %arg14[%swap3A_1096] {strides = array<i32>} : memref<12288xf32, #tpu.memory_space<vmem>>, vector<16xf32>,
      tpu.vector_store %arg14[%swap3A_1096], %broadcast_in_dim3A_1 {strides = array<i32>} : memref<12288xf32, #tpu.memory_space<vmem>>, vector<16xf32>,
      %add3A_1098 = arith.constant 48 : i32
      %add3A_1099 = arith.addi %mul3A_1086, %add3A_1098 : i32
      %swap3A_1100 = arith.index_cast %add3A_1099 : i32 to index
      %swap3A_1101 = tpu.vector_load %arg14[%swap3A_1100] {strides = array<i32>} : memref<12288xf32, #tpu.memory_space<vmem>>, vector<16xf32>,
      tpu.vector_store %arg14[%swap3A_1100], %broadcast_in_dim3A_1 {strides = array<i32>} : memref<12288xf32, #tpu.memory_space<vmem>>, vector<16xf32>,
      %add3A_1102 = arith.constant 64 : i32
      %add3A_1103 = arith.addi %add3A_1102, %min3A_501 : i32
      %add3A_1104 = arith.addi %add3A_1103, %scan3A_1081 : i32
      %mul3A_1105 = arith.constant 64 : i32
      %mul3A_1106 = arith.muli %add3A_1104, %mul3A_1105 : i32
      %add3A_1107 = arith.constant 0 : i32
      %add3A_1108 = arith.addi %mul3A_1106, %add3A_1107 : i32
      %swap3A_1109 = arith.index_cast %add3A_1108 : i32 to index
      %swap3A_1110 = tpu.vector_load %arg14[%swap3A_1109] {strides = array<i32>} : memref<12288xf32, #tpu.memory_space<vmem>>, vector<16xf32>,
      tpu.vector_store %arg14[%swap3A_1109], %broadcast_in_dim3A_1 {strides = array<i32>} : memref<12288xf32, #tpu.memory_space<vmem>>, vector<16xf32>,
      %add3A_1111 = arith.constant 16 : i32
      %add3A_1112 = arith.addi %mul3A_1106, %add3A_1111 : i32
      %swap3A_1113 = arith.index_cast %add3A_1112 : i32 to index
      %swap3A_1114 = tpu.vector_load %arg14[%swap3A_1113] {strides = array<i32>} : memref<12288xf32, #tpu.memory_space<vmem>>, vector<16xf32>,
      tpu.vector_store %arg14[%swap3A_1113], %broadcast_in_dim3A_1 {strides = array<i32>} : memref<12288xf32, #tpu.memory_space<vmem>>, vector<16xf32>,
      %add3A_1115 = arith.constant 32 : i32
      %add3A_1116 = arith.addi %mul3A_1106, %add3A_1115 : i32
      %swap3A_1117 = arith.index_cast %add3A_1116 : i32 to index
      %swap3A_1118 = tpu.vector_load %arg14[%swap3A_1117] {strides = array<i32>} : memref<12288xf32, #tpu.memory_space<vmem>>, vector<16xf32>,
      tpu.vector_store %arg14[%swap3A_1117], %broadcast_in_dim3A_1 {strides = array<i32>} : memref<12288xf32, #tpu.memory_space<vmem>>, vector<16xf32>,
      %add3A_1119 = arith.constant 48 : i32
      %add3A_1120 = arith.addi %mul3A_1106, %add3A_1119 : i32
      %swap3A_1121 = arith.index_cast %add3A_1120 : i32 to index
      %swap3A_1122 = tpu.vector_load %arg14[%swap3A_1121] {strides = array<i32>} : memref<12288xf32, #tpu.memory_space<vmem>>, vector<16xf32>,
      tpu.vector_store %arg14[%swap3A_1121], %broadcast_in_dim3A_1 {strides = array<i32>} : memref<12288xf32, #tpu.memory_space<vmem>>, vector<16xf32>,
      %add3A_1123 = arith.constant 128 : i32
      %add3A_1124 = arith.addi %add3A_1123, %min3A_501 : i32
      %add3A_1125 = arith.addi %add3A_1124, %scan3A_1081 : i32
      %mul3A_1126 = arith.constant 64 : i32
      %mul3A_1127 = arith.muli %add3A_1125, %mul3A_1126 : i32
      %add3A_1128 = arith.constant 0 : i32
      %add3A_1129 = arith.addi %mul3A_1127, %add3A_1128 : i32
      %swap3A_1130 = arith.index_cast %add3A_1129 : i32 to index
      %swap3A_1131 = tpu.vector_load %arg14[%swap3A_1130] {strides = array<i32>} : memref<12288xf32, #tpu.memory_space<vmem>>, vector<16xf32>,
      tpu.vector_store %arg14[%swap3A_1130], %broadcast_in_dim3A_1 {strides = array<i32>} : memref<12288xf32, #tpu.memory_space<vmem>>, vector<16xf32>,
      %add3A_1132 = arith.constant 16 : i32
      %add3A_1133 = arith.addi %mul3A_1127, %add3A_1132 : i32
      %swap3A_1134 = arith.index_cast %add3A_1133 : i32 to index
      %swap3A_1135 = tpu.vector_load %arg14[%swap3A_1134] {strides = array<i32>} : memref<12288xf32, #tpu.memory_space<vmem>>, vector<16xf32>,
      tpu.vector_store %arg14[%swap3A_1134], %broadcast_in_dim3A_1 {strides = array<i32>} : memref<12288xf32, #tpu.memory_space<vmem>>, vector<16xf32>,
      %add3A_1136 = arith.constant 32 : i32
      %add3A_1137 = arith.addi %mul3A_1127, %add3A_1136 : i32
      %swap3A_1138 = arith.index_cast %add3A_1137 : i32 to index
      %swap3A_1139 = tpu.vector_load %arg14[%swap3A_1138] {strides = array<i32>} : memref<12288xf32, #tpu.memory_space<vmem>>, vector<16xf32>,
      tpu.vector_store %arg14[%swap3A_1138], %broadcast_in_dim3A_1 {strides = array<i32>} : memref<12288xf32, #tpu.memory_space<vmem>>, vector<16xf32>,
      %add3A_1140 = arith.constant 48 : i32
      %add3A_1141 = arith.addi %mul3A_1127, %add3A_1140 : i32
      %swap3A_1142 = arith.index_cast %add3A_1141 : i32 to index
      %swap3A_1143 = tpu.vector_load %arg14[%swap3A_1142] {strides = array<i32>} : memref<12288xf32, #tpu.memory_space<vmem>>, vector<16xf32>,
      tpu.vector_store %arg14[%swap3A_1142], %broadcast_in_dim3A_1 {strides = array<i32>} : memref<12288xf32, #tpu.memory_space<vmem>>, vector<16xf32>,
    }
    %scan3A_967 = arith.constant 13 : i32
    %add3A_968 = arith.constant 64 : i32
    %add3A_969 = arith.addi %add3A, %add3A_968 : i32
    %lt3A = arith.constant 72 : i32
    %lt3A_970 = arith.cmpi slt, %add3A_969, %lt3A : i32
    %convert_element_type3A_971 = arith.extui %lt3A_970 : i1 to i32
    %cond3A = arith.constant 0 : i32
    %cond3A_972 = arith.cmpi ne, %convert_element_type3A_971, %cond3A : i32
    scf.if %cond3A_972 {
      %add3A_1081 = arith.constant 64 : i32
      %add3A_1082 = arith.addi %add3A, %add3A_1081 : i32
      %mul3A_1083 = arith.constant 16 : i32
      %mul3A_1084 = arith.muli %add3A_1082, %mul3A_1083 : i32
      %get3A_1085 = arith.index_cast %mul3A_1084 : i32 to index
      %get3A_1086 = tpu.vector_load %arg10[%get3A_1085] {strides = array<i32>} : memref<1152xi32, #tpu.memory_space<vmem>>, vector<16xi32>,
      %slice3A_1087 = vector.extract_strided_slice %get3A_1086 {offsets = [0], sizes = [1], strides = [1]} : vector<16xi32> to vector<1xi32>
      %squeeze3A_1088 = vector.extract %slice3A_1087[0] : i32 from vector<1xi32>
      %slice3A_1089 = vector.extract_strided_slice %get3A_1086 {offsets = [1], sizes = [1], strides = [1]} : vector<16xi32> to vector<1xi32>
      %squeeze3A_1090 = vector.extract %slice3A_1089[0] : i32 from vector<1xi32>
      %slice3A_1091 = vector.extract_strided_slice %get3A_1086 {offsets = [2], sizes = [1], strides = [1]} : vector<16xi32> to vector<1xi32>
      %squeeze3A_1092 = vector.extract %slice3A_1091[0] : i32 from vector<1xi32>
      %sub3A_1093 = arith.constant 63 : i32
      %sub3A_1094 = arith.subi %sub3A_1093, %squeeze3A_1088 : i32
      %sub3A_1095 = arith.constant 6 : i32
      %sub3A_1096 = arith.subi %squeeze3A_1090, %sub3A_1095 : i32
      %jit3A_1097 = arith.constant 0 : i32
      %jit3A_1098 = arith.constant 51 : i32
      %max3A_1099 = arith.maxsi %jit3A_1097, %sub3A_1096 : i32
      %min3A_1100 = arith.minsi %jit3A_1098, %max3A_1099 : i32
      %sub3A_1101 = arith.subi %min3A_1100, %squeeze3A_1090 : i32
      %add3A_1102 = arith.constant 6 : i32
      %add3A_1103 = arith.addi %sub3A_1101, %add3A_1102 : i32
      %sub3A_1104 = arith.constant 1 : i32
      %sub3A_1105 = arith.subi %squeeze3A_1092, %sub3A_1104 : i32
      %sub3A_1106 = arith.constant 6 : i32
      %sub3A_1107 = arith.subi %sub3A_1105, %sub3A_1106 : i32
      %jit3A_1108 = arith.constant 0 : i32
      %jit3A_1109 = arith.constant 51 : i32
      %max3A_1110 = arith.maxsi %jit3A_1108, %sub3A_1107 : i32
      %min3A_1111 = arith.minsi %jit3A_1109, %max3A_1110 : i32
      %sub3A_1112 = arith.subi %min3A_1111, %sub3A_1105 : i32
      %add3A_1113 = arith.constant 6 : i32
      %add3A_1114 = arith.addi %sub3A_1112, %add3A_1113 : i32
      %jit3A_1115 = arith.constant 4 : i32
      %div3A_1116 = arith.divsi %min3A_1111, %jit3A_1115 : i32
      %sign3A_1117 = arith.constant 0 : i32
      %sign3A_1118 = arith.cmpi sgt, %min3A_1111, %sign3A_1117 : i32
      %sign3A_1119 = arith.extui %sign3A_1118 : i1 to i32
      %sign3A_1120 = arith.constant 0 : i32
      %sign3A_1121 = arith.cmpi slt, %min3A_1111, %sign3A_1120 : i32
      %sign3A_1122 = arith.extui %sign3A_1121 : i1 to i32
      %sign3A_1123 = arith.subi %sign3A_1119, %sign3A_1122 : i32
      %sign3A_1124 = arith.constant 0 : i32
      %sign3A_1125 = arith.cmpi sgt, %jit3A_1115, %sign3A_1124 : i32
      %sign3A_1126 = arith.extui %sign3A_1125 : i1 to i32
      %sign3A_1127 = arith.constant 0 : i32
      %sign3A_1128 = arith.cmpi slt, %jit3A_1115, %sign3A_1127 : i32
      %sign3A_1129 = arith.extui %sign3A_1128 : i1 to i32
      %sign3A_1130 = arith.subi %sign3A_1126, %sign3A_1129 : i32
      %ne3A_1131 = arith.cmpi ne, %sign3A_1123, %sign3A_1130 : i32
      %rem3A_1132 = arith.remsi %min3A_1111, %jit3A_1115 : i32
      %ne3A_1133 = arith.constant 0 : i32
      %ne3A_1134 = arith.cmpi ne, %rem3A_1132, %ne3A_1133 : i32
      %and3A_1135 = arith.andi %ne3A_1131, %ne3A_1134 : i1
      %sub3A_1136 = arith.constant 1 : i32
      %sub3A_1137 = arith.subi %div3A_1116, %sub3A_1136 : i32
      %select_n3A_1138 = arith.select %and3A_1135, %sub3A_1137, %div3A_1116 : i32
      %min3A_1139 = arith.constant 11 : i32
      %min3A_1140 = arith.minsi %select_n3A_1138, %min3A_1139 : i32
      %mul3A_1141 = arith.constant 4 : i32
      %mul3A_1142 = arith.muli %min3A_1140, %mul3A_1141 : i32
      %sub3A_1143 = arith.subi %min3A_1111, %mul3A_1142 : i32
      %mul3A_1144 = arith.constant 4 : i32
      %mul3A_1145 = arith.muli %squeeze3A_1092, %mul3A_1144 : i32
      %add3A_1146 = arith.constant 63 : i32
      %add3A_1147 = arith.addi %mul3A_1145, %add3A_1146 : i32
      %jit3A_1148 = arith.constant 64 : i32
      %div3A_1149 = arith.divsi %add3A_1147, %jit3A_1148 : i32
      %sign3A_1150 = arith.constant 0 : i32
      %sign3A_1151 = arith.cmpi sgt, %add3A_1147, %sign3A_1150 : i32
      %sign3A_1152 = arith.extui %sign3A_1151 : i1 to i32
      %sign3A_1153 = arith.constant 0 : i32
      %sign3A_1154 = arith.cmpi slt, %add3A_1147, %sign3A_1153 : i32
      %sign3A_1155 = arith.extui %sign3A_1154 : i1 to i32
      %sign3A_1156 = arith.subi %sign3A_1152, %sign3A_1155 : i32
      %sign3A_1157 = arith.constant 0 : i32
      %sign3A_1158 = arith.cmpi sgt, %jit3A_1148, %sign3A_1157 : i32
      %sign3A_1159 = arith.extui %sign3A_1158 : i1 to i32
      %sign3A_1160 = arith.constant 0 : i32
      %sign3A_1161 = arith.cmpi slt, %jit3A_1148, %sign3A_1160 : i32
      %sign3A_1162 = arith.extui %sign3A_1161 : i1 to i32
      %sign3A_1163 = arith.subi %sign3A_1159, %sign3A_1162 : i32
      %ne3A_1164 = arith.cmpi ne, %sign3A_1156, %sign3A_1163 : i32
      %rem3A_1165 = arith.remsi %add3A_1147, %jit3A_1148 : i32
      %ne3A_1166 = arith.constant 0 : i32
      %ne3A_1167 = arith.cmpi ne, %rem3A_1165, %ne3A_1166 : i32
      %and3A_1168 = arith.andi %ne3A_1164, %ne3A_1167 : i1
      %sub3A_1169 = arith.constant 1 : i32
      %sub3A_1170 = arith.subi %div3A_1149, %sub3A_1169 : i32
      %select_n3A_1171 = arith.select %and3A_1168, %sub3A_1170, %div3A_1149 : i32
      %sub3A_1172 = arith.constant 1 : i32
      %sub3A_1173 = arith.subi %select_n3A_1171, %sub3A_1172 : i32
      %mul3A_1174 = arith.constant 2 : i32
      %mul3A_1175 = arith.muli %squeeze3A_1092, %mul3A_1174 : i32
      %add3A_1176 = arith.constant 63 : i32
      %add3A_1177 = arith.addi %mul3A_1175, %add3A_1176 : i32
      %jit3A_1178 = arith.constant 64 : i32
      %div3A_1179 = arith.divsi %add3A_1177, %jit3A_1178 : i32
      %sign3A_1180 = arith.constant 0 : i32
      %sign3A_1181 = arith.cmpi sgt, %add3A_1177, %sign3A_1180 : i32
      %sign3A_1182 = arith.extui %sign3A_1181 : i1 to i32
      %sign3A_1183 = arith.constant 0 : i32
      %sign3A_1184 = arith.cmpi slt, %add3A_1177, %sign3A_1183 : i32
      %sign3A_1185 = arith.extui %sign3A_1184 : i1 to i32
      %sign3A_1186 = arith.subi %sign3A_1182, %sign3A_1185 : i32
      %sign3A_1187 = arith.constant 0 : i32
      %sign3A_1188 = arith.cmpi sgt, %jit3A_1178, %sign3A_1187 : i32
      %sign3A_1189 = arith.extui %sign3A_1188 : i1 to i32
      %sign3A_1190 = arith.constant 0 : i32
      %sign3A_1191 = arith.cmpi slt, %jit3A_1178, %sign3A_1190 : i32
      %sign3A_1192 = arith.extui %sign3A_1191 : i1 to i32
      %sign3A_1193 = arith.subi %sign3A_1189, %sign3A_1192 : i32
      %ne3A_1194 = arith.cmpi ne, %sign3A_1186, %sign3A_1193 : i32
      %rem3A_1195 = arith.remsi %add3A_1177, %jit3A_1178 : i32
      %ne3A_1196 = arith.constant 0 : i32
      %ne3A_1197 = arith.cmpi ne, %rem3A_1195, %ne3A_1196 : i32
      %and3A_1198 = arith.andi %ne3A_1194, %ne3A_1197 : i1
      %sub3A_1199 = arith.constant 1 : i32
      %sub3A_1200 = arith.subi %div3A_1179, %sub3A_1199 : i32
      %select_n3A_1201 = arith.select %and3A_1198, %sub3A_1200, %div3A_1179 : i32
      %sub3A_1202 = arith.constant 1 : i32
      %sub3A_1203 = arith.subi %select_n3A_1201, %sub3A_1202 : i32
      %add3A_1204 = arith.constant 63 : i32
      %add3A_1205 = arith.addi %squeeze3A_1092, %add3A_1204 : i32
      %jit3A_1206 = arith.constant 64 : i32
      %div3A_1207 = arith.divsi %add3A_1205, %jit3A_1206 : i32
      %sign3A_1208 = arith.constant 0 : i32
      %sign3A_1209 = arith.cmpi sgt, %add3A_1205, %sign3A_1208 : i32
      %sign3A_1210 = arith.extui %sign3A_1209 : i1 to i32
      %sign3A_1211 = arith.constant 0 : i32
      %sign3A_1212 = arith.cmpi slt, %add3A_1205, %sign3A_1211 : i32
      %sign3A_1213 = arith.extui %sign3A_1212 : i1 to i32
      %sign3A_1214 = arith.subi %sign3A_1210, %sign3A_1213 : i32
      %sign3A_1215 = arith.constant 0 : i32
      %sign3A_1216 = arith.cmpi sgt, %jit3A_1206, %sign3A_1215 : i32
      %sign3A_1217 = arith.extui %sign3A_1216 : i1 to i32
      %sign3A_1218 = arith.constant 0 : i32
      %sign3A_1219 = arith.cmpi slt, %jit3A_1206, %sign3A_1218 : i32
      %sign3A_1220 = arith.extui %sign3A_1219 : i1 to i32
      %sign3A_1221 = arith.subi %sign3A_1217, %sign3A_1220 : i32
      %ne3A_1222 = arith.cmpi ne, %sign3A_1214, %sign3A_1221 : i32
      %rem3A_1223 = arith.remsi %add3A_1205, %jit3A_1206 : i32
      %ne3A_1224 = arith.constant 0 : i32
      %ne3A_1225 = arith.cmpi ne, %rem3A_1223, %ne3A_1224 : i32
      %and3A_1226 = arith.andi %ne3A_1222, %ne3A_1225 : i1
      %sub3A_1227 = arith.constant 1 : i32
      %sub3A_1228 = arith.subi %div3A_1207, %sub3A_1227 : i32
      %select_n3A_1229 = arith.select %and3A_1226, %sub3A_1228, %div3A_1207 : i32
      %sub3A_1230 = arith.constant 1 : i32
      %sub3A_1231 = arith.subi %select_n3A_1229, %sub3A_1230 : i32
      %max3A_1232 = arith.constant 0 : i32
      %max3A_1233 = arith.maxsi %sub3A_1173, %max3A_1232 : i32
      %max3A_1234 = arith.constant 0 : i32
      %max3A_1235 = arith.maxsi %sub3A_1203, %max3A_1234 : i32
      %scan3A_1236 = arith.constant 0 : i32
      %scan3A_1237 = arith.constant 0 : i32
      %scan3A_1238 = arith.constant 13 : i32
      %scan3A_1239 = arith.addi %scan3A_1237, %scan3A_1238 : i32
      %scan3A_1240 = arith.constant 1 : i32
      scf.for %scan3A_1329 = %scan3A_1237 to %scan3A_1239 step %scan3A_1240  : i32 {
        %add3A_1330 = arith.addi %add3A_1114, %scan3A_1329 : i32
        %ge3A_1331 = arith.constant 0 : i32
        %ge3A_1332 = arith.cmpi sge, %add3A_1330, %ge3A_1331 : i32
        %lt3A_1333 = arith.constant 13 : i32
        %lt3A_1334 = arith.cmpi slt, %add3A_1330, %lt3A_1333 : i32
        %and3A_1335 = arith.andi %ge3A_1332, %lt3A_1334 : i1
        %jit3A_1336 = arith.constant 0 : i32
        %jit3A_1337 = arith.constant 12 : i32
        %max3A_1338 = arith.maxsi %jit3A_1336, %add3A_1330 : i32
        %min3A_1339 = arith.minsi %jit3A_1337, %max3A_1338 : i32
        %broadcast_in_dim3A_1340 = vector.broadcast %min3A_1339 : i32 to vector<16xi32>
        %scan3A_1341 = arith.constant 0 : i32
        %scan3A_1342 = arith.constant 0 : i32
        %scan3A_1343 = arith.constant 13 : i32
        %scan3A_1344 = arith.addi %scan3A_1342, %scan3A_1343 : i32
        %scan3A_1345 = arith.constant 1 : i32
        scf.for %scan3A_1347 = %scan3A_1342 to %scan3A_1344 step %scan3A_1345  : i32 {
          %add3A_1348 = arith.addi %add3A_1103, %scan3A_1347 : i32
          %ge3A_1349 = arith.constant 0 : i32
          %ge3A_1350 = arith.cmpi sge, %add3A_1348, %ge3A_1349 : i32
          %lt3A_1351 = arith.constant 13 : i32
          %lt3A_1352 = arith.cmpi slt, %add3A_1348, %lt3A_1351 : i32
          %and3A_1353 = arith.andi %ge3A_1350, %lt3A_1352 : i1
          %jit3A_1354 = arith.constant 0 : i32
          %jit3A_1355 = arith.constant 12 : i32
          %max3A_1356 = arith.maxsi %jit3A_1354, %add3A_1348 : i32
          %min3A_1357 = arith.minsi %jit3A_1355, %max3A_1356 : i32
          %broadcast_in_dim3A_1358 = vector.broadcast %min3A_1357 : i32 to vector<16xi32>
          %and3A_1359 = arith.andi %and3A_1335, %and3A_1353 : i1
          %jit3A_1360 = arith.constant 1.000000e+00 : f32
          %jit3A_1361 = arith.constant 0.000000e+00 : f32
          %select_n3A_1362 = arith.select %and3A_1359, %jit3A_1360, %jit3A_1361 : f32
          %add3A_1363 = arith.addi %sub3A_1143, %scan3A_1329 : i32
          %mul3A_1364 = arith.constant 64 : i32
          %mul3A_1365 = arith.muli %add3A_1363, %mul3A_1364 : i32
          %add3A_1366 = arith.addi %mul3A_1365, %min3A_1100 : i32
          %add3A_1367 = arith.addi %add3A_1366, %scan3A_1347 : i32
          %mul3A_1368 = arith.constant 64 : i32
          %mul3A_1369 = arith.muli %add3A_1367, %mul3A_1368 : i32
          %add3A_1370 = arith.constant 0 : i32
          %add3A_1371 = arith.addi %sub3A_1094, %add3A_1370 : i32
          %add3A_1372 = vector.broadcast %add3A_1371 : i32 to vector<16xi32>
          %add3A_1373 = arith.addi %add3A_1372, %iota3A : vector<16xi32>
          %sub3A_1374 = arith.constant 57 : i32
          %sub3A_1375 = vector.broadcast %sub3A_1374 : i32 to vector<16xi32>
          %sub3A_1376 = arith.subi %add3A_1373, %sub3A_1375 : vector<16xi32>
          %ge3A_1377 = arith.constant 0 : i32
          %ge3A_1378 = vector.broadcast %ge3A_1377 : i32 to vector<16xi32>
          %ge3A_1379 = arith.cmpi sge, %sub3A_1376, %ge3A_1378 : vector<16xi32>
          %lt3A_1380 = arith.constant 13 : i32
          %lt3A_1381 = vector.broadcast %lt3A_1380 : i32 to vector<16xi32>
          %lt3A_1382 = arith.cmpi slt, %sub3A_1376, %lt3A_1381 : vector<16xi32>
          %and3A_1383 = arith.andi %ge3A_1379, %lt3A_1382 : vector<16xi1>
          %jit3A_1384 = arith.constant 0.000000e+00 : f32
          %broadcast_in_dim3A_1385 = vector.broadcast %select_n3A_1362 : f32 to vector<16xf32>
          %broadcast_in_dim3A_1386 = vector.broadcast %jit3A_1384 : f32 to vector<16xf32>
          %select_n3A_1387 = arith.select %and3A_1383, %broadcast_in_dim3A_1385, %broadcast_in_dim3A_1386 : vector<16xi1>, vector<16xf32>
          %jit3A_1388 = arith.constant 0 : i32
          %jit3A_1389 = arith.constant 12 : i32
          %max3A_1390 = vector.broadcast %jit3A_1388 : i32 to vector<16xi32>
          %max3A_1391 = arith.maxsi %max3A_1390, %sub3A_1376 : vector<16xi32>
          %min3A_1392 = vector.broadcast %jit3A_1389 : i32 to vector<16xi32>
          %min3A_1393 = arith.minsi %min3A_1392, %max3A_1391 : vector<16xi32>
          %mul3A_1394 = arith.constant 13 : i32
          %mul3A_1395 = vector.broadcast %mul3A_1394 : i32 to vector<16xi32>
          %mul3A_1396 = arith.muli %broadcast_in_dim3A_1340, %mul3A_1395 : vector<16xi32>
          %add3A_1397 = arith.addi %mul3A_1396, %broadcast_in_dim3A_1358 : vector<16xi32>
          %mul3A_1398 = arith.constant 16 : i32
          %mul3A_1399 = vector.broadcast %mul3A_1398 : i32 to vector<16xi32>
          %mul3A_1400 = arith.muli %add3A_1397, %mul3A_1399 : vector<16xi32>
          %add3A_1401 = arith.addi %mul3A_1400, %min3A_1393 : vector<16xi32>
          %gather3A = tpu.vector_load_idx %arg12[%add3A_1401] : memref<2704xf32, #tpu.memory_space<vmem>>[vector<16xi32>], vector<16xf32>,
          %mul3A_1402 = arith.mulf %gather3A, %select_n3A_1387 : vector<16xf32>
          %add3A_1403 = arith.constant 0 : i32
          %add3A_1404 = arith.addi %mul3A_1369, %add3A_1403 : i32
          %swap3A = arith.index_cast %add3A_1404 : i32 to index
          %swap3A_1405 = tpu.vector_load %arg15[%swap3A] {strides = array<i32>} : memref<81920xf32, #tpu.memory_space<vmem>>, vector<16xf32>,
          tpu.vector_store %arg15[%swap3A], %mul3A_1402 {strides = array<i32>} : memref<81920xf32, #tpu.memory_space<vmem>>, vector<16xf32>,
          %add3A_1406 = arith.constant 16 : i32
          %add3A_1407 = arith.addi %sub3A_1094, %add3A_1406 : i32
          %add3A_1408 = vector.broadcast %add3A_1407 : i32 to vector<16xi32>
          %add3A_1409 = arith.addi %add3A_1408, %iota3A : vector<16xi32>
          %sub3A_1410 = arith.constant 57 : i32
          %sub3A_1411 = vector.broadcast %sub3A_1410 : i32 to vector<16xi32>
          %sub3A_1412 = arith.subi %add3A_1409, %sub3A_1411 : vector<16xi32>
          %ge3A_1413 = arith.constant 0 : i32
          %ge3A_1414 = vector.broadcast %ge3A_1413 : i32 to vector<16xi32>
          %ge3A_1415 = arith.cmpi sge, %sub3A_1412, %ge3A_1414 : vector<16xi32>
          %lt3A_1416 = arith.constant 13 : i32
          %lt3A_1417 = vector.broadcast %lt3A_1416 : i32 to vector<16xi32>
          %lt3A_1418 = arith.cmpi slt, %sub3A_1412, %lt3A_1417 : vector<16xi32>
          %and3A_1419 = arith.andi %ge3A_1415, %lt3A_1418 : vector<16xi1>
          %jit3A_1420 = arith.constant 0.000000e+00 : f32
          %broadcast_in_dim3A_1421 = vector.broadcast %select_n3A_1362 : f32 to vector<16xf32>
          %broadcast_in_dim3A_1422 = vector.broadcast %jit3A_1420 : f32 to vector<16xf32>
          %select_n3A_1423 = arith.select %and3A_1419, %broadcast_in_dim3A_1421, %broadcast_in_dim3A_1422 : vector<16xi1>, vector<16xf32>
          %jit3A_1424 = arith.constant 0 : i32
          %jit3A_1425 = arith.constant 12 : i32
          %max3A_1426 = vector.broadcast %jit3A_1424 : i32 to vector<16xi32>
          %max3A_1427 = arith.maxsi %max3A_1426, %sub3A_1412 : vector<16xi32>
          %min3A_1428 = vector.broadcast %jit3A_1425 : i32 to vector<16xi32>
          %min3A_1429 = arith.minsi %min3A_1428, %max3A_1427 : vector<16xi32>
          %mul3A_1430 = arith.constant 13 : i32
          %mul3A_1431 = vector.broadcast %mul3A_1430 : i32 to vector<16xi32>
          %mul3A_1432 = arith.muli %broadcast_in_dim3A_1340, %mul3A_1431 : vector<16xi32>
          %add3A_1433 = arith.addi %mul3A_1432, %broadcast_in_dim3A_1358 : vector<16xi32>
          %mul3A_1434 = arith.constant 16 : i32
          %mul3A_1435 = vector.broadcast %mul3A_1434 : i32 to vector<16xi32>
          %mul3A_1436 = arith.muli %add3A_1433, %mul3A_1435 : vector<16xi32>
          %add3A_1437 = arith.addi %mul3A_1436, %min3A_1429 : vector<16xi32>
          %gather3A_1438 = tpu.vector_load_idx %arg12[%add3A_1437] : memref<2704xf32, #tpu.memory_space<vmem>>[vector<16xi32>], vector<16xf32>,
          %mul3A_1439 = arith.mulf %gather3A_1438, %select_n3A_1423 : vector<16xf32>
          %add3A_1440 = arith.constant 16 : i32
          %add3A_1441 = arith.addi %mul3A_1369, %add3A_1440 : i32
          %swap3A_1442 = arith.index_cast %add3A_1441 : i32 to index
          %swap3A_1443 = tpu.vector_load %arg15[%swap3A_1442] {strides = array<i32>} : memref<81920xf32, #tpu.memory_space<vmem>>, vector<16xf32>,
          tpu.vector_store %arg15[%swap3A_1442], %mul3A_1439 {strides = array<i32>} : memref<81920xf32, #tpu.memory_space<vmem>>, vector<16xf32>,
          %add3A_1444 = arith.constant 32 : i32
          %add3A_1445 = arith.addi %sub3A_1094, %add3A_1444 : i32
          %add3A_1446 = vector.broadcast %add3A_1445 : i32 to vector<16xi32>
          %add3A_1447 = arith.addi %add3A_1446, %iota3A : vector<16xi32>
          %sub3A_1448 = arith.constant 57 : i32
          %sub3A_1449 = vector.broadcast %sub3A_1448 : i32 to vector<16xi32>
          %sub3A_1450 = arith.subi %add3A_1447, %sub3A_1449 : vector<16xi32>
          %ge3A_1451 = arith.constant 0 : i32
          %ge3A_1452 = vector.broadcast %ge3A_1451 : i32 to vector<16xi32>
          %ge3A_1453 = arith.cmpi sge, %sub3A_1450, %ge3A_1452 : vector<16xi32>
          %lt3A_1454 = arith.constant 13 : i32
          %lt3A_1455 = vector.broadcast %lt3A_1454 : i32 to vector<16xi32>
          %lt3A_1456 = arith.cmpi slt, %sub3A_1450, %lt3A_1455 : vector<16xi32>
          %and3A_1457 = arith.andi %ge3A_1453, %lt3A_1456 : vector<16xi1>
          %jit3A_1458 = arith.constant 0.000000e+00 : f32
          %broadcast_in_dim3A_1459 = vector.broadcast %select_n3A_1362 : f32 to vector<16xf32>
          %broadcast_in_dim3A_1460 = vector.broadcast %jit3A_1458 : f32 to vector<16xf32>
          %select_n3A_1461 = arith.select %and3A_1457, %broadcast_in_dim3A_1459, %broadcast_in_dim3A_1460 : vector<16xi1>, vector<16xf32>
          %jit3A_1462 = arith.constant 0 : i32
          %jit3A_1463 = arith.constant 12 : i32
          %max3A_1464 = vector.broadcast %jit3A_1462 : i32 to vector<16xi32>
          %max3A_1465 = arith.maxsi %max3A_1464, %sub3A_1450 : vector<16xi32>
          %min3A_1466 = vector.broadcast %jit3A_1463 : i32 to vector<16xi32>
          %min3A_1467 = arith.minsi %min3A_1466, %max3A_1465 : vector<16xi32>
          %mul3A_1468 = arith.constant 13 : i32
          %mul3A_1469 = vector.broadcast %mul3A_1468 : i32 to vector<16xi32>
          %mul3A_1470 = arith.muli %broadcast_in_dim3A_1340, %mul3A_1469 : vector<16xi32>
          %add3A_1471 = arith.addi %mul3A_1470, %broadcast_in_dim3A_1358 : vector<16xi32>
          %mul3A_1472 = arith.constant 16 : i32
          %mul3A_1473 = vector.broadcast %mul3A_1472 : i32 to vector<16xi32>
          %mul3A_1474 = arith.muli %add3A_1471, %mul3A_1473 : vector<16xi32>
          %add3A_1475 = arith.addi %mul3A_1474, %min3A_1467 : vector<16xi32>
          %gather3A_1476 = tpu.vector_load_idx %arg12[%add3A_1475] : memref<2704xf32, #tpu.memory_space<vmem>>[vector<16xi32>], vector<16xf32>,
          %mul3A_1477 = arith.mulf %gather3A_1476, %select_n3A_1461 : vector<16xf32>
          %add3A_1478 = arith.constant 32 : i32
          %add3A_1479 = arith.addi %mul3A_1369, %add3A_1478 : i32
          %swap3A_1480 = arith.index_cast %add3A_1479 : i32 to index
          %swap3A_1481 = tpu.vector_load %arg15[%swap3A_1480] {strides = array<i32>} : memref<81920xf32, #tpu.memory_space<vmem>>, vector<16xf32>,
          tpu.vector_store %arg15[%swap3A_1480], %mul3A_1477 {strides = array<i32>} : memref<81920xf32, #tpu.memory_space<vmem>>, vector<16xf32>,
          %add3A_1482 = arith.constant 48 : i32
          %add3A_1483 = arith.addi %sub3A_1094, %add3A_1482 : i32
          %add3A_1484 = vector.broadcast %add3A_1483 : i32 to vector<16xi32>
          %add3A_1485 = arith.addi %add3A_1484, %iota3A : vector<16xi32>
          %sub3A_1486 = arith.constant 57 : i32
          %sub3A_1487 = vector.broadcast %sub3A_1486 : i32 to vector<16xi32>
          %sub3A_1488 = arith.subi %add3A_1485, %sub3A_1487 : vector<16xi32>
          %ge3A_1489 = arith.constant 0 : i32
          %ge3A_1490 = vector.broadcast %ge3A_1489 : i32 to vector<16xi32>
          %ge3A_1491 = arith.cmpi sge, %sub3A_1488, %ge3A_1490 : vector<16xi32>
          %lt3A_1492 = arith.constant 13 : i32
          %lt3A_1493 = vector.broadcast %lt3A_1492 : i32 to vector<16xi32>
          %lt3A_1494 = arith.cmpi slt, %sub3A_1488, %lt3A_1493 : vector<16xi32>
          %and3A_1495 = arith.andi %ge3A_1491, %lt3A_1494 : vector<16xi1>
          %jit3A_1496 = arith.constant 0.000000e+00 : f32
          %broadcast_in_dim3A_1497 = vector.broadcast %select_n3A_1362 : f32 to vector<16xf32>
          %broadcast_in_dim3A_1498 = vector.broadcast %jit3A_1496 : f32 to vector<16xf32>
          %select_n3A_1499 = arith.select %and3A_1495, %broadcast_in_dim3A_1497, %broadcast_in_dim3A_1498 : vector<16xi1>, vector<16xf32>
          %jit3A_1500 = arith.constant 0 : i32
          %jit3A_1501 = arith.constant 12 : i32
          %max3A_1502 = vector.broadcast %jit3A_1500 : i32 to vector<16xi32>
          %max3A_1503 = arith.maxsi %max3A_1502, %sub3A_1488 : vector<16xi32>
          %min3A_1504 = vector.broadcast %jit3A_1501 : i32 to vector<16xi32>
          %min3A_1505 = arith.minsi %min3A_1504, %max3A_1503 : vector<16xi32>
          %mul3A_1506 = arith.constant 13 : i32
          %mul3A_1507 = vector.broadcast %mul3A_1506 : i32 to vector<16xi32>
          %mul3A_1508 = arith.muli %broadcast_in_dim3A_1340, %mul3A_1507 : vector<16xi32>
          %add3A_1509 = arith.addi %mul3A_1508, %broadcast_in_dim3A_1358 : vector<16xi32>
          %mul3A_1510 = arith.constant 16 : i32
          %mul3A_1511 = vector.broadcast %mul3A_1510 : i32 to vector<16xi32>
          %mul3A_1512 = arith.muli %add3A_1509, %mul3A_1511 : vector<16xi32>
          %add3A_1513 = arith.addi %mul3A_1512, %min3A_1505 : vector<16xi32>
          %gather3A_1514 = tpu.vector_load_idx %arg12[%add3A_1513] : memref<2704xf32, #tpu.memory_space<vmem>>[vector<16xi32>], vector<16xf32>,
          %mul3A_1515 = arith.mulf %gather3A_1514, %select_n3A_1499 : vector<16xf32>
          %add3A_1516 = arith.constant 48 : i32
          %add3A_1517 = arith.addi %mul3A_1369, %add3A_1516 : i32
          %swap3A_1518 = arith.index_cast %add3A_1517 : i32 to index
          %swap3A_1519 = tpu.vector_load %arg15[%swap3A_1518] {strides = array<i32>} : memref<81920xf32, #tpu.memory_space<vmem>>, vector<16xf32>,
          tpu.vector_store %arg15[%swap3A_1518], %mul3A_1515 {strides = array<i32>} : memref<81920xf32, #tpu.memory_space<vmem>>, vector<16xf32>,
        }
        %scan3A_1346 = arith.constant 13 : i32
      }
      %scan3A_1241 = arith.constant 13 : i32
      %ge3A_1242 = arith.constant 0 : i32
      %ge3A_1243 = arith.cmpi sge, %sub3A_1173, %ge3A_1242 : i32
      %convert_element_type3A_1244 = arith.extui %ge3A_1243 : i1 to i32
      %convert_element_type3A_1245 = arith.sitofp %convert_element_type3A_1244 : i32 to f32
      %ge3A_1246 = arith.constant 0 : i32
      %ge3A_1247 = arith.cmpi sge, %sub3A_1203, %ge3A_1246 : i32
      %convert_element_type3A_1248 = arith.extui %ge3A_1247 : i1 to i32
      %convert_element_type3A_1249 = arith.sitofp %convert_element_type3A_1248 : i32 to f32
      %ge3A_1250 = arith.constant 0 : i32
      %ge3A_1251 = arith.cmpi sge, %sub3A_1231, %ge3A_1250 : i32
      %convert_element_type3A_1252 = arith.extui %ge3A_1251 : i1 to i32
      %convert_element_type3A_1253 = arith.sitofp %convert_element_type3A_1252 : i32 to f32
      %scan3A_1254 = arith.constant 0 : i32
      %scan3A_1255 = arith.constant 0 : i32
      %scan3A_1256 = arith.constant 13 : i32
      %scan3A_1257 = arith.addi %scan3A_1255, %scan3A_1256 : i32
      %scan3A_1258 = arith.constant 1 : i32
      scf.for %scan3A_1329 = %scan3A_1255 to %scan3A_1257 step %scan3A_1258  : i32 {
        %add3A_1330 = arith.addi %add3A_1103, %scan3A_1329 : i32
        %ge3A_1331 = arith.constant 0 : i32
        %ge3A_1332 = arith.cmpi sge, %add3A_1330, %ge3A_1331 : i32
        %lt3A_1333 = arith.constant 13 : i32
        %lt3A_1334 = arith.cmpi slt, %add3A_1330, %lt3A_1333 : i32
        %and3A_1335 = arith.andi %ge3A_1332, %lt3A_1334 : i1
        %jit3A_1336 = arith.constant 0 : i32
        %jit3A_1337 = arith.constant 12 : i32
        %max3A_1338 = arith.maxsi %jit3A_1336, %add3A_1330 : i32
        %min3A_1339 = arith.minsi %jit3A_1337, %max3A_1338 : i32
        %broadcast_in_dim3A_1340 = vector.broadcast %min3A_1339 : i32 to vector<16xi32>
        %jit3A_1341 = arith.constant 1.000000e+00 : f32
        %jit3A_1342 = arith.constant 0.000000e+00 : f32
        %select_n3A_1343 = arith.select %and3A_1335, %jit3A_1341, %jit3A_1342 : f32
        %broadcast_in_dim3A_1344 = arith.constant 0 : i32
        %broadcast_in_dim3A_1345 = vector.broadcast %broadcast_in_dim3A_1344 : i32 to vector<16xi32>
        %mul3A_1346 = arith.mulf %select_n3A_1343, %convert_element_type3A_1253 : f32
        %add3A_1347 = arith.constant 0 : i32
        %add3A_1348 = arith.addi %add3A_1347, %min3A_1100 : i32
        %add3A_1349 = arith.addi %add3A_1348, %scan3A_1329 : i32
        %mul3A_1350 = arith.constant 64 : i32
        %mul3A_1351 = arith.muli %add3A_1349, %mul3A_1350 : i32
        %add3A_1352 = arith.constant 0 : i32
        %add3A_1353 = arith.addi %sub3A_1094, %add3A_1352 : i32
        %add3A_1354 = vector.broadcast %add3A_1353 : i32 to vector<16xi32>
        %add3A_1355 = arith.addi %add3A_1354, %iota3A : vector<16xi32>
        %sub3A_1356 = arith.constant 57 : i32
        %sub3A_1357 = vector.broadcast %sub3A_1356 : i32 to vector<16xi32>
        %sub3A_1358 = arith.subi %add3A_1355, %sub3A_1357 : vector<16xi32>
        %ge3A_1359 = arith.constant 0 : i32
        %ge3A_1360 = vector.broadcast %ge3A_1359 : i32 to vector<16xi32>
        %ge3A_1361 = arith.cmpi sge, %sub3A_1358, %ge3A_1360 : vector<16xi32>
        %lt3A_1362 = arith.constant 13 : i32
        %lt3A_1363 = vector.broadcast %lt3A_1362 : i32 to vector<16xi32>
        %lt3A_1364 = arith.cmpi slt, %sub3A_1358, %lt3A_1363 : vector<16xi32>
        %and3A_1365 = arith.andi %ge3A_1361, %lt3A_1364 : vector<16xi1>
        %jit3A_1366 = arith.constant 0.000000e+00 : f32
        %broadcast_in_dim3A_1367 = vector.broadcast %mul3A_1346 : f32 to vector<16xf32>
        %broadcast_in_dim3A_1368 = vector.broadcast %jit3A_1366 : f32 to vector<16xf32>
        %select_n3A_1369 = arith.select %and3A_1365, %broadcast_in_dim3A_1367, %broadcast_in_dim3A_1368 : vector<16xi1>, vector<16xf32>
        %jit3A_1370 = arith.constant 0 : i32
        %jit3A_1371 = arith.constant 12 : i32
        %max3A_1372 = vector.broadcast %jit3A_1370 : i32 to vector<16xi32>
        %max3A_1373 = arith.maxsi %max3A_1372, %sub3A_1358 : vector<16xi32>
        %min3A_1374 = vector.broadcast %jit3A_1371 : i32 to vector<16xi32>
        %min3A_1375 = arith.minsi %min3A_1374, %max3A_1373 : vector<16xi32>
        %mul3A_1376 = arith.constant 13 : i32
        %mul3A_1377 = vector.broadcast %mul3A_1376 : i32 to vector<16xi32>
        %mul3A_1378 = arith.muli %broadcast_in_dim3A_1345, %mul3A_1377 : vector<16xi32>
        %add3A_1379 = arith.addi %mul3A_1378, %broadcast_in_dim3A_1340 : vector<16xi32>
        %mul3A_1380 = arith.constant 16 : i32
        %mul3A_1381 = vector.broadcast %mul3A_1380 : i32 to vector<16xi32>
        %mul3A_1382 = arith.muli %add3A_1379, %mul3A_1381 : vector<16xi32>
        %add3A_1383 = arith.addi %mul3A_1382, %min3A_1375 : vector<16xi32>
        %gather3A = tpu.vector_load_idx %arg11[%add3A_1383] : memref<624xf32, #tpu.memory_space<vmem>>[vector<16xi32>], vector<16xf32>,
        %mul3A_1384 = arith.mulf %gather3A, %select_n3A_1369 : vector<16xf32>
        %add3A_1385 = arith.constant 0 : i32
        %add3A_1386 = arith.addi %mul3A_1351, %add3A_1385 : i32
        %swap3A = arith.index_cast %add3A_1386 : i32 to index
        %swap3A_1387 = tpu.vector_load %arg14[%swap3A] {strides = array<i32>} : memref<12288xf32, #tpu.memory_space<vmem>>, vector<16xf32>,
        tpu.vector_store %arg14[%swap3A], %mul3A_1384 {strides = array<i32>} : memref<12288xf32, #tpu.memory_space<vmem>>, vector<16xf32>,
        %add3A_1388 = arith.constant 16 : i32
        %add3A_1389 = arith.addi %sub3A_1094, %add3A_1388 : i32
        %add3A_1390 = vector.broadcast %add3A_1389 : i32 to vector<16xi32>
        %add3A_1391 = arith.addi %add3A_1390, %iota3A : vector<16xi32>
        %sub3A_1392 = arith.constant 57 : i32
        %sub3A_1393 = vector.broadcast %sub3A_1392 : i32 to vector<16xi32>
        %sub3A_1394 = arith.subi %add3A_1391, %sub3A_1393 : vector<16xi32>
        %ge3A_1395 = arith.constant 0 : i32
        %ge3A_1396 = vector.broadcast %ge3A_1395 : i32 to vector<16xi32>
        %ge3A_1397 = arith.cmpi sge, %sub3A_1394, %ge3A_1396 : vector<16xi32>
        %lt3A_1398 = arith.constant 13 : i32
        %lt3A_1399 = vector.broadcast %lt3A_1398 : i32 to vector<16xi32>
        %lt3A_1400 = arith.cmpi slt, %sub3A_1394, %lt3A_1399 : vector<16xi32>
        %and3A_1401 = arith.andi %ge3A_1397, %lt3A_1400 : vector<16xi1>
        %jit3A_1402 = arith.constant 0.000000e+00 : f32
        %broadcast_in_dim3A_1403 = vector.broadcast %mul3A_1346 : f32 to vector<16xf32>
        %broadcast_in_dim3A_1404 = vector.broadcast %jit3A_1402 : f32 to vector<16xf32>
        %select_n3A_1405 = arith.select %and3A_1401, %broadcast_in_dim3A_1403, %broadcast_in_dim3A_1404 : vector<16xi1>, vector<16xf32>
        %jit3A_1406 = arith.constant 0 : i32
        %jit3A_1407 = arith.constant 12 : i32
        %max3A_1408 = vector.broadcast %jit3A_1406 : i32 to vector<16xi32>
        %max3A_1409 = arith.maxsi %max3A_1408, %sub3A_1394 : vector<16xi32>
        %min3A_1410 = vector.broadcast %jit3A_1407 : i32 to vector<16xi32>
        %min3A_1411 = arith.minsi %min3A_1410, %max3A_1409 : vector<16xi32>
        %mul3A_1412 = arith.constant 13 : i32
        %mul3A_1413 = vector.broadcast %mul3A_1412 : i32 to vector<16xi32>
        %mul3A_1414 = arith.muli %broadcast_in_dim3A_1345, %mul3A_1413 : vector<16xi32>
        %add3A_1415 = arith.addi %mul3A_1414, %broadcast_in_dim3A_1340 : vector<16xi32>
        %mul3A_1416 = arith.constant 16 : i32
        %mul3A_1417 = vector.broadcast %mul3A_1416 : i32 to vector<16xi32>
        %mul3A_1418 = arith.muli %add3A_1415, %mul3A_1417 : vector<16xi32>
        %add3A_1419 = arith.addi %mul3A_1418, %min3A_1411 : vector<16xi32>
        %gather3A_1420 = tpu.vector_load_idx %arg11[%add3A_1419] : memref<624xf32, #tpu.memory_space<vmem>>[vector<16xi32>], vector<16xf32>,
        %mul3A_1421 = arith.mulf %gather3A_1420, %select_n3A_1405 : vector<16xf32>
        %add3A_1422 = arith.constant 16 : i32
        %add3A_1423 = arith.addi %mul3A_1351, %add3A_1422 : i32
        %swap3A_1424 = arith.index_cast %add3A_1423 : i32 to index
        %swap3A_1425 = tpu.vector_load %arg14[%swap3A_1424] {strides = array<i32>} : memref<12288xf32, #tpu.memory_space<vmem>>, vector<16xf32>,
        tpu.vector_store %arg14[%swap3A_1424], %mul3A_1421 {strides = array<i32>} : memref<12288xf32, #tpu.memory_space<vmem>>, vector<16xf32>,
        %add3A_1426 = arith.constant 32 : i32
        %add3A_1427 = arith.addi %sub3A_1094, %add3A_1426 : i32
        %add3A_1428 = vector.broadcast %add3A_1427 : i32 to vector<16xi32>
        %add3A_1429 = arith.addi %add3A_1428, %iota3A : vector<16xi32>
        %sub3A_1430 = arith.constant 57 : i32
        %sub3A_1431 = vector.broadcast %sub3A_1430 : i32 to vector<16xi32>
        %sub3A_1432 = arith.subi %add3A_1429, %sub3A_1431 : vector<16xi32>
        %ge3A_1433 = arith.constant 0 : i32
        %ge3A_1434 = vector.broadcast %ge3A_1433 : i32 to vector<16xi32>
        %ge3A_1435 = arith.cmpi sge, %sub3A_1432, %ge3A_1434 : vector<16xi32>
        %lt3A_1436 = arith.constant 13 : i32
        %lt3A_1437 = vector.broadcast %lt3A_1436 : i32 to vector<16xi32>
        %lt3A_1438 = arith.cmpi slt, %sub3A_1432, %lt3A_1437 : vector<16xi32>
        %and3A_1439 = arith.andi %ge3A_1435, %lt3A_1438 : vector<16xi1>
        %jit3A_1440 = arith.constant 0.000000e+00 : f32
        %broadcast_in_dim3A_1441 = vector.broadcast %mul3A_1346 : f32 to vector<16xf32>
        %broadcast_in_dim3A_1442 = vector.broadcast %jit3A_1440 : f32 to vector<16xf32>
        %select_n3A_1443 = arith.select %and3A_1439, %broadcast_in_dim3A_1441, %broadcast_in_dim3A_1442 : vector<16xi1>, vector<16xf32>
        %jit3A_1444 = arith.constant 0 : i32
        %jit3A_1445 = arith.constant 12 : i32
        %max3A_1446 = vector.broadcast %jit3A_1444 : i32 to vector<16xi32>
        %max3A_1447 = arith.maxsi %max3A_1446, %sub3A_1432 : vector<16xi32>
        %min3A_1448 = vector.broadcast %jit3A_1445 : i32 to vector<16xi32>
        %min3A_1449 = arith.minsi %min3A_1448, %max3A_1447 : vector<16xi32>
        %mul3A_1450 = arith.constant 13 : i32
        %mul3A_1451 = vector.broadcast %mul3A_1450 : i32 to vector<16xi32>
        %mul3A_1452 = arith.muli %broadcast_in_dim3A_1345, %mul3A_1451 : vector<16xi32>
        %add3A_1453 = arith.addi %mul3A_1452, %broadcast_in_dim3A_1340 : vector<16xi32>
        %mul3A_1454 = arith.constant 16 : i32
        %mul3A_1455 = vector.broadcast %mul3A_1454 : i32 to vector<16xi32>
        %mul3A_1456 = arith.muli %add3A_1453, %mul3A_1455 : vector<16xi32>
        %add3A_1457 = arith.addi %mul3A_1456, %min3A_1449 : vector<16xi32>
        %gather3A_1458 = tpu.vector_load_idx %arg11[%add3A_1457] : memref<624xf32, #tpu.memory_space<vmem>>[vector<16xi32>], vector<16xf32>,
        %mul3A_1459 = arith.mulf %gather3A_1458, %select_n3A_1443 : vector<16xf32>
        %add3A_1460 = arith.constant 32 : i32
        %add3A_1461 = arith.addi %mul3A_1351, %add3A_1460 : i32
        %swap3A_1462 = arith.index_cast %add3A_1461 : i32 to index
        %swap3A_1463 = tpu.vector_load %arg14[%swap3A_1462] {strides = array<i32>} : memref<12288xf32, #tpu.memory_space<vmem>>, vector<16xf32>,
        tpu.vector_store %arg14[%swap3A_1462], %mul3A_1459 {strides = array<i32>} : memref<12288xf32, #tpu.memory_space<vmem>>, vector<16xf32>,
        %add3A_1464 = arith.constant 48 : i32
        %add3A_1465 = arith.addi %sub3A_1094, %add3A_1464 : i32
        %add3A_1466 = vector.broadcast %add3A_1465 : i32 to vector<16xi32>
        %add3A_1467 = arith.addi %add3A_1466, %iota3A : vector<16xi32>
        %sub3A_1468 = arith.constant 57 : i32
        %sub3A_1469 = vector.broadcast %sub3A_1468 : i32 to vector<16xi32>
        %sub3A_1470 = arith.subi %add3A_1467, %sub3A_1469 : vector<16xi32>
        %ge3A_1471 = arith.constant 0 : i32
        %ge3A_1472 = vector.broadcast %ge3A_1471 : i32 to vector<16xi32>
        %ge3A_1473 = arith.cmpi sge, %sub3A_1470, %ge3A_1472 : vector<16xi32>
        %lt3A_1474 = arith.constant 13 : i32
        %lt3A_1475 = vector.broadcast %lt3A_1474 : i32 to vector<16xi32>
        %lt3A_1476 = arith.cmpi slt, %sub3A_1470, %lt3A_1475 : vector<16xi32>
        %and3A_1477 = arith.andi %ge3A_1473, %lt3A_1476 : vector<16xi1>
        %jit3A_1478 = arith.constant 0.000000e+00 : f32
        %broadcast_in_dim3A_1479 = vector.broadcast %mul3A_1346 : f32 to vector<16xf32>
        %broadcast_in_dim3A_1480 = vector.broadcast %jit3A_1478 : f32 to vector<16xf32>
        %select_n3A_1481 = arith.select %and3A_1477, %broadcast_in_dim3A_1479, %broadcast_in_dim3A_1480 : vector<16xi1>, vector<16xf32>
        %jit3A_1482 = arith.constant 0 : i32
        %jit3A_1483 = arith.constant 12 : i32
        %max3A_1484 = vector.broadcast %jit3A_1482 : i32 to vector<16xi32>
        %max3A_1485 = arith.maxsi %max3A_1484, %sub3A_1470 : vector<16xi32>
        %min3A_1486 = vector.broadcast %jit3A_1483 : i32 to vector<16xi32>
        %min3A_1487 = arith.minsi %min3A_1486, %max3A_1485 : vector<16xi32>
        %mul3A_1488 = arith.constant 13 : i32
        %mul3A_1489 = vector.broadcast %mul3A_1488 : i32 to vector<16xi32>
        %mul3A_1490 = arith.muli %broadcast_in_dim3A_1345, %mul3A_1489 : vector<16xi32>
        %add3A_1491 = arith.addi %mul3A_1490, %broadcast_in_dim3A_1340 : vector<16xi32>
        %mul3A_1492 = arith.constant 16 : i32
        %mul3A_1493 = vector.broadcast %mul3A_1492 : i32 to vector<16xi32>
        %mul3A_1494 = arith.muli %add3A_1491, %mul3A_1493 : vector<16xi32>
        %add3A_1495 = arith.addi %mul3A_1494, %min3A_1487 : vector<16xi32>
        %gather3A_1496 = tpu.vector_load_idx %arg11[%add3A_1495] : memref<624xf32, #tpu.memory_space<vmem>>[vector<16xi32>], vector<16xf32>,
        %mul3A_1497 = arith.mulf %gather3A_1496, %select_n3A_1481 : vector<16xf32>
        %add3A_1498 = arith.constant 48 : i32
        %add3A_1499 = arith.addi %mul3A_1351, %add3A_1498 : i32
        %swap3A_1500 = arith.index_cast %add3A_1499 : i32 to index
        %swap3A_1501 = tpu.vector_load %arg14[%swap3A_1500] {strides = array<i32>} : memref<12288xf32, #tpu.memory_space<vmem>>, vector<16xf32>,
        tpu.vector_store %arg14[%swap3A_1500], %mul3A_1497 {strides = array<i32>} : memref<12288xf32, #tpu.memory_space<vmem>>, vector<16xf32>,
        %broadcast_in_dim3A_1502 = arith.constant 1 : i32
        %broadcast_in_dim3A_1503 = vector.broadcast %broadcast_in_dim3A_1502 : i32 to vector<16xi32>
        %mul3A_1504 = arith.mulf %select_n3A_1343, %convert_element_type3A_1249 : f32
        %add3A_1505 = arith.constant 64 : i32
        %add3A_1506 = arith.addi %add3A_1505, %min3A_1100 : i32
        %add3A_1507 = arith.addi %add3A_1506, %scan3A_1329 : i32
        %mul3A_1508 = arith.constant 64 : i32
        %mul3A_1509 = arith.muli %add3A_1507, %mul3A_1508 : i32
        %add3A_1510 = arith.constant 0 : i32
        %add3A_1511 = arith.addi %sub3A_1094, %add3A_1510 : i32
        %add3A_1512 = vector.broadcast %add3A_1511 : i32 to vector<16xi32>
        %add3A_1513 = arith.addi %add3A_1512, %iota3A : vector<16xi32>
        %sub3A_1514 = arith.constant 57 : i32
        %sub3A_1515 = vector.broadcast %sub3A_1514 : i32 to vector<16xi32>
        %sub3A_1516 = arith.subi %add3A_1513, %sub3A_1515 : vector<16xi32>
        %ge3A_1517 = arith.constant 0 : i32
        %ge3A_1518 = vector.broadcast %ge3A_1517 : i32 to vector<16xi32>
        %ge3A_1519 = arith.cmpi sge, %sub3A_1516, %ge3A_1518 : vector<16xi32>
        %lt3A_1520 = arith.constant 13 : i32
        %lt3A_1521 = vector.broadcast %lt3A_1520 : i32 to vector<16xi32>
        %lt3A_1522 = arith.cmpi slt, %sub3A_1516, %lt3A_1521 : vector<16xi32>
        %and3A_1523 = arith.andi %ge3A_1519, %lt3A_1522 : vector<16xi1>
        %jit3A_1524 = arith.constant 0.000000e+00 : f32
        %broadcast_in_dim3A_1525 = vector.broadcast %mul3A_1504 : f32 to vector<16xf32>
        %broadcast_in_dim3A_1526 = vector.broadcast %jit3A_1524 : f32 to vector<16xf32>
        %select_n3A_1527 = arith.select %and3A_1523, %broadcast_in_dim3A_1525, %broadcast_in_dim3A_1526 : vector<16xi1>, vector<16xf32>
        %jit3A_1528 = arith.constant 0 : i32
        %jit3A_1529 = arith.constant 12 : i32
        %max3A_1530 = vector.broadcast %jit3A_1528 : i32 to vector<16xi32>
        %max3A_1531 = arith.maxsi %max3A_1530, %sub3A_1516 : vector<16xi32>
        %min3A_1532 = vector.broadcast %jit3A_1529 : i32 to vector<16xi32>
        %min3A_1533 = arith.minsi %min3A_1532, %max3A_1531 : vector<16xi32>
        %mul3A_1534 = arith.constant 13 : i32
        %mul3A_1535 = vector.broadcast %mul3A_1534 : i32 to vector<16xi32>
        %mul3A_1536 = arith.muli %broadcast_in_dim3A_1503, %mul3A_1535 : vector<16xi32>
        %add3A_1537 = arith.addi %mul3A_1536, %broadcast_in_dim3A_1340 : vector<16xi32>
        %mul3A_1538 = arith.constant 16 : i32
        %mul3A_1539 = vector.broadcast %mul3A_1538 : i32 to vector<16xi32>
        %mul3A_1540 = arith.muli %add3A_1537, %mul3A_1539 : vector<16xi32>
        %add3A_1541 = arith.addi %mul3A_1540, %min3A_1533 : vector<16xi32>
        %gather3A_1542 = tpu.vector_load_idx %arg11[%add3A_1541] : memref<624xf32, #tpu.memory_space<vmem>>[vector<16xi32>], vector<16xf32>,
        %mul3A_1543 = arith.mulf %gather3A_1542, %select_n3A_1527 : vector<16xf32>
        %add3A_1544 = arith.constant 0 : i32
        %add3A_1545 = arith.addi %mul3A_1509, %add3A_1544 : i32
        %swap3A_1546 = arith.index_cast %add3A_1545 : i32 to index
        %swap3A_1547 = tpu.vector_load %arg14[%swap3A_1546] {strides = array<i32>} : memref<12288xf32, #tpu.memory_space<vmem>>, vector<16xf32>,
        tpu.vector_store %arg14[%swap3A_1546], %mul3A_1543 {strides = array<i32>} : memref<12288xf32, #tpu.memory_space<vmem>>, vector<16xf32>,
        %add3A_1548 = arith.constant 16 : i32
        %add3A_1549 = arith.addi %sub3A_1094, %add3A_1548 : i32
        %add3A_1550 = vector.broadcast %add3A_1549 : i32 to vector<16xi32>
        %add3A_1551 = arith.addi %add3A_1550, %iota3A : vector<16xi32>
        %sub3A_1552 = arith.constant 57 : i32
        %sub3A_1553 = vector.broadcast %sub3A_1552 : i32 to vector<16xi32>
        %sub3A_1554 = arith.subi %add3A_1551, %sub3A_1553 : vector<16xi32>
        %ge3A_1555 = arith.constant 0 : i32
        %ge3A_1556 = vector.broadcast %ge3A_1555 : i32 to vector<16xi32>
        %ge3A_1557 = arith.cmpi sge, %sub3A_1554, %ge3A_1556 : vector<16xi32>
        %lt3A_1558 = arith.constant 13 : i32
        %lt3A_1559 = vector.broadcast %lt3A_1558 : i32 to vector<16xi32>
        %lt3A_1560 = arith.cmpi slt, %sub3A_1554, %lt3A_1559 : vector<16xi32>
        %and3A_1561 = arith.andi %ge3A_1557, %lt3A_1560 : vector<16xi1>
        %jit3A_1562 = arith.constant 0.000000e+00 : f32
        %broadcast_in_dim3A_1563 = vector.broadcast %mul3A_1504 : f32 to vector<16xf32>
        %broadcast_in_dim3A_1564 = vector.broadcast %jit3A_1562 : f32 to vector<16xf32>
        %select_n3A_1565 = arith.select %and3A_1561, %broadcast_in_dim3A_1563, %broadcast_in_dim3A_1564 : vector<16xi1>, vector<16xf32>
        %jit3A_1566 = arith.constant 0 : i32
        %jit3A_1567 = arith.constant 12 : i32
        %max3A_1568 = vector.broadcast %jit3A_1566 : i32 to vector<16xi32>
        %max3A_1569 = arith.maxsi %max3A_1568, %sub3A_1554 : vector<16xi32>
        %min3A_1570 = vector.broadcast %jit3A_1567 : i32 to vector<16xi32>
        %min3A_1571 = arith.minsi %min3A_1570, %max3A_1569 : vector<16xi32>
        %mul3A_1572 = arith.constant 13 : i32
        %mul3A_1573 = vector.broadcast %mul3A_1572 : i32 to vector<16xi32>
        %mul3A_1574 = arith.muli %broadcast_in_dim3A_1503, %mul3A_1573 : vector<16xi32>
        %add3A_1575 = arith.addi %mul3A_1574, %broadcast_in_dim3A_1340 : vector<16xi32>
        %mul3A_1576 = arith.constant 16 : i32
        %mul3A_1577 = vector.broadcast %mul3A_1576 : i32 to vector<16xi32>
        %mul3A_1578 = arith.muli %add3A_1575, %mul3A_1577 : vector<16xi32>
        %add3A_1579 = arith.addi %mul3A_1578, %min3A_1571 : vector<16xi32>
        %gather3A_1580 = tpu.vector_load_idx %arg11[%add3A_1579] : memref<624xf32, #tpu.memory_space<vmem>>[vector<16xi32>], vector<16xf32>,
        %mul3A_1581 = arith.mulf %gather3A_1580, %select_n3A_1565 : vector<16xf32>
        %add3A_1582 = arith.constant 16 : i32
        %add3A_1583 = arith.addi %mul3A_1509, %add3A_1582 : i32
        %swap3A_1584 = arith.index_cast %add3A_1583 : i32 to index
        %swap3A_1585 = tpu.vector_load %arg14[%swap3A_1584] {strides = array<i32>} : memref<12288xf32, #tpu.memory_space<vmem>>, vector<16xf32>,
        tpu.vector_store %arg14[%swap3A_1584], %mul3A_1581 {strides = array<i32>} : memref<12288xf32, #tpu.memory_space<vmem>>, vector<16xf32>,
        %add3A_1586 = arith.constant 32 : i32
        %add3A_1587 = arith.addi %sub3A_1094, %add3A_1586 : i32
        %add3A_1588 = vector.broadcast %add3A_1587 : i32 to vector<16xi32>
        %add3A_1589 = arith.addi %add3A_1588, %iota3A : vector<16xi32>
        %sub3A_1590 = arith.constant 57 : i32
        %sub3A_1591 = vector.broadcast %sub3A_1590 : i32 to vector<16xi32>
        %sub3A_1592 = arith.subi %add3A_1589, %sub3A_1591 : vector<16xi32>
        %ge3A_1593 = arith.constant 0 : i32
        %ge3A_1594 = vector.broadcast %ge3A_1593 : i32 to vector<16xi32>
        %ge3A_1595 = arith.cmpi sge, %sub3A_1592, %ge3A_1594 : vector<16xi32>
        %lt3A_1596 = arith.constant 13 : i32
        %lt3A_1597 = vector.broadcast %lt3A_1596 : i32 to vector<16xi32>
        %lt3A_1598 = arith.cmpi slt, %sub3A_1592, %lt3A_1597 : vector<16xi32>
        %and3A_1599 = arith.andi %ge3A_1595, %lt3A_1598 : vector<16xi1>
        %jit3A_1600 = arith.constant 0.000000e+00 : f32
        %broadcast_in_dim3A_1601 = vector.broadcast %mul3A_1504 : f32 to vector<16xf32>
        %broadcast_in_dim3A_1602 = vector.broadcast %jit3A_1600 : f32 to vector<16xf32>
        %select_n3A_1603 = arith.select %and3A_1599, %broadcast_in_dim3A_1601, %broadcast_in_dim3A_1602 : vector<16xi1>, vector<16xf32>
        %jit3A_1604 = arith.constant 0 : i32
        %jit3A_1605 = arith.constant 12 : i32
        %max3A_1606 = vector.broadcast %jit3A_1604 : i32 to vector<16xi32>
        %max3A_1607 = arith.maxsi %max3A_1606, %sub3A_1592 : vector<16xi32>
        %min3A_1608 = vector.broadcast %jit3A_1605 : i32 to vector<16xi32>
        %min3A_1609 = arith.minsi %min3A_1608, %max3A_1607 : vector<16xi32>
        %mul3A_1610 = arith.constant 13 : i32
        %mul3A_1611 = vector.broadcast %mul3A_1610 : i32 to vector<16xi32>
        %mul3A_1612 = arith.muli %broadcast_in_dim3A_1503, %mul3A_1611 : vector<16xi32>
        %add3A_1613 = arith.addi %mul3A_1612, %broadcast_in_dim3A_1340 : vector<16xi32>
        %mul3A_1614 = arith.constant 16 : i32
        %mul3A_1615 = vector.broadcast %mul3A_1614 : i32 to vector<16xi32>
        %mul3A_1616 = arith.muli %add3A_1613, %mul3A_1615 : vector<16xi32>
        %add3A_1617 = arith.addi %mul3A_1616, %min3A_1609 : vector<16xi32>
        %gather3A_1618 = tpu.vector_load_idx %arg11[%add3A_1617] : memref<624xf32, #tpu.memory_space<vmem>>[vector<16xi32>], vector<16xf32>,
        %mul3A_1619 = arith.mulf %gather3A_1618, %select_n3A_1603 : vector<16xf32>
        %add3A_1620 = arith.constant 32 : i32
        %add3A_1621 = arith.addi %mul3A_1509, %add3A_1620 : i32
        %swap3A_1622 = arith.index_cast %add3A_1621 : i32 to index
        %swap3A_1623 = tpu.vector_load %arg14[%swap3A_1622] {strides = array<i32>} : memref<12288xf32, #tpu.memory_space<vmem>>, vector<16xf32>,
        tpu.vector_store %arg14[%swap3A_1622], %mul3A_1619 {strides = array<i32>} : memref<12288xf32, #tpu.memory_space<vmem>>, vector<16xf32>,
        %add3A_1624 = arith.constant 48 : i32
        %add3A_1625 = arith.addi %sub3A_1094, %add3A_1624 : i32
        %add3A_1626 = vector.broadcast %add3A_1625 : i32 to vector<16xi32>
        %add3A_1627 = arith.addi %add3A_1626, %iota3A : vector<16xi32>
        %sub3A_1628 = arith.constant 57 : i32
        %sub3A_1629 = vector.broadcast %sub3A_1628 : i32 to vector<16xi32>
        %sub3A_1630 = arith.subi %add3A_1627, %sub3A_1629 : vector<16xi32>
        %ge3A_1631 = arith.constant 0 : i32
        %ge3A_1632 = vector.broadcast %ge3A_1631 : i32 to vector<16xi32>
        %ge3A_1633 = arith.cmpi sge, %sub3A_1630, %ge3A_1632 : vector<16xi32>
        %lt3A_1634 = arith.constant 13 : i32
        %lt3A_1635 = vector.broadcast %lt3A_1634 : i32 to vector<16xi32>
        %lt3A_1636 = arith.cmpi slt, %sub3A_1630, %lt3A_1635 : vector<16xi32>
        %and3A_1637 = arith.andi %ge3A_1633, %lt3A_1636 : vector<16xi1>
        %jit3A_1638 = arith.constant 0.000000e+00 : f32
        %broadcast_in_dim3A_1639 = vector.broadcast %mul3A_1504 : f32 to vector<16xf32>
        %broadcast_in_dim3A_1640 = vector.broadcast %jit3A_1638 : f32 to vector<16xf32>
        %select_n3A_1641 = arith.select %and3A_1637, %broadcast_in_dim3A_1639, %broadcast_in_dim3A_1640 : vector<16xi1>, vector<16xf32>
        %jit3A_1642 = arith.constant 0 : i32
        %jit3A_1643 = arith.constant 12 : i32
        %max3A_1644 = vector.broadcast %jit3A_1642 : i32 to vector<16xi32>
        %max3A_1645 = arith.maxsi %max3A_1644, %sub3A_1630 : vector<16xi32>
        %min3A_1646 = vector.broadcast %jit3A_1643 : i32 to vector<16xi32>
        %min3A_1647 = arith.minsi %min3A_1646, %max3A_1645 : vector<16xi32>
        %mul3A_1648 = arith.constant 13 : i32
        %mul3A_1649 = vector.broadcast %mul3A_1648 : i32 to vector<16xi32>
        %mul3A_1650 = arith.muli %broadcast_in_dim3A_1503, %mul3A_1649 : vector<16xi32>
        %add3A_1651 = arith.addi %mul3A_1650, %broadcast_in_dim3A_1340 : vector<16xi32>
        %mul3A_1652 = arith.constant 16 : i32
        %mul3A_1653 = vector.broadcast %mul3A_1652 : i32 to vector<16xi32>
        %mul3A_1654 = arith.muli %add3A_1651, %mul3A_1653 : vector<16xi32>
        %add3A_1655 = arith.addi %mul3A_1654, %min3A_1647 : vector<16xi32>
        %gather3A_1656 = tpu.vector_load_idx %arg11[%add3A_1655] : memref<624xf32, #tpu.memory_space<vmem>>[vector<16xi32>], vector<16xf32>,
        %mul3A_1657 = arith.mulf %gather3A_1656, %select_n3A_1641 : vector<16xf32>
        %add3A_1658 = arith.constant 48 : i32
        %add3A_1659 = arith.addi %mul3A_1509, %add3A_1658 : i32
        %swap3A_1660 = arith.index_cast %add3A_1659 : i32 to index
        %swap3A_1661 = tpu.vector_load %arg14[%swap3A_1660] {strides = array<i32>} : memref<12288xf32, #tpu.memory_space<vmem>>, vector<16xf32>,
        tpu.vector_store %arg14[%swap3A_1660], %mul3A_1657 {strides = array<i32>} : memref<12288xf32, #tpu.memory_space<vmem>>, vector<16xf32>,
        %broadcast_in_dim3A_1662 = arith.constant 2 : i32
        %broadcast_in_dim3A_1663 = vector.broadcast %broadcast_in_dim3A_1662 : i32 to vector<16xi32>
        %mul3A_1664 = arith.mulf %select_n3A_1343, %convert_element_type3A_1245 : f32
        %add3A_1665 = arith.constant 128 : i32
        %add3A_1666 = arith.addi %add3A_1665, %min3A_1100 : i32
        %add3A_1667 = arith.addi %add3A_1666, %scan3A_1329 : i32
        %mul3A_1668 = arith.constant 64 : i32
        %mul3A_1669 = arith.muli %add3A_1667, %mul3A_1668 : i32
        %add3A_1670 = arith.constant 0 : i32
        %add3A_1671 = arith.addi %sub3A_1094, %add3A_1670 : i32
        %add3A_1672 = vector.broadcast %add3A_1671 : i32 to vector<16xi32>
        %add3A_1673 = arith.addi %add3A_1672, %iota3A : vector<16xi32>
        %sub3A_1674 = arith.constant 57 : i32
        %sub3A_1675 = vector.broadcast %sub3A_1674 : i32 to vector<16xi32>
        %sub3A_1676 = arith.subi %add3A_1673, %sub3A_1675 : vector<16xi32>
        %ge3A_1677 = arith.constant 0 : i32
        %ge3A_1678 = vector.broadcast %ge3A_1677 : i32 to vector<16xi32>
        %ge3A_1679 = arith.cmpi sge, %sub3A_1676, %ge3A_1678 : vector<16xi32>
        %lt3A_1680 = arith.constant 13 : i32
        %lt3A_1681 = vector.broadcast %lt3A_1680 : i32 to vector<16xi32>
        %lt3A_1682 = arith.cmpi slt, %sub3A_1676, %lt3A_1681 : vector<16xi32>
        %and3A_1683 = arith.andi %ge3A_1679, %lt3A_1682 : vector<16xi1>
        %jit3A_1684 = arith.constant 0.000000e+00 : f32
        %broadcast_in_dim3A_1685 = vector.broadcast %mul3A_1664 : f32 to vector<16xf32>
        %broadcast_in_dim3A_1686 = vector.broadcast %jit3A_1684 : f32 to vector<16xf32>
        %select_n3A_1687 = arith.select %and3A_1683, %broadcast_in_dim3A_1685, %broadcast_in_dim3A_1686 : vector<16xi1>, vector<16xf32>
        %jit3A_1688 = arith.constant 0 : i32
        %jit3A_1689 = arith.constant 12 : i32
        %max3A_1690 = vector.broadcast %jit3A_1688 : i32 to vector<16xi32>
        %max3A_1691 = arith.maxsi %max3A_1690, %sub3A_1676 : vector<16xi32>
        %min3A_1692 = vector.broadcast %jit3A_1689 : i32 to vector<16xi32>
        %min3A_1693 = arith.minsi %min3A_1692, %max3A_1691 : vector<16xi32>
        %mul3A_1694 = arith.constant 13 : i32
        %mul3A_1695 = vector.broadcast %mul3A_1694 : i32 to vector<16xi32>
        %mul3A_1696 = arith.muli %broadcast_in_dim3A_1663, %mul3A_1695 : vector<16xi32>
        %add3A_1697 = arith.addi %mul3A_1696, %broadcast_in_dim3A_1340 : vector<16xi32>
        %mul3A_1698 = arith.constant 16 : i32
        %mul3A_1699 = vector.broadcast %mul3A_1698 : i32 to vector<16xi32>
        %mul3A_1700 = arith.muli %add3A_1697, %mul3A_1699 : vector<16xi32>
        %add3A_1701 = arith.addi %mul3A_1700, %min3A_1693 : vector<16xi32>
        %gather3A_1702 = tpu.vector_load_idx %arg11[%add3A_1701] : memref<624xf32, #tpu.memory_space<vmem>>[vector<16xi32>], vector<16xf32>,
        %mul3A_1703 = arith.mulf %gather3A_1702, %select_n3A_1687 : vector<16xf32>
        %add3A_1704 = arith.constant 0 : i32
        %add3A_1705 = arith.addi %mul3A_1669, %add3A_1704 : i32
        %swap3A_1706 = arith.index_cast %add3A_1705 : i32 to index
        %swap3A_1707 = tpu.vector_load %arg14[%swap3A_1706] {strides = array<i32>} : memref<12288xf32, #tpu.memory_space<vmem>>, vector<16xf32>,
        tpu.vector_store %arg14[%swap3A_1706], %mul3A_1703 {strides = array<i32>} : memref<12288xf32, #tpu.memory_space<vmem>>, vector<16xf32>,
        %add3A_1708 = arith.constant 16 : i32
        %add3A_1709 = arith.addi %sub3A_1094, %add3A_1708 : i32
        %add3A_1710 = vector.broadcast %add3A_1709 : i32 to vector<16xi32>
        %add3A_1711 = arith.addi %add3A_1710, %iota3A : vector<16xi32>
        %sub3A_1712 = arith.constant 57 : i32
        %sub3A_1713 = vector.broadcast %sub3A_1712 : i32 to vector<16xi32>
        %sub3A_1714 = arith.subi %add3A_1711, %sub3A_1713 : vector<16xi32>
        %ge3A_1715 = arith.constant 0 : i32
        %ge3A_1716 = vector.broadcast %ge3A_1715 : i32 to vector<16xi32>
        %ge3A_1717 = arith.cmpi sge, %sub3A_1714, %ge3A_1716 : vector<16xi32>
        %lt3A_1718 = arith.constant 13 : i32
        %lt3A_1719 = vector.broadcast %lt3A_1718 : i32 to vector<16xi32>
        %lt3A_1720 = arith.cmpi slt, %sub3A_1714, %lt3A_1719 : vector<16xi32>
        %and3A_1721 = arith.andi %ge3A_1717, %lt3A_1720 : vector<16xi1>
        %jit3A_1722 = arith.constant 0.000000e+00 : f32
        %broadcast_in_dim3A_1723 = vector.broadcast %mul3A_1664 : f32 to vector<16xf32>
        %broadcast_in_dim3A_1724 = vector.broadcast %jit3A_1722 : f32 to vector<16xf32>
        %select_n3A_1725 = arith.select %and3A_1721, %broadcast_in_dim3A_1723, %broadcast_in_dim3A_1724 : vector<16xi1>, vector<16xf32>
        %jit3A_1726 = arith.constant 0 : i32
        %jit3A_1727 = arith.constant 12 : i32
        %max3A_1728 = vector.broadcast %jit3A_1726 : i32 to vector<16xi32>
        %max3A_1729 = arith.maxsi %max3A_1728, %sub3A_1714 : vector<16xi32>
        %min3A_1730 = vector.broadcast %jit3A_1727 : i32 to vector<16xi32>
        %min3A_1731 = arith.minsi %min3A_1730, %max3A_1729 : vector<16xi32>
        %mul3A_1732 = arith.constant 13 : i32
        %mul3A_1733 = vector.broadcast %mul3A_1732 : i32 to vector<16xi32>
        %mul3A_1734 = arith.muli %broadcast_in_dim3A_1663, %mul3A_1733 : vector<16xi32>
        %add3A_1735 = arith.addi %mul3A_1734, %broadcast_in_dim3A_1340 : vector<16xi32>
        %mul3A_1736 = arith.constant 16 : i32
        %mul3A_1737 = vector.broadcast %mul3A_1736 : i32 to vector<16xi32>
        %mul3A_1738 = arith.muli %add3A_1735, %mul3A_1737 : vector<16xi32>
        %add3A_1739 = arith.addi %mul3A_1738, %min3A_1731 : vector<16xi32>
        %gather3A_1740 = tpu.vector_load_idx %arg11[%add3A_1739] : memref<624xf32, #tpu.memory_space<vmem>>[vector<16xi32>], vector<16xf32>,
        %mul3A_1741 = arith.mulf %gather3A_1740, %select_n3A_1725 : vector<16xf32>
        %add3A_1742 = arith.constant 16 : i32
        %add3A_1743 = arith.addi %mul3A_1669, %add3A_1742 : i32
        %swap3A_1744 = arith.index_cast %add3A_1743 : i32 to index
        %swap3A_1745 = tpu.vector_load %arg14[%swap3A_1744] {strides = array<i32>} : memref<12288xf32, #tpu.memory_space<vmem>>, vector<16xf32>,
        tpu.vector_store %arg14[%swap3A_1744], %mul3A_1741 {strides = array<i32>} : memref<12288xf32, #tpu.memory_space<vmem>>, vector<16xf32>,
        %add3A_1746 = arith.constant 32 : i32
        %add3A_1747 = arith.addi %sub3A_1094, %add3A_1746 : i32
        %add3A_1748 = vector.broadcast %add3A_1747 : i32 to vector<16xi32>
        %add3A_1749 = arith.addi %add3A_1748, %iota3A : vector<16xi32>
        %sub3A_1750 = arith.constant 57 : i32
        %sub3A_1751 = vector.broadcast %sub3A_1750 : i32 to vector<16xi32>
        %sub3A_1752 = arith.subi %add3A_1749, %sub3A_1751 : vector<16xi32>
        %ge3A_1753 = arith.constant 0 : i32
        %ge3A_1754 = vector.broadcast %ge3A_1753 : i32 to vector<16xi32>
        %ge3A_1755 = arith.cmpi sge, %sub3A_1752, %ge3A_1754 : vector<16xi32>
        %lt3A_1756 = arith.constant 13 : i32
        %lt3A_1757 = vector.broadcast %lt3A_1756 : i32 to vector<16xi32>
        %lt3A_1758 = arith.cmpi slt, %sub3A_1752, %lt3A_1757 : vector<16xi32>
        %and3A_1759 = arith.andi %ge3A_1755, %lt3A_1758 : vector<16xi1>
        %jit3A_1760 = arith.constant 0.000000e+00 : f32
        %broadcast_in_dim3A_1761 = vector.broadcast %mul3A_1664 : f32 to vector<16xf32>
        %broadcast_in_dim3A_1762 = vector.broadcast %jit3A_1760 : f32 to vector<16xf32>
        %select_n3A_1763 = arith.select %and3A_1759, %broadcast_in_dim3A_1761, %broadcast_in_dim3A_1762 : vector<16xi1>, vector<16xf32>
        %jit3A_1764 = arith.constant 0 : i32
        %jit3A_1765 = arith.constant 12 : i32
        %max3A_1766 = vector.broadcast %jit3A_1764 : i32 to vector<16xi32>
        %max3A_1767 = arith.maxsi %max3A_1766, %sub3A_1752 : vector<16xi32>
        %min3A_1768 = vector.broadcast %jit3A_1765 : i32 to vector<16xi32>
        %min3A_1769 = arith.minsi %min3A_1768, %max3A_1767 : vector<16xi32>
        %mul3A_1770 = arith.constant 13 : i32
        %mul3A_1771 = vector.broadcast %mul3A_1770 : i32 to vector<16xi32>
        %mul3A_1772 = arith.muli %broadcast_in_dim3A_1663, %mul3A_1771 : vector<16xi32>
        %add3A_1773 = arith.addi %mul3A_1772, %broadcast_in_dim3A_1340 : vector<16xi32>
        %mul3A_1774 = arith.constant 16 : i32
        %mul3A_1775 = vector.broadcast %mul3A_1774 : i32 to vector<16xi32>
        %mul3A_1776 = arith.muli %add3A_1773, %mul3A_1775 : vector<16xi32>
        %add3A_1777 = arith.addi %mul3A_1776, %min3A_1769 : vector<16xi32>
        %gather3A_1778 = tpu.vector_load_idx %arg11[%add3A_1777] : memref<624xf32, #tpu.memory_space<vmem>>[vector<16xi32>], vector<16xf32>,
        %mul3A_1779 = arith.mulf %gather3A_1778, %select_n3A_1763 : vector<16xf32>
        %add3A_1780 = arith.constant 32 : i32
        %add3A_1781 = arith.addi %mul3A_1669, %add3A_1780 : i32
        %swap3A_1782 = arith.index_cast %add3A_1781 : i32 to index
        %swap3A_1783 = tpu.vector_load %arg14[%swap3A_1782] {strides = array<i32>} : memref<12288xf32, #tpu.memory_space<vmem>>, vector<16xf32>,
        tpu.vector_store %arg14[%swap3A_1782], %mul3A_1779 {strides = array<i32>} : memref<12288xf32, #tpu.memory_space<vmem>>, vector<16xf32>,
        %add3A_1784 = arith.constant 48 : i32
        %add3A_1785 = arith.addi %sub3A_1094, %add3A_1784 : i32
        %add3A_1786 = vector.broadcast %add3A_1785 : i32 to vector<16xi32>
        %add3A_1787 = arith.addi %add3A_1786, %iota3A : vector<16xi32>
        %sub3A_1788 = arith.constant 57 : i32
        %sub3A_1789 = vector.broadcast %sub3A_1788 : i32 to vector<16xi32>
        %sub3A_1790 = arith.subi %add3A_1787, %sub3A_1789 : vector<16xi32>
        %ge3A_1791 = arith.constant 0 : i32
        %ge3A_1792 = vector.broadcast %ge3A_1791 : i32 to vector<16xi32>
        %ge3A_1793 = arith.cmpi sge, %sub3A_1790, %ge3A_1792 : vector<16xi32>
        %lt3A_1794 = arith.constant 13 : i32
        %lt3A_1795 = vector.broadcast %lt3A_1794 : i32 to vector<16xi32>
        %lt3A_1796 = arith.cmpi slt, %sub3A_1790, %lt3A_1795 : vector<16xi32>
        %and3A_1797 = arith.andi %ge3A_1793, %lt3A_1796 : vector<16xi1>
        %jit3A_1798 = arith.constant 0.000000e+00 : f32
        %broadcast_in_dim3A_1799 = vector.broadcast %mul3A_1664 : f32 to vector<16xf32>
        %broadcast_in_dim3A_1800 = vector.broadcast %jit3A_1798 : f32 to vector<16xf32>
        %select_n3A_1801 = arith.select %and3A_1797, %broadcast_in_dim3A_1799, %broadcast_in_dim3A_1800 : vector<16xi1>, vector<16xf32>
        %jit3A_1802 = arith.constant 0 : i32
        %jit3A_1803 = arith.constant 12 : i32
        %max3A_1804 = vector.broadcast %jit3A_1802 : i32 to vector<16xi32>
        %max3A_1805 = arith.maxsi %max3A_1804, %sub3A_1790 : vector<16xi32>
        %min3A_1806 = vector.broadcast %jit3A_1803 : i32 to vector<16xi32>
        %min3A_1807 = arith.minsi %min3A_1806, %max3A_1805 : vector<16xi32>
        %mul3A_1808 = arith.constant 13 : i32
        %mul3A_1809 = vector.broadcast %mul3A_1808 : i32 to vector<16xi32>
        %mul3A_1810 = arith.muli %broadcast_in_dim3A_1663, %mul3A_1809 : vector<16xi32>
        %add3A_1811 = arith.addi %mul3A_1810, %broadcast_in_dim3A_1340 : vector<16xi32>
        %mul3A_1812 = arith.constant 16 : i32
        %mul3A_1813 = vector.broadcast %mul3A_1812 : i32 to vector<16xi32>
        %mul3A_1814 = arith.muli %add3A_1811, %mul3A_1813 : vector<16xi32>
        %add3A_1815 = arith.addi %mul3A_1814, %min3A_1807 : vector<16xi32>
        %gather3A_1816 = tpu.vector_load_idx %arg11[%add3A_1815] : memref<624xf32, #tpu.memory_space<vmem>>[vector<16xi32>], vector<16xf32>,
        %mul3A_1817 = arith.mulf %gather3A_1816, %select_n3A_1801 : vector<16xf32>
        %add3A_1818 = arith.constant 48 : i32
        %add3A_1819 = arith.addi %mul3A_1669, %add3A_1818 : i32
        %swap3A_1820 = arith.index_cast %add3A_1819 : i32 to index
        %swap3A_1821 = tpu.vector_load %arg14[%swap3A_1820] {strides = array<i32>} : memref<12288xf32, #tpu.memory_space<vmem>>, vector<16xf32>,
        tpu.vector_store %arg14[%swap3A_1820], %mul3A_1817 {strides = array<i32>} : memref<12288xf32, #tpu.memory_space<vmem>>, vector<16xf32>,
      }
      %scan3A_1259 = arith.constant 13 : i32
      %mul3A_1260 = arith.constant 64 : i32
      %mul3A_1261 = arith.muli %add3A_1082, %mul3A_1260 : i32
      %add3A_1262 = arith.addi %mul3A_1261, %mul3A_1142 : i32
      %mul3A_1263 = arith.constant 4096 : i32
      %mul3A_1264 = arith.muli %add3A_1262, %mul3A_1263 : i32
      %dma_start3A_1265 = tpu.memref_slice %arg9[%mul3A_1264] : memref<18874368xf32, #tpu.memory_space<hbm>> -> memref<81920xf32, #tpu.memory_space<hbm>>
      %dma_start3A_1266 = tpu.memref_slice %arg9[%mul3A_1264] : memref<18874368xf32, #tpu.memory_space<hbm>> -> memref<81920xf32, #tpu.memory_space<hbm>>
      tpu.enqueue_dma source(%arg15 : memref<81920xf32, #tpu.memory_space<vmem>>) target(%dma_start3A_1266 : memref<81920xf32, #tpu.memory_space<hbm>>) target_semaphore(%arg17 : memref<!tpu.dma_semaphore, #tpu.memory_space<semaphore_mem>>)
      %mul3A_1267 = arith.constant 4 : i32
      %mul3A_1268 = arith.muli %add3A_1082, %mul3A_1267 : i32
      %add3A_1269 = arith.addi %mul3A_1268, %max3A_1233 : i32
      %mul3A_1270 = arith.constant 4096 : i32
      %mul3A_1271 = arith.muli %add3A_1269, %mul3A_1270 : i32
      %dma_start3A_1272 = arith.constant 8192 : i32
      %dma_start3A_1273 = tpu.memref_slice %arg14[%dma_start3A_1272] : memref<12288xf32, #tpu.memory_space<vmem>> -> memref<4096xf32, #tpu.memory_space<vmem>>
      %dma_start3A_1274 = tpu.memref_slice %arg8[%mul3A_1271] : memref<1179648xf32, #tpu.memory_space<hbm>> -> memref<4096xf32, #tpu.memory_space<hbm>>
      %dma_start3A_1275 = tpu.memref_slice %arg8[%mul3A_1271] : memref<1179648xf32, #tpu.memory_space<hbm>> -> memref<4096xf32, #tpu.memory_space<hbm>>
      %dma_start3A_1276 = arith.constant 8192 : i32
      %dma_start3A_1277 = tpu.memref_slice %arg14[%dma_start3A_1276] : memref<12288xf32, #tpu.memory_space<vmem>> -> memref<4096xf32, #tpu.memory_space<vmem>>
      tpu.enqueue_dma source(%dma_start3A_1277 : memref<4096xf32, #tpu.memory_space<vmem>>) target(%dma_start3A_1275 : memref<4096xf32, #tpu.memory_space<hbm>>) target_semaphore(%arg17 : memref<!tpu.dma_semaphore, #tpu.memory_space<semaphore_mem>>)
      %mul3A_1278 = arith.constant 2 : i32
      %mul3A_1279 = arith.muli %add3A_1082, %mul3A_1278 : i32
      %add3A_1280 = arith.addi %mul3A_1279, %max3A_1235 : i32
      %mul3A_1281 = arith.constant 4096 : i32
      %mul3A_1282 = arith.muli %add3A_1280, %mul3A_1281 : i32
      %dma_start3A_1283 = arith.constant 4096 : i32
      %dma_start3A_1284 = tpu.memref_slice %arg14[%dma_start3A_1283] : memref<12288xf32, #tpu.memory_space<vmem>> -> memref<4096xf32, #tpu.memory_space<vmem>>
      %dma_start3A_1285 = tpu.memref_slice %arg7[%mul3A_1282] : memref<589824xf32, #tpu.memory_space<hbm>> -> memref<4096xf32, #tpu.memory_space<hbm>>
      %dma_start3A_1286 = tpu.memref_slice %arg7[%mul3A_1282] : memref<589824xf32, #tpu.memory_space<hbm>> -> memref<4096xf32, #tpu.memory_space<hbm>>
      %dma_start3A_1287 = arith.constant 4096 : i32
      %dma_start3A_1288 = tpu.memref_slice %arg14[%dma_start3A_1287] : memref<12288xf32, #tpu.memory_space<vmem>> -> memref<4096xf32, #tpu.memory_space<vmem>>
      tpu.enqueue_dma source(%dma_start3A_1288 : memref<4096xf32, #tpu.memory_space<vmem>>) target(%dma_start3A_1286 : memref<4096xf32, #tpu.memory_space<hbm>>) target_semaphore(%arg17 : memref<!tpu.dma_semaphore, #tpu.memory_space<semaphore_mem>>)
      %mul3A_1289 = arith.constant 4096 : i32
      %mul3A_1290 = arith.muli %add3A_1082, %mul3A_1289 : i32
      %dma_start3A_1291 = arith.constant 0 : i32
      %dma_start3A_1292 = tpu.memref_slice %arg14[%dma_start3A_1291] : memref<12288xf32, #tpu.memory_space<vmem>> -> memref<4096xf32, #tpu.memory_space<vmem>>
      %dma_start3A_1293 = tpu.memref_slice %arg6[%mul3A_1290] : memref<294912xf32, #tpu.memory_space<hbm>> -> memref<4096xf32, #tpu.memory_space<hbm>>
      %dma_start3A_1294 = tpu.memref_slice %arg6[%mul3A_1290] : memref<294912xf32, #tpu.memory_space<hbm>> -> memref<4096xf32, #tpu.memory_space<hbm>>
      %dma_start3A_1295 = arith.constant 0 : i32
      %dma_start3A_1296 = tpu.memref_slice %arg14[%dma_start3A_1295] : memref<12288xf32, #tpu.memory_space<vmem>> -> memref<4096xf32, #tpu.memory_space<vmem>>
      tpu.enqueue_dma source(%dma_start3A_1296 : memref<4096xf32, #tpu.memory_space<vmem>>) target(%dma_start3A_1294 : memref<4096xf32, #tpu.memory_space<hbm>>) target_semaphore(%arg17 : memref<!tpu.dma_semaphore, #tpu.memory_space<semaphore_mem>>)
      %dma_wait3A_1297 = tpu.memref_slice %arg9[%mul3A_1264] : memref<18874368xf32, #tpu.memory_space<hbm>> -> memref<81920xf32, #tpu.memory_space<hbm>>
      %dma_wait3A_1298 = tpu.memref_slice %arg9[%mul3A_1264] : memref<18874368xf32, #tpu.memory_space<hbm>> -> memref<81920xf32, #tpu.memory_space<hbm>>
      tpu.wait_dma2 semaphore(%arg17 : memref<!tpu.dma_semaphore, #tpu.memory_space<semaphore_mem>>) src(%arg15 : memref<81920xf32, #tpu.memory_space<vmem>>) dst(%dma_wait3A_1298 : memref<81920xf32, #tpu.memory_space<hbm>>)
      %dma_wait3A_1299 = arith.constant 8192 : i32
      %dma_wait3A_1300 = tpu.memref_slice %arg14[%dma_wait3A_1299] : memref<12288xf32, #tpu.memory_space<vmem>> -> memref<4096xf32, #tpu.memory_space<vmem>>
      %dma_wait3A_1301 = tpu.memref_slice %arg8[%mul3A_1271] : memref<1179648xf32, #tpu.memory_space<hbm>> -> memref<4096xf32, #tpu.memory_space<hbm>>
      %dma_wait3A_1302 = tpu.memref_slice %arg8[%mul3A_1271] : memref<1179648xf32, #tpu.memory_space<hbm>> -> memref<4096xf32, #tpu.memory_space<hbm>>
      %dma_wait3A_1303 = arith.constant 8192 : i32
      %dma_wait3A_1304 = tpu.memref_slice %arg14[%dma_wait3A_1303] : memref<12288xf32, #tpu.memory_space<vmem>> -> memref<4096xf32, #tpu.memory_space<vmem>>
      tpu.wait_dma2 semaphore(%arg17 : memref<!tpu.dma_semaphore, #tpu.memory_space<semaphore_mem>>) src(%dma_wait3A_1304 : memref<4096xf32, #tpu.memory_space<vmem>>) dst(%dma_wait3A_1302 : memref<4096xf32, #tpu.memory_space<hbm>>)
      %dma_wait3A_1305 = arith.constant 4096 : i32
      %dma_wait3A_1306 = tpu.memref_slice %arg14[%dma_wait3A_1305] : memref<12288xf32, #tpu.memory_space<vmem>> -> memref<4096xf32, #tpu.memory_space<vmem>>
      %dma_wait3A_1307 = tpu.memref_slice %arg7[%mul3A_1282] : memref<589824xf32, #tpu.memory_space<hbm>> -> memref<4096xf32, #tpu.memory_space<hbm>>
      %dma_wait3A_1308 = tpu.memref_slice %arg7[%mul3A_1282] : memref<589824xf32, #tpu.memory_space<hbm>> -> memref<4096xf32, #tpu.memory_space<hbm>>
      %dma_wait3A_1309 = arith.constant 4096 : i32
      %dma_wait3A_1310 = tpu.memref_slice %arg14[%dma_wait3A_1309] : memref<12288xf32, #tpu.memory_space<vmem>> -> memref<4096xf32, #tpu.memory_space<vmem>>
      tpu.wait_dma2 semaphore(%arg17 : memref<!tpu.dma_semaphore, #tpu.memory_space<semaphore_mem>>) src(%dma_wait3A_1310 : memref<4096xf32, #tpu.memory_space<vmem>>) dst(%dma_wait3A_1308 : memref<4096xf32, #tpu.memory_space<hbm>>)
      %dma_wait3A_1311 = arith.constant 0 : i32
      %dma_wait3A_1312 = tpu.memref_slice %arg14[%dma_wait3A_1311] : memref<12288xf32, #tpu.memory_space<vmem>> -> memref<4096xf32, #tpu.memory_space<vmem>>
      %dma_wait3A_1313 = tpu.memref_slice %arg6[%mul3A_1290] : memref<294912xf32, #tpu.memory_space<hbm>> -> memref<4096xf32, #tpu.memory_space<hbm>>
      %dma_wait3A_1314 = tpu.memref_slice %arg6[%mul3A_1290] : memref<294912xf32, #tpu.memory_space<hbm>> -> memref<4096xf32, #tpu.memory_space<hbm>>
      %dma_wait3A_1315 = arith.constant 0 : i32
      %dma_wait3A_1316 = tpu.memref_slice %arg14[%dma_wait3A_1315] : memref<12288xf32, #tpu.memory_space<vmem>> -> memref<4096xf32, #tpu.memory_space<vmem>>
      tpu.wait_dma2 semaphore(%arg17 : memref<!tpu.dma_semaphore, #tpu.memory_space<semaphore_mem>>) src(%dma_wait3A_1316 : memref<4096xf32, #tpu.memory_space<vmem>>) dst(%dma_wait3A_1314 : memref<4096xf32, #tpu.memory_space<hbm>>)
      %scan3A_1317 = arith.constant 0 : i32
      %scan3A_1318 = arith.constant 0 : i32
      %scan3A_1319 = arith.constant 13 : i32
      %scan3A_1320 = arith.addi %scan3A_1318, %scan3A_1319 : i32
      %scan3A_1321 = arith.constant 1 : i32
      scf.for %scan3A_1329 = %scan3A_1318 to %scan3A_1320 step %scan3A_1321  : i32 {
        %scan3A_1330 = arith.constant 0 : i32
        %scan3A_1331 = arith.constant 0 : i32
        %scan3A_1332 = arith.constant 13 : i32
        %scan3A_1333 = arith.addi %scan3A_1331, %scan3A_1332 : i32
        %scan3A_1334 = arith.constant 1 : i32
        scf.for %scan3A_1336 = %scan3A_1331 to %scan3A_1333 step %scan3A_1334  : i32 {
          %add3A_1337 = arith.addi %sub3A_1143, %scan3A_1329 : i32
          %mul3A_1338 = arith.constant 64 : i32
          %mul3A_1339 = arith.muli %add3A_1337, %mul3A_1338 : i32
          %add3A_1340 = arith.addi %mul3A_1339, %min3A_1100 : i32
          %add3A_1341 = arith.addi %add3A_1340, %scan3A_1336 : i32
          %mul3A_1342 = arith.constant 64 : i32
          %mul3A_1343 = arith.muli %add3A_1341, %mul3A_1342 : i32
          %add3A_1344 = arith.constant 0 : i32
          %add3A_1345 = arith.addi %mul3A_1343, %add3A_1344 : i32
          %swap3A = arith.index_cast %add3A_1345 : i32 to index
          %swap3A_1346 = tpu.vector_load %arg15[%swap3A] {strides = array<i32>} : memref<81920xf32, #tpu.memory_space<vmem>>, vector<16xf32>,
          tpu.vector_store %arg15[%swap3A], %broadcast_in_dim3A_1 {strides = array<i32>} : memref<81920xf32, #tpu.memory_space<vmem>>, vector<16xf32>,
          %add3A_1347 = arith.constant 16 : i32
          %add3A_1348 = arith.addi %mul3A_1343, %add3A_1347 : i32
          %swap3A_1349 = arith.index_cast %add3A_1348 : i32 to index
          %swap3A_1350 = tpu.vector_load %arg15[%swap3A_1349] {strides = array<i32>} : memref<81920xf32, #tpu.memory_space<vmem>>, vector<16xf32>,
          tpu.vector_store %arg15[%swap3A_1349], %broadcast_in_dim3A_1 {strides = array<i32>} : memref<81920xf32, #tpu.memory_space<vmem>>, vector<16xf32>,
          %add3A_1351 = arith.constant 32 : i32
          %add3A_1352 = arith.addi %mul3A_1343, %add3A_1351 : i32
          %swap3A_1353 = arith.index_cast %add3A_1352 : i32 to index
          %swap3A_1354 = tpu.vector_load %arg15[%swap3A_1353] {strides = array<i32>} : memref<81920xf32, #tpu.memory_space<vmem>>, vector<16xf32>,
          tpu.vector_store %arg15[%swap3A_1353], %broadcast_in_dim3A_1 {strides = array<i32>} : memref<81920xf32, #tpu.memory_space<vmem>>, vector<16xf32>,
          %add3A_1355 = arith.constant 48 : i32
          %add3A_1356 = arith.addi %mul3A_1343, %add3A_1355 : i32
          %swap3A_1357 = arith.index_cast %add3A_1356 : i32 to index
          %swap3A_1358 = tpu.vector_load %arg15[%swap3A_1357] {strides = array<i32>} : memref<81920xf32, #tpu.memory_space<vmem>>, vector<16xf32>,
          tpu.vector_store %arg15[%swap3A_1357], %broadcast_in_dim3A_1 {strides = array<i32>} : memref<81920xf32, #tpu.memory_space<vmem>>, vector<16xf32>,
        }
        %scan3A_1335 = arith.constant 13 : i32
      }
      %scan3A_1322 = arith.constant 13 : i32
      %scan3A_1323 = arith.constant 0 : i32
      %scan3A_1324 = arith.constant 0 : i32
      %scan3A_1325 = arith.constant 13 : i32
      %scan3A_1326 = arith.addi %scan3A_1324, %scan3A_1325 : i32
      %scan3A_1327 = arith.constant 1 : i32
      scf.for %scan3A_1329 = %scan3A_1324 to %scan3A_1326 step %scan3A_1327  : i32 {
        %add3A_1330 = arith.constant 0 : i32
        %add3A_1331 = arith.addi %add3A_1330, %min3A_1100 : i32
        %add3A_1332 = arith.addi %add3A_1331, %scan3A_1329 : i32
        %mul3A_1333 = arith.constant 64 : i32
        %mul3A_1334 = arith.muli %add3A_1332, %mul3A_1333 : i32
        %add3A_1335 = arith.constant 0 : i32
        %add3A_1336 = arith.addi %mul3A_1334, %add3A_1335 : i32
        %swap3A = arith.index_cast %add3A_1336 : i32 to index
        %swap3A_1337 = tpu.vector_load %arg14[%swap3A] {strides = array<i32>} : memref<12288xf32, #tpu.memory_space<vmem>>, vector<16xf32>,
        tpu.vector_store %arg14[%swap3A], %broadcast_in_dim3A_1 {strides = array<i32>} : memref<12288xf32, #tpu.memory_space<vmem>>, vector<16xf32>,
        %add3A_1338 = arith.constant 16 : i32
        %add3A_1339 = arith.addi %mul3A_1334, %add3A_1338 : i32
        %swap3A_1340 = arith.index_cast %add3A_1339 : i32 to index
        %swap3A_1341 = tpu.vector_load %arg14[%swap3A_1340] {strides = array<i32>} : memref<12288xf32, #tpu.memory_space<vmem>>, vector<16xf32>,
        tpu.vector_store %arg14[%swap3A_1340], %broadcast_in_dim3A_1 {strides = array<i32>} : memref<12288xf32, #tpu.memory_space<vmem>>, vector<16xf32>,
        %add3A_1342 = arith.constant 32 : i32
        %add3A_1343 = arith.addi %mul3A_1334, %add3A_1342 : i32
        %swap3A_1344 = arith.index_cast %add3A_1343 : i32 to index
        %swap3A_1345 = tpu.vector_load %arg14[%swap3A_1344] {strides = array<i32>} : memref<12288xf32, #tpu.memory_space<vmem>>, vector<16xf32>,
        tpu.vector_store %arg14[%swap3A_1344], %broadcast_in_dim3A_1 {strides = array<i32>} : memref<12288xf32, #tpu.memory_space<vmem>>, vector<16xf32>,
        %add3A_1346 = arith.constant 48 : i32
        %add3A_1347 = arith.addi %mul3A_1334, %add3A_1346 : i32
        %swap3A_1348 = arith.index_cast %add3A_1347 : i32 to index
        %swap3A_1349 = tpu.vector_load %arg14[%swap3A_1348] {strides = array<i32>} : memref<12288xf32, #tpu.memory_space<vmem>>, vector<16xf32>,
        tpu.vector_store %arg14[%swap3A_1348], %broadcast_in_dim3A_1 {strides = array<i32>} : memref<12288xf32, #tpu.memory_space<vmem>>, vector<16xf32>,
        %add3A_1350 = arith.constant 64 : i32
        %add3A_1351 = arith.addi %add3A_1350, %min3A_1100 : i32
        %add3A_1352 = arith.addi %add3A_1351, %scan3A_1329 : i32
        %mul3A_1353 = arith.constant 64 : i32
        %mul3A_1354 = arith.muli %add3A_1352, %mul3A_1353 : i32
        %add3A_1355 = arith.constant 0 : i32
        %add3A_1356 = arith.addi %mul3A_1354, %add3A_1355 : i32
        %swap3A_1357 = arith.index_cast %add3A_1356 : i32 to index
        %swap3A_1358 = tpu.vector_load %arg14[%swap3A_1357] {strides = array<i32>} : memref<12288xf32, #tpu.memory_space<vmem>>, vector<16xf32>,
        tpu.vector_store %arg14[%swap3A_1357], %broadcast_in_dim3A_1 {strides = array<i32>} : memref<12288xf32, #tpu.memory_space<vmem>>, vector<16xf32>,
        %add3A_1359 = arith.constant 16 : i32
        %add3A_1360 = arith.addi %mul3A_1354, %add3A_1359 : i32
        %swap3A_1361 = arith.index_cast %add3A_1360 : i32 to index
        %swap3A_1362 = tpu.vector_load %arg14[%swap3A_1361] {strides = array<i32>} : memref<12288xf32, #tpu.memory_space<vmem>>, vector<16xf32>,
        tpu.vector_store %arg14[%swap3A_1361], %broadcast_in_dim3A_1 {strides = array<i32>} : memref<12288xf32, #tpu.memory_space<vmem>>, vector<16xf32>,
        %add3A_1363 = arith.constant 32 : i32
        %add3A_1364 = arith.addi %mul3A_1354, %add3A_1363 : i32
        %swap3A_1365 = arith.index_cast %add3A_1364 : i32 to index
        %swap3A_1366 = tpu.vector_load %arg14[%swap3A_1365] {strides = array<i32>} : memref<12288xf32, #tpu.memory_space<vmem>>, vector<16xf32>,
        tpu.vector_store %arg14[%swap3A_1365], %broadcast_in_dim3A_1 {strides = array<i32>} : memref<12288xf32, #tpu.memory_space<vmem>>, vector<16xf32>,
        %add3A_1367 = arith.constant 48 : i32
        %add3A_1368 = arith.addi %mul3A_1354, %add3A_1367 : i32
        %swap3A_1369 = arith.index_cast %add3A_1368 : i32 to index
        %swap3A_1370 = tpu.vector_load %arg14[%swap3A_1369] {strides = array<i32>} : memref<12288xf32, #tpu.memory_space<vmem>>, vector<16xf32>,
        tpu.vector_store %arg14[%swap3A_1369], %broadcast_in_dim3A_1 {strides = array<i32>} : memref<12288xf32, #tpu.memory_space<vmem>>, vector<16xf32>,
        %add3A_1371 = arith.constant 128 : i32
        %add3A_1372 = arith.addi %add3A_1371, %min3A_1100 : i32
        %add3A_1373 = arith.addi %add3A_1372, %scan3A_1329 : i32
        %mul3A_1374 = arith.constant 64 : i32
        %mul3A_1375 = arith.muli %add3A_1373, %mul3A_1374 : i32
        %add3A_1376 = arith.constant 0 : i32
        %add3A_1377 = arith.addi %mul3A_1375, %add3A_1376 : i32
        %swap3A_1378 = arith.index_cast %add3A_1377 : i32 to index
        %swap3A_1379 = tpu.vector_load %arg14[%swap3A_1378] {strides = array<i32>} : memref<12288xf32, #tpu.memory_space<vmem>>, vector<16xf32>,
        tpu.vector_store %arg14[%swap3A_1378], %broadcast_in_dim3A_1 {strides = array<i32>} : memref<12288xf32, #tpu.memory_space<vmem>>, vector<16xf32>,
        %add3A_1380 = arith.constant 16 : i32
        %add3A_1381 = arith.addi %mul3A_1375, %add3A_1380 : i32
        %swap3A_1382 = arith.index_cast %add3A_1381 : i32 to index
        %swap3A_1383 = tpu.vector_load %arg14[%swap3A_1382] {strides = array<i32>} : memref<12288xf32, #tpu.memory_space<vmem>>, vector<16xf32>,
        tpu.vector_store %arg14[%swap3A_1382], %broadcast_in_dim3A_1 {strides = array<i32>} : memref<12288xf32, #tpu.memory_space<vmem>>, vector<16xf32>,
        %add3A_1384 = arith.constant 32 : i32
        %add3A_1385 = arith.addi %mul3A_1375, %add3A_1384 : i32
        %swap3A_1386 = arith.index_cast %add3A_1385 : i32 to index
        %swap3A_1387 = tpu.vector_load %arg14[%swap3A_1386] {strides = array<i32>} : memref<12288xf32, #tpu.memory_space<vmem>>, vector<16xf32>,
        tpu.vector_store %arg14[%swap3A_1386], %broadcast_in_dim3A_1 {strides = array<i32>} : memref<12288xf32, #tpu.memory_space<vmem>>, vector<16xf32>,
        %add3A_1388 = arith.constant 48 : i32
        %add3A_1389 = arith.addi %mul3A_1375, %add3A_1388 : i32
        %swap3A_1390 = arith.index_cast %add3A_1389 : i32 to index
        %swap3A_1391 = tpu.vector_load %arg14[%swap3A_1390] {strides = array<i32>} : memref<12288xf32, #tpu.memory_space<vmem>>, vector<16xf32>,
        tpu.vector_store %arg14[%swap3A_1390], %broadcast_in_dim3A_1 {strides = array<i32>} : memref<12288xf32, #tpu.memory_space<vmem>>, vector<16xf32>,
      }
      %scan3A_1328 = arith.constant 13 : i32
    } else {
    }
    %ge3A_973 = arith.constant 8 : i32
    %ge3A_974 = arith.cmpi sge, %add3A, %ge3A_973 : i32
    %lt3A_975 = arith.constant 16 : i32
    %lt3A_976 = arith.cmpi slt, %add3A, %lt3A_975 : i32
    %and3A_977 = arith.andi %ge3A_974, %lt3A_976 : i1
    %convert_element_type3A_978 = arith.extui %and3A_977 : i1 to i32
    %cond3A_979 = arith.constant 0 : i32
    %cond3A_980 = arith.cmpi ne, %convert_element_type3A_978, %cond3A_979 : i32
    scf.if %cond3A_980 {
      %add3A_1081 = arith.constant 64 : i32
      %add3A_1082 = arith.addi %add3A_1081, %add3A : i32
      %sub3A_1083 = arith.constant 8 : i32
      %sub3A_1084 = arith.subi %add3A_1082, %sub3A_1083 : i32
      %mul3A_1085 = arith.constant 16 : i32
      %mul3A_1086 = arith.muli %sub3A_1084, %mul3A_1085 : i32
      %get3A_1087 = arith.index_cast %mul3A_1086 : i32 to index
      %get3A_1088 = tpu.vector_load %arg10[%get3A_1087] {strides = array<i32>} : memref<1152xi32, #tpu.memory_space<vmem>>, vector<16xi32>,
      %slice3A_1089 = vector.extract_strided_slice %get3A_1088 {offsets = [2], sizes = [1], strides = [1]} : vector<16xi32> to vector<1xi32>
      %squeeze3A_1090 = vector.extract %slice3A_1089[0] : i32 from vector<1xi32>
      %sub3A_1091 = arith.constant 1 : i32
      %sub3A_1092 = arith.subi %squeeze3A_1090, %sub3A_1091 : i32
      %sub3A_1093 = arith.constant 6 : i32
      %sub3A_1094 = arith.subi %sub3A_1092, %sub3A_1093 : i32
      %jit3A_1095 = arith.constant 0 : i32
      %jit3A_1096 = arith.constant 51 : i32
      %max3A_1097 = arith.maxsi %jit3A_1095, %sub3A_1094 : i32
      %min3A_1098 = arith.minsi %jit3A_1096, %max3A_1097 : i32
      %jit3A_1099 = arith.constant 4 : i32
      %div3A_1100 = arith.divsi %min3A_1098, %jit3A_1099 : i32
      %sign3A_1101 = arith.constant 0 : i32
      %sign3A_1102 = arith.cmpi sgt, %min3A_1098, %sign3A_1101 : i32
      %sign3A_1103 = arith.extui %sign3A_1102 : i1 to i32
      %sign3A_1104 = arith.constant 0 : i32
      %sign3A_1105 = arith.cmpi slt, %min3A_1098, %sign3A_1104 : i32
      %sign3A_1106 = arith.extui %sign3A_1105 : i1 to i32
      %sign3A_1107 = arith.subi %sign3A_1103, %sign3A_1106 : i32
      %sign3A_1108 = arith.constant 0 : i32
      %sign3A_1109 = arith.cmpi sgt, %jit3A_1099, %sign3A_1108 : i32
      %sign3A_1110 = arith.extui %sign3A_1109 : i1 to i32
      %sign3A_1111 = arith.constant 0 : i32
      %sign3A_1112 = arith.cmpi slt, %jit3A_1099, %sign3A_1111 : i32
      %sign3A_1113 = arith.extui %sign3A_1112 : i1 to i32
      %sign3A_1114 = arith.subi %sign3A_1110, %sign3A_1113 : i32
      %ne3A_1115 = arith.cmpi ne, %sign3A_1107, %sign3A_1114 : i32
      %rem3A_1116 = arith.remsi %min3A_1098, %jit3A_1099 : i32
      %ne3A_1117 = arith.constant 0 : i32
      %ne3A_1118 = arith.cmpi ne, %rem3A_1116, %ne3A_1117 : i32
      %and3A_1119 = arith.andi %ne3A_1115, %ne3A_1118 : i1
      %sub3A_1120 = arith.constant 1 : i32
      %sub3A_1121 = arith.subi %div3A_1100, %sub3A_1120 : i32
      %select_n3A_1122 = arith.select %and3A_1119, %sub3A_1121, %div3A_1100 : i32
      %min3A_1123 = arith.constant 11 : i32
      %min3A_1124 = arith.minsi %select_n3A_1122, %min3A_1123 : i32
      %mul3A_1125 = arith.constant 4 : i32
      %mul3A_1126 = arith.muli %squeeze3A_1090, %mul3A_1125 : i32
      %add3A_1127 = arith.constant 63 : i32
      %add3A_1128 = arith.addi %mul3A_1126, %add3A_1127 : i32
      %jit3A_1129 = arith.constant 64 : i32
      %div3A_1130 = arith.divsi %add3A_1128, %jit3A_1129 : i32
      %sign3A_1131 = arith.constant 0 : i32
      %sign3A_1132 = arith.cmpi sgt, %add3A_1128, %sign3A_1131 : i32
      %sign3A_1133 = arith.extui %sign3A_1132 : i1 to i32
      %sign3A_1134 = arith.constant 0 : i32
      %sign3A_1135 = arith.cmpi slt, %add3A_1128, %sign3A_1134 : i32
      %sign3A_1136 = arith.extui %sign3A_1135 : i1 to i32
      %sign3A_1137 = arith.subi %sign3A_1133, %sign3A_1136 : i32
      %sign3A_1138 = arith.constant 0 : i32
      %sign3A_1139 = arith.cmpi sgt, %jit3A_1129, %sign3A_1138 : i32
      %sign3A_1140 = arith.extui %sign3A_1139 : i1 to i32
      %sign3A_1141 = arith.constant 0 : i32
      %sign3A_1142 = arith.cmpi slt, %jit3A_1129, %sign3A_1141 : i32
      %sign3A_1143 = arith.extui %sign3A_1142 : i1 to i32
      %sign3A_1144 = arith.subi %sign3A_1140, %sign3A_1143 : i32
      %ne3A_1145 = arith.cmpi ne, %sign3A_1137, %sign3A_1144 : i32
      %rem3A_1146 = arith.remsi %add3A_1128, %jit3A_1129 : i32
      %ne3A_1147 = arith.constant 0 : i32
      %ne3A_1148 = arith.cmpi ne, %rem3A_1146, %ne3A_1147 : i32
      %and3A_1149 = arith.andi %ne3A_1145, %ne3A_1148 : i1
      %sub3A_1150 = arith.constant 1 : i32
      %sub3A_1151 = arith.subi %div3A_1130, %sub3A_1150 : i32
      %select_n3A_1152 = arith.select %and3A_1149, %sub3A_1151, %div3A_1130 : i32
      %sub3A_1153 = arith.constant 1 : i32
      %sub3A_1154 = arith.subi %select_n3A_1152, %sub3A_1153 : i32
      %max3A_1155 = arith.constant 0 : i32
      %max3A_1156 = arith.maxsi %sub3A_1154, %max3A_1155 : i32
      %mul3A_1157 = arith.constant 2 : i32
      %mul3A_1158 = arith.muli %squeeze3A_1090, %mul3A_1157 : i32
      %add3A_1159 = arith.constant 63 : i32
      %add3A_1160 = arith.addi %mul3A_1158, %add3A_1159 : i32
      %jit3A_1161 = arith.constant 64 : i32
      %div3A_1162 = arith.divsi %add3A_1160, %jit3A_1161 : i32
      %sign3A_1163 = arith.constant 0 : i32
      %sign3A_1164 = arith.cmpi sgt, %add3A_1160, %sign3A_1163 : i32
      %sign3A_1165 = arith.extui %sign3A_1164 : i1 to i32
      %sign3A_1166 = arith.constant 0 : i32
      %sign3A_1167 = arith.cmpi slt, %add3A_1160, %sign3A_1166 : i32
      %sign3A_1168 = arith.extui %sign3A_1167 : i1 to i32
      %sign3A_1169 = arith.subi %sign3A_1165, %sign3A_1168 : i32
      %sign3A_1170 = arith.constant 0 : i32
      %sign3A_1171 = arith.cmpi sgt, %jit3A_1161, %sign3A_1170 : i32
      %sign3A_1172 = arith.extui %sign3A_1171 : i1 to i32
      %sign3A_1173 = arith.constant 0 : i32
      %sign3A_1174 = arith.cmpi slt, %jit3A_1161, %sign3A_1173 : i32
      %sign3A_1175 = arith.extui %sign3A_1174 : i1 to i32
      %sign3A_1176 = arith.subi %sign3A_1172, %sign3A_1175 : i32
      %ne3A_1177 = arith.cmpi ne, %sign3A_1169, %sign3A_1176 : i32
      %rem3A_1178 = arith.remsi %add3A_1160, %jit3A_1161 : i32
      %ne3A_1179 = arith.constant 0 : i32
      %ne3A_1180 = arith.cmpi ne, %rem3A_1178, %ne3A_1179 : i32
      %and3A_1181 = arith.andi %ne3A_1177, %ne3A_1180 : i1
      %sub3A_1182 = arith.constant 1 : i32
      %sub3A_1183 = arith.subi %div3A_1162, %sub3A_1182 : i32
      %select_n3A_1184 = arith.select %and3A_1181, %sub3A_1183, %div3A_1162 : i32
      %sub3A_1185 = arith.constant 1 : i32
      %sub3A_1186 = arith.subi %select_n3A_1184, %sub3A_1185 : i32
      %max3A_1187 = arith.constant 0 : i32
      %max3A_1188 = arith.maxsi %sub3A_1186, %max3A_1187 : i32
      %le3A_1189 = arith.constant 0 : i32
      %le3A_1190 = arith.cmpi sle, %min3A_1124, %le3A_1189 : i32
      %convert_element_type3A_1191 = arith.extui %le3A_1190 : i1 to i32
      %mul3A_1192 = arith.constant 5 : i32
      %mul3A_1193 = arith.muli %mul3A_1192, %convert_element_type3A_1191 : i32
      %add3A_1194 = arith.constant 0 : i32
      %add3A_1195 = arith.addi %add3A_1194, %mul3A_1193 : i32
      %mul3A_1196 = arith.constant 64 : i32
      %mul3A_1197 = arith.muli %sub3A_1084, %mul3A_1196 : i32
      %mul3A_1198 = arith.constant 4 : i32
      %mul3A_1199 = arith.muli %add3A_1195, %mul3A_1198 : i32
      %add3A_1200 = arith.addi %mul3A_1197, %mul3A_1199 : i32
      %mul3A_1201 = arith.constant 4096 : i32
      %mul3A_1202 = arith.muli %add3A_1200, %mul3A_1201 : i32
      %dma_start3A_1203 = tpu.memref_slice %arg9[%mul3A_1202] : memref<18874368xf32, #tpu.memory_space<hbm>> -> memref<16384xf32, #tpu.memory_space<hbm>>
      %dma_start3A_1204 = tpu.memref_slice %arg9[%mul3A_1202] : memref<18874368xf32, #tpu.memory_space<hbm>> -> memref<16384xf32, #tpu.memory_space<hbm>>
      tpu.enqueue_dma source(%arg13 : memref<16384xf32, #tpu.memory_space<vmem>>) target(%dma_start3A_1204 : memref<16384xf32, #tpu.memory_space<hbm>>) target_semaphore(%arg16 : memref<!tpu.dma_semaphore, #tpu.memory_space<semaphore_mem>>)
      %le3A_1205 = arith.constant 1 : i32
      %le3A_1206 = arith.cmpi sle, %min3A_1124, %le3A_1205 : i32
      %convert_element_type3A_1207 = arith.extui %le3A_1206 : i1 to i32
      %mul3A_1208 = arith.constant 5 : i32
      %mul3A_1209 = arith.muli %mul3A_1208, %convert_element_type3A_1207 : i32
      %add3A_1210 = arith.constant 1 : i32
      %add3A_1211 = arith.addi %add3A_1210, %mul3A_1209 : i32
      %mul3A_1212 = arith.constant 64 : i32
      %mul3A_1213 = arith.muli %sub3A_1084, %mul3A_1212 : i32
      %mul3A_1214 = arith.constant 4 : i32
      %mul3A_1215 = arith.muli %add3A_1211, %mul3A_1214 : i32
      %add3A_1216 = arith.addi %mul3A_1213, %mul3A_1215 : i32
      %mul3A_1217 = arith.constant 4096 : i32
      %mul3A_1218 = arith.muli %add3A_1216, %mul3A_1217 : i32
      %dma_start3A_1219 = tpu.memref_slice %arg9[%mul3A_1218] : memref<18874368xf32, #tpu.memory_space<hbm>> -> memref<16384xf32, #tpu.memory_space<hbm>>
      %dma_start3A_1220 = tpu.memref_slice %arg9[%mul3A_1218] : memref<18874368xf32, #tpu.memory_space<hbm>> -> memref<16384xf32, #tpu.memory_space<hbm>>
      tpu.enqueue_dma source(%arg13 : memref<16384xf32, #tpu.memory_space<vmem>>) target(%dma_start3A_1220 : memref<16384xf32, #tpu.memory_space<hbm>>) target_semaphore(%arg16 : memref<!tpu.dma_semaphore, #tpu.memory_space<semaphore_mem>>)
      %le3A_1221 = arith.constant 2 : i32
      %le3A_1222 = arith.cmpi sle, %min3A_1124, %le3A_1221 : i32
      %convert_element_type3A_1223 = arith.extui %le3A_1222 : i1 to i32
      %mul3A_1224 = arith.constant 5 : i32
      %mul3A_1225 = arith.muli %mul3A_1224, %convert_element_type3A_1223 : i32
      %add3A_1226 = arith.constant 2 : i32
      %add3A_1227 = arith.addi %add3A_1226, %mul3A_1225 : i32
      %mul3A_1228 = arith.constant 64 : i32
      %mul3A_1229 = arith.muli %sub3A_1084, %mul3A_1228 : i32
      %mul3A_1230 = arith.constant 4 : i32
      %mul3A_1231 = arith.muli %add3A_1227, %mul3A_1230 : i32
      %add3A_1232 = arith.addi %mul3A_1229, %mul3A_1231 : i32
      %mul3A_1233 = arith.constant 4096 : i32
      %mul3A_1234 = arith.muli %add3A_1232, %mul3A_1233 : i32
      %dma_start3A_1235 = tpu.memref_slice %arg9[%mul3A_1234] : memref<18874368xf32, #tpu.memory_space<hbm>> -> memref<16384xf32, #tpu.memory_space<hbm>>
      %dma_start3A_1236 = tpu.memref_slice %arg9[%mul3A_1234] : memref<18874368xf32, #tpu.memory_space<hbm>> -> memref<16384xf32, #tpu.memory_space<hbm>>
      tpu.enqueue_dma source(%arg13 : memref<16384xf32, #tpu.memory_space<vmem>>) target(%dma_start3A_1236 : memref<16384xf32, #tpu.memory_space<hbm>>) target_semaphore(%arg16 : memref<!tpu.dma_semaphore, #tpu.memory_space<semaphore_mem>>)
      %le3A_1237 = arith.constant 3 : i32
      %le3A_1238 = arith.cmpi sle, %min3A_1124, %le3A_1237 : i32
      %convert_element_type3A_1239 = arith.extui %le3A_1238 : i1 to i32
      %mul3A_1240 = arith.constant 5 : i32
      %mul3A_1241 = arith.muli %mul3A_1240, %convert_element_type3A_1239 : i32
      %add3A_1242 = arith.constant 3 : i32
      %add3A_1243 = arith.addi %add3A_1242, %mul3A_1241 : i32
      %mul3A_1244 = arith.constant 64 : i32
      %mul3A_1245 = arith.muli %sub3A_1084, %mul3A_1244 : i32
      %mul3A_1246 = arith.constant 4 : i32
      %mul3A_1247 = arith.muli %add3A_1243, %mul3A_1246 : i32
      %add3A_1248 = arith.addi %mul3A_1245, %mul3A_1247 : i32
      %mul3A_1249 = arith.constant 4096 : i32
      %mul3A_1250 = arith.muli %add3A_1248, %mul3A_1249 : i32
      %dma_start3A_1251 = tpu.memref_slice %arg9[%mul3A_1250] : memref<18874368xf32, #tpu.memory_space<hbm>> -> memref<16384xf32, #tpu.memory_space<hbm>>
      %dma_start3A_1252 = tpu.memref_slice %arg9[%mul3A_1250] : memref<18874368xf32, #tpu.memory_space<hbm>> -> memref<16384xf32, #tpu.memory_space<hbm>>
      tpu.enqueue_dma source(%arg13 : memref<16384xf32, #tpu.memory_space<vmem>>) target(%dma_start3A_1252 : memref<16384xf32, #tpu.memory_space<hbm>>) target_semaphore(%arg16 : memref<!tpu.dma_semaphore, #tpu.memory_space<semaphore_mem>>)
      %le3A_1253 = arith.constant 4 : i32
      %le3A_1254 = arith.cmpi sle, %min3A_1124, %le3A_1253 : i32
      %convert_element_type3A_1255 = arith.extui %le3A_1254 : i1 to i32
      %mul3A_1256 = arith.constant 5 : i32
      %mul3A_1257 = arith.muli %mul3A_1256, %convert_element_type3A_1255 : i32
      %add3A_1258 = arith.constant 4 : i32
      %add3A_1259 = arith.addi %add3A_1258, %mul3A_1257 : i32
      %mul3A_1260 = arith.constant 64 : i32
      %mul3A_1261 = arith.muli %sub3A_1084, %mul3A_1260 : i32
      %mul3A_1262 = arith.constant 4 : i32
      %mul3A_1263 = arith.muli %add3A_1259, %mul3A_1262 : i32
      %add3A_1264 = arith.addi %mul3A_1261, %mul3A_1263 : i32
      %mul3A_1265 = arith.constant 4096 : i32
      %mul3A_1266 = arith.muli %add3A_1264, %mul3A_1265 : i32
      %dma_start3A_1267 = tpu.memref_slice %arg9[%mul3A_1266] : memref<18874368xf32, #tpu.memory_space<hbm>> -> memref<16384xf32, #tpu.memory_space<hbm>>
      %dma_start3A_1268 = tpu.memref_slice %arg9[%mul3A_1266] : memref<18874368xf32, #tpu.memory_space<hbm>> -> memref<16384xf32, #tpu.memory_space<hbm>>
      tpu.enqueue_dma source(%arg13 : memref<16384xf32, #tpu.memory_space<vmem>>) target(%dma_start3A_1268 : memref<16384xf32, #tpu.memory_space<hbm>>) target_semaphore(%arg16 : memref<!tpu.dma_semaphore, #tpu.memory_space<semaphore_mem>>)
      %le3A_1269 = arith.constant 5 : i32
      %le3A_1270 = arith.cmpi sle, %min3A_1124, %le3A_1269 : i32
      %convert_element_type3A_1271 = arith.extui %le3A_1270 : i1 to i32
      %mul3A_1272 = arith.constant 5 : i32
      %mul3A_1273 = arith.muli %mul3A_1272, %convert_element_type3A_1271 : i32
      %add3A_1274 = arith.constant 5 : i32
      %add3A_1275 = arith.addi %add3A_1274, %mul3A_1273 : i32
      %mul3A_1276 = arith.constant 64 : i32
      %mul3A_1277 = arith.muli %sub3A_1084, %mul3A_1276 : i32
      %mul3A_1278 = arith.constant 4 : i32
      %mul3A_1279 = arith.muli %add3A_1275, %mul3A_1278 : i32
      %add3A_1280 = arith.addi %mul3A_1277, %mul3A_1279 : i32
      %mul3A_1281 = arith.constant 4096 : i32
      %mul3A_1282 = arith.muli %add3A_1280, %mul3A_1281 : i32
      %dma_start3A_1283 = tpu.memref_slice %arg9[%mul3A_1282] : memref<18874368xf32, #tpu.memory_space<hbm>> -> memref<16384xf32, #tpu.memory_space<hbm>>
      %dma_start3A_1284 = tpu.memref_slice %arg9[%mul3A_1282] : memref<18874368xf32, #tpu.memory_space<hbm>> -> memref<16384xf32, #tpu.memory_space<hbm>>
      tpu.enqueue_dma source(%arg13 : memref<16384xf32, #tpu.memory_space<vmem>>) target(%dma_start3A_1284 : memref<16384xf32, #tpu.memory_space<hbm>>) target_semaphore(%arg16 : memref<!tpu.dma_semaphore, #tpu.memory_space<semaphore_mem>>)
      %dma_wait3A_1285 = tpu.memref_slice %arg9[%mul3A_1202] : memref<18874368xf32, #tpu.memory_space<hbm>> -> memref<16384xf32, #tpu.memory_space<hbm>>
      %dma_wait3A_1286 = tpu.memref_slice %arg9[%mul3A_1202] : memref<18874368xf32, #tpu.memory_space<hbm>> -> memref<16384xf32, #tpu.memory_space<hbm>>
      tpu.wait_dma2 semaphore(%arg16 : memref<!tpu.dma_semaphore, #tpu.memory_space<semaphore_mem>>) src(%arg13 : memref<16384xf32, #tpu.memory_space<vmem>>) dst(%dma_wait3A_1286 : memref<16384xf32, #tpu.memory_space<hbm>>)
      %dma_wait3A_1287 = tpu.memref_slice %arg9[%mul3A_1218] : memref<18874368xf32, #tpu.memory_space<hbm>> -> memref<16384xf32, #tpu.memory_space<hbm>>
      %dma_wait3A_1288 = tpu.memref_slice %arg9[%mul3A_1218] : memref<18874368xf32, #tpu.memory_space<hbm>> -> memref<16384xf32, #tpu.memory_space<hbm>>
      tpu.wait_dma2 semaphore(%arg16 : memref<!tpu.dma_semaphore, #tpu.memory_space<semaphore_mem>>) src(%arg13 : memref<16384xf32, #tpu.memory_space<vmem>>) dst(%dma_wait3A_1288 : memref<16384xf32, #tpu.memory_space<hbm>>)
      %dma_wait3A_1289 = tpu.memref_slice %arg9[%mul3A_1234] : memref<18874368xf32, #tpu.memory_space<hbm>> -> memref<16384xf32, #tpu.memory_space<hbm>>
      %dma_wait3A_1290 = tpu.memref_slice %arg9[%mul3A_1234] : memref<18874368xf32, #tpu.memory_space<hbm>> -> memref<16384xf32, #tpu.memory_space<hbm>>
      tpu.wait_dma2 semaphore(%arg16 : memref<!tpu.dma_semaphore, #tpu.memory_space<semaphore_mem>>) src(%arg13 : memref<16384xf32, #tpu.memory_space<vmem>>) dst(%dma_wait3A_1290 : memref<16384xf32, #tpu.memory_space<hbm>>)
      %dma_wait3A_1291 = tpu.memref_slice %arg9[%mul3A_1250] : memref<18874368xf32, #tpu.memory_space<hbm>> -> memref<16384xf32, #tpu.memory_space<hbm>>
      %dma_wait3A_1292 = tpu.memref_slice %arg9[%mul3A_1250] : memref<18874368xf32, #tpu.memory_space<hbm>> -> memref<16384xf32, #tpu.memory_space<hbm>>
      tpu.wait_dma2 semaphore(%arg16 : memref<!tpu.dma_semaphore, #tpu.memory_space<semaphore_mem>>) src(%arg13 : memref<16384xf32, #tpu.memory_space<vmem>>) dst(%dma_wait3A_1292 : memref<16384xf32, #tpu.memory_space<hbm>>)
      %dma_wait3A_1293 = tpu.memref_slice %arg9[%mul3A_1266] : memref<18874368xf32, #tpu.memory_space<hbm>> -> memref<16384xf32, #tpu.memory_space<hbm>>
      %dma_wait3A_1294 = tpu.memref_slice %arg9[%mul3A_1266] : memref<18874368xf32, #tpu.memory_space<hbm>> -> memref<16384xf32, #tpu.memory_space<hbm>>
      tpu.wait_dma2 semaphore(%arg16 : memref<!tpu.dma_semaphore, #tpu.memory_space<semaphore_mem>>) src(%arg13 : memref<16384xf32, #tpu.memory_space<vmem>>) dst(%dma_wait3A_1294 : memref<16384xf32, #tpu.memory_space<hbm>>)
      %dma_wait3A_1295 = tpu.memref_slice %arg9[%mul3A_1282] : memref<18874368xf32, #tpu.memory_space<hbm>> -> memref<16384xf32, #tpu.memory_space<hbm>>
      %dma_wait3A_1296 = tpu.memref_slice %arg9[%mul3A_1282] : memref<18874368xf32, #tpu.memory_space<hbm>> -> memref<16384xf32, #tpu.memory_space<hbm>>
      tpu.wait_dma2 semaphore(%arg16 : memref<!tpu.dma_semaphore, #tpu.memory_space<semaphore_mem>>) src(%arg13 : memref<16384xf32, #tpu.memory_space<vmem>>) dst(%dma_wait3A_1296 : memref<16384xf32, #tpu.memory_space<hbm>>)
    } else {
    }
    %ge3A_981 = arith.constant 16 : i32
    %ge3A_982 = arith.cmpi sge, %add3A, %ge3A_981 : i32
    %lt3A_983 = arith.constant 24 : i32
    %lt3A_984 = arith.cmpi slt, %add3A, %lt3A_983 : i32
    %and3A_985 = arith.andi %ge3A_982, %lt3A_984 : i1
    %convert_element_type3A_986 = arith.extui %and3A_985 : i1 to i32
    %cond3A_987 = arith.constant 0 : i32
    %cond3A_988 = arith.cmpi ne, %convert_element_type3A_986, %cond3A_987 : i32
    scf.if %cond3A_988 {
      %add3A_1081 = arith.constant 64 : i32
      %add3A_1082 = arith.addi %add3A_1081, %add3A : i32
      %sub3A_1083 = arith.constant 16 : i32
      %sub3A_1084 = arith.subi %add3A_1082, %sub3A_1083 : i32
      %mul3A_1085 = arith.constant 16 : i32
      %mul3A_1086 = arith.muli %sub3A_1084, %mul3A_1085 : i32
      %get3A_1087 = arith.index_cast %mul3A_1086 : i32 to index
      %get3A_1088 = tpu.vector_load %arg10[%get3A_1087] {strides = array<i32>} : memref<1152xi32, #tpu.memory_space<vmem>>, vector<16xi32>,
      %slice3A_1089 = vector.extract_strided_slice %get3A_1088 {offsets = [2], sizes = [1], strides = [1]} : vector<16xi32> to vector<1xi32>
      %squeeze3A_1090 = vector.extract %slice3A_1089[0] : i32 from vector<1xi32>
      %sub3A_1091 = arith.constant 1 : i32
      %sub3A_1092 = arith.subi %squeeze3A_1090, %sub3A_1091 : i32
      %sub3A_1093 = arith.constant 6 : i32
      %sub3A_1094 = arith.subi %sub3A_1092, %sub3A_1093 : i32
      %jit3A_1095 = arith.constant 0 : i32
      %jit3A_1096 = arith.constant 51 : i32
      %max3A_1097 = arith.maxsi %jit3A_1095, %sub3A_1094 : i32
      %min3A_1098 = arith.minsi %jit3A_1096, %max3A_1097 : i32
      %jit3A_1099 = arith.constant 4 : i32
      %div3A_1100 = arith.divsi %min3A_1098, %jit3A_1099 : i32
      %sign3A_1101 = arith.constant 0 : i32
      %sign3A_1102 = arith.cmpi sgt, %min3A_1098, %sign3A_1101 : i32
      %sign3A_1103 = arith.extui %sign3A_1102 : i1 to i32
      %sign3A_1104 = arith.constant 0 : i32
      %sign3A_1105 = arith.cmpi slt, %min3A_1098, %sign3A_1104 : i32
      %sign3A_1106 = arith.extui %sign3A_1105 : i1 to i32
      %sign3A_1107 = arith.subi %sign3A_1103, %sign3A_1106 : i32
      %sign3A_1108 = arith.constant 0 : i32
      %sign3A_1109 = arith.cmpi sgt, %jit3A_1099, %sign3A_1108 : i32
      %sign3A_1110 = arith.extui %sign3A_1109 : i1 to i32
      %sign3A_1111 = arith.constant 0 : i32
      %sign3A_1112 = arith.cmpi slt, %jit3A_1099, %sign3A_1111 : i32
      %sign3A_1113 = arith.extui %sign3A_1112 : i1 to i32
      %sign3A_1114 = arith.subi %sign3A_1110, %sign3A_1113 : i32
      %ne3A_1115 = arith.cmpi ne, %sign3A_1107, %sign3A_1114 : i32
      %rem3A_1116 = arith.remsi %min3A_1098, %jit3A_1099 : i32
      %ne3A_1117 = arith.constant 0 : i32
      %ne3A_1118 = arith.cmpi ne, %rem3A_1116, %ne3A_1117 : i32
      %and3A_1119 = arith.andi %ne3A_1115, %ne3A_1118 : i1
      %sub3A_1120 = arith.constant 1 : i32
      %sub3A_1121 = arith.subi %div3A_1100, %sub3A_1120 : i32
      %select_n3A_1122 = arith.select %and3A_1119, %sub3A_1121, %div3A_1100 : i32
      %min3A_1123 = arith.constant 11 : i32
      %min3A_1124 = arith.minsi %select_n3A_1122, %min3A_1123 : i32
      %mul3A_1125 = arith.constant 4 : i32
      %mul3A_1126 = arith.muli %squeeze3A_1090, %mul3A_1125 : i32
      %add3A_1127 = arith.constant 63 : i32
      %add3A_1128 = arith.addi %mul3A_1126, %add3A_1127 : i32
      %jit3A_1129 = arith.constant 64 : i32
      %div3A_1130 = arith.divsi %add3A_1128, %jit3A_1129 : i32
      %sign3A_1131 = arith.constant 0 : i32
      %sign3A_1132 = arith.cmpi sgt, %add3A_1128, %sign3A_1131 : i32
      %sign3A_1133 = arith.extui %sign3A_1132 : i1 to i32
      %sign3A_1134 = arith.constant 0 : i32
      %sign3A_1135 = arith.cmpi slt, %add3A_1128, %sign3A_1134 : i32
      %sign3A_1136 = arith.extui %sign3A_1135 : i1 to i32
      %sign3A_1137 = arith.subi %sign3A_1133, %sign3A_1136 : i32
      %sign3A_1138 = arith.constant 0 : i32
      %sign3A_1139 = arith.cmpi sgt, %jit3A_1129, %sign3A_1138 : i32
      %sign3A_1140 = arith.extui %sign3A_1139 : i1 to i32
      %sign3A_1141 = arith.constant 0 : i32
      %sign3A_1142 = arith.cmpi slt, %jit3A_1129, %sign3A_1141 : i32
      %sign3A_1143 = arith.extui %sign3A_1142 : i1 to i32
      %sign3A_1144 = arith.subi %sign3A_1140, %sign3A_1143 : i32
      %ne3A_1145 = arith.cmpi ne, %sign3A_1137, %sign3A_1144 : i32
      %rem3A_1146 = arith.remsi %add3A_1128, %jit3A_1129 : i32
      %ne3A_1147 = arith.constant 0 : i32
      %ne3A_1148 = arith.cmpi ne, %rem3A_1146, %ne3A_1147 : i32
      %and3A_1149 = arith.andi %ne3A_1145, %ne3A_1148 : i1
      %sub3A_1150 = arith.constant 1 : i32
      %sub3A_1151 = arith.subi %div3A_1130, %sub3A_1150 : i32
      %select_n3A_1152 = arith.select %and3A_1149, %sub3A_1151, %div3A_1130 : i32
      %sub3A_1153 = arith.constant 1 : i32
      %sub3A_1154 = arith.subi %select_n3A_1152, %sub3A_1153 : i32
      %max3A_1155 = arith.constant 0 : i32
      %max3A_1156 = arith.maxsi %sub3A_1154, %max3A_1155 : i32
      %mul3A_1157 = arith.constant 2 : i32
      %mul3A_1158 = arith.muli %squeeze3A_1090, %mul3A_1157 : i32
      %add3A_1159 = arith.constant 63 : i32
      %add3A_1160 = arith.addi %mul3A_1158, %add3A_1159 : i32
      %jit3A_1161 = arith.constant 64 : i32
      %div3A_1162 = arith.divsi %add3A_1160, %jit3A_1161 : i32
      %sign3A_1163 = arith.constant 0 : i32
      %sign3A_1164 = arith.cmpi sgt, %add3A_1160, %sign3A_1163 : i32
      %sign3A_1165 = arith.extui %sign3A_1164 : i1 to i32
      %sign3A_1166 = arith.constant 0 : i32
      %sign3A_1167 = arith.cmpi slt, %add3A_1160, %sign3A_1166 : i32
      %sign3A_1168 = arith.extui %sign3A_1167 : i1 to i32
      %sign3A_1169 = arith.subi %sign3A_1165, %sign3A_1168 : i32
      %sign3A_1170 = arith.constant 0 : i32
      %sign3A_1171 = arith.cmpi sgt, %jit3A_1161, %sign3A_1170 : i32
      %sign3A_1172 = arith.extui %sign3A_1171 : i1 to i32
      %sign3A_1173 = arith.constant 0 : i32
      %sign3A_1174 = arith.cmpi slt, %jit3A_1161, %sign3A_1173 : i32
      %sign3A_1175 = arith.extui %sign3A_1174 : i1 to i32
      %sign3A_1176 = arith.subi %sign3A_1172, %sign3A_1175 : i32
      %ne3A_1177 = arith.cmpi ne, %sign3A_1169, %sign3A_1176 : i32
      %rem3A_1178 = arith.remsi %add3A_1160, %jit3A_1161 : i32
      %ne3A_1179 = arith.constant 0 : i32
      %ne3A_1180 = arith.cmpi ne, %rem3A_1178, %ne3A_1179 : i32
      %and3A_1181 = arith.andi %ne3A_1177, %ne3A_1180 : i1
      %sub3A_1182 = arith.constant 1 : i32
      %sub3A_1183 = arith.subi %div3A_1162, %sub3A_1182 : i32
      %select_n3A_1184 = arith.select %and3A_1181, %sub3A_1183, %div3A_1162 : i32
      %sub3A_1185 = arith.constant 1 : i32
      %sub3A_1186 = arith.subi %select_n3A_1184, %sub3A_1185 : i32
      %max3A_1187 = arith.constant 0 : i32
      %max3A_1188 = arith.maxsi %sub3A_1186, %max3A_1187 : i32
      %le3A_1189 = arith.constant 6 : i32
      %le3A_1190 = arith.cmpi sle, %min3A_1124, %le3A_1189 : i32
      %convert_element_type3A_1191 = arith.extui %le3A_1190 : i1 to i32
      %mul3A_1192 = arith.constant 5 : i32
      %mul3A_1193 = arith.muli %mul3A_1192, %convert_element_type3A_1191 : i32
      %add3A_1194 = arith.constant 6 : i32
      %add3A_1195 = arith.addi %add3A_1194, %mul3A_1193 : i32
      %mul3A_1196 = arith.constant 64 : i32
      %mul3A_1197 = arith.muli %sub3A_1084, %mul3A_1196 : i32
      %mul3A_1198 = arith.constant 4 : i32
      %mul3A_1199 = arith.muli %add3A_1195, %mul3A_1198 : i32
      %add3A_1200 = arith.addi %mul3A_1197, %mul3A_1199 : i32
      %mul3A_1201 = arith.constant 4096 : i32
      %mul3A_1202 = arith.muli %add3A_1200, %mul3A_1201 : i32
      %dma_start3A_1203 = tpu.memref_slice %arg9[%mul3A_1202] : memref<18874368xf32, #tpu.memory_space<hbm>> -> memref<16384xf32, #tpu.memory_space<hbm>>
      %dma_start3A_1204 = tpu.memref_slice %arg9[%mul3A_1202] : memref<18874368xf32, #tpu.memory_space<hbm>> -> memref<16384xf32, #tpu.memory_space<hbm>>
      tpu.enqueue_dma source(%arg13 : memref<16384xf32, #tpu.memory_space<vmem>>) target(%dma_start3A_1204 : memref<16384xf32, #tpu.memory_space<hbm>>) target_semaphore(%arg16 : memref<!tpu.dma_semaphore, #tpu.memory_space<semaphore_mem>>)
      %le3A_1205 = arith.constant 7 : i32
      %le3A_1206 = arith.cmpi sle, %min3A_1124, %le3A_1205 : i32
      %convert_element_type3A_1207 = arith.extui %le3A_1206 : i1 to i32
      %mul3A_1208 = arith.constant 5 : i32
      %mul3A_1209 = arith.muli %mul3A_1208, %convert_element_type3A_1207 : i32
      %add3A_1210 = arith.constant 7 : i32
      %add3A_1211 = arith.addi %add3A_1210, %mul3A_1209 : i32
      %mul3A_1212 = arith.constant 64 : i32
      %mul3A_1213 = arith.muli %sub3A_1084, %mul3A_1212 : i32
      %mul3A_1214 = arith.constant 4 : i32
      %mul3A_1215 = arith.muli %add3A_1211, %mul3A_1214 : i32
      %add3A_1216 = arith.addi %mul3A_1213, %mul3A_1215 : i32
      %mul3A_1217 = arith.constant 4096 : i32
      %mul3A_1218 = arith.muli %add3A_1216, %mul3A_1217 : i32
      %dma_start3A_1219 = tpu.memref_slice %arg9[%mul3A_1218] : memref<18874368xf32, #tpu.memory_space<hbm>> -> memref<16384xf32, #tpu.memory_space<hbm>>
      %dma_start3A_1220 = tpu.memref_slice %arg9[%mul3A_1218] : memref<18874368xf32, #tpu.memory_space<hbm>> -> memref<16384xf32, #tpu.memory_space<hbm>>
      tpu.enqueue_dma source(%arg13 : memref<16384xf32, #tpu.memory_space<vmem>>) target(%dma_start3A_1220 : memref<16384xf32, #tpu.memory_space<hbm>>) target_semaphore(%arg16 : memref<!tpu.dma_semaphore, #tpu.memory_space<semaphore_mem>>)
      %le3A_1221 = arith.constant 8 : i32
      %le3A_1222 = arith.cmpi sle, %min3A_1124, %le3A_1221 : i32
      %convert_element_type3A_1223 = arith.extui %le3A_1222 : i1 to i32
      %mul3A_1224 = arith.constant 5 : i32
      %mul3A_1225 = arith.muli %mul3A_1224, %convert_element_type3A_1223 : i32
      %add3A_1226 = arith.constant 8 : i32
      %add3A_1227 = arith.addi %add3A_1226, %mul3A_1225 : i32
      %mul3A_1228 = arith.constant 64 : i32
      %mul3A_1229 = arith.muli %sub3A_1084, %mul3A_1228 : i32
      %mul3A_1230 = arith.constant 4 : i32
      %mul3A_1231 = arith.muli %add3A_1227, %mul3A_1230 : i32
      %add3A_1232 = arith.addi %mul3A_1229, %mul3A_1231 : i32
      %mul3A_1233 = arith.constant 4096 : i32
      %mul3A_1234 = arith.muli %add3A_1232, %mul3A_1233 : i32
      %dma_start3A_1235 = tpu.memref_slice %arg9[%mul3A_1234] : memref<18874368xf32, #tpu.memory_space<hbm>> -> memref<16384xf32, #tpu.memory_space<hbm>>
      %dma_start3A_1236 = tpu.memref_slice %arg9[%mul3A_1234] : memref<18874368xf32, #tpu.memory_space<hbm>> -> memref<16384xf32, #tpu.memory_space<hbm>>
      tpu.enqueue_dma source(%arg13 : memref<16384xf32, #tpu.memory_space<vmem>>) target(%dma_start3A_1236 : memref<16384xf32, #tpu.memory_space<hbm>>) target_semaphore(%arg16 : memref<!tpu.dma_semaphore, #tpu.memory_space<semaphore_mem>>)
      %le3A_1237 = arith.constant 9 : i32
      %le3A_1238 = arith.cmpi sle, %min3A_1124, %le3A_1237 : i32
      %convert_element_type3A_1239 = arith.extui %le3A_1238 : i1 to i32
      %mul3A_1240 = arith.constant 5 : i32
      %mul3A_1241 = arith.muli %mul3A_1240, %convert_element_type3A_1239 : i32
      %add3A_1242 = arith.constant 9 : i32
      %add3A_1243 = arith.addi %add3A_1242, %mul3A_1241 : i32
      %mul3A_1244 = arith.constant 64 : i32
      %mul3A_1245 = arith.muli %sub3A_1084, %mul3A_1244 : i32
      %mul3A_1246 = arith.constant 4 : i32
      %mul3A_1247 = arith.muli %add3A_1243, %mul3A_1246 : i32
      %add3A_1248 = arith.addi %mul3A_1245, %mul3A_1247 : i32
      %mul3A_1249 = arith.constant 4096 : i32
      %mul3A_1250 = arith.muli %add3A_1248, %mul3A_1249 : i32
      %dma_start3A_1251 = tpu.memref_slice %arg9[%mul3A_1250] : memref<18874368xf32, #tpu.memory_space<hbm>> -> memref<16384xf32, #tpu.memory_space<hbm>>
      %dma_start3A_1252 = tpu.memref_slice %arg9[%mul3A_1250] : memref<18874368xf32, #tpu.memory_space<hbm>> -> memref<16384xf32, #tpu.memory_space<hbm>>
      tpu.enqueue_dma source(%arg13 : memref<16384xf32, #tpu.memory_space<vmem>>) target(%dma_start3A_1252 : memref<16384xf32, #tpu.memory_space<hbm>>) target_semaphore(%arg16 : memref<!tpu.dma_semaphore, #tpu.memory_space<semaphore_mem>>)
      %le3A_1253 = arith.constant 10 : i32
      %le3A_1254 = arith.cmpi sle, %min3A_1124, %le3A_1253 : i32
      %convert_element_type3A_1255 = arith.extui %le3A_1254 : i1 to i32
      %mul3A_1256 = arith.constant 5 : i32
      %mul3A_1257 = arith.muli %mul3A_1256, %convert_element_type3A_1255 : i32
      %add3A_1258 = arith.constant 10 : i32
      %add3A_1259 = arith.addi %add3A_1258, %mul3A_1257 : i32
      %mul3A_1260 = arith.constant 64 : i32
      %mul3A_1261 = arith.muli %sub3A_1084, %mul3A_1260 : i32
      %mul3A_1262 = arith.constant 4 : i32
      %mul3A_1263 = arith.muli %add3A_1259, %mul3A_1262 : i32
      %add3A_1264 = arith.addi %mul3A_1261, %mul3A_1263 : i32
      %mul3A_1265 = arith.constant 4096 : i32
      %mul3A_1266 = arith.muli %add3A_1264, %mul3A_1265 : i32
      %dma_start3A_1267 = tpu.memref_slice %arg9[%mul3A_1266] : memref<18874368xf32, #tpu.memory_space<hbm>> -> memref<16384xf32, #tpu.memory_space<hbm>>
      %dma_start3A_1268 = tpu.memref_slice %arg9[%mul3A_1266] : memref<18874368xf32, #tpu.memory_space<hbm>> -> memref<16384xf32, #tpu.memory_space<hbm>>
      tpu.enqueue_dma source(%arg13 : memref<16384xf32, #tpu.memory_space<vmem>>) target(%dma_start3A_1268 : memref<16384xf32, #tpu.memory_space<hbm>>) target_semaphore(%arg16 : memref<!tpu.dma_semaphore, #tpu.memory_space<semaphore_mem>>)
      %le3A_1269 = arith.constant 0 : i32
      %le3A_1270 = arith.cmpi sle, %max3A_1156, %le3A_1269 : i32
      %convert_element_type3A_1271 = arith.extui %le3A_1270 : i1 to i32
      %add3A_1272 = arith.constant 0 : i32
      %add3A_1273 = arith.addi %add3A_1272, %convert_element_type3A_1271 : i32
      %mul3A_1274 = arith.constant 4 : i32
      %mul3A_1275 = arith.muli %sub3A_1084, %mul3A_1274 : i32
      %add3A_1276 = arith.addi %mul3A_1275, %add3A_1273 : i32
      %mul3A_1277 = arith.constant 4096 : i32
      %mul3A_1278 = arith.muli %add3A_1276, %mul3A_1277 : i32
      %dma_start3A_1279 = arith.constant 0 : i32
      %dma_start3A_1280 = tpu.memref_slice %arg13[%dma_start3A_1279] : memref<16384xf32, #tpu.memory_space<vmem>> -> memref<4096xf32, #tpu.memory_space<vmem>>
      %dma_start3A_1281 = tpu.memref_slice %arg8[%mul3A_1278] : memref<1179648xf32, #tpu.memory_space<hbm>> -> memref<4096xf32, #tpu.memory_space<hbm>>
      %dma_start3A_1282 = tpu.memref_slice %arg8[%mul3A_1278] : memref<1179648xf32, #tpu.memory_space<hbm>> -> memref<4096xf32, #tpu.memory_space<hbm>>
      %dma_start3A_1283 = arith.constant 0 : i32
      %dma_start3A_1284 = tpu.memref_slice %arg13[%dma_start3A_1283] : memref<16384xf32, #tpu.memory_space<vmem>> -> memref<4096xf32, #tpu.memory_space<vmem>>
      tpu.enqueue_dma source(%dma_start3A_1284 : memref<4096xf32, #tpu.memory_space<vmem>>) target(%dma_start3A_1282 : memref<4096xf32, #tpu.memory_space<hbm>>) target_semaphore(%arg16 : memref<!tpu.dma_semaphore, #tpu.memory_space<semaphore_mem>>)
      %le3A_1285 = arith.constant 1 : i32
      %le3A_1286 = arith.cmpi sle, %max3A_1156, %le3A_1285 : i32
      %convert_element_type3A_1287 = arith.extui %le3A_1286 : i1 to i32
      %add3A_1288 = arith.constant 1 : i32
      %add3A_1289 = arith.addi %add3A_1288, %convert_element_type3A_1287 : i32
      %mul3A_1290 = arith.constant 4 : i32
      %mul3A_1291 = arith.muli %sub3A_1084, %mul3A_1290 : i32
      %add3A_1292 = arith.addi %mul3A_1291, %add3A_1289 : i32
      %mul3A_1293 = arith.constant 4096 : i32
      %mul3A_1294 = arith.muli %add3A_1292, %mul3A_1293 : i32
      %dma_start3A_1295 = arith.constant 0 : i32
      %dma_start3A_1296 = tpu.memref_slice %arg13[%dma_start3A_1295] : memref<16384xf32, #tpu.memory_space<vmem>> -> memref<4096xf32, #tpu.memory_space<vmem>>
      %dma_start3A_1297 = tpu.memref_slice %arg8[%mul3A_1294] : memref<1179648xf32, #tpu.memory_space<hbm>> -> memref<4096xf32, #tpu.memory_space<hbm>>
      %dma_start3A_1298 = tpu.memref_slice %arg8[%mul3A_1294] : memref<1179648xf32, #tpu.memory_space<hbm>> -> memref<4096xf32, #tpu.memory_space<hbm>>
      %dma_start3A_1299 = arith.constant 0 : i32
      %dma_start3A_1300 = tpu.memref_slice %arg13[%dma_start3A_1299] : memref<16384xf32, #tpu.memory_space<vmem>> -> memref<4096xf32, #tpu.memory_space<vmem>>
      tpu.enqueue_dma source(%dma_start3A_1300 : memref<4096xf32, #tpu.memory_space<vmem>>) target(%dma_start3A_1298 : memref<4096xf32, #tpu.memory_space<hbm>>) target_semaphore(%arg16 : memref<!tpu.dma_semaphore, #tpu.memory_space<semaphore_mem>>)
      %le3A_1301 = arith.constant 2 : i32
      %le3A_1302 = arith.cmpi sle, %max3A_1156, %le3A_1301 : i32
      %convert_element_type3A_1303 = arith.extui %le3A_1302 : i1 to i32
      %add3A_1304 = arith.constant 2 : i32
      %add3A_1305 = arith.addi %add3A_1304, %convert_element_type3A_1303 : i32
      %mul3A_1306 = arith.constant 4 : i32
      %mul3A_1307 = arith.muli %sub3A_1084, %mul3A_1306 : i32
      %add3A_1308 = arith.addi %mul3A_1307, %add3A_1305 : i32
      %mul3A_1309 = arith.constant 4096 : i32
      %mul3A_1310 = arith.muli %add3A_1308, %mul3A_1309 : i32
      %dma_start3A_1311 = arith.constant 0 : i32
      %dma_start3A_1312 = tpu.memref_slice %arg13[%dma_start3A_1311] : memref<16384xf32, #tpu.memory_space<vmem>> -> memref<4096xf32, #tpu.memory_space<vmem>>
      %dma_start3A_1313 = tpu.memref_slice %arg8[%mul3A_1310] : memref<1179648xf32, #tpu.memory_space<hbm>> -> memref<4096xf32, #tpu.memory_space<hbm>>
      %dma_start3A_1314 = tpu.memref_slice %arg8[%mul3A_1310] : memref<1179648xf32, #tpu.memory_space<hbm>> -> memref<4096xf32, #tpu.memory_space<hbm>>
      %dma_start3A_1315 = arith.constant 0 : i32
      %dma_start3A_1316 = tpu.memref_slice %arg13[%dma_start3A_1315] : memref<16384xf32, #tpu.memory_space<vmem>> -> memref<4096xf32, #tpu.memory_space<vmem>>
      tpu.enqueue_dma source(%dma_start3A_1316 : memref<4096xf32, #tpu.memory_space<vmem>>) target(%dma_start3A_1314 : memref<4096xf32, #tpu.memory_space<hbm>>) target_semaphore(%arg16 : memref<!tpu.dma_semaphore, #tpu.memory_space<semaphore_mem>>)
      %eq3A_1317 = arith.constant 0 : i32
      %eq3A_1318 = arith.cmpi eq, %max3A_1188, %eq3A_1317 : i32
      %convert_element_type3A_1319 = arith.extui %eq3A_1318 : i1 to i32
      %mul3A_1320 = arith.constant 2 : i32
      %mul3A_1321 = arith.muli %sub3A_1084, %mul3A_1320 : i32
      %add3A_1322 = arith.addi %mul3A_1321, %convert_element_type3A_1319 : i32
      %mul3A_1323 = arith.constant 4096 : i32
      %mul3A_1324 = arith.muli %add3A_1322, %mul3A_1323 : i32
      %dma_start3A_1325 = arith.constant 0 : i32
      %dma_start3A_1326 = tpu.memref_slice %arg13[%dma_start3A_1325] : memref<16384xf32, #tpu.memory_space<vmem>> -> memref<4096xf32, #tpu.memory_space<vmem>>
      %dma_start3A_1327 = tpu.memref_slice %arg7[%mul3A_1324] : memref<589824xf32, #tpu.memory_space<hbm>> -> memref<4096xf32, #tpu.memory_space<hbm>>
      %dma_start3A_1328 = tpu.memref_slice %arg7[%mul3A_1324] : memref<589824xf32, #tpu.memory_space<hbm>> -> memref<4096xf32, #tpu.memory_space<hbm>>
      %dma_start3A_1329 = arith.constant 0 : i32
      %dma_start3A_1330 = tpu.memref_slice %arg13[%dma_start3A_1329] : memref<16384xf32, #tpu.memory_space<vmem>> -> memref<4096xf32, #tpu.memory_space<vmem>>
      tpu.enqueue_dma source(%dma_start3A_1330 : memref<4096xf32, #tpu.memory_space<vmem>>) target(%dma_start3A_1328 : memref<4096xf32, #tpu.memory_space<hbm>>) target_semaphore(%arg16 : memref<!tpu.dma_semaphore, #tpu.memory_space<semaphore_mem>>)
      %dma_wait3A_1331 = tpu.memref_slice %arg9[%mul3A_1202] : memref<18874368xf32, #tpu.memory_space<hbm>> -> memref<16384xf32, #tpu.memory_space<hbm>>
      %dma_wait3A_1332 = tpu.memref_slice %arg9[%mul3A_1202] : memref<18874368xf32, #tpu.memory_space<hbm>> -> memref<16384xf32, #tpu.memory_space<hbm>>
      tpu.wait_dma2 semaphore(%arg16 : memref<!tpu.dma_semaphore, #tpu.memory_space<semaphore_mem>>) src(%arg13 : memref<16384xf32, #tpu.memory_space<vmem>>) dst(%dma_wait3A_1332 : memref<16384xf32, #tpu.memory_space<hbm>>)
      %dma_wait3A_1333 = tpu.memref_slice %arg9[%mul3A_1218] : memref<18874368xf32, #tpu.memory_space<hbm>> -> memref<16384xf32, #tpu.memory_space<hbm>>
      %dma_wait3A_1334 = tpu.memref_slice %arg9[%mul3A_1218] : memref<18874368xf32, #tpu.memory_space<hbm>> -> memref<16384xf32, #tpu.memory_space<hbm>>
      tpu.wait_dma2 semaphore(%arg16 : memref<!tpu.dma_semaphore, #tpu.memory_space<semaphore_mem>>) src(%arg13 : memref<16384xf32, #tpu.memory_space<vmem>>) dst(%dma_wait3A_1334 : memref<16384xf32, #tpu.memory_space<hbm>>)
      %dma_wait3A_1335 = tpu.memref_slice %arg9[%mul3A_1234] : memref<18874368xf32, #tpu.memory_space<hbm>> -> memref<16384xf32, #tpu.memory_space<hbm>>
      %dma_wait3A_1336 = tpu.memref_slice %arg9[%mul3A_1234] : memref<18874368xf32, #tpu.memory_space<hbm>> -> memref<16384xf32, #tpu.memory_space<hbm>>
      tpu.wait_dma2 semaphore(%arg16 : memref<!tpu.dma_semaphore, #tpu.memory_space<semaphore_mem>>) src(%arg13 : memref<16384xf32, #tpu.memory_space<vmem>>) dst(%dma_wait3A_1336 : memref<16384xf32, #tpu.memory_space<hbm>>)
      %dma_wait3A_1337 = tpu.memref_slice %arg9[%mul3A_1250] : memref<18874368xf32, #tpu.memory_space<hbm>> -> memref<16384xf32, #tpu.memory_space<hbm>>
      %dma_wait3A_1338 = tpu.memref_slice %arg9[%mul3A_1250] : memref<18874368xf32, #tpu.memory_space<hbm>> -> memref<16384xf32, #tpu.memory_space<hbm>>
      tpu.wait_dma2 semaphore(%arg16 : memref<!tpu.dma_semaphore, #tpu.memory_space<semaphore_mem>>) src(%arg13 : memref<16384xf32, #tpu.memory_space<vmem>>) dst(%dma_wait3A_1338 : memref<16384xf32, #tpu.memory_space<hbm>>)
      %dma_wait3A_1339 = tpu.memref_slice %arg9[%mul3A_1266] : memref<18874368xf32, #tpu.memory_space<hbm>> -> memref<16384xf32, #tpu.memory_space<hbm>>
      %dma_wait3A_1340 = tpu.memref_slice %arg9[%mul3A_1266] : memref<18874368xf32, #tpu.memory_space<hbm>> -> memref<16384xf32, #tpu.memory_space<hbm>>
      tpu.wait_dma2 semaphore(%arg16 : memref<!tpu.dma_semaphore, #tpu.memory_space<semaphore_mem>>) src(%arg13 : memref<16384xf32, #tpu.memory_space<vmem>>) dst(%dma_wait3A_1340 : memref<16384xf32, #tpu.memory_space<hbm>>)
      %dma_wait3A_1341 = arith.constant 0 : i32
      %dma_wait3A_1342 = tpu.memref_slice %arg13[%dma_wait3A_1341] : memref<16384xf32, #tpu.memory_space<vmem>> -> memref<4096xf32, #tpu.memory_space<vmem>>
      %dma_wait3A_1343 = tpu.memref_slice %arg8[%mul3A_1278] : memref<1179648xf32, #tpu.memory_space<hbm>> -> memref<4096xf32, #tpu.memory_space<hbm>>
      %dma_wait3A_1344 = tpu.memref_slice %arg8[%mul3A_1278] : memref<1179648xf32, #tpu.memory_space<hbm>> -> memref<4096xf32, #tpu.memory_space<hbm>>
      %dma_wait3A_1345 = arith.constant 0 : i32
      %dma_wait3A_1346 = tpu.memref_slice %arg13[%dma_wait3A_1345] : memref<16384xf32, #tpu.memory_space<vmem>> -> memref<4096xf32, #tpu.memory_space<vmem>>
      tpu.wait_dma2 semaphore(%arg16 : memref<!tpu.dma_semaphore, #tpu.memory_space<semaphore_mem>>) src(%dma_wait3A_1346 : memref<4096xf32, #tpu.memory_space<vmem>>) dst(%dma_wait3A_1344 : memref<4096xf32, #tpu.memory_space<hbm>>)
      %dma_wait3A_1347 = arith.constant 0 : i32
      %dma_wait3A_1348 = tpu.memref_slice %arg13[%dma_wait3A_1347] : memref<16384xf32, #tpu.memory_space<vmem>> -> memref<4096xf32, #tpu.memory_space<vmem>>
      %dma_wait3A_1349 = tpu.memref_slice %arg8[%mul3A_1294] : memref<1179648xf32, #tpu.memory_space<hbm>> -> memref<4096xf32, #tpu.memory_space<hbm>>
      %dma_wait3A_1350 = tpu.memref_slice %arg8[%mul3A_1294] : memref<1179648xf32, #tpu.memory_space<hbm>> -> memref<4096xf32, #tpu.memory_space<hbm>>
      %dma_wait3A_1351 = arith.constant 0 : i32
      %dma_wait3A_1352 = tpu.memref_slice %arg13[%dma_wait3A_1351] : memref<16384xf32, #tpu.memory_space<vmem>> -> memref<4096xf32, #tpu.memory_space<vmem>>
      tpu.wait_dma2 semaphore(%arg16 : memref<!tpu.dma_semaphore, #tpu.memory_space<semaphore_mem>>) src(%dma_wait3A_1352 : memref<4096xf32, #tpu.memory_space<vmem>>) dst(%dma_wait3A_1350 : memref<4096xf32, #tpu.memory_space<hbm>>)
      %dma_wait3A_1353 = arith.constant 0 : i32
      %dma_wait3A_1354 = tpu.memref_slice %arg13[%dma_wait3A_1353] : memref<16384xf32, #tpu.memory_space<vmem>> -> memref<4096xf32, #tpu.memory_space<vmem>>
      %dma_wait3A_1355 = tpu.memref_slice %arg8[%mul3A_1310] : memref<1179648xf32, #tpu.memory_space<hbm>> -> memref<4096xf32, #tpu.memory_space<hbm>>
      %dma_wait3A_1356 = tpu.memref_slice %arg8[%mul3A_1310] : memref<1179648xf32, #tpu.memory_space<hbm>> -> memref<4096xf32, #tpu.memory_space<hbm>>
      %dma_wait3A_1357 = arith.constant 0 : i32
      %dma_wait3A_1358 = tpu.memref_slice %arg13[%dma_wait3A_1357] : memref<16384xf32, #tpu.memory_space<vmem>> -> memref<4096xf32, #tpu.memory_space<vmem>>
      tpu.wait_dma2 semaphore(%arg16 : memref<!tpu.dma_semaphore, #tpu.memory_space<semaphore_mem>>) src(%dma_wait3A_1358 : memref<4096xf32, #tpu.memory_space<vmem>>) dst(%dma_wait3A_1356 : memref<4096xf32, #tpu.memory_space<hbm>>)
      %dma_wait3A_1359 = arith.constant 0 : i32
      %dma_wait3A_1360 = tpu.memref_slice %arg13[%dma_wait3A_1359] : memref<16384xf32, #tpu.memory_space<vmem>> -> memref<4096xf32, #tpu.memory_space<vmem>>
      %dma_wait3A_1361 = tpu.memref_slice %arg7[%mul3A_1324] : memref<589824xf32, #tpu.memory_space<hbm>> -> memref<4096xf32, #tpu.memory_space<hbm>>
      %dma_wait3A_1362 = tpu.memref_slice %arg7[%mul3A_1324] : memref<589824xf32, #tpu.memory_space<hbm>> -> memref<4096xf32, #tpu.memory_space<hbm>>
      %dma_wait3A_1363 = arith.constant 0 : i32
      %dma_wait3A_1364 = tpu.memref_slice %arg13[%dma_wait3A_1363] : memref<16384xf32, #tpu.memory_space<vmem>> -> memref<4096xf32, #tpu.memory_space<vmem>>
      tpu.wait_dma2 semaphore(%arg16 : memref<!tpu.dma_semaphore, #tpu.memory_space<semaphore_mem>>) src(%dma_wait3A_1364 : memref<4096xf32, #tpu.memory_space<vmem>>) dst(%dma_wait3A_1362 : memref<4096xf32, #tpu.memory_space<hbm>>)
    } else {
    }
    %dma_wait3A_989 = tpu.memref_slice %arg9[%mul3A_167] : memref<18874368xf32, #tpu.memory_space<hbm>> -> memref<16384xf32, #tpu.memory_space<hbm>>
    %dma_wait3A_990 = tpu.memref_slice %arg9[%mul3A_167] : memref<18874368xf32, #tpu.memory_space<hbm>> -> memref<16384xf32, #tpu.memory_space<hbm>>
    tpu.wait_dma2 semaphore(%arg16 : memref<!tpu.dma_semaphore, #tpu.memory_space<semaphore_mem>>) src(%arg13 : memref<16384xf32, #tpu.memory_space<vmem>>) dst(%dma_wait3A_990 : memref<16384xf32, #tpu.memory_space<hbm>>)
    %dma_wait3A_991 = tpu.memref_slice %arg9[%mul3A_183] : memref<18874368xf32, #tpu.memory_space<hbm>> -> memref<16384xf32, #tpu.memory_space<hbm>>
    %dma_wait3A_992 = tpu.memref_slice %arg9[%mul3A_183] : memref<18874368xf32, #tpu.memory_space<hbm>> -> memref<16384xf32, #tpu.memory_space<hbm>>
    tpu.wait_dma2 semaphore(%arg16 : memref<!tpu.dma_semaphore, #tpu.memory_space<semaphore_mem>>) src(%arg13 : memref<16384xf32, #tpu.memory_space<vmem>>) dst(%dma_wait3A_992 : memref<16384xf32, #tpu.memory_space<hbm>>)
    %dma_wait3A_993 = tpu.memref_slice %arg9[%mul3A_199] : memref<18874368xf32, #tpu.memory_space<hbm>> -> memref<16384xf32, #tpu.memory_space<hbm>>
    %dma_wait3A_994 = tpu.memref_slice %arg9[%mul3A_199] : memref<18874368xf32, #tpu.memory_space<hbm>> -> memref<16384xf32, #tpu.memory_space<hbm>>
    tpu.wait_dma2 semaphore(%arg16 : memref<!tpu.dma_semaphore, #tpu.memory_space<semaphore_mem>>) src(%arg13 : memref<16384xf32, #tpu.memory_space<vmem>>) dst(%dma_wait3A_994 : memref<16384xf32, #tpu.memory_space<hbm>>)
    %dma_wait3A_995 = tpu.memref_slice %arg9[%mul3A_215] : memref<18874368xf32, #tpu.memory_space<hbm>> -> memref<16384xf32, #tpu.memory_space<hbm>>
    %dma_wait3A_996 = tpu.memref_slice %arg9[%mul3A_215] : memref<18874368xf32, #tpu.memory_space<hbm>> -> memref<16384xf32, #tpu.memory_space<hbm>>
    tpu.wait_dma2 semaphore(%arg16 : memref<!tpu.dma_semaphore, #tpu.memory_space<semaphore_mem>>) src(%arg13 : memref<16384xf32, #tpu.memory_space<vmem>>) dst(%dma_wait3A_996 : memref<16384xf32, #tpu.memory_space<hbm>>)
    %dma_wait3A_997 = tpu.memref_slice %arg9[%mul3A_231] : memref<18874368xf32, #tpu.memory_space<hbm>> -> memref<16384xf32, #tpu.memory_space<hbm>>
    %dma_wait3A_998 = tpu.memref_slice %arg9[%mul3A_231] : memref<18874368xf32, #tpu.memory_space<hbm>> -> memref<16384xf32, #tpu.memory_space<hbm>>
    tpu.wait_dma2 semaphore(%arg16 : memref<!tpu.dma_semaphore, #tpu.memory_space<semaphore_mem>>) src(%arg13 : memref<16384xf32, #tpu.memory_space<vmem>>) dst(%dma_wait3A_998 : memref<16384xf32, #tpu.memory_space<hbm>>)
    %dma_wait3A_999 = tpu.memref_slice %arg9[%mul3A_247] : memref<18874368xf32, #tpu.memory_space<hbm>> -> memref<16384xf32, #tpu.memory_space<hbm>>
    %dma_wait3A_1000 = tpu.memref_slice %arg9[%mul3A_247] : memref<18874368xf32, #tpu.memory_space<hbm>> -> memref<16384xf32, #tpu.memory_space<hbm>>
    tpu.wait_dma2 semaphore(%arg16 : memref<!tpu.dma_semaphore, #tpu.memory_space<semaphore_mem>>) src(%arg13 : memref<16384xf32, #tpu.memory_space<vmem>>) dst(%dma_wait3A_1000 : memref<16384xf32, #tpu.memory_space<hbm>>)
    %dma_wait3A_1001 = tpu.memref_slice %arg9[%mul3A_263] : memref<18874368xf32, #tpu.memory_space<hbm>> -> memref<16384xf32, #tpu.memory_space<hbm>>
    %dma_wait3A_1002 = tpu.memref_slice %arg9[%mul3A_263] : memref<18874368xf32, #tpu.memory_space<hbm>> -> memref<16384xf32, #tpu.memory_space<hbm>>
    tpu.wait_dma2 semaphore(%arg16 : memref<!tpu.dma_semaphore, #tpu.memory_space<semaphore_mem>>) src(%arg13 : memref<16384xf32, #tpu.memory_space<vmem>>) dst(%dma_wait3A_1002 : memref<16384xf32, #tpu.memory_space<hbm>>)
    %dma_wait3A_1003 = tpu.memref_slice %arg9[%mul3A_279] : memref<18874368xf32, #tpu.memory_space<hbm>> -> memref<16384xf32, #tpu.memory_space<hbm>>
    %dma_wait3A_1004 = tpu.memref_slice %arg9[%mul3A_279] : memref<18874368xf32, #tpu.memory_space<hbm>> -> memref<16384xf32, #tpu.memory_space<hbm>>
    tpu.wait_dma2 semaphore(%arg16 : memref<!tpu.dma_semaphore, #tpu.memory_space<semaphore_mem>>) src(%arg13 : memref<16384xf32, #tpu.memory_space<vmem>>) dst(%dma_wait3A_1004 : memref<16384xf32, #tpu.memory_space<hbm>>)
    %dma_wait3A_1005 = tpu.memref_slice %arg9[%mul3A_295] : memref<18874368xf32, #tpu.memory_space<hbm>> -> memref<16384xf32, #tpu.memory_space<hbm>>
    %dma_wait3A_1006 = tpu.memref_slice %arg9[%mul3A_295] : memref<18874368xf32, #tpu.memory_space<hbm>> -> memref<16384xf32, #tpu.memory_space<hbm>>
    tpu.wait_dma2 semaphore(%arg16 : memref<!tpu.dma_semaphore, #tpu.memory_space<semaphore_mem>>) src(%arg13 : memref<16384xf32, #tpu.memory_space<vmem>>) dst(%dma_wait3A_1006 : memref<16384xf32, #tpu.memory_space<hbm>>)
    %dma_wait3A_1007 = tpu.memref_slice %arg9[%mul3A_311] : memref<18874368xf32, #tpu.memory_space<hbm>> -> memref<16384xf32, #tpu.memory_space<hbm>>
    %dma_wait3A_1008 = tpu.memref_slice %arg9[%mul3A_311] : memref<18874368xf32, #tpu.memory_space<hbm>> -> memref<16384xf32, #tpu.memory_space<hbm>>
    tpu.wait_dma2 semaphore(%arg16 : memref<!tpu.dma_semaphore, #tpu.memory_space<semaphore_mem>>) src(%arg13 : memref<16384xf32, #tpu.memory_space<vmem>>) dst(%dma_wait3A_1008 : memref<16384xf32, #tpu.memory_space<hbm>>)
    %dma_wait3A_1009 = tpu.memref_slice %arg9[%mul3A_327] : memref<18874368xf32, #tpu.memory_space<hbm>> -> memref<16384xf32, #tpu.memory_space<hbm>>
    %dma_wait3A_1010 = tpu.memref_slice %arg9[%mul3A_327] : memref<18874368xf32, #tpu.memory_space<hbm>> -> memref<16384xf32, #tpu.memory_space<hbm>>
    tpu.wait_dma2 semaphore(%arg16 : memref<!tpu.dma_semaphore, #tpu.memory_space<semaphore_mem>>) src(%arg13 : memref<16384xf32, #tpu.memory_space<vmem>>) dst(%dma_wait3A_1010 : memref<16384xf32, #tpu.memory_space<hbm>>)
    %dma_wait3A_1011 = arith.constant 0 : i32
    %dma_wait3A_1012 = tpu.memref_slice %arg13[%dma_wait3A_1011] : memref<16384xf32, #tpu.memory_space<vmem>> -> memref<4096xf32, #tpu.memory_space<vmem>>
    %dma_wait3A_1013 = tpu.memref_slice %arg8[%mul3A_339] : memref<1179648xf32, #tpu.memory_space<hbm>> -> memref<4096xf32, #tpu.memory_space<hbm>>
    %dma_wait3A_1014 = tpu.memref_slice %arg8[%mul3A_339] : memref<1179648xf32, #tpu.memory_space<hbm>> -> memref<4096xf32, #tpu.memory_space<hbm>>
    %dma_wait3A_1015 = arith.constant 0 : i32
    %dma_wait3A_1016 = tpu.memref_slice %arg13[%dma_wait3A_1015] : memref<16384xf32, #tpu.memory_space<vmem>> -> memref<4096xf32, #tpu.memory_space<vmem>>
    tpu.wait_dma2 semaphore(%arg16 : memref<!tpu.dma_semaphore, #tpu.memory_space<semaphore_mem>>) src(%dma_wait3A_1016 : memref<4096xf32, #tpu.memory_space<vmem>>) dst(%dma_wait3A_1014 : memref<4096xf32, #tpu.memory_space<hbm>>)
    %dma_wait3A_1017 = arith.constant 0 : i32
    %dma_wait3A_1018 = tpu.memref_slice %arg13[%dma_wait3A_1017] : memref<16384xf32, #tpu.memory_space<vmem>> -> memref<4096xf32, #tpu.memory_space<vmem>>
    %dma_wait3A_1019 = tpu.memref_slice %arg8[%mul3A_355] : memref<1179648xf32, #tpu.memory_space<hbm>> -> memref<4096xf32, #tpu.memory_space<hbm>>
    %dma_wait3A_1020 = tpu.memref_slice %arg8[%mul3A_355] : memref<1179648xf32, #tpu.memory_space<hbm>> -> memref<4096xf32, #tpu.memory_space<hbm>>
    %dma_wait3A_1021 = arith.constant 0 : i32
    %dma_wait3A_1022 = tpu.memref_slice %arg13[%dma_wait3A_1021] : memref<16384xf32, #tpu.memory_space<vmem>> -> memref<4096xf32, #tpu.memory_space<vmem>>
    tpu.wait_dma2 semaphore(%arg16 : memref<!tpu.dma_semaphore, #tpu.memory_space<semaphore_mem>>) src(%dma_wait3A_1022 : memref<4096xf32, #tpu.memory_space<vmem>>) dst(%dma_wait3A_1020 : memref<4096xf32, #tpu.memory_space<hbm>>)
    %dma_wait3A_1023 = arith.constant 0 : i32
    %dma_wait3A_1024 = tpu.memref_slice %arg13[%dma_wait3A_1023] : memref<16384xf32, #tpu.memory_space<vmem>> -> memref<4096xf32, #tpu.memory_space<vmem>>
    %dma_wait3A_1025 = tpu.memref_slice %arg8[%mul3A_371] : memref<1179648xf32, #tpu.memory_space<hbm>> -> memref<4096xf32, #tpu.memory_space<hbm>>
    %dma_wait3A_1026 = tpu.memref_slice %arg8[%mul3A_371] : memref<1179648xf32, #tpu.memory_space<hbm>> -> memref<4096xf32, #tpu.memory_space<hbm>>
    %dma_wait3A_1027 = arith.constant 0 : i32
    %dma_wait3A_1028 = tpu.memref_slice %arg13[%dma_wait3A_1027] : memref<16384xf32, #tpu.memory_space<vmem>> -> memref<4096xf32, #tpu.memory_space<vmem>>
    tpu.wait_dma2 semaphore(%arg16 : memref<!tpu.dma_semaphore, #tpu.memory_space<semaphore_mem>>) src(%dma_wait3A_1028 : memref<4096xf32, #tpu.memory_space<vmem>>) dst(%dma_wait3A_1026 : memref<4096xf32, #tpu.memory_space<hbm>>)
    %dma_wait3A_1029 = arith.constant 0 : i32
    %dma_wait3A_1030 = tpu.memref_slice %arg13[%dma_wait3A_1029] : memref<16384xf32, #tpu.memory_space<vmem>> -> memref<4096xf32, #tpu.memory_space<vmem>>
    %dma_wait3A_1031 = tpu.memref_slice %arg7[%mul3A_384] : memref<589824xf32, #tpu.memory_space<hbm>> -> memref<4096xf32, #tpu.memory_space<hbm>>
    %dma_wait3A_1032 = tpu.memref_slice %arg7[%mul3A_384] : memref<589824xf32, #tpu.memory_space<hbm>> -> memref<4096xf32, #tpu.memory_space<hbm>>
    %dma_wait3A_1033 = arith.constant 0 : i32
    %dma_wait3A_1034 = tpu.memref_slice %arg13[%dma_wait3A_1033] : memref<16384xf32, #tpu.memory_space<vmem>> -> memref<4096xf32, #tpu.memory_space<vmem>>
    tpu.wait_dma2 semaphore(%arg16 : memref<!tpu.dma_semaphore, #tpu.memory_space<semaphore_mem>>) src(%dma_wait3A_1034 : memref<4096xf32, #tpu.memory_space<vmem>>) dst(%dma_wait3A_1032 : memref<4096xf32, #tpu.memory_space<hbm>>)
    %dma_wait3A_1035 = tpu.memref_slice %arg9[%mul3A_650] : memref<18874368xf32, #tpu.memory_space<hbm>> -> memref<16384xf32, #tpu.memory_space<hbm>>
    %dma_wait3A_1036 = tpu.memref_slice %arg9[%mul3A_650] : memref<18874368xf32, #tpu.memory_space<hbm>> -> memref<16384xf32, #tpu.memory_space<hbm>>
    tpu.wait_dma2 semaphore(%arg16 : memref<!tpu.dma_semaphore, #tpu.memory_space<semaphore_mem>>) src(%arg13 : memref<16384xf32, #tpu.memory_space<vmem>>) dst(%dma_wait3A_1036 : memref<16384xf32, #tpu.memory_space<hbm>>)
    %dma_wait3A_1037 = tpu.memref_slice %arg9[%mul3A_666] : memref<18874368xf32, #tpu.memory_space<hbm>> -> memref<16384xf32, #tpu.memory_space<hbm>>
    %dma_wait3A_1038 = tpu.memref_slice %arg9[%mul3A_666] : memref<18874368xf32, #tpu.memory_space<hbm>> -> memref<16384xf32, #tpu.memory_space<hbm>>
    tpu.wait_dma2 semaphore(%arg16 : memref<!tpu.dma_semaphore, #tpu.memory_space<semaphore_mem>>) src(%arg13 : memref<16384xf32, #tpu.memory_space<vmem>>) dst(%dma_wait3A_1038 : memref<16384xf32, #tpu.memory_space<hbm>>)
    %dma_wait3A_1039 = tpu.memref_slice %arg9[%mul3A_682] : memref<18874368xf32, #tpu.memory_space<hbm>> -> memref<16384xf32, #tpu.memory_space<hbm>>
    %dma_wait3A_1040 = tpu.memref_slice %arg9[%mul3A_682] : memref<18874368xf32, #tpu.memory_space<hbm>> -> memref<16384xf32, #tpu.memory_space<hbm>>
    tpu.wait_dma2 semaphore(%arg16 : memref<!tpu.dma_semaphore, #tpu.memory_space<semaphore_mem>>) src(%arg13 : memref<16384xf32, #tpu.memory_space<vmem>>) dst(%dma_wait3A_1040 : memref<16384xf32, #tpu.memory_space<hbm>>)
    %dma_wait3A_1041 = tpu.memref_slice %arg9[%mul3A_698] : memref<18874368xf32, #tpu.memory_space<hbm>> -> memref<16384xf32, #tpu.memory_space<hbm>>
    %dma_wait3A_1042 = tpu.memref_slice %arg9[%mul3A_698] : memref<18874368xf32, #tpu.memory_space<hbm>> -> memref<16384xf32, #tpu.memory_space<hbm>>
    tpu.wait_dma2 semaphore(%arg16 : memref<!tpu.dma_semaphore, #tpu.memory_space<semaphore_mem>>) src(%arg13 : memref<16384xf32, #tpu.memory_space<vmem>>) dst(%dma_wait3A_1042 : memref<16384xf32, #tpu.memory_space<hbm>>)
    %dma_wait3A_1043 = tpu.memref_slice %arg9[%mul3A_714] : memref<18874368xf32, #tpu.memory_space<hbm>> -> memref<16384xf32, #tpu.memory_space<hbm>>
    %dma_wait3A_1044 = tpu.memref_slice %arg9[%mul3A_714] : memref<18874368xf32, #tpu.memory_space<hbm>> -> memref<16384xf32, #tpu.memory_space<hbm>>
    tpu.wait_dma2 semaphore(%arg16 : memref<!tpu.dma_semaphore, #tpu.memory_space<semaphore_mem>>) src(%arg13 : memref<16384xf32, #tpu.memory_space<vmem>>) dst(%dma_wait3A_1044 : memref<16384xf32, #tpu.memory_space<hbm>>)
    %dma_wait3A_1045 = tpu.memref_slice %arg9[%mul3A_730] : memref<18874368xf32, #tpu.memory_space<hbm>> -> memref<16384xf32, #tpu.memory_space<hbm>>
    %dma_wait3A_1046 = tpu.memref_slice %arg9[%mul3A_730] : memref<18874368xf32, #tpu.memory_space<hbm>> -> memref<16384xf32, #tpu.memory_space<hbm>>
    tpu.wait_dma2 semaphore(%arg16 : memref<!tpu.dma_semaphore, #tpu.memory_space<semaphore_mem>>) src(%arg13 : memref<16384xf32, #tpu.memory_space<vmem>>) dst(%dma_wait3A_1046 : memref<16384xf32, #tpu.memory_space<hbm>>)
    %dma_wait3A_1047 = tpu.memref_slice %arg9[%mul3A_746] : memref<18874368xf32, #tpu.memory_space<hbm>> -> memref<16384xf32, #tpu.memory_space<hbm>>
    %dma_wait3A_1048 = tpu.memref_slice %arg9[%mul3A_746] : memref<18874368xf32, #tpu.memory_space<hbm>> -> memref<16384xf32, #tpu.memory_space<hbm>>
    tpu.wait_dma2 semaphore(%arg16 : memref<!tpu.dma_semaphore, #tpu.memory_space<semaphore_mem>>) src(%arg13 : memref<16384xf32, #tpu.memory_space<vmem>>) dst(%dma_wait3A_1048 : memref<16384xf32, #tpu.memory_space<hbm>>)
    %dma_wait3A_1049 = tpu.memref_slice %arg9[%mul3A_762] : memref<18874368xf32, #tpu.memory_space<hbm>> -> memref<16384xf32, #tpu.memory_space<hbm>>
    %dma_wait3A_1050 = tpu.memref_slice %arg9[%mul3A_762] : memref<18874368xf32, #tpu.memory_space<hbm>> -> memref<16384xf32, #tpu.memory_space<hbm>>
    tpu.wait_dma2 semaphore(%arg16 : memref<!tpu.dma_semaphore, #tpu.memory_space<semaphore_mem>>) src(%arg13 : memref<16384xf32, #tpu.memory_space<vmem>>) dst(%dma_wait3A_1050 : memref<16384xf32, #tpu.memory_space<hbm>>)
    %dma_wait3A_1051 = tpu.memref_slice %arg9[%mul3A_778] : memref<18874368xf32, #tpu.memory_space<hbm>> -> memref<16384xf32, #tpu.memory_space<hbm>>
    %dma_wait3A_1052 = tpu.memref_slice %arg9[%mul3A_778] : memref<18874368xf32, #tpu.memory_space<hbm>> -> memref<16384xf32, #tpu.memory_space<hbm>>
    tpu.wait_dma2 semaphore(%arg16 : memref<!tpu.dma_semaphore, #tpu.memory_space<semaphore_mem>>) src(%arg13 : memref<16384xf32, #tpu.memory_space<vmem>>) dst(%dma_wait3A_1052 : memref<16384xf32, #tpu.memory_space<hbm>>)
    %dma_wait3A_1053 = tpu.memref_slice %arg9[%mul3A_794] : memref<18874368xf32, #tpu.memory_space<hbm>> -> memref<16384xf32, #tpu.memory_space<hbm>>
    %dma_wait3A_1054 = tpu.memref_slice %arg9[%mul3A_794] : memref<18874368xf32, #tpu.memory_space<hbm>> -> memref<16384xf32, #tpu.memory_space<hbm>>
    tpu.wait_dma2 semaphore(%arg16 : memref<!tpu.dma_semaphore, #tpu.memory_space<semaphore_mem>>) src(%arg13 : memref<16384xf32, #tpu.memory_space<vmem>>) dst(%dma_wait3A_1054 : memref<16384xf32, #tpu.memory_space<hbm>>)
    %dma_wait3A_1055 = tpu.memref_slice %arg9[%mul3A_810] : memref<18874368xf32, #tpu.memory_space<hbm>> -> memref<16384xf32, #tpu.memory_space<hbm>>
    %dma_wait3A_1056 = tpu.memref_slice %arg9[%mul3A_810] : memref<18874368xf32, #tpu.memory_space<hbm>> -> memref<16384xf32, #tpu.memory_space<hbm>>
    tpu.wait_dma2 semaphore(%arg16 : memref<!tpu.dma_semaphore, #tpu.memory_space<semaphore_mem>>) src(%arg13 : memref<16384xf32, #tpu.memory_space<vmem>>) dst(%dma_wait3A_1056 : memref<16384xf32, #tpu.memory_space<hbm>>)
    %dma_wait3A_1057 = arith.constant 0 : i32
    %dma_wait3A_1058 = tpu.memref_slice %arg13[%dma_wait3A_1057] : memref<16384xf32, #tpu.memory_space<vmem>> -> memref<4096xf32, #tpu.memory_space<vmem>>
    %dma_wait3A_1059 = tpu.memref_slice %arg8[%mul3A_822] : memref<1179648xf32, #tpu.memory_space<hbm>> -> memref<4096xf32, #tpu.memory_space<hbm>>
    %dma_wait3A_1060 = tpu.memref_slice %arg8[%mul3A_822] : memref<1179648xf32, #tpu.memory_space<hbm>> -> memref<4096xf32, #tpu.memory_space<hbm>>
    %dma_wait3A_1061 = arith.constant 0 : i32
    %dma_wait3A_1062 = tpu.memref_slice %arg13[%dma_wait3A_1061] : memref<16384xf32, #tpu.memory_space<vmem>> -> memref<4096xf32, #tpu.memory_space<vmem>>
    tpu.wait_dma2 semaphore(%arg16 : memref<!tpu.dma_semaphore, #tpu.memory_space<semaphore_mem>>) src(%dma_wait3A_1062 : memref<4096xf32, #tpu.memory_space<vmem>>) dst(%dma_wait3A_1060 : memref<4096xf32, #tpu.memory_space<hbm>>)
    %dma_wait3A_1063 = arith.constant 0 : i32
    %dma_wait3A_1064 = tpu.memref_slice %arg13[%dma_wait3A_1063] : memref<16384xf32, #tpu.memory_space<vmem>> -> memref<4096xf32, #tpu.memory_space<vmem>>
    %dma_wait3A_1065 = tpu.memref_slice %arg8[%mul3A_838] : memref<1179648xf32, #tpu.memory_space<hbm>> -> memref<4096xf32, #tpu.memory_space<hbm>>
    %dma_wait3A_1066 = tpu.memref_slice %arg8[%mul3A_838] : memref<1179648xf32, #tpu.memory_space<hbm>> -> memref<4096xf32, #tpu.memory_space<hbm>>
    %dma_wait3A_1067 = arith.constant 0 : i32
    %dma_wait3A_1068 = tpu.memref_slice %arg13[%dma_wait3A_1067] : memref<16384xf32, #tpu.memory_space<vmem>> -> memref<4096xf32, #tpu.memory_space<vmem>>
    tpu.wait_dma2 semaphore(%arg16 : memref<!tpu.dma_semaphore, #tpu.memory_space<semaphore_mem>>) src(%dma_wait3A_1068 : memref<4096xf32, #tpu.memory_space<vmem>>) dst(%dma_wait3A_1066 : memref<4096xf32, #tpu.memory_space<hbm>>)
    %dma_wait3A_1069 = arith.constant 0 : i32
    %dma_wait3A_1070 = tpu.memref_slice %arg13[%dma_wait3A_1069] : memref<16384xf32, #tpu.memory_space<vmem>> -> memref<4096xf32, #tpu.memory_space<vmem>>
    %dma_wait3A_1071 = tpu.memref_slice %arg8[%mul3A_854] : memref<1179648xf32, #tpu.memory_space<hbm>> -> memref<4096xf32, #tpu.memory_space<hbm>>
    %dma_wait3A_1072 = tpu.memref_slice %arg8[%mul3A_854] : memref<1179648xf32, #tpu.memory_space<hbm>> -> memref<4096xf32, #tpu.memory_space<hbm>>
    %dma_wait3A_1073 = arith.constant 0 : i32
    %dma_wait3A_1074 = tpu.memref_slice %arg13[%dma_wait3A_1073] : memref<16384xf32, #tpu.memory_space<vmem>> -> memref<4096xf32, #tpu.memory_space<vmem>>
    tpu.wait_dma2 semaphore(%arg16 : memref<!tpu.dma_semaphore, #tpu.memory_space<semaphore_mem>>) src(%dma_wait3A_1074 : memref<4096xf32, #tpu.memory_space<vmem>>) dst(%dma_wait3A_1072 : memref<4096xf32, #tpu.memory_space<hbm>>)
    %dma_wait3A_1075 = arith.constant 0 : i32
    %dma_wait3A_1076 = tpu.memref_slice %arg13[%dma_wait3A_1075] : memref<16384xf32, #tpu.memory_space<vmem>> -> memref<4096xf32, #tpu.memory_space<vmem>>
    %dma_wait3A_1077 = tpu.memref_slice %arg7[%mul3A_868] : memref<589824xf32, #tpu.memory_space<hbm>> -> memref<4096xf32, #tpu.memory_space<hbm>>
    %dma_wait3A_1078 = tpu.memref_slice %arg7[%mul3A_868] : memref<589824xf32, #tpu.memory_space<hbm>> -> memref<4096xf32, #tpu.memory_space<hbm>>
    %dma_wait3A_1079 = arith.constant 0 : i32
    %dma_wait3A_1080 = tpu.memref_slice %arg13[%dma_wait3A_1079] : memref<16384xf32, #tpu.memory_space<vmem>> -> memref<4096xf32, #tpu.memory_space<vmem>>
    tpu.wait_dma2 semaphore(%arg16 : memref<!tpu.dma_semaphore, #tpu.memory_space<semaphore_mem>>) src(%dma_wait3A_1080 : memref<4096xf32, #tpu.memory_space<vmem>>) dst(%dma_wait3A_1078 : memref<4096xf32, #tpu.memory_space<hbm>>)
    return
  }
}

</mosaic_0001>

<sc_bundles>
// kernel: kernel.3.cloned.1.call-start
scs
__scs_entry_jumppad:
0x0: {  	(pc) =	sbr.rel $0x88, $3  }
0x1: {  	(tag) =	ssettag $0x0;
	lr =	simm.s32 $0x1  }
0x2: {  	[smem:$0x3F9C] =	sst lr;
	_ =	strace $0xD0000000  }
0x3: {  	_ = 	snop  }
0x4: {  	_ = 	snop  }
0x5: {  	_ = 	snop  }
0x6: {  	_ = 	snop  }
0x7: {  	_ = 	snop  }
__scs_overlays_trampoline_lowered:
0x8: {  	[smem:$0x3FAB] =	sst s0  }
0x9: {  	[smem:$0x3FAC] =	sst s1  }
0xa: {  	[smem:$0x3FAD] =	sst s2  }
0xb: {  	[smem:$0x3FAE] =	sst s3  }
0xc: {  	[smem:$0x3FAF] =	sst s4  }
0xd: {  	[smem:$0x3FB0] =	sst s5  }
0xe: {  	[smem:$0x3FB1] =	sst s6  }
0xf: {  	[smem:$0x3FB2] =	sst s7  }
0x10: {  	[smem:$0x3FB3] =	sst s8  }
0x11: {  	[smem:$0x3FB4] =	sst s9;
	s0 =	simm.s32 @!p0 $0x0  }
0x12: {  	s1 =	sld [smem:$0x3F9A];
	s0 =	simm.s32 @p0 $0x1  }
0x13: {  	[smem:$0x3FB5] =	sst s0;
	s0 =	simm.s32 @!p1 $0x0  }
0x14: {  	s2 =	sld [smem:$0x3F99];
	s0 =	simm.s32 @p1 $0x1  }
0x15: {  	[smem:$0x3FB6] =	sst s0;
	s0 =	simm.s32 @!p2 $0x0  }
0x16: {  	s3 =	sld [smem:$0x3FDB];
	s0 =	simm.s32 @p2 $0x1  }
0x17: {  	s4 =	simm.s32 $0x1BF5;
	[smem:$0x3FB8] =	sst s0  }
0x18: {  	s0 =	sld [smem:$0x3F9B];
	_ =	swait.ge [sflag:s4], $0x0  }
0x19: {  	s7 =	sld [smem:$0x3F9C]  }
0x1a: {  	s8 =	sadd.s32 $0xFFFFE003, lr  }
0x1b: {  	s9 =	sadd.s32 $0xFFFFFEF7, lr;
	s5 =	simm.s32 $0xFFFFFFFF;
	p2 =	slt.u32 s8, $0xFFFFF086  }
0x1c: {  	p1 =	slt.u32 s9, $0xF7A;
	s5 =	simm.s32 @!p2 $0x0  }
0x1d: {  	s5 =	simm.s32 @p1 $0x1;
	p0 =	seq.s32 s7, s2  }
0x1e: {  	s7 =	smul.u32 @!p0 $0xF7A, s2;
	p2 =	seq.s32 @!p0 s5, $0x0  }
0x1f: {  	s9 =	smul.u32 $0xF7A, s1;
	s8 =	simm.s32 @!p0 $0x1BF5;
	p2 =	por !p2, p0  }
0x20: {  	[sflag:s8] =	ssyncset.s32 @!p0 $0xFFFFF086;
	s6 =	sadd.s32 @!p0 s3, s7;
	s7 =	simm.s32 @!p0 $0x108  }
0x21: {  	s3 =	sadd.s32 s3, s9;
	s6 =	sadd.s32 @!p0 $0x88, s6;
	s7 =	simm.s32 @p2 $0x1082  }
0x22: {  	[simem:s7], [sflag:s8] =	dma.local @!p0 [hbm:s6], $0xF7A  }
0x23: {  	s9 =	sor.u32 $0xD0000000, s2;
	s6 =	simm.s32 $0x108;
	_ =	swait.ge @!p0 [sflag:s8], $0x0  }
0x24: {  	s3 =	sadd.s32 $0x88, s3;
	s6 =	simm.s32 @!p1 $0x1082;
	[sflag:s4] =	ssyncset.s32 $0xFFFFF086  }
0x25: {  	[simem:s6], [sflag:s4] =	dma.local [hbm:s3], $0xF7A  }
0x26: {  	[smem:$0x3F9C] =	sst s1;
	(tag) =	ssettag s2;
	_ =	strace s9  }
0x27: {  	s1 =	sld [smem:$0x3FAC]  }
0x28: {  	s2 =	sld [smem:$0x3FAD]  }
0x29: {  	s4 =	sld [smem:$0x3FAF]  }
0x2a: {  	p0 =	seq.s32 s5, $0x0;
	s5 =	sld [smem:$0x3FB0]  }
0x2b: {  	s6 =	sld [smem:$0x3FB1]  }
0x2c: {  	s7 =	sld [smem:$0x3FB2]  }
0x2d: {  	s3 =	simm.s32 $0x108;
	s8 =	sld [smem:$0x3FB3]  }
0x2e: {  	s3 =	simm.s32 @!p0 $0x1082;
	s9 =	sld [smem:$0x3FB4]  }
0x2f: {  	lr =	sadd.s32 s0, s3;
	s0 =	sld [smem:$0x3FAB]  }
0x30: {  	s3 =	sld [smem:$0x3FAE]  }
0x31: {  	[smem:$0x3FB7] =	sst s10  }
0x32: {  	s10 =	sld [smem:$0x3FB5];
	_ =	sdelay $0x3  }
0x33: {  	p0 =	seq.s32 s10, $0x1;
	s10 =	sld [smem:$0x3FB7];
	_ =	sdelay $0x3  }
0x34: {  	[smem:$0x3FB7] =	sst s10  }
0x35: {  	s10 =	sld [smem:$0x3FB6];
	_ =	sdelay $0x3  }
0x36: {  	p1 =	seq.s32 s10, $0x1;
	s10 =	sld [smem:$0x3FB7];
	_ =	sdelay $0x3  }
0x37: {  	[smem:$0x3FB7] =	sst s10  }
0x38: {  	s10 =	sld [smem:$0x3FB8]  }
0x39: {  	_ = 	snop;
	(pc) =	sbr.ind lr, $3  }
0x3a: {  	_ = 	snop  }
0x3b: {  	_ = 	snop  }
0x3c: {  	p2 =	seq.s32 s10, $0x1;
	s10 =	sld [smem:$0x3FB7]  }
0x3d: {  	_ =	shalt  }
0x3e: {  	_ =	shalt  }
0x3f: {  	_ =	shalt  }
0x40: {  	_ =	shalt  }
0x41: {  	_ =	shalt  }
0x42: {  	_ =	shalt  }
0x43: {  	_ =	shalt  }
0x44: {  	_ =	shalt  }
0x45: {  	_ =	shalt  }
0x46: {  	_ =	shalt  }
0x47: {  	_ =	shalt  }
0x48: {  	_ =	shalt  }
0x49: {  	_ =	shalt  }
0x4a: {  	_ =	shalt  }
0x4b: {  	_ =	shalt  }
0x4c: {  	_ =	shalt  }
0x4d: {  	_ =	shalt  }
0x4e: {  	_ =	shalt  }
0x4f: {  	_ =	shalt  }
0x50: {  	_ =	shalt  }
0x51: {  	_ =	shalt  }
0x52: {  	_ =	shalt  }
0x53: {  	_ =	shalt  }
0x54: {  	_ =	shalt  }
0x55: {  	_ =	shalt  }
0x56: {  	_ =	shalt  }
0x57: {  	_ =	shalt  }
0x58: {  	_ =	shalt  }
0x59: {  	_ =	shalt  }
0x5a: {  	_ =	shalt  }
0x5b: {  	_ =	shalt  }
0x5c: {  	_ =	shalt  }
0x5d: {  	_ =	shalt  }
0x5e: {  	_ =	shalt  }
0x5f: {  	_ =	shalt  }
0x60: {  	_ =	shalt  }
0x61: {  	_ =	shalt  }
0x62: {  	_ =	shalt  }
0x63: {  	_ =	shalt  }
0x64: {  	_ =	shalt  }
0x65: {  	_ =	shalt  }
0x66: {  	_ =	shalt  }
0x67: {  	_ =	shalt  }
0x68: {  	_ =	shalt  }
0x69: {  	_ =	shalt  }
0x6a: {  	_ =	shalt  }
0x6b: {  	_ =	shalt  }
0x6c: {  	_ =	shalt  }
0x6d: {  	_ =	shalt  }
0x6e: {  	_ =	shalt  }
0x6f: {  	_ =	shalt  }
0x70: {  	_ =	shalt  }
0x71: {  	_ =	shalt  }
0x72: {  	_ =	shalt  }
0x73: {  	_ =	shalt  }
0x74: {  	_ =	shalt  }
0x75: {  	_ =	shalt  }
0x76: {  	_ =	shalt  }
0x77: {  	_ =	shalt  }
0x78: {  	_ =	shalt  }
0x79: {  	_ =	shalt  }
0x7a: {  	_ =	shalt  }
0x7b: {  	_ =	shalt  }
0x7c: {  	_ =	shalt  }
0x7d: {  	_ =	shalt  }
0x7e: {  	_ =	shalt  }
0x7f: {  	_ =	shalt  }
0x80: {  	_ =	shalt  }
0x81: {  	_ =	shalt  }
0x82: {  	_ =	shalt  }
0x83: {  	_ =	shalt  }
0x84: {  	_ =	shalt  }
0x85: {  	_ =	shalt  }
0x86: {  	_ =	shalt  }
0x87: {  	_ =	shalt  }
.Lfunc_end0:
.L_simem_size_0:
called_computation_lowered:
.L_overlay_start_0:
0x88: {  	s2 =	sld [smem:$0x3FD9]  }
0x89: {  	s3 =	sld [smem:$0x3FFE];
	_ =	sdelay $0x1  }
0x8a: {  	s1 =	srdreg.scid  }
0x8b: {  	s0 =	sand.u32 $0x1, s1  }
0x8c: {  	s14 =	sshll.u32 s0, $0xA;
	s2 =	sadd.s32 s3, s2  }
0x8d: {  	s2 =	sadd.s32 s2, s14  }
0x8e: {  	[smem:$0x3FC3] =	sst s2  }
0x8f: {  	_ = 	snop  }
0x90: {  	s2 =	sld [smem:$0x3FD0];
	_ =	sdelay $0x2  }
0x91: {  	s15 =	simm.s32 $0xA;
	s4 =	simm.s32 $0x10  }
0x92: {  	[smem:s4], [sflag:s15] =	dma.local [hbm:s2], $0x1  }
0x93: {  	_ =	swait.eq [sflag:s15], $0x1  }
0x94: {  	s16 =	sld [smem:$0x10]  }
0x95: {  	s17 =	sld [smem:$0x11];
	[sflag:s15] =	ssyncset.done $0x0  }
0x96: {  	s5 =	sld [smem:$0x12];
	[sflag:s15] =	ssyncadd.s32 $0xFFFFFFFF  }
0x97: {  	s18 =	sld [smem:$0x13];
	(tm) =	ssettm $0x1  }
0x98: {  	s6 =	sld [smem:$0x3FFB];
	_ =	sdelay $0x3  }
0x99: {  	_ =	strace s6  }
0x9a: {  	s6 =	sld [smem:$0x3FFC];
	_ =	sdelay $0x3  }
0x9b: {  	_ =	strace s6  }
0x9c: {  	s6 =	sld [smem:$0x3FFD];
	_ =	sdelay $0x3  }
0x9d: {  	_ =	strace s6  }
0x9e: {  	_ =	strace $0x8FFFFFFF  }
0x9f: {  	s19 =	sld [smem:$0x3FDB];
	_ =	sdelay $0x1  }
0xa0: {  	s7 =	simm.s32 $_scs_section_size  }
0xa1: {  	s8 =	simm.s32 $_size__tile_overlayer_lowered;
	s9 =	simm.s32 $_tile_overlayer_lowered  }
0xa2: {  	s22 =	simm.s32 $0x1BFF;
	s21 =	sshll.u32 s9, $0x1;
	s6 =	sadd.s32 s7, s19  }
0xa3: {  	s10 =	simm.s32 $0x0;
	s20 =	sshll.u32 s8, $0x1;
	s8 =	sadd.s32 s21, s6  }
0xa4: {  	[timem:s10], [sflag:s22] =	dma.local [hbm:s8], s20  }
0xa5: {  	_ =	swait.ge [sflag:s22], s20  }
0xa6: {  	s7 =	ssub.s32 $0x0, s20;
	[sflag:s22] =	ssyncset.done $0x0  }
0xa7: {  	[sflag:s22] =	ssyncadd.s32 s7;
	_ =	sdelay $0x1  }
0xa8: {  	s23 =	simm.s32 $0x1B8B  }
0xa9: {  	_ =	swait.ge [sflag:s23], $0x1  }
0xaa: {  	[sflag:s23] =	ssyncset.done $0x0  }
0xab: {  	s25 =	simm.s32 $0x1B8E;
	s24 =	sld [smem:$0x3FFE];
	[sflag:s23] =	ssyncadd.s32 $0xFFFFFFFF  }
0xac: {  	s26 =	simm.s32 $execute0_lowered;
	[smem:$0x3FD2] =	sst s25  }
0xad: {  	s8 =	sshll.u32 s26, $0x1;
	_ =	strace $0x80000046;
	[dreg:$0x1] =	wrdreg $0xFFFFFFFF  }
0xae: {  	s28 =	simm.s32 $_size_execute0_lowered;
	s6 =	sadd.s32 s6, s8;
	[dreg:$0x0] =	wrdreg $0x0  }
0xaf: {  	s8 =	sshll.u32 s28, $0x1;
	[dreg:$0x2] =	wrdreg s6  }
0xb0: {  	[dreg:$0x3] =	wrdreg s8  }
0xb1: {  	[dreg:$0x4] =	wrdreg $0xC0  }
0xb2: {  	_ =	task [dreg:s10], $0x5FFFF  }
0xb3: {  	[dreg:$0x1] =	wrdreg $0xFFFFFFFF  }
0xb4: {  	[dreg:$0x0] =	wrdreg $0x60  }
0xb5: {  	[dreg:$0x2] =	wrdreg s24  }
0xb6: {  	[dreg:$0x3] =	wrdreg s18  }
0xb7: {  	[dreg:$0x4] =	wrdreg s5  }
0xb8: {  	[dreg:$0x5] =	wrdreg s16  }
0xb9: {  	[dreg:$0x6] =	wrdreg s17  }
0xba: {  	[dreg:$0x7] =	wrdreg $0x9  }
0xbb: {  	_ =	task.clear_ibuf [dreg:s10], $0x8FFFF;
	_ =	strace $0x90000046  }
0xbc: {  	s29 =	simm.s32 $0x9;
	_ =	strace $0x80000048  }
0xbd: {  	_ =	swait.ge [sflag:s29], $0x1  }
0xbe: {  	[sflag:s29] =	ssyncadd.s32 $0xFFFFFFFF  }
0xbf: {  	_ =	strace $0x90000048  }
0xc0: {  	_ =	sfence  }
0xc1: {  	s30 =	sld [smem:$0x0];
	_ =	sdelay $0x2  }
0xc2: {  	s31 =	sshll.u32 s1, $0xD;
	s1 =	sshrl.u32 s1, $0x2  }
0xc3: {  	s3 =	sand.u32 $0x4000, s31;
	s1 =	sadd.s32 s1, s30  }
0xc4: {  	s0 =	sor.u32 s3, s0;
	s1 =	sshll.u32 s1, $0x11  }
0xc5: {  	s0 =	sor.u32 s1, s0  }
0xc6: {  	s0 =	sadd.s32 $0x8F2B, s0  }
0xc7: {  	[sflag:s0] =	ssyncadd.remote.s32 $0x1  }
0xc8: {  	_ =	sfence.sel $0xFFFF  }
0xc9: {  	[dreg:$0x0] =	wrdreg $0xFFFFFFFF;
	(pc) =	sbr.abs _section_cstart, $3  }
0xca: {  	[dreg:$0x1] =	wrdreg $0xFFFFFFFF  }
0xcb: {  	_ =	task.clear_ibuf [dreg:s10], $0x2FFFF;
	_ =	strace $0x9FFFFFFF  }
0xcc: {  	(tm) =	ssettm $0x7FFFFFFF  }
0xcd: {  	_ =	shalt  }
tec
execute0_lowered:
.L_overlay_start_1:
0x0: {  	(tag) =	ssettag $0x1  }
0x1: {  	s0 =	rddreg [dreg:$0x0]  }
0x2: {  	s3 =	rddreg [dreg:$0x3]  }
0x3: {  	s4 =	rddreg [dreg:$0x4]  }
0x4: {  	s5 =	simm.s32 $0x0;
	s1 =	srdreg.scid;
	s12 =	stileid.u32  }
0x5: {  	[smem:$0x7FF] =	sst s5;
	s2 =	sadd.s32 $0xA00, s0;
	s1 =	sand.u32 $0x1, s1  }
0x6: {  	s29 =	sadd.s32 $0xC00, s0;
	s6 =	sadd.s32 $0x240E00, s0;
	s8 =	sshll.u32 s12, $0x1  }
0x7: {  	s9 =	sadd.s32 $0xE00, s0;
	_ =	strace $0x80000047;
	[dreg:$0x6] =	wrdreg s2  }
0x8: {  	s24 =	sand.u32 $0xC, s12;
	p2 =	sgt.u32 s12, $0x3;
	[dreg:$0x7] =	wrdreg s29  }
0x9: {  	s30 =	ssub.s32 $0x2, s1;
	s1 =	sor.u32 s1, s8;
	p0 =	seq.s32 s24, $0x8  }
0xa: {  	p1 =	sne.s32 s24, $0x4;
	s24 =	simm.s32 $0x700;
	s7 =	sshrl.u32 s30, $0x1  }
0xb: {  	s10 =	sshll.u32 s1, $0x6;
	s11 =	sshll.u32 s1, $0x2;
	s15 =	sshll.u32 s1, $0x9  }
0xc: {  	s13 =	sshll.u32 s1, $0x1;
	s16 =	sor.u32 $0x20, s1;
	s19 =	sor.u32 $0x40, s1  }
0xd: {  	s1 =	sadd.s32 $0x30, s1;
	s2 =	sadd.s32 s6, s15;
	[dreg:$0x8] =	wrdreg s13  }
0xe: {  	s31 =	ssub.s32 s30, s7;
	s21 =	sshll.u32 s19, $0x12;
	[dreg:$0x9] =	wrdreg s2  }
0xf: {  	s14 =	sshll.u32 s16, $0x6;
	s25 =	sshll.u32 s1, $0x2;
	[dreg:$0xc] =	wrdreg s21  }
0x10: {  	s15 =	sshll.u32 s16, $0x2;
	s28 =	sadd.s32 $0xFFFFF, s11;
	[dreg:$0x10] =	wrdreg s25  }
0x11: {  	s17 =	sshll.u32 s16, $0x9;
	s29 =	sadd.s32 $0xFFFFF, s13;
	[dreg:$0x14] =	wrdreg s28  }
0x12: {  	s16 =	sshll.u32 s16, $0x1;
	s20 =	sshll.u32 s19, $0x6;
	[dreg:$0x15] =	wrdreg s29  }
0x13: {  	s22 =	sshll.u32 s19, $0xE;
	s18 =	sadd.s32 s6, s17;
	[dreg:$0xa] =	wrdreg s16  }
0x14: {  	s23 =	sshll.u32 s19, $0xD;
	s8 =	sadd.s32 $0xFFFFF000, s22;
	[dreg:$0xb] =	wrdreg s18  }
0x15: {  	s22 =	sshll.u32 s1, $0x6;
	s1 =	sshll.u32 s1, $0xD;
	[dreg:$0xd] =	wrdreg s8  }
0x16: {  	s2 =	sshll.u32 s19, $0x9;
	s0 =	smax.u32 s31, $0x1;
	[dreg:$0x11] =	wrdreg s1  }
0x17: {  	s26 =	sshrl.u32 s20, $0x2;
	s30 =	sadd.s32 $0xFFFFF, s15;
	[dreg:$0x12] =	wrdreg s0  }
.Ltmp0:
0x18: {  	s31 =	sadd.s32 $0xFFFFF, s16;
	[dreg:$0x13] =	wrdreg s26;
	(pc) =	sbr.rel .LBB2_1-.Ltmp0, $4  }
0x19: {  	s20 =	simm.s32 $0x1;
	s21 =	simm.s32 $0x2;
	[dreg:$0x16] =	wrdreg s30  }
0x1a: {  	s8 =	sadd.s32 $0xFFFFF000, s23;
	s2 =	sadd.s32 s6, s2;
	[dreg:$0x17] =	wrdreg s31  }
0x1b: {  	v0 =	vlaneseq.u32;
	s0 =	sadd.s32 $0xE00, s10;
	s6 =	simm.s32 $0x480;
	[dreg:$0xe] =	wrdreg s8  }
0x1c: {  	v1 =	vimm.f32 $0.0e+00;
	v0 =	vadd.s32 $0xFFFFFFC7, v0;
	s18 =	simm.s32 $0x1200;
	[dreg:$0xf] =	wrdreg s2;
	s8 =	simm.s32 $0x0  }
.LBB2_36:
0x1d: {  	s1 =	sshrl.u32 s22, $0x2  }
0x1e: {  	v2 =	vld [tilespmem:s1+$0x0];
	_ =	sdelay $0x4  }
0x1f: {  	(v2sf) =	vpush v2, $0x2;
	_ =	sdelay $0xe  }
0x20: {  	s23 =	spop (v2sf)  }
0x21: {  	s2 =	sadd.s32 $0xFFFFFFF9, s23  }
0x22: {  	p3 =	sgt.s32 s2, $0x0  }
0x23: {  	p4 =	slt.s32 s2, $0x1;
	s2 =	simm.s32 @!p3 $0x0  }
0x24: {  	s2 =	smin.u32 s2, $0x33  }
0x25: {  	s7 =	sand.u32 $0x3, s2  }
0x26: {  	p6 =	sne.s32 s7, $0x0  }
0x27: {  	p3 =	por !p4, !p6  }
0x28: {  	s7 =	simm.s32 $0x1;
	p3 =	por !p3, !p3  }
0x29: {  	s2 =	sshrl.u32 s2, $0x2;
	s7 =	simm.s32 @!p3 $0x0  }
0x2a: {  	s2 =	ssub.s32 s2, s7  }
0x2b: {  	s7 =	simm.s32 $0x18;
	p3 =	sgt.s32 s2, $0x6  }
0x2c: {  	s7 =	simm.s32 @!p3 $0x2C  }
0x2d: {  	s7 =	sor.u32 s22, s7  }
0x2e: {  	s7 =	sshll.u32 s7, $0x9  }
0x2f: {  	s7 =	sadd.s32 s9, s7  }
0x30: {  	[hbm4b:s7+s5] =	stream.linear.scatter [tilespmem:s18], [sflag:$0x1], $0x4000, $0x38;
	[tilespmem:$0x1C200] =	vst v63  }
0x31: {  	p3 =	sgt.s32 s2, $0x7;
	s7 =	simm.s32 $0x1C  }
0x32: {  	s7 =	simm.s32 @!p3 $0x30  }
0x33: {  	s7 =	sor.u32 s22, s7  }
0x34: {  	s7 =	sshll.u32 s7, $0x9  }
0x35: {  	s7 =	sadd.s32 s9, s7  }
0x36: {  	[hbm4b:s7+s5] =	stream.linear.scatter [tilespmem:s18], [sflag:$0x1], $0x4000, $0x38;
	[tilespmem:$0x1C200] =	vst v63  }
0x37: {  	p3 =	sgt.s32 s2, $0x8;
	s7 =	simm.s32 $0x20  }
0x38: {  	s7 =	simm.s32 @!p3 $0x34  }
0x39: {  	s7 =	sor.u32 s22, s7  }
0x3a: {  	s12 =	sshll.u32 s23, $0x2;
	s7 =	sshll.u32 s7, $0x9  }
0x3b: {  	s12 =	sadd.s32 $0x3F, s12;
	s7 =	sadd.s32 s9, s7  }
0x3c: {  	[hbm4b:s7+s5] =	stream.linear.scatter [tilespmem:s18], [sflag:$0x1], $0x4000, $0x38;
	[tilespmem:$0x1C200] =	vst v63  }
0x3d: {  	s25 =	sshra.s32 s12, $0x1F;
	p3 =	sgt.s32 s2, $0x9;
	s7 =	simm.s32 $0x24  }
0x3e: {  	s7 =	simm.s32 @!p3 $0x38;
	p3 =	sgt.s32 s2, $0xA;
	s2 =	simm.s32 $0x28  }
0x3f: {  	s13 =	sshrl.u32 s25, $0x1A;
	s7 =	sor.u32 s22, s7;
	s2 =	simm.s32 @!p3 $0x3C  }
0x40: {  	s12 =	sadd.s32 s13, s12;
	s7 =	sshll.u32 s7, $0x9;
	s2 =	sor.u32 s22, s2  }
0x41: {  	s12 =	sshra.s32 s12, $0x6;
	s7 =	sadd.s32 s9, s7;
	s2 =	sshll.u32 s2, $0x9  }
0x42: {  	[hbm4b:s7+s5] =	stream.linear.scatter [tilespmem:s18], [sflag:$0x1], $0x4000, $0x38;
	[tilespmem:$0x1C200] =	vst v63  }
0x43: {  	s7 =	sadd.s32 s25, s12;
	s2 =	sadd.s32 s9, s2  }
0x44: {  	[hbm4b:s2+s5] =	stream.linear.scatter [tilespmem:s18], [sflag:$0x1], $0x4000, $0x38;
	[tilespmem:$0x1C200] =	vst v63  }
0x45: {  	s1 =	sshll.u32 s23, $0x1;
	p3 =	slt.s32 s7, $0x2;
	s2 =	simm.s32 $0x1  }
0x46: {  	s26 =	rddreg [dreg:$0x10];
	s1 =	sadd.s32 $0x3F, s1;
	s2 =	simm.s32 @!p3 $0x0  }
0x47: {  	s28 =	sshra.s32 s1, $0x1F;
	s2 =	sor.u32 s2, s26  }
0x48: {  	s29 =	sshrl.u32 s28, $0x1A;
	s2 =	sshll.u32 s2, $0x9  }
0x49: {  	s1 =	sadd.s32 s29, s1;
	s2 =	sadd.s32 s4, s2  }
0x4a: {  	[hbm4b:s2+s5] =	stream.linear.scatter [tilespmem:s18], [sflag:$0x1], $0x1000, $0x38;
	[tilespmem:$0x1C200] =	vst v63  }
0x4b: {  	s1 =	sshra.s32 s1, $0x6;
	p3 =	sgt.s32 s7, $0x2;
	s2 =	simm.s32 $0x1  }
0x4c: {  	s31 =	rddreg [dreg:$0x11];
	s1 =	sadd.s32 s28, s1;
	s2 =	simm.s32 @!p3 $0x2  }
0x4d: {  	p3 =	sgt.s32 s7, $0x3;
	s7 =	simm.s32 $0x2;
	s2 =	sor.u32 s26, s2  }
0x4e: {  	s7 =	simm.s32 @!p3 $0x3;
	p3 =	slt.s32 s1, $0x2;
	s1 =	simm.s32 $0x1000  }
0x4f: {  	s2 =	sshll.u32 s2, $0x9;
	s7 =	sor.u32 s26, s7;
	s1 =	simm.s32 @!p3 $0x2  }
0x50: {  	s2 =	sadd.s32 s4, s2;
	s7 =	sshll.u32 s7, $0x9;
	s1 =	sor.u32 s31, s1  }
0x51: {  	[hbm4b:s2+s5] =	stream.linear.scatter [tilespmem:s18], [sflag:$0x1], $0x1000, $0x38;
	[tilespmem:$0x1C200] =	vst v63  }
0x52: {  	s30 =	sadd.s32 s4, s7;
	s1 =	sshrl.u32 s1, $0x3  }
0x53: {  	[hbm4b:s30+s5] =	stream.linear.scatter [tilespmem:s18], [sflag:$0x1], $0x1000, $0x38;
	[tilespmem:$0x1C200] =	vst v63  }
0x54: {  	s1 =	sadd.s32 s3, s1  }
0x55: {  	[hbm4b:s1+s5] =	stream.linear.scatter [tilespmem:s18], [sflag:$0x1], $0x1000, $0x38;
	[tilespmem:$0x1C200] =	vst v63  }
0x56: {  	_ =	swait.ge [sflag:s20], $0x4000  }
0x57: {  	[sflag:s20] =	ssyncset.done $0x0  }
0x58: {  	[sflag:s20] =	ssyncadd.s32 $0xFFFFC000  }
0x59: {  	_ =	swait.ge [sflag:s20], $0x4000  }
0x5a: {  	[sflag:s20] =	ssyncset.done $0x0  }
0x5b: {  	[sflag:s20] =	ssyncadd.s32 $0xFFFFC000  }
0x5c: {  	_ =	swait.ge [sflag:s20], $0x4000  }
0x5d: {  	[sflag:s20] =	ssyncset.done $0x0  }
0x5e: {  	[sflag:s20] =	ssyncadd.s32 $0xFFFFC000  }
0x5f: {  	_ =	swait.ge [sflag:s20], $0x4000  }
0x60: {  	[sflag:s20] =	ssyncset.done $0x0  }
0x61: {  	[sflag:s20] =	ssyncadd.s32 $0xFFFFC000  }
0x62: {  	_ =	swait.ge [sflag:s20], $0x4000  }
0x63: {  	[sflag:s20] =	ssyncset.done $0x0  }
0x64: {  	[sflag:s20] =	ssyncadd.s32 $0xFFFFC000  }
0x65: {  	_ =	swait.ge [sflag:s20], $0x1000  }
0x66: {  	[sflag:s20] =	ssyncset.done $0x0  }
0x67: {  	[sflag:s20] =	ssyncadd.s32 $0xFFFFF000  }
0x68: {  	_ =	swait.ge [sflag:s20], $0x1000  }
0x69: {  	[sflag:s20] =	ssyncset.done $0x0  }
0x6a: {  	[sflag:s20] =	ssyncadd.s32 $0xFFFFF000  }
0x6b: {  	_ =	swait.ge [sflag:s20], $0x1000  }
0x6c: {  	[sflag:s20] =	ssyncset.done $0x0  }
0x6d: {  	[sflag:s20] =	ssyncadd.s32 $0xFFFFF000  }
0x6e: {  	_ =	swait.ge [sflag:s20], $0x1000  }
0x6f: {  	[sflag:s20] =	ssyncset.done $0x0  }
0x70: {  	[sflag:s20] =	ssyncadd.s32 $0xFFFFF000  }
.LBB2_37:
0x71: {  	_ =	swait.ge [sflag:s20], $0x4000  }
0x72: {  	[sflag:s20] =	ssyncset.done $0x0  }
0x73: {  	[sflag:s20] =	ssyncadd.s32 $0xFFFFC000  }
0x74: {  	_ =	swait.ge [sflag:s20], $0x4000  }
0x75: {  	[sflag:s20] =	ssyncset.done $0x0  }
0x76: {  	[sflag:s20] =	ssyncadd.s32 $0xFFFFC000  }
0x77: {  	_ =	swait.ge [sflag:s20], $0x4000  }
0x78: {  	[sflag:s20] =	ssyncset.done $0x0  }
0x79: {  	[sflag:s20] =	ssyncadd.s32 $0xFFFFC000  }
0x7a: {  	_ =	swait.ge [sflag:s20], $0x4000  }
0x7b: {  	[sflag:s20] =	ssyncset.done $0x0  }
0x7c: {  	[sflag:s20] =	ssyncadd.s32 $0xFFFFC000  }
0x7d: {  	_ =	swait.ge [sflag:s20], $0x4000  }
0x7e: {  	[sflag:s20] =	ssyncset.done $0x0  }
0x7f: {  	[sflag:s20] =	ssyncadd.s32 $0xFFFFC000  }
0x80: {  	_ =	swait.ge [sflag:s20], $0x4000  }
0x81: {  	[sflag:s20] =	ssyncset.done $0x0  }
0x82: {  	[sflag:s20] =	ssyncadd.s32 $0xFFFFC000  }
0x83: {  	_ =	swait.ge [sflag:s20], $0x4000  }
0x84: {  	[sflag:s20] =	ssyncset.done $0x0  }
0x85: {  	[sflag:s20] =	ssyncadd.s32 $0xFFFFC000  }
0x86: {  	_ =	swait.ge [sflag:s20], $0x4000  }
0x87: {  	[sflag:s20] =	ssyncset.done $0x0  }
0x88: {  	[sflag:s20] =	ssyncadd.s32 $0xFFFFC000  }
0x89: {  	_ =	swait.ge [sflag:s20], $0x4000  }
0x8a: {  	[sflag:s20] =	ssyncset.done $0x0  }
0x8b: {  	[sflag:s20] =	ssyncadd.s32 $0xFFFFC000  }
0x8c: {  	_ =	swait.ge [sflag:s20], $0x4000  }
0x8d: {  	[sflag:s20] =	ssyncset.done $0x0  }
0x8e: {  	[sflag:s20] =	ssyncadd.s32 $0xFFFFC000  }
0x8f: {  	_ =	swait.ge [sflag:s20], $0x4000  }
0x90: {  	[sflag:s20] =	ssyncset.done $0x0  }
0x91: {  	[sflag:s20] =	ssyncadd.s32 $0xFFFFC000  }
0x92: {  	_ =	swait.ge [sflag:s20], $0x1000  }
0x93: {  	[sflag:s20] =	ssyncset.done $0x0  }
0x94: {  	[sflag:s20] =	ssyncadd.s32 $0xFFFFF000  }
0x95: {  	_ =	swait.ge [sflag:s20], $0x1000  }
0x96: {  	[sflag:s20] =	ssyncset.done $0x0  }
0x97: {  	[sflag:s20] =	ssyncadd.s32 $0xFFFFF000  }
0x98: {  	_ =	swait.ge [sflag:s20], $0x1000  }
0x99: {  	[sflag:s20] =	ssyncset.done $0x0  }
0x9a: {  	[sflag:s20] =	ssyncadd.s32 $0xFFFFF000  }
0x9b: {  	_ =	swait.ge [sflag:s20], $0x1000  }
0x9c: {  	[sflag:s20] =	ssyncset.done $0x0  }
0x9d: {  	[sflag:s20] =	ssyncadd.s32 $0xFFFFF000  }
0x9e: {  	_ =	swait.ge [sflag:s20], $0x4000  }
0x9f: {  	[sflag:s20] =	ssyncset.done $0x0  }
0xa0: {  	[sflag:s20] =	ssyncadd.s32 $0xFFFFC000  }
0xa1: {  	_ =	swait.ge [sflag:s20], $0x4000  }
0xa2: {  	[sflag:s20] =	ssyncset.done $0x0  }
0xa3: {  	[sflag:s20] =	ssyncadd.s32 $0xFFFFC000  }
0xa4: {  	_ =	swait.ge [sflag:s20], $0x4000  }
0xa5: {  	[sflag:s20] =	ssyncset.done $0x0  }
0xa6: {  	[sflag:s20] =	ssyncadd.s32 $0xFFFFC000  }
0xa7: {  	_ =	swait.ge [sflag:s20], $0x4000  }
0xa8: {  	[sflag:s20] =	ssyncset.done $0x0  }
0xa9: {  	[sflag:s20] =	ssyncadd.s32 $0xFFFFC000  }
0xaa: {  	_ =	swait.ge [sflag:s20], $0x4000  }
0xab: {  	[sflag:s20] =	ssyncset.done $0x0  }
0xac: {  	[sflag:s20] =	ssyncadd.s32 $0xFFFFC000  }
0xad: {  	_ =	swait.ge [sflag:s20], $0x4000  }
0xae: {  	[sflag:s20] =	ssyncset.done $0x0  }
0xaf: {  	[sflag:s20] =	ssyncadd.s32 $0xFFFFC000  }
0xb0: {  	_ =	swait.ge [sflag:s20], $0x4000  }
0xb1: {  	[sflag:s20] =	ssyncset.done $0x0  }
0xb2: {  	[sflag:s20] =	ssyncadd.s32 $0xFFFFC000  }
0xb3: {  	_ =	swait.ge [sflag:s20], $0x4000  }
0xb4: {  	[sflag:s20] =	ssyncset.done $0x0  }
0xb5: {  	[sflag:s20] =	ssyncadd.s32 $0xFFFFC000  }
0xb6: {  	_ =	swait.ge [sflag:s20], $0x4000  }
0xb7: {  	[sflag:s20] =	ssyncset.done $0x0  }
0xb8: {  	[sflag:s20] =	ssyncadd.s32 $0xFFFFC000  }
0xb9: {  	_ =	swait.ge [sflag:s20], $0x4000  }
0xba: {  	[sflag:s20] =	ssyncset.done $0x0  }
0xbb: {  	[sflag:s20] =	ssyncadd.s32 $0xFFFFC000  }
0xbc: {  	_ =	swait.ge [sflag:s20], $0x4000  }
0xbd: {  	[sflag:s20] =	ssyncset.done $0x0  }
0xbe: {  	[sflag:s20] =	ssyncadd.s32 $0xFFFFC000  }
0xbf: {  	_ =	swait.ge [sflag:s20], $0x1000  }
0xc0: {  	[sflag:s20] =	ssyncset.done $0x0  }
0xc1: {  	[sflag:s20] =	ssyncadd.s32 $0xFFFFF000  }
0xc2: {  	_ =	swait.ge [sflag:s20], $0x1000  }
0xc3: {  	[sflag:s20] =	ssyncset.done $0x0  }
0xc4: {  	[sflag:s20] =	ssyncadd.s32 $0xFFFFF000  }
0xc5: {  	_ =	swait.ge [sflag:s20], $0x1000  }
0xc6: {  	[sflag:s20] =	ssyncset.done $0x0  }
0xc7: {  	[sflag:s20] =	ssyncadd.s32 $0xFFFFF000  }
0xc8: {  	_ =	swait.ge [sflag:s20], $0x1000  }
0xc9: {  	s8 =	sadd.s32 $0x1, s8;
	s1 =	rddreg [dreg:$0x12]  }
0xca: {  	p3 =	sne.s32 s8, s1  }
.Ltmp1:
0xcb: {  	_ = 	snop;
	(pc) =	sbr.rel @!p3 .LBB2_38-.Ltmp1, $3  }
0xcc: {  	_ =	sdelay $0x1  }
0xcd: {  	[sflag:s20] =	ssyncset.done $0x0  }
0xce: {  	[sflag:s20] =	ssyncadd.s32 $0xFFFFF000  }
.LBB2_1:
0xcf: {  	s1 =	rddreg [dreg:$0x6]  }
0xd0: {  	[tilespmem:s5], [sflag:$0x1] =	stream.linear.gather [hbm4b:s1+s5], $0x480, $0x38;
	[tilespmem:$0x1C200] =	vst v63  }
0xd1: {  	s2 =	rddreg [dreg:$0x7]  }
0xd2: {  	[tilespmem:s6], [sflag:$0x1] =	stream.linear.gather [hbm4b:s2+s5], $0x280, $0x38;
	[tilespmem:$0x1C200] =	vst v63  }
0xd3: {  	s7 =	rddreg [dreg:$0x1]  }
0xd4: {  	[tilespmem:s24], [sflag:$0x1] =	stream.linear.gather [hbm4b:s7+s5], $0xB00, $0x38;
	[tilespmem:$0x1C200] =	vst v63  }
0xd5: {  	s12 =	rddreg [dreg:$0x2];
	s2 =	simm.s32 $0x8200  }
0xd6: {  	[tilespmem:s2], [sflag:$0x1] =	stream.linear.gather [hbm4b:s12+s5], $0x14000, $0x38;
	[tilespmem:$0x1C200] =	vst v63  }
0xd7: {  	_ = 	snop  }
0xd8: {  	[tilespmem:s18], [sflag:$0x1] =	stream.linear.gather [hbm4b:s12+s5], $0x4000, $0x38;
	[tilespmem:$0x1C200] =	vst v63  }
0xd9: {  	s13 =	simm.s32 $0x5200  }
0xda: {  	[tilespmem:s13], [sflag:$0x1] =	stream.linear.gather [hbm4b:s12+s5], $0x3000, $0x38;
	[tilespmem:$0x1C200] =	vst v63  }
0xdb: {  	_ =	swait.ge [sflag:s20], $0x480  }
0xdc: {  	[sflag:s20] =	ssyncset.done $0x0  }
0xdd: {  	[sflag:s20] =	ssyncadd.s32 $0xFFFFFB80  }
0xde: {  	_ =	swait.ge [sflag:s20], $0x280  }
0xdf: {  	[sflag:s20] =	ssyncset.done $0x0  }
0xe0: {  	[sflag:s20] =	ssyncadd.s32 $0xFFFFFD80  }
0xe1: {  	_ =	swait.ge [sflag:s20], $0xB00  }
0xe2: {  	[sflag:s20] =	ssyncset.done $0x0  }
0xe3: {  	[sflag:s20] =	ssyncadd.s32 $0xFFFFF500  }
0xe4: {  	_ =	swait.ge [sflag:s20], $0x14000  }
0xe5: {  	[sflag:s20] =	ssyncset.done $0x0  }
0xe6: {  	[sflag:s20] =	ssyncadd.s32 $0xFFFEC000  }
0xe7: {  	_ =	swait.ge [sflag:s20], $0x4000  }
0xe8: {  	[sflag:s20] =	ssyncset.done $0x0  }
0xe9: {  	[sflag:s20] =	ssyncadd.s32 $0xFFFFC000  }
0xea: {  	_ =	swait.ge [sflag:s20], $0x3000  }
0xeb: {  	[sflag:s20] =	ssyncset.done $0x0  }
0xec: {  	s16 =	sshrl.u32 s10, $0x2;
	[sflag:s20] =	ssyncadd.s32 $0xFFFFD000  }
0xed: {  	v2 =	vld [tilespmem:s16+$0x0];
	_ =	sdelay $0x4  }
0xee: {  	(v2sf) =	vpush v2, $0x0  }
0xef: {  	(v2sf) =	vpush v2, $0x1  }
0xf0: {  	(v2sf) =	vpush v2, $0x2;
	_ =	sdelay $0xc  }
0xf1: {  	s12 =	spop (v2sf)  }
0xf2: {  	s2 =	spop (v2sf)  }
0xf3: {  	s29 =	spop (v2sf)  }
0xf4: {  	s1 =	sadd.s32 $0xFFFFFFF9, s29  }
0xf5: {  	p3 =	sgt.s32 s1, $0x0  }
0xf6: {  	p4 =	slt.s32 s1, $0x1;
	s1 =	simm.s32 @!p3 $0x0  }
0xf7: {  	s13 =	smin.u32 s1, $0x33  }
0xf8: {  	s1 =	sand.u32 $0x3, s13  }
0xf9: {  	p6 =	sne.s32 s1, $0x0  }
0xfa: {  	p3 =	por !p4, !p6  }
0xfb: {  	s1 =	simm.s32 $0x1;
	p3 =	por !p3, !p3  }
0xfc: {  	s7 =	sshrl.u32 s13, $0x2;
	s1 =	simm.s32 @!p3 $0x0  }
0xfd: {  	s25 =	ssub.s32 s7, s1  }
0xfe: {  	s1 =	simm.s32 $0x0;
	p3 =	sgt.s32 s25, $0x0  }
0xff: {  	s1 =	simm.s32 @!p3 $0x14  }
0x100: {  	s1 =	sor.u32 s10, s1  }
0x101: {  	s1 =	sshll.u32 s1, $0x9  }
0x102: {  	s1 =	sand.u32 $0xFA800, s1  }
0x103: {  	s1 =	sadd.s32 s9, s1  }
0x104: {  	[hbm4b:s1+s5] =	stream.linear.scatter [tilespmem:s18], [sflag:$0x1], $0x4000, $0x38;
	[tilespmem:$0x1C200] =	vst v63  }
0x105: {  	p3 =	sgt.s32 s25, $0x1;
	s1 =	simm.s32 $0x4  }
0x106: {  	s1 =	simm.s32 @!p3 $0x18  }
0x107: {  	s1 =	sor.u32 s10, s1  }
0x108: {  	s1 =	sshll.u32 s1, $0x9  }
0x109: {  	s1 =	sand.u32 $0xFB800, s1  }
0x10a: {  	s1 =	sadd.s32 s9, s1  }
0x10b: {  	[hbm4b:s1+s5] =	stream.linear.scatter [tilespmem:s18], [sflag:$0x1], $0x4000, $0x38;
	[tilespmem:$0x1C200] =	vst v63  }
0x10c: {  	p3 =	sgt.s32 s25, $0x2;
	s1 =	simm.s32 $0x8  }
0x10d: {  	s1 =	simm.s32 @!p3 $0x1C  }
0x10e: {  	s1 =	sor.u32 s10, s1  }
0x10f: {  	s1 =	sshll.u32 s1, $0x9  }
0x110: {  	s1 =	sand.u32 $0xFB800, s1  }
0x111: {  	s1 =	sadd.s32 s9, s1  }
0x112: {  	[hbm4b:s1+s5] =	stream.linear.scatter [tilespmem:s18], [sflag:$0x1], $0x4000, $0x38;
	[tilespmem:$0x1C200] =	vst v63  }
0x113: {  	p3 =	sgt.s32 s25, $0x3;
	s1 =	simm.s32 $0xC  }
0x114: {  	s1 =	simm.s32 @!p3 $0x20  }
0x115: {  	s1 =	sor.u32 s10, s1  }
0x116: {  	s1 =	sshll.u32 s1, $0x9  }
0x117: {  	s1 =	sand.u32 $0xFD800, s1  }
0x118: {  	s1 =	sadd.s32 s9, s1  }
0x119: {  	[hbm4b:s1+s5] =	stream.linear.scatter [tilespmem:s18], [sflag:$0x1], $0x4000, $0x38;
	[tilespmem:$0x1C200] =	vst v63  }
0x11a: {  	p3 =	sgt.s32 s25, $0x4;
	s1 =	simm.s32 $0x10  }
0x11b: {  	s1 =	simm.s32 @!p3 $0x24  }
0x11c: {  	s1 =	sor.u32 s10, s1  }
0x11d: {  	s1 =	sshll.u32 s1, $0x9  }
0x11e: {  	s1 =	sand.u32 $0xFE800, s1  }
0x11f: {  	s1 =	sadd.s32 s9, s1  }
0x120: {  	[hbm4b:s1+s5] =	stream.linear.scatter [tilespmem:s18], [sflag:$0x1], $0x4000, $0x38;
	[tilespmem:$0x1C200] =	vst v63  }
0x121: {  	p3 =	sgt.s32 s25, $0x5;
	s1 =	simm.s32 $0x14  }
0x122: {  	s1 =	simm.s32 @!p3 $0x28  }
0x123: {  	s1 =	sor.u32 s10, s1  }
0x124: {  	s1 =	sshll.u32 s1, $0x9  }
0x125: {  	s1 =	sand.u32 $0xFF800, s1  }
0x126: {  	s1 =	sadd.s32 s9, s1  }
0x127: {  	[hbm4b:s1+s5] =	stream.linear.scatter [tilespmem:s18], [sflag:$0x1], $0x4000, $0x38;
	[tilespmem:$0x1C200] =	vst v63  }
0x128: {  	p3 =	sgt.s32 s25, $0x6;
	s1 =	simm.s32 $0x18  }
0x129: {  	s1 =	simm.s32 @!p3 $0x2C  }
0x12a: {  	s1 =	sor.u32 s10, s1  }
0x12b: {  	s1 =	sshll.u32 s1, $0x9  }
0x12c: {  	s1 =	sand.u32 $0xFF800, s1  }
0x12d: {  	s1 =	sadd.s32 s9, s1  }
0x12e: {  	[hbm4b:s1+s5] =	stream.linear.scatter [tilespmem:s18], [sflag:$0x1], $0x4000, $0x38;
	[tilespmem:$0x1C200] =	vst v63  }
0x12f: {  	p3 =	sgt.s32 s25, $0x7;
	s1 =	simm.s32 $0x1C  }
0x130: {  	s1 =	simm.s32 @!p3 $0x30  }
0x131: {  	s1 =	sor.u32 s10, s1  }
0x132: {  	s1 =	sshll.u32 s1, $0x9  }
0x133: {  	s1 =	sand.u32 $0xFF800, s1  }
0x134: {  	s1 =	sadd.s32 s9, s1  }
0x135: {  	[hbm4b:s1+s5] =	stream.linear.scatter [tilespmem:s18], [sflag:$0x1], $0x4000, $0x38;
	[tilespmem:$0x1C200] =	vst v63  }
0x136: {  	p3 =	sgt.s32 s25, $0x8;
	s1 =	simm.s32 $0x20  }
0x137: {  	s1 =	simm.s32 @!p3 $0x34  }
0x138: {  	s1 =	sor.u32 s10, s1  }
0x139: {  	s1 =	sshll.u32 s1, $0x9  }
0x13a: {  	s1 =	sand.u32 $0xFE800, s1  }
0x13b: {  	s1 =	sadd.s32 s9, s1  }
0x13c: {  	[hbm4b:s1+s5] =	stream.linear.scatter [tilespmem:s18], [sflag:$0x1], $0x4000, $0x38;
	[tilespmem:$0x1C200] =	vst v63  }
0x13d: {  	p3 =	sgt.s32 s25, $0x9;
	s1 =	simm.s32 $0x24  }
0x13e: {  	s17 =	sshll.u32 s29, $0x2;
	s1 =	simm.s32 @!p3 $0x38  }
0x13f: {  	s19 =	sadd.s32 $0x3F, s17;
	s1 =	sor.u32 s10, s1  }
0x140: {  	s7 =	simm.s32 $0x28;
	p3 =	sgt.s32 s25, $0xA;
	s1 =	sshll.u32 s1, $0x9  }
0x141: {  	s16 =	sshra.s32 s19, $0x1F;
	s7 =	simm.s32 @!p3 $0x3C;
	s1 =	sand.u32 $0xFF800, s1  }
0x142: {  	s17 =	sshrl.u32 s16, $0x1A;
	s7 =	sor.u32 s10, s7;
	s1 =	sadd.s32 s9, s1  }
0x143: {  	[hbm4b:s1+s5] =	stream.linear.scatter [tilespmem:s18], [sflag:$0x1], $0x4000, $0x38;
	[tilespmem:$0x1C200] =	vst v63  }
0x144: {  	s7 =	sshll.u32 s7, $0x9;
	s1 =	sadd.s32 s17, s19  }
0x145: {  	s7 =	sand.u32 $0xFF800, s7;
	s1 =	sshra.s32 s1, $0x6  }
0x146: {  	s23 =	sadd.s32 s9, s7;
	s17 =	sadd.s32 s16, s1  }
0x147: {  	[hbm4b:s23+s5] =	stream.linear.scatter [tilespmem:s18], [sflag:$0x1], $0x4000, $0x38;
	[tilespmem:$0x1C200] =	vst v63  }
0x148: {  	s1 =	simm.s32 $0x1;
	p3 =	slt.s32 s17, $0x2  }
0x149: {  	s26 =	sshll.u32 s29, $0x1;
	s1 =	simm.s32 @!p3 $0x0  }
0x14a: {  	s7 =	sadd.s32 $0x3F, s26;
	s1 =	sor.u32 s1, s11  }
0x14b: {  	s31 =	sshra.s32 s7, $0x1F;
	s1 =	sshll.u32 s1, $0x9  }
0x14c: {  	s23 =	sshrl.u32 s31, $0x1A;
	s1 =	sand.u32 $0xFA00, s1  }
0x14d: {  	s26 =	rddreg [dreg:$0x8];
	s7 =	sadd.s32 s23, s7;
	s1 =	sadd.s32 s4, s1  }
0x14e: {  	[hbm4b:s1+s5] =	stream.linear.scatter [tilespmem:s18], [sflag:$0x1], $0x1000, $0x38;
	[tilespmem:$0x1C200] =	vst v63  }
0x14f: {  	p3 =	sgt.s32 s17, $0x2;
	s7 =	sshra.s32 s7, $0x6;
	s1 =	simm.s32 $0x1  }
0x150: {  	s16 =	simm.s32 $0x2;
	s23 =	sadd.s32 s31, s7;
	s1 =	simm.s32 @!p3 $0x2  }
0x151: {  	s7 =	sadd.s32 $0xFFFFFFFA, s2;
	p3 =	sgt.s32 s17, $0x3;
	s1 =	sor.u32 s11, s1  }
0x152: {  	s31 =	ssub.s32 $0x3F, s12;
	s16 =	simm.s32 @!p3 $0x3;
	s1 =	sshll.u32 s1, $0x9  }
0x153: {  	v6 =	vadd.s32 s31, v0;
	s31 =	sshll.u32 s13, $0x6;
	s16 =	sor.u32 s11, s16;
	s1 =	sadd.s32 s4, s1  }
0x154: {  	[hbm4b:s1+s5] =	stream.linear.scatter [tilespmem:s18], [sflag:$0x1], $0x1000, $0x38;
	[tilespmem:$0x1C200] =	vst v63  }
0x155: {  	p3 =	slt.s32 s23, $0x2;
	s16 =	sshll.u32 s16, $0x9;
	s1 =	simm.s32 $0x1  }
0x156: {  	s19 =	sadd.s32 s4, s16;
	s1 =	simm.s32 @!p3 $0x0;
	p3 =	sgt.s32 s7, $0x0  }
0x157: {  	[hbm4b:s19+s5] =	stream.linear.scatter [tilespmem:s18], [sflag:$0x1], $0x1000, $0x38;
	[tilespmem:$0x1C200] =	vst v63  }
0x158: {  	s1 =	sor.u32 s1, s26;
	s7 =	simm.s32 @!p3 $0x0;
	p3 =	slt.s32 s25, $0xB  }
0x159: {  	s19 =	ssub.s32 $0x4F, s12;
	s26 =	ssub.s32 $0x5F, s12;
	s12 =	ssub.s32 $0x6F, s12  }
0x15a: {  	vm0 =	vgt.s32 v6, $0x0;
	s1 =	sshll.u32 s1, $0x9;
	s7 =	smin.u32 s7, $0x33;
	s25 =	simm.s32 @!p3 $0xB  }
0x15b: {  	v2 =	vnsel vm0, $0x0, v6;
	v7 =	vadd.s32 s19, v0;
	v8 =	vadd.s32 s26, v0;
	s1 =	sadd.s32 s3, s1;
	s19 =	sor.u32 s31, s7;
	s26 =	sshll.u32 s25, $0x8  }
0x15c: {  	vm3 =	vlt.u32 v6, $0xD;
	v2 =	vmin.u32 v2, $0xC;
	v9 =	vadd.s32 s12, v0;
	[hbm4b:s1+s5] =	stream.linear.scatter [tilespmem:s18], [sflag:$0x1], $0x1000, $0x38;
	[tilespmem:$0x1C200] =	vst v63  }
0x15d: {  	vm0 =	vgt.s32 v7, $0x0;
	vm1 =	vgt.s32 v9, $0x0;
	vm2 =	vlt.u32 v7, $0xD;
	s1 =	ssub.s32 s19, s26  }
0x15e: {  	s16 =	simm.s32 $0x0;
	s2 =	ssub.s32 s7, s2;
	v3 =	vnsel vm0, $0x0, v7;
	vm0 =	vgt.s32 v8, $0x0;
	v10 =	vnsel vm1, $0x0, v9;
	s1 =	sshll.u32 s1, $0x8  }
0x15f: {  	s28 =	sshll.u32 s25, $0x2;
	s31 =	ssub.s32 s13, s29;
	vm1 =	vlt.u32 v8, $0xD;
	v4 =	vmin.u32 v3, $0xC;
	v3 =	vnsel vm0, $0x0, v8;
	s1 =	sshra.s32 s1, $0x2  }
0x160: {  	s30 =	sadd.s32 $0x6, s2;
	s2 =	sadd.s32 $0x7, s31;
	vm0 =	vlt.u32 v9, $0xD;
	v5 =	vmin.u32 v3, $0xC;
	v3 =	vmin.u32 v10, $0xC;
	s12 =	sadd.s32 $0x8220, s1  }
.LBB2_2:
0x161: {  	s1 =	sadd.s32 s16, s2  }
0x162: {  	p4 =	sgt.s32 s1, $0x0  }
0x163: {  	p3 =	slt.u32 s1, $0xD;
	s1 =	simm.s32 @!p4 $0x0  }
0x164: {  	s26 =	sadd.s32 $0x0, s30;
	s1 =	smin.u32 s1, $0xC  }
0x165: {  	p4 =	sgt.s32 s26, $0x0;
	v6 =	vmov s1  }
0x166: {  	p5 =	slt.u32 s26, $0xD;
	s26 =	simm.s32 @!p4 $0x0;
	v6 =	vmul.u32 $0xD, v6  }
0x167: {  	s31 =	smin.u32 s26, $0xC  }
0x168: {  	v7 =	vadd.s32 s31, v6  }
0x169: {  	v7 =	vshll.u32 v7, $0x4  }
0x16a: {  	v8 =	vbroadcast v7, $0x0;
	_ =	sdelay $0x1  }
0x16b: {  	v7 =	vor.u32 v2, v8;
	_ =	sdelay $0x4  }
0x16c: {  	s1 =	simm.f32 $1.000000000e+00;
	v9 =	vld.idx.msk [tilespmem:v7+s24+$0x0], $0xffff  }
0x16d: {  	s1 =	simm.s32 @!p5 $0x0  }
0x16e: {  	s1 =	simm.s32 @!p3 $0x0  }
0x16f: {  	v10 =	vor.u32 v4, v8;
	v7 =	vmov s1  }
0x170: {  	v11 =	vnsel vm3, $0x0, v7  }
0x171: {  	v9 =	vmul.f32 v9, v11;
	_ =	sdelay $0x1  }
0x172: {  	[tilespmem:s12+$0xFFFFFFE0] =	vst v9  }
0x173: {  	v9 =	vld.idx.msk [tilespmem:v10+s24+$0x0], $0xffff;
	_ =	sdelay $0x2  }
0x174: {  	v10 =	vor.u32 v5, v8  }
0x175: {  	v11 =	vnsel vm2, $0x0, v7  }
0x176: {  	v9 =	vmul.f32 v9, v11;
	_ =	sdelay $0x1  }
0x177: {  	[tilespmem:s12+$0xFFFFFFF0] =	vst v9  }
0x178: {  	v9 =	vld.idx.msk [tilespmem:v10+s24+$0x0], $0xffff;
	_ =	sdelay $0x2  }
0x179: {  	v8 =	vor.u32 v3, v8  }
0x17a: {  	s19 =	sadd.s32 $0x1, s30;
	s26 =	simm.s32 $0x2;
	s1 =	smov.u32 s12;
	v10 =	vnsel vm1, $0x0, v7  }
.LBB2_3:
0x17b: {  	p4 =	sne.s32 s26, $0xC;
	p5 =	sgt.s32 s19, $0x0;
	v9 =	vmul.f32 v9, v10;
	s31 =	smov.u32 s19  }
0x17c: {  	s31 =	simm.s32 @!p5 $0x0  }
0x17d: {  	s31 =	smin.u32 s31, $0xC;
	[tilespmem:s1+$0x0] =	vst v9  }
0x17e: {  	v9 =	vadd.s32 s31, v6;
	v8 =	vld.idx.msk [tilespmem:v8+s24+$0x0], $0xffff  }
0x17f: {  	v9 =	vshll.u32 v9, $0x4  }
0x180: {  	v10 =	vbroadcast v9, $0x0;
	_ =	sdelay $0x1  }
0x181: {  	v9 =	vor.u32 v2, v10  }
0x182: {  	v7 =	vnsel vm0, $0x0, v7  }
0x183: {  	v7 =	vmul.f32 v8, v7;
	_ =	sdelay $0x1  }
0x184: {  	[tilespmem:s1+$0x10] =	vst v7  }
0x185: {  	v8 =	vld.idx.msk [tilespmem:v9+s24+$0x0], $0xffff  }
0x186: {  	p5 =	slt.u32 s19, $0xD;
	s19 =	simm.f32 $1.000000000e+00  }
0x187: {  	s19 =	simm.s32 @!p5 $0x0  }
0x188: {  	s19 =	simm.s32 @!p3 $0x0  }
0x189: {  	v7 =	vmov s19;
	v9 =	vor.u32 v4, v10  }
0x18a: {  	v11 =	vnsel vm3, $0x0, v7  }
0x18b: {  	v8 =	vmul.f32 v8, v11  }
0x18c: {  	s1 =	sadd.s32 $0x40, s1  }
0x18d: {  	[tilespmem:s1+$0xFFFFFFE0] =	vst v8  }
0x18e: {  	v8 =	vld.idx.msk [tilespmem:v9+s24+$0x0], $0xffff;
	_ =	sdelay $0x3  }
0x18f: {  	v9 =	vor.u32 v5, v10  }
0x190: {  	v11 =	vnsel vm2, $0x0, v7  }
0x191: {  	v8 =	vmul.f32 v8, v11;
	_ =	sdelay $0x1  }
0x192: {  	[tilespmem:s1+$0xFFFFFFF0] =	vst v8  }
0x193: {  	v9 =	vld.idx.msk [tilespmem:v9+s24+$0x0], $0xffff  }
.Ltmp2:
0x194: {  	(pc) =	sbr.rel @p4 .LBB2_3-.Ltmp2, $3  }
0x195: {  	_ =	sdelay $0x1  }
0x196: {  	v8 =	vor.u32 v3, v10  }
0x197: {  	s19 =	sadd.s32 s26, s30;
	s26 =	sadd.s32 $0x1, s26;
	v10 =	vnsel vm1, $0x0, v7  }
0x198: {  	p4 =	sgt.s32 s19, $0x0;
	s26 =	smov.u32 s19  }
0x199: {  	v9 =	vmul.f32 v9, v10;
	s26 =	simm.s32 @!p4 $0x0  }
0x19a: {  	s26 =	smin.u32 s26, $0xC  }
0x19b: {  	[tilespmem:s1+$0x0] =	vst v9;
	v6 =	vadd.s32 s26, v6  }
0x19c: {  	v8 =	vld.idx.msk [tilespmem:v8+s24+$0x0], $0xffff;
	v6 =	vshll.u32 v6, $0x4  }
0x19d: {  	v6 =	vbroadcast v6, $0x0;
	_ =	sdelay $0x1  }
0x19e: {  	v57 =	vor.u32 v2, v6  }
0x19f: {  	v7 =	vnsel vm0, $0x0, v7  }
0x1a0: {  	v7 =	vmul.f32 v8, v7;
	_ =	sdelay $0x1  }
0x1a1: {  	[tilespmem:s1+$0x10] =	vst v7  }
0x1a2: {  	p4 =	slt.u32 s19, $0xD;
	s19 =	simm.f32 $1.000000000e+00;
	v7 =	vld.idx.msk [tilespmem:v57+s24+$0x0], $0xffff  }
0x1a3: {  	s19 =	simm.s32 @!p4 $0x0  }
0x1a4: {  	s19 =	simm.s32 @!p3 $0x0  }
0x1a5: {  	v58 =	vmov s19;
	v59 =	vor.u32 v4, v6  }
0x1a6: {  	v60 =	vnsel vm3, $0x0, v58  }
0x1a7: {  	v7 =	vmul.f32 v7, v60  }
0x1a8: {  	s31 =	sadd.s32 $0x40, s1  }
0x1a9: {  	[tilespmem:s31+$0xFFFFFFE0] =	vst v7  }
0x1aa: {  	v7 =	vld.idx.msk [tilespmem:v59+s24+$0x0], $0xffff;
	_ =	sdelay $0x2  }
0x1ab: {  	v61 =	vor.u32 v5, v6  }
0x1ac: {  	v62 =	vnsel vm2, $0x0, v58  }
0x1ad: {  	v7 =	vmul.f32 v7, v62;
	_ =	sdelay $0x1  }
0x1ae: {  	[tilespmem:s31+$0xFFFFFFF0] =	vst v7  }
0x1af: {  	v7 =	vld.idx.msk [tilespmem:v61+s24+$0x0], $0xffff;
	_ =	sdelay $0x2  }
0x1b0: {  	v6 =	vor.u32 v3, v6  }
0x1b1: {  	v63 =	vnsel vm1, $0x0, v58  }
0x1b2: {  	v7 =	vmul.f32 v7, v63;
	_ =	sdelay $0x1  }
0x1b3: {  	[tilespmem:s31+$0x0] =	vst v7  }
0x1b4: {  	v6 =	vld.idx.msk [tilespmem:v6+s24+$0x0], $0xffff  }
0x1b5: {  	s16 =	sadd.s32 $0x1, s16  }
0x1b6: {  	p3 =	sne.s32 s16, $0xD  }
.Ltmp3:
0x1b7: {  	_ = 	snop;
	(pc) =	sbr.rel @p3 .LBB2_2-.Ltmp3, $3  }
0x1b8: {  	v7 =	vnsel vm0, $0x0, v58  }
0x1b9: {  	v6 =	vmul.f32 v6, v7;
	_ =	sdelay $0x1  }
0x1ba: {  	s12 =	sadd.s32 $0x1000, s12;
	[tilespmem:s31+$0x10] =	vst v6  }
0x1bb: {  	s1 =	sadd.s32 $0x0, s30  }
0x1bc: {  	p4 =	sgt.s32 s1, $0x0  }
0x1bd: {  	p3 =	slt.u32 s1, $0xD;
	s1 =	simm.s32 @!p4 $0x0  }
0x1be: {  	s1 =	smin.u32 s1, $0xC  }
0x1bf: {  	v6 =	vmov s1  }
0x1c0: {  	s26 =	sadd.s32 $0x3F, s29;
	v6 =	vshll.u32 v6, $0x4  }
0x1c1: {  	s2 =	sand.u32 $0x3F, s26;
	v6 =	vbroadcast v6, $0x0  }
0x1c2: {  	s12 =	sshra.s32 s26, $0x1F;
	p6 =	slt.s32 s26, $0x1;
	p5 =	sne.s32 s2, $0x0  }
0x1c3: {  	s12 =	sshrl.u32 s12, $0x1A;
	p4 =	por !p6, !p5;
	v7 =	vor.u32 v2, v6  }
0x1c4: {  	s2 =	simm.s32 $0x1;
	s1 =	sadd.s32 s12, s26;
	p4 =	por !p4, !p4  }
0x1c5: {  	s1 =	sshra.s32 s1, $0x6;
	s2 =	simm.s32 @!p4 $0x0  }
0x1c6: {  	s1 =	ssub.s32 s1, s2  }
0x1c7: {  	s12 =	simm.f32 $1.000000000e+00;
	p4 =	sgt.s32 s1, $0x0;
	s1 =	simm.f32 $1.000000000e+00  }
0x1c8: {  	s12 =	simm.s32 @!p4 $0x0;
	s1 =	simm.s32 @!p3 $0x0;
	v7 =	vld.idx.msk [tilespmem:v7+s6+$0x0], $0xffff  }
0x1c9: {  	s16 =	smul.f32 s12, s1;
	_ =	sdelay $0x1  }
0x1ca: {  	v9 =	vor.u32 v4, v6;
	v8 =	vmov s16  }
0x1cb: {  	s31 =	sshll.u32 s7, $0x8;
	v10 =	vnsel vm3, $0x0, v8  }
0x1cc: {  	s29 =	sshrl.u32 s31, $0x2;
	v7 =	vmul.f32 v7, v10  }
0x1cd: {  	s26 =	sadd.s32 $0x6220, s29  }
0x1ce: {  	[tilespmem:s26+$0xFFFFEFE0] =	vst v7  }
0x1cf: {  	v7 =	vld.idx.msk [tilespmem:v9+s6+$0x0], $0xffff;
	_ =	sdelay $0x2  }
0x1d0: {  	v9 =	vor.u32 v5, v6  }
0x1d1: {  	v10 =	vnsel vm2, $0x0, v8  }
0x1d2: {  	v7 =	vmul.f32 v7, v10;
	_ =	sdelay $0x1  }
0x1d3: {  	[tilespmem:s26+$0xFFFFEFF0] =	vst v7  }
0x1d4: {  	v7 =	vld.idx.msk [tilespmem:v9+s6+$0x0], $0xffff;
	_ =	sdelay $0x2  }
0x1d5: {  	v9 =	vor.u32 v3, v6  }
0x1d6: {  	v10 =	vnsel vm1, $0x0, v8  }
0x1d7: {  	v7 =	vmul.f32 v7, v10;
	_ =	sdelay $0x1  }
0x1d8: {  	[tilespmem:s26+$0xFFFFF000] =	vst v7  }
0x1d9: {  	v7 =	vld.idx.msk [tilespmem:v9+s6+$0x0], $0xffff;
	_ =	sdelay $0x1  }
0x1da: {  	v9 =	vadd.s32 $0xD0, v6  }
0x1db: {  	v10 =	vor.u32 v2, v9  }
0x1dc: {  	v8 =	vnsel vm0, $0x0, v8  }
0x1dd: {  	v7 =	vmul.f32 v7, v8;
	_ =	sdelay $0x1  }
0x1de: {  	p3 =	sgt.s32 s23, $0x0;
	s16 =	simm.f32 $1.000000000e+00;
	[tilespmem:s26+$0xFFFFF010] =	vst v7  }
0x1df: {  	s16 =	simm.s32 @!p3 $0x0;
	v7 =	vld.idx.msk [tilespmem:v10+s6+$0x0], $0xffff  }
0x1e0: {  	s19 =	smul.f32 s16, s1;
	_ =	sdelay $0x1  }
0x1e1: {  	v8 =	vmov s19;
	v10 =	vor.u32 v4, v9  }
0x1e2: {  	v11 =	vnsel vm3, $0x0, v8  }
0x1e3: {  	v7 =	vmul.f32 v7, v11;
	_ =	sdelay $0x1  }
0x1e4: {  	[tilespmem:s26+$0xFFFFFFE0] =	vst v7  }
0x1e5: {  	v7 =	vld.idx.msk [tilespmem:v10+s6+$0x0], $0xffff;
	_ =	sdelay $0x2  }
0x1e6: {  	v10 =	vor.u32 v5, v9  }
0x1e7: {  	v11 =	vnsel vm2, $0x0, v8  }
0x1e8: {  	v7 =	vmul.f32 v7, v11;
	_ =	sdelay $0x1  }
0x1e9: {  	[tilespmem:s26+$0xFFFFFFF0] =	vst v7  }
0x1ea: {  	v7 =	vld.idx.msk [tilespmem:v10+s6+$0x0], $0xffff;
	_ =	sdelay $0x2  }
0x1eb: {  	v9 =	vor.u32 v3, v9  }
0x1ec: {  	v10 =	vnsel vm1, $0x0, v8  }
0x1ed: {  	v7 =	vmul.f32 v7, v10;
	_ =	sdelay $0x1  }
0x1ee: {  	[tilespmem:s26+$0x0] =	vst v7  }
0x1ef: {  	v7 =	vld.idx.msk [tilespmem:v9+s6+$0x0], $0xffff;
	_ =	sdelay $0x1  }
0x1f0: {  	v9 =	vadd.s32 $0x1A0, v6  }
0x1f1: {  	v6 =	vor.u32 v2, v9  }
0x1f2: {  	v8 =	vnsel vm0, $0x0, v8  }
0x1f3: {  	v7 =	vmul.f32 v7, v8;
	_ =	sdelay $0x1  }
0x1f4: {  	s7 =	simm.f32 $1.000000000e+00;
	p3 =	sgt.s32 s17, $0x0;
	[tilespmem:s26+$0x10] =	vst v7  }
0x1f5: {  	s7 =	simm.s32 @!p3 $0x0;
	v7 =	vld.idx.msk [tilespmem:v6+s6+$0x0], $0xffff  }
0x1f6: {  	s1 =	smul.f32 s7, s1;
	_ =	sdelay $0x1  }
0x1f7: {  	v8 =	vor.u32 v4, v9;
	v6 =	vmov s1  }
0x1f8: {  	v10 =	vnsel vm3, $0x0, v6  }
0x1f9: {  	v7 =	vmul.f32 v7, v10;
	_ =	sdelay $0x1  }
0x1fa: {  	[tilespmem:s26+$0xFE0] =	vst v7  }
0x1fb: {  	v7 =	vld.idx.msk [tilespmem:v8+s6+$0x0], $0xffff;
	_ =	sdelay $0x2  }
0x1fc: {  	v8 =	vor.u32 v5, v9  }
0x1fd: {  	v10 =	vnsel vm2, $0x0, v6  }
0x1fe: {  	v7 =	vmul.f32 v7, v10;
	_ =	sdelay $0x1  }
0x1ff: {  	[tilespmem:s26+$0xFF0] =	vst v7  }
0x200: {  	v8 =	vld.idx.msk [tilespmem:v8+s6+$0x0], $0xffff;
	_ =	sdelay $0x2  }
0x201: {  	v7 =	vor.u32 v3, v9  }
0x202: {  	s2 =	simm.s32 $0x2;
	s1 =	sadd.s32 $0x1, s30;
	v9 =	vnsel vm1, $0x0, v6  }
.LBB2_6:
0x203: {  	p3 =	sne.s32 s2, $0xC;
	p4 =	sgt.s32 s1, $0x0;
	v8 =	vmul.f32 v8, v9;
	s19 =	smov.u32 s1  }
0x204: {  	s19 =	simm.s32 @!p4 $0x0  }
0x205: {  	s19 =	smin.u32 s19, $0xC;
	[tilespmem:s26+$0x1000] =	vst v8  }
0x206: {  	v8 =	vmov s19;
	v7 =	vld.idx.msk [tilespmem:v7+s6+$0x0], $0xffff  }
0x207: {  	v8 =	vshll.u32 v8, $0x4  }
0x208: {  	v8 =	vbroadcast v8, $0x0;
	_ =	sdelay $0x1  }
0x209: {  	v9 =	vor.u32 v2, v8  }
0x20a: {  	v6 =	vnsel vm0, $0x0, v6  }
0x20b: {  	v6 =	vmul.f32 v7, v6;
	_ =	sdelay $0x1  }
0x20c: {  	[tilespmem:s26+$0x1010] =	vst v6  }
0x20d: {  	p4 =	slt.u32 s1, $0xD;
	s1 =	simm.f32 $1.000000000e+00;
	v6 =	vld.idx.msk [tilespmem:v9+s6+$0x0], $0xffff  }
0x20e: {  	s1 =	simm.s32 @!p4 $0x0  }
0x20f: {  	s19 =	smul.f32 s12, s1;
	_ =	sdelay $0x1  }
0x210: {  	v7 =	vmov s19;
	v9 =	vor.u32 v4, v8  }
0x211: {  	v10 =	vnsel vm3, $0x0, v7  }
0x212: {  	v6 =	vmul.f32 v6, v10  }
0x213: {  	s26 =	sadd.s32 $0x40, s26  }
0x214: {  	[tilespmem:s26+$0xFFFFEFE0] =	vst v6  }
0x215: {  	v6 =	vld.idx.msk [tilespmem:v9+s6+$0x0], $0xffff;
	_ =	sdelay $0x3  }
0x216: {  	v9 =	vor.u32 v5, v8  }
0x217: {  	v10 =	vnsel vm2, $0x0, v7  }
0x218: {  	v6 =	vmul.f32 v6, v10;
	_ =	sdelay $0x1  }
0x219: {  	[tilespmem:s26+$0xFFFFEFF0] =	vst v6  }
0x21a: {  	v6 =	vld.idx.msk [tilespmem:v9+s6+$0x0], $0xffff;
	_ =	sdelay $0x3  }
0x21b: {  	v9 =	vor.u32 v3, v8  }
0x21c: {  	v10 =	vnsel vm1, $0x0, v7  }
0x21d: {  	v6 =	vmul.f32 v6, v10;
	_ =	sdelay $0x1  }
0x21e: {  	[tilespmem:s26+$0xFFFFF000] =	vst v6  }
0x21f: {  	v6 =	vld.idx.msk [tilespmem:v9+s6+$0x0], $0xffff;
	_ =	sdelay $0x2  }
0x220: {  	v9 =	vadd.s32 $0xD0, v8  }
0x221: {  	v10 =	vor.u32 v2, v9  }
0x222: {  	v7 =	vnsel vm0, $0x0, v7  }
0x223: {  	v6 =	vmul.f32 v6, v7;
	_ =	sdelay $0x1  }
0x224: {  	[tilespmem:s26+$0xFFFFF010] =	vst v6  }
0x225: {  	v6 =	vld.idx.msk [tilespmem:v10+s6+$0x0], $0xffff;
	_ =	sdelay $0x1  }
0x226: {  	s19 =	smul.f32 s16, s1;
	_ =	sdelay $0x1  }
0x227: {  	v7 =	vmov s19;
	v10 =	vor.u32 v4, v9  }
0x228: {  	v11 =	vnsel vm3, $0x0, v7  }
0x229: {  	v6 =	vmul.f32 v6, v11;
	_ =	sdelay $0x1  }
0x22a: {  	[tilespmem:s26+$0xFFFFFFE0] =	vst v6  }
0x22b: {  	v6 =	vld.idx.msk [tilespmem:v10+s6+$0x0], $0xffff;
	_ =	sdelay $0x3  }
0x22c: {  	v10 =	vor.u32 v5, v9  }
0x22d: {  	v11 =	vnsel vm2, $0x0, v7  }
0x22e: {  	v6 =	vmul.f32 v6, v11;
	_ =	sdelay $0x1  }
0x22f: {  	[tilespmem:s26+$0xFFFFFFF0] =	vst v6  }
0x230: {  	v6 =	vld.idx.msk [tilespmem:v10+s6+$0x0], $0xffff;
	_ =	sdelay $0x3  }
0x231: {  	v9 =	vor.u32 v3, v9  }
0x232: {  	v10 =	vnsel vm1, $0x0, v7  }
0x233: {  	v6 =	vmul.f32 v6, v10;
	_ =	sdelay $0x1  }
0x234: {  	[tilespmem:s26+$0x0] =	vst v6  }
0x235: {  	v6 =	vld.idx.msk [tilespmem:v9+s6+$0x0], $0xffff;
	_ =	sdelay $0x2  }
0x236: {  	v9 =	vadd.s32 $0x1A0, v8  }
0x237: {  	v8 =	vor.u32 v2, v9  }
0x238: {  	v7 =	vnsel vm0, $0x0, v7  }
0x239: {  	v6 =	vmul.f32 v6, v7;
	_ =	sdelay $0x1  }
0x23a: {  	[tilespmem:s26+$0x10] =	vst v6  }
0x23b: {  	v7 =	vld.idx.msk [tilespmem:v8+s6+$0x0], $0xffff;
	_ =	sdelay $0x1  }
0x23c: {  	s1 =	smul.f32 s7, s1;
	_ =	sdelay $0x1  }
0x23d: {  	v6 =	vmov s1;
	v8 =	vor.u32 v4, v9  }
0x23e: {  	v10 =	vnsel vm3, $0x0, v6  }
0x23f: {  	v7 =	vmul.f32 v7, v10;
	_ =	sdelay $0x1  }
0x240: {  	[tilespmem:s26+$0xFE0] =	vst v7  }
0x241: {  	v7 =	vld.idx.msk [tilespmem:v8+s6+$0x0], $0xffff;
	_ =	sdelay $0x3  }
0x242: {  	v8 =	vor.u32 v5, v9  }
0x243: {  	v10 =	vnsel vm2, $0x0, v6  }
0x244: {  	v7 =	vmul.f32 v7, v10;
	_ =	sdelay $0x1  }
0x245: {  	[tilespmem:s26+$0xFF0] =	vst v7  }
0x246: {  	v8 =	vld.idx.msk [tilespmem:v8+s6+$0x0], $0xffff  }
.Ltmp4:
0x247: {  	(pc) =	sbr.rel @p3 .LBB2_6-.Ltmp4, $3  }
0x248: {  	_ =	sdelay $0x1  }
0x249: {  	v7 =	vor.u32 v3, v9  }
0x24a: {  	s1 =	sadd.s32 s2, s30;
	s2 =	sadd.s32 $0x1, s2;
	v9 =	vnsel vm1, $0x0, v6  }
0x24b: {  	p4 =	sgt.s32 s1, $0x0  }
0x24c: {  	p3 =	slt.u32 s1, $0xD;
	v8 =	vmul.f32 v8, v9;
	s1 =	simm.s32 @!p4 $0x0  }
0x24d: {  	s1 =	smin.u32 s1, $0xC  }
0x24e: {  	[tilespmem:s26+$0x1000] =	vst v8;
	v43 =	vmov s1  }
0x24f: {  	v7 =	vld.idx.msk [tilespmem:v7+s6+$0x0], $0xffff;
	v8 =	vshll.u32 v43, $0x4  }
0x250: {  	v8 =	vbroadcast v8, $0x0;
	_ =	sdelay $0x1  }
0x251: {  	v44 =	vor.u32 v2, v8  }
0x252: {  	v6 =	vnsel vm0, $0x0, v6  }
0x253: {  	v6 =	vmul.f32 v7, v6;
	_ =	sdelay $0x1  }
0x254: {  	s2 =	simm.f32 $1.000000000e+00;
	[tilespmem:s26+$0x1010] =	vst v6  }
0x255: {  	s2 =	simm.s32 @!p3 $0x0;
	v6 =	vld.idx.msk [tilespmem:v44+s6+$0x0], $0xffff  }
0x256: {  	s19 =	smul.f32 s12, s2;
	_ =	sdelay $0x1  }
0x257: {  	v45 =	vmov s19;
	v46 =	vor.u32 v4, v8  }
0x258: {  	v10 =	vnsel vm3, $0x0, v45  }
0x259: {  	v6 =	vmul.f32 v6, v10  }
0x25a: {  	s30 =	sadd.s32 $0x40, s26  }
0x25b: {  	[tilespmem:s30+$0xFFFFEFE0] =	vst v6  }
0x25c: {  	v6 =	vld.idx.msk [tilespmem:v46+s6+$0x0], $0xffff;
	_ =	sdelay $0x2  }
0x25d: {  	v47 =	vor.u32 v5, v8  }
0x25e: {  	v48 =	vnsel vm2, $0x0, v45  }
0x25f: {  	v6 =	vmul.f32 v6, v48;
	_ =	sdelay $0x1  }
0x260: {  	[tilespmem:s30+$0xFFFFEFF0] =	vst v6  }
0x261: {  	v6 =	vld.idx.msk [tilespmem:v47+s6+$0x0], $0xffff;
	_ =	sdelay $0x2  }
0x262: {  	v49 =	vor.u32 v3, v8  }
0x263: {  	v50 =	vnsel vm1, $0x0, v45  }
0x264: {  	v6 =	vmul.f32 v6, v50;
	_ =	sdelay $0x1  }
0x265: {  	[tilespmem:s30+$0xFFFFF000] =	vst v6  }
0x266: {  	v6 =	vld.idx.msk [tilespmem:v49+s6+$0x0], $0xffff;
	_ =	sdelay $0x1  }
0x267: {  	v51 =	vadd.s32 $0xD0, v8  }
0x268: {  	v52 =	vor.u32 v2, v51  }
0x269: {  	v7 =	vnsel vm0, $0x0, v45  }
0x26a: {  	v6 =	vmul.f32 v6, v7;
	_ =	sdelay $0x1  }
0x26b: {  	[tilespmem:s30+$0xFFFFF010] =	vst v6  }
0x26c: {  	v6 =	vld.idx.msk [tilespmem:v52+s6+$0x0], $0xffff  }
0x26d: {  	s19 =	smul.f32 s16, s2;
	_ =	sdelay $0x1  }
0x26e: {  	v53 =	vmov s19;
	v54 =	vor.u32 v4, v51  }
0x26f: {  	v11 =	vnsel vm3, $0x0, v53  }
0x270: {  	v6 =	vmul.f32 v6, v11;
	_ =	sdelay $0x1  }
0x271: {  	[tilespmem:s30+$0xFFFFFFE0] =	vst v6  }
0x272: {  	v6 =	vld.idx.msk [tilespmem:v54+s6+$0x0], $0xffff;
	_ =	sdelay $0x2  }
0x273: {  	v55 =	vor.u32 v5, v51  }
0x274: {  	v56 =	vnsel vm2, $0x0, v53  }
0x275: {  	v6 =	vmul.f32 v6, v56;
	_ =	sdelay $0x1  }
0x276: {  	[tilespmem:s30+$0xFFFFFFF0] =	vst v6  }
0x277: {  	v6 =	vld.idx.msk [tilespmem:v55+s6+$0x0], $0xffff;
	_ =	sdelay $0x2  }
0x278: {  	v9 =	vor.u32 v3, v51  }
0x279: {  	v57 =	vnsel vm1, $0x0, v53  }
0x27a: {  	v6 =	vmul.f32 v6, v57;
	_ =	sdelay $0x1  }
0x27b: {  	[tilespmem:s30+$0x0] =	vst v6  }
0x27c: {  	v6 =	vld.idx.msk [tilespmem:v9+s6+$0x0], $0xffff;
	_ =	sdelay $0x1  }
0x27d: {  	v8 =	vadd.s32 $0x1A0, v8  }
0x27e: {  	v2 =	vor.u32 v2, v8  }
0x27f: {  	v7 =	vnsel vm0, $0x0, v53  }
0x280: {  	v6 =	vmul.f32 v6, v7;
	_ =	sdelay $0x1  }
0x281: {  	[tilespmem:s30+$0x10] =	vst v6  }
0x282: {  	v2 =	vld.idx.msk [tilespmem:v2+s6+$0x0], $0xffff  }
0x283: {  	s2 =	smul.f32 s7, s2;
	_ =	sdelay $0x1  }
0x284: {  	v58 =	vmov s2;
	v59 =	vor.u32 v4, v8  }
0x285: {  	v60 =	vnsel vm3, $0x0, v58  }
0x286: {  	v2 =	vmul.f32 v2, v60;
	_ =	sdelay $0x1  }
0x287: {  	[tilespmem:s30+$0xFE0] =	vst v2  }
0x288: {  	v2 =	vld.idx.msk [tilespmem:v59+s6+$0x0], $0xffff;
	_ =	sdelay $0x2  }
0x289: {  	v61 =	vor.u32 v5, v8  }
0x28a: {  	v62 =	vnsel vm2, $0x0, v58  }
0x28b: {  	v2 =	vmul.f32 v2, v62;
	_ =	sdelay $0x1  }
0x28c: {  	[tilespmem:s30+$0xFF0] =	vst v2  }
0x28d: {  	v2 =	vld.idx.msk [tilespmem:v61+s6+$0x0], $0xffff;
	_ =	sdelay $0x2  }
0x28e: {  	v3 =	vor.u32 v3, v8  }
0x28f: {  	v63 =	vnsel vm1, $0x0, v58  }
0x290: {  	v2 =	vmul.f32 v2, v63;
	_ =	sdelay $0x1  }
0x291: {  	[tilespmem:s30+$0x1000] =	vst v2  }
0x292: {  	v2 =	vld.idx.msk [tilespmem:v3+s6+$0x0], $0xffff;
	_ =	sdelay $0x1  }
0x293: {  	p3 =	sgt.s32 s17, $0x1  }
0x294: {  	s17 =	simm.s32 @!p3 $0x1  }
0x295: {  	s12 =	simm.s32 $0x8200;
	s16 =	rddreg [dreg:$0x14];
	s26 =	sadd.s32 s10, s28;
	v3 =	vnsel vm0, $0x0, v58  }
0x296: {  	p3 =	sgt.s32 s23, $0x1;
	s1 =	sadd.s32 s17, s16;
	s2 =	sshll.u32 s26, $0x9;
	v2 =	vmul.f32 v2, v3  }
0x297: {  	s23 =	simm.s32 @!p3 $0x1;
	s1 =	sshll.u32 s1, $0x9;
	s2 =	sand.u32 $0x1FFFF800, s2  }
0x298: {  	s1 =	sand.u32 $0x1FFFFE00, s1;
	s28 =	sadd.s32 s9, s2;
	[tilespmem:s30+$0x1010] =	vst v2;
	s30 =	simm.s32 $0x0  }
0x299: {  	[hbm4b:s28+s30] =	stream.linear.scatter [tilespmem:s12], [sflag:$0x2], $0x14000, $0x38;
	[tilespmem:$0x1C200] =	vst v63  }
0x29a: {  	s17 =	simm.s32 $0x7200;
	s19 =	rddreg [dreg:$0x15];
	s1 =	sadd.s32 s4, s1  }
0x29b: {  	[hbm4b:s1+s30] =	stream.linear.scatter [tilespmem:s17], [sflag:$0x2], $0x1000, $0x38;
	[tilespmem:$0x1C200] =	vst v63  }
0x29c: {  	s1 =	sadd.s32 s23, s19  }
0x29d: {  	s1 =	sshll.u32 s1, $0x9  }
0x29e: {  	s1 =	sand.u32 $0x1FFFFE00, s1  }
0x29f: {  	s23 =	simm.s32 $0x6200;
	s1 =	sadd.s32 s3, s1  }
0x2a0: {  	[hbm4b:s1+s30] =	stream.linear.scatter [tilespmem:s23], [sflag:$0x2], $0x1000, $0x38;
	[tilespmem:$0x1C200] =	vst v63  }
0x2a1: {  	s26 =	rddreg [dreg:$0x9];
	s28 =	simm.s32 $0x5200  }
0x2a2: {  	[hbm4b:s26+s30] =	stream.linear.scatter [tilespmem:s28], [sflag:$0x2], $0x1000, $0x38;
	[tilespmem:$0x1C200] =	vst v63  }
0x2a3: {  	_ =	swait.ge [sflag:s21], $0x14000  }
0x2a4: {  	[sflag:s21] =	ssyncset.done $0x0  }
0x2a5: {  	s30 =	sshll.u32 s13, $0xE;
	[sflag:s21] =	ssyncadd.s32 $0xFFFEC000  }
0x2a6: {  	s1 =	sor.u32 s31, s30;
	s31 =	sshll.u32 s25, $0x10;
	_ =	swait.ge [sflag:s21], $0x1000  }
0x2a7: {  	s1 =	ssub.s32 s1, s31;
	[sflag:s21] =	ssyncset.done $0x0  }
0x2a8: {  	s1 =	sshra.s32 s1, $0x2;
	[sflag:s21] =	ssyncadd.s32 $0xFFFFF000  }
0x2a9: {  	s1 =	sadd.s32 $0x8200, s1;
	_ =	swait.ge [sflag:s21], $0x1000  }
0x2aa: {  	v2 =	vmov s1;
	[sflag:s21] =	ssyncset.done $0x0  }
0x2ab: {  	[sflag:s21] =	ssyncadd.s32 $0xFFFFF000  }
0x2ac: {  	_ =	swait.ge [sflag:s21], $0x1000  }
0x2ad: {  	[sflag:s21] =	ssyncset.done $0x0  }
0x2ae: {  	s2 =	simm.s32 $0x0;
	[sflag:s21] =	ssyncadd.s32 $0xFFFFF000  }
0x2af: {  	[tilespmem:v2+s2+$0x0 ss:$0x1] =	vst.idx.msk $0xffff, v1  }
0x2b0: {  	[tilespmem:v2+s2+$0x10 ss:$0x1] =	vst.idx.msk $0xffff, v1  }
0x2b1: {  	[tilespmem:v2+s2+$0x20 ss:$0x1] =	vst.idx.msk $0xffff, v1  }
0x2b2: {  	s1 =	simm.s32 $0x4000;
	[tilespmem:v2+s2+$0x30 ss:$0x1] =	vst.idx.msk $0xffff, v1  }
.LBB2_8:
0x2b3: {  	s7 =	sshra.s32 s1, $0x2;
	p3 =	sne.s32 s1, $0x30000;
	[tilespmem:v2+s2+$0x40 ss:$0x1] =	vst.idx.msk $0xffff, v1  }
0x2b4: {  	[tilespmem:v2+s7+$0x0 ss:$0x1] =	vst.idx.msk $0xffff, v1  }
0x2b5: {  	[tilespmem:v2+s2+$0x50 ss:$0x1] =	vst.idx.msk $0xffff, v1  }
0x2b6: {  	[tilespmem:v2+s2+$0x60 ss:$0x1] =	vst.idx.msk $0xffff, v1  }
0x2b7: {  	[tilespmem:v2+s2+$0x70 ss:$0x1] =	vst.idx.msk $0xffff, v1  }
0x2b8: {  	[tilespmem:v2+s2+$0x80 ss:$0x1] =	vst.idx.msk $0xffff, v1  }
0x2b9: {  	[tilespmem:v2+s2+$0x90 ss:$0x1] =	vst.idx.msk $0xffff, v1  }
0x2ba: {  	[tilespmem:v2+s2+$0xA0 ss:$0x1] =	vst.idx.msk $0xffff, v1  }
0x2bb: {  	[tilespmem:v2+s2+$0xB0 ss:$0x1] =	vst.idx.msk $0xffff, v1  }
0x2bc: {  	[tilespmem:v2+s2+$0xC0 ss:$0x1] =	vst.idx.msk $0xffff, v1  }
0x2bd: {  	[tilespmem:v2+s2+$0xD0 ss:$0x1] =	vst.idx.msk $0xffff, v1  }
0x2be: {  	[tilespmem:v2+s2+$0xE0 ss:$0x1] =	vst.idx.msk $0xffff, v1  }
0x2bf: {  	[tilespmem:v2+s2+$0xF0 ss:$0x1] =	vst.idx.msk $0xffff, v1  }
0x2c0: {  	[tilespmem:v2+s2+$0x100 ss:$0x1] =	vst.idx.msk $0xffff, v1  }
0x2c1: {  	[tilespmem:v2+s2+$0x110 ss:$0x1] =	vst.idx.msk $0xffff, v1  }
0x2c2: {  	[tilespmem:v2+s2+$0x120 ss:$0x1] =	vst.idx.msk $0xffff, v1  }
0x2c3: {  	[tilespmem:v2+s2+$0x130 ss:$0x1] =	vst.idx.msk $0xffff, v1  }
0x2c4: {  	[tilespmem:v2+s2+$0x140 ss:$0x1] =	vst.idx.msk $0xffff, v1  }
0x2c5: {  	[tilespmem:v2+s2+$0x150 ss:$0x1] =	vst.idx.msk $0xffff, v1  }
0x2c6: {  	[tilespmem:v2+s2+$0x160 ss:$0x1] =	vst.idx.msk $0xffff, v1  }
0x2c7: {  	[tilespmem:v2+s2+$0x170 ss:$0x1] =	vst.idx.msk $0xffff, v1  }
0x2c8: {  	[tilespmem:v2+s2+$0x180 ss:$0x1] =	vst.idx.msk $0xffff, v1  }
0x2c9: {  	[tilespmem:v2+s2+$0x190 ss:$0x1] =	vst.idx.msk $0xffff, v1  }
0x2ca: {  	[tilespmem:v2+s2+$0x1A0 ss:$0x1] =	vst.idx.msk $0xffff, v1  }
0x2cb: {  	[tilespmem:v2+s2+$0x1B0 ss:$0x1] =	vst.idx.msk $0xffff, v1  }
0x2cc: {  	[tilespmem:v2+s2+$0x1C0 ss:$0x1] =	vst.idx.msk $0xffff, v1  }
0x2cd: {  	[tilespmem:v2+s2+$0x1D0 ss:$0x1] =	vst.idx.msk $0xffff, v1  }
0x2ce: {  	[tilespmem:v2+s2+$0x1E0 ss:$0x1] =	vst.idx.msk $0xffff, v1  }
0x2cf: {  	[tilespmem:v2+s2+$0x1F0 ss:$0x1] =	vst.idx.msk $0xffff, v1  }
0x2d0: {  	[tilespmem:v2+s2+$0x200 ss:$0x1] =	vst.idx.msk $0xffff, v1  }
0x2d1: {  	[tilespmem:v2+s2+$0x210 ss:$0x1] =	vst.idx.msk $0xffff, v1  }
0x2d2: {  	[tilespmem:v2+s2+$0x220 ss:$0x1] =	vst.idx.msk $0xffff, v1  }
0x2d3: {  	[tilespmem:v2+s2+$0x230 ss:$0x1] =	vst.idx.msk $0xffff, v1  }
0x2d4: {  	[tilespmem:v2+s2+$0x240 ss:$0x1] =	vst.idx.msk $0xffff, v1  }
0x2d5: {  	[tilespmem:v2+s2+$0x250 ss:$0x1] =	vst.idx.msk $0xffff, v1  }
0x2d6: {  	[tilespmem:v2+s2+$0x260 ss:$0x1] =	vst.idx.msk $0xffff, v1  }
0x2d7: {  	[tilespmem:v2+s2+$0x270 ss:$0x1] =	vst.idx.msk $0xffff, v1  }
0x2d8: {  	[tilespmem:v2+s2+$0x280 ss:$0x1] =	vst.idx.msk $0xffff, v1  }
0x2d9: {  	[tilespmem:v2+s2+$0x290 ss:$0x1] =	vst.idx.msk $0xffff, v1  }
0x2da: {  	[tilespmem:v2+s2+$0x2A0 ss:$0x1] =	vst.idx.msk $0xffff, v1  }
0x2db: {  	[tilespmem:v2+s2+$0x2B0 ss:$0x1] =	vst.idx.msk $0xffff, v1  }
0x2dc: {  	[tilespmem:v2+s2+$0x2C0 ss:$0x1] =	vst.idx.msk $0xffff, v1  }
0x2dd: {  	[tilespmem:v2+s2+$0x2D0 ss:$0x1] =	vst.idx.msk $0xffff, v1  }
0x2de: {  	[tilespmem:v2+s2+$0x2E0 ss:$0x1] =	vst.idx.msk $0xffff, v1  }
0x2df: {  	[tilespmem:v2+s2+$0x2F0 ss:$0x1] =	vst.idx.msk $0xffff, v1  }
0x2e0: {  	[tilespmem:v2+s2+$0x300 ss:$0x1] =	vst.idx.msk $0xffff, v1  }
0x2e1: {  	[tilespmem:v2+s2+$0x310 ss:$0x1] =	vst.idx.msk $0xffff, v1  }
.Ltmp5:
0x2e2: {  	[tilespmem:v2+s2+$0x320 ss:$0x1] =	vst.idx.msk $0xffff, v1;
	(pc) =	sbr.rel @p3 .LBB2_8-.Ltmp5, $4  }
0x2e3: {  	[tilespmem:v2+s2+$0x330 ss:$0x1] =	vst.idx.msk $0xffff, v1;
	s2 =	smov.u32 s7  }
0x2e4: {  	[tilespmem:v2+s2+$0x10 ss:$0x1] =	vst.idx.msk $0xffff, v1  }
0x2e5: {  	[tilespmem:v2+s2+$0x20 ss:$0x1] =	vst.idx.msk $0xffff, v1  }
0x2e6: {  	s1 =	sadd.s32 $0x4000, s1;
	[tilespmem:v2+s2+$0x30 ss:$0x1] =	vst.idx.msk $0xffff, v1  }
0x2e7: {  	_ =	sdelay $0x3  }
0x2e8: {  	[tilespmem:v2+s2+$0x40 ss:$0x1] =	vst.idx.msk $0xffff, v1  }
0x2e9: {  	[tilespmem:v2+s2+$0x50 ss:$0x1] =	vst.idx.msk $0xffff, v1  }
0x2ea: {  	[tilespmem:v2+s2+$0x60 ss:$0x1] =	vst.idx.msk $0xffff, v1  }
0x2eb: {  	[tilespmem:v2+s2+$0x70 ss:$0x1] =	vst.idx.msk $0xffff, v1  }
0x2ec: {  	[tilespmem:v2+s2+$0x80 ss:$0x1] =	vst.idx.msk $0xffff, v1  }
0x2ed: {  	[tilespmem:v2+s2+$0x90 ss:$0x1] =	vst.idx.msk $0xffff, v1  }
0x2ee: {  	[tilespmem:v2+s2+$0xA0 ss:$0x1] =	vst.idx.msk $0xffff, v1  }
0x2ef: {  	[tilespmem:v2+s2+$0xB0 ss:$0x1] =	vst.idx.msk $0xffff, v1  }
0x2f0: {  	[tilespmem:v2+s2+$0xC0 ss:$0x1] =	vst.idx.msk $0xffff, v1  }
0x2f1: {  	[tilespmem:v2+s2+$0xD0 ss:$0x1] =	vst.idx.msk $0xffff, v1  }
0x2f2: {  	[tilespmem:v2+s2+$0xE0 ss:$0x1] =	vst.idx.msk $0xffff, v1  }
0x2f3: {  	[tilespmem:v2+s2+$0xF0 ss:$0x1] =	vst.idx.msk $0xffff, v1  }
0x2f4: {  	[tilespmem:v2+s2+$0x100 ss:$0x1] =	vst.idx.msk $0xffff, v1  }
0x2f5: {  	[tilespmem:v2+s2+$0x110 ss:$0x1] =	vst.idx.msk $0xffff, v1  }
0x2f6: {  	[tilespmem:v2+s2+$0x120 ss:$0x1] =	vst.idx.msk $0xffff, v1  }
0x2f7: {  	[tilespmem:v2+s2+$0x130 ss:$0x1] =	vst.idx.msk $0xffff, v1  }
0x2f8: {  	[tilespmem:v2+s2+$0x140 ss:$0x1] =	vst.idx.msk $0xffff, v1  }
0x2f9: {  	[tilespmem:v2+s2+$0x150 ss:$0x1] =	vst.idx.msk $0xffff, v1  }
0x2fa: {  	[tilespmem:v2+s2+$0x160 ss:$0x1] =	vst.idx.msk $0xffff, v1  }
0x2fb: {  	[tilespmem:v2+s2+$0x170 ss:$0x1] =	vst.idx.msk $0xffff, v1  }
0x2fc: {  	[tilespmem:v2+s2+$0x180 ss:$0x1] =	vst.idx.msk $0xffff, v1  }
0x2fd: {  	[tilespmem:v2+s2+$0x190 ss:$0x1] =	vst.idx.msk $0xffff, v1  }
0x2fe: {  	[tilespmem:v2+s2+$0x1A0 ss:$0x1] =	vst.idx.msk $0xffff, v1  }
0x2ff: {  	[tilespmem:v2+s2+$0x1B0 ss:$0x1] =	vst.idx.msk $0xffff, v1  }
0x300: {  	[tilespmem:v2+s2+$0x1C0 ss:$0x1] =	vst.idx.msk $0xffff, v1  }
0x301: {  	[tilespmem:v2+s2+$0x1D0 ss:$0x1] =	vst.idx.msk $0xffff, v1  }
0x302: {  	[tilespmem:v2+s2+$0x1E0 ss:$0x1] =	vst.idx.msk $0xffff, v1  }
0x303: {  	[tilespmem:v2+s2+$0x1F0 ss:$0x1] =	vst.idx.msk $0xffff, v1  }
0x304: {  	[tilespmem:v2+s2+$0x200 ss:$0x1] =	vst.idx.msk $0xffff, v1  }
0x305: {  	[tilespmem:v2+s2+$0x210 ss:$0x1] =	vst.idx.msk $0xffff, v1  }
0x306: {  	[tilespmem:v2+s2+$0x220 ss:$0x1] =	vst.idx.msk $0xffff, v1  }
0x307: {  	[tilespmem:v2+s2+$0x230 ss:$0x1] =	vst.idx.msk $0xffff, v1  }
0x308: {  	[tilespmem:v2+s2+$0x240 ss:$0x1] =	vst.idx.msk $0xffff, v1  }
0x309: {  	[tilespmem:v2+s2+$0x250 ss:$0x1] =	vst.idx.msk $0xffff, v1  }
0x30a: {  	[tilespmem:v2+s2+$0x260 ss:$0x1] =	vst.idx.msk $0xffff, v1  }
0x30b: {  	[tilespmem:v2+s2+$0x270 ss:$0x1] =	vst.idx.msk $0xffff, v1  }
0x30c: {  	[tilespmem:v2+s2+$0x280 ss:$0x1] =	vst.idx.msk $0xffff, v1  }
0x30d: {  	[tilespmem:v2+s2+$0x290 ss:$0x1] =	vst.idx.msk $0xffff, v1  }
0x30e: {  	[tilespmem:v2+s2+$0x2A0 ss:$0x1] =	vst.idx.msk $0xffff, v1  }
0x30f: {  	[tilespmem:v2+s2+$0x2B0 ss:$0x1] =	vst.idx.msk $0xffff, v1  }
0x310: {  	[tilespmem:v2+s2+$0x2C0 ss:$0x1] =	vst.idx.msk $0xffff, v1  }
0x311: {  	[tilespmem:v2+s2+$0x2D0 ss:$0x1] =	vst.idx.msk $0xffff, v1  }
0x312: {  	s1 =	sadd.s32 $0x7230, s29;
	[tilespmem:v2+s2+$0x2E0 ss:$0x1] =	vst.idx.msk $0xffff, v1  }
0x313: {  	v3 =	vmov s1;
	[tilespmem:v2+s2+$0x2F0 ss:$0x1] =	vst.idx.msk $0xffff, v1  }
0x314: {  	[tilespmem:v2+s2+$0x300 ss:$0x1] =	vst.idx.msk $0xffff, v1  }
0x315: {  	[tilespmem:v2+s2+$0x310 ss:$0x1] =	vst.idx.msk $0xffff, v1  }
0x316: {  	[tilespmem:v2+s2+$0x320 ss:$0x1] =	vst.idx.msk $0xffff, v1  }
0x317: {  	s1 =	simm.s32 $0x0;
	[tilespmem:v2+s2+$0x330 ss:$0x1] =	vst.idx.msk $0xffff, v1  }
0x318: {  	[tilespmem:v3+s1+$0xFFFFDFD0 ss:$0x1] =	vst.idx.msk $0xffff, v1  }
0x319: {  	[tilespmem:v3+s1+$0xFFFFDFE0 ss:$0x1] =	vst.idx.msk $0xffff, v1  }
0x31a: {  	[tilespmem:v3+s1+$0xFFFFDFF0 ss:$0x1] =	vst.idx.msk $0xffff, v1  }
0x31b: {  	[tilespmem:v3+s1+$0xFFFFE000 ss:$0x1] =	vst.idx.msk $0xffff, v1  }
0x31c: {  	[tilespmem:v3+s1+$0xFFFFEFD0 ss:$0x1] =	vst.idx.msk $0xffff, v1  }
0x31d: {  	[tilespmem:v3+s1+$0xFFFFEFE0 ss:$0x1] =	vst.idx.msk $0xffff, v1  }
0x31e: {  	[tilespmem:v3+s1+$0xFFFFEFF0 ss:$0x1] =	vst.idx.msk $0xffff, v1  }
0x31f: {  	[tilespmem:v3+s1+$0xFFFFF000 ss:$0x1] =	vst.idx.msk $0xffff, v1  }
0x320: {  	[tilespmem:v3+s1+$0xFFFFFFD0 ss:$0x1] =	vst.idx.msk $0xffff, v1  }
0x321: {  	[tilespmem:v3+s1+$0xFFFFFFE0 ss:$0x1] =	vst.idx.msk $0xffff, v1  }
0x322: {  	s2 =	simm.s32 $0x100;
	[tilespmem:v3+s1+$0xFFFFFFF0 ss:$0x1] =	vst.idx.msk $0xffff, v1  }
.LBB2_10:
0x323: {  	p3 =	sne.s32 s2, $0xC00;
	[tilespmem:v3+s1+$0x0 ss:$0x1] =	vst.idx.msk $0xffff, v1;
	s1 =	sshra.s32 s2, $0x2;
	s2 =	sadd.s32 $0x100, s2  }
0x324: {  	[tilespmem:v3+s1+$0xFFFFDFD0 ss:$0x1] =	vst.idx.msk $0xffff, v1  }
0x325: {  	[tilespmem:v3+s1+$0xFFFFDFE0 ss:$0x1] =	vst.idx.msk $0xffff, v1  }
0x326: {  	[tilespmem:v3+s1+$0xFFFFDFF0 ss:$0x1] =	vst.idx.msk $0xffff, v1  }
0x327: {  	[tilespmem:v3+s1+$0xFFFFE000 ss:$0x1] =	vst.idx.msk $0xffff, v1  }
0x328: {  	[tilespmem:v3+s1+$0xFFFFEFD0 ss:$0x1] =	vst.idx.msk $0xffff, v1  }
0x329: {  	[tilespmem:v3+s1+$0xFFFFEFE0 ss:$0x1] =	vst.idx.msk $0xffff, v1  }
.Ltmp6:
0x32a: {  	[tilespmem:v3+s1+$0xFFFFEFF0 ss:$0x1] =	vst.idx.msk $0xffff, v1;
	(pc) =	sbr.rel @p3 .LBB2_10-.Ltmp6, $4  }
0x32b: {  	[tilespmem:v3+s1+$0xFFFFF000 ss:$0x1] =	vst.idx.msk $0xffff, v1  }
0x32c: {  	[tilespmem:v3+s1+$0xFFFFFFD0 ss:$0x1] =	vst.idx.msk $0xffff, v1  }
0x32d: {  	[tilespmem:v3+s1+$0xFFFFFFE0 ss:$0x1] =	vst.idx.msk $0xffff, v1  }
0x32e: {  	[tilespmem:v3+s1+$0xFFFFFFF0 ss:$0x1] =	vst.idx.msk $0xffff, v1  }
0x32f: {  	_ =	sdelay $0x3  }
0x330: {  	[tilespmem:v3+s1+$0x0 ss:$0x1] =	vst.idx.msk $0xffff, v1;
	s19 =	sshrl.u32 s14, $0x2  }
0x331: {  	v2 =	vld [tilespmem:s19+$0x0];
	_ =	sdelay $0x4  }
0x332: {  	(v2sf) =	vpush v2, $0x0  }
0x333: {  	(v2sf) =	vpush v2, $0x1  }
0x334: {  	(v2sf) =	vpush v2, $0x2;
	_ =	sdelay $0xc  }
0x335: {  	s12 =	spop (v2sf)  }
0x336: {  	s2 =	spop (v2sf)  }
0x337: {  	s28 =	spop (v2sf)  }
0x338: {  	s1 =	sadd.s32 $0xFFFFFFF9, s28  }
0x339: {  	p3 =	sgt.s32 s1, $0x0  }
0x33a: {  	p4 =	slt.s32 s1, $0x1;
	s1 =	simm.s32 @!p3 $0x0  }
0x33b: {  	s13 =	smin.u32 s1, $0x33  }
0x33c: {  	s1 =	sand.u32 $0x3, s13  }
0x33d: {  	p6 =	sne.s32 s1, $0x0  }
0x33e: {  	p3 =	por !p4, !p6  }
0x33f: {  	s1 =	simm.s32 $0x1;
	p3 =	por !p3, !p3  }
0x340: {  	s7 =	sshrl.u32 s13, $0x2;
	s1 =	simm.s32 @!p3 $0x0  }
0x341: {  	s25 =	ssub.s32 s7, s1  }
0x342: {  	s1 =	simm.s32 $0x0;
	p3 =	sgt.s32 s25, $0x0  }
0x343: {  	s1 =	simm.s32 @!p3 $0x14  }
0x344: {  	s1 =	sor.u32 s14, s1  }
0x345: {  	s1 =	sshll.u32 s1, $0x9  }
0x346: {  	s1 =	sand.u32 $0x1FA800, s1  }
0x347: {  	s31 =	simm.s32 $0x0;
	s1 =	sadd.s32 s9, s1  }
0x348: {  	[hbm4b:s1+s31] =	stream.linear.scatter [tilespmem:s18], [sflag:$0x1], $0x4000, $0x38;
	[tilespmem:$0x1C200] =	vst v63  }
0x349: {  	p3 =	sgt.s32 s25, $0x1;
	s1 =	simm.s32 $0x4  }
0x34a: {  	s1 =	simm.s32 @!p3 $0x18  }
0x34b: {  	s1 =	sor.u32 s14, s1  }
0x34c: {  	s1 =	sshll.u32 s1, $0x9  }
0x34d: {  	s1 =	sand.u32 $0x1FB800, s1  }
0x34e: {  	s1 =	sadd.s32 s9, s1  }
0x34f: {  	[hbm4b:s1+s31] =	stream.linear.scatter [tilespmem:s18], [sflag:$0x1], $0x4000, $0x38;
	[tilespmem:$0x1C200] =	vst v63  }
0x350: {  	p3 =	sgt.s32 s25, $0x2;
	s1 =	simm.s32 $0x8  }
0x351: {  	s1 =	simm.s32 @!p3 $0x1C  }
0x352: {  	s1 =	sor.u32 s14, s1  }
0x353: {  	s1 =	sshll.u32 s1, $0x9  }
0x354: {  	s1 =	sand.u32 $0x1FB800, s1  }
0x355: {  	s1 =	sadd.s32 s9, s1  }
0x356: {  	[hbm4b:s1+s31] =	stream.linear.scatter [tilespmem:s18], [sflag:$0x1], $0x4000, $0x38;
	[tilespmem:$0x1C200] =	vst v63  }
0x357: {  	p3 =	sgt.s32 s25, $0x3;
	s1 =	simm.s32 $0xC  }
0x358: {  	s1 =	simm.s32 @!p3 $0x20  }
0x359: {  	s1 =	sor.u32 s14, s1  }
0x35a: {  	s1 =	sshll.u32 s1, $0x9  }
0x35b: {  	s1 =	sand.u32 $0x1FD800, s1  }
0x35c: {  	s1 =	sadd.s32 s9, s1  }
0x35d: {  	[hbm4b:s1+s31] =	stream.linear.scatter [tilespmem:s18], [sflag:$0x1], $0x4000, $0x38;
	[tilespmem:$0x1C200] =	vst v63  }
0x35e: {  	p3 =	sgt.s32 s25, $0x4;
	s1 =	simm.s32 $0x10  }
0x35f: {  	s1 =	simm.s32 @!p3 $0x24  }
0x360: {  	s1 =	sor.u32 s14, s1  }
0x361: {  	s1 =	sshll.u32 s1, $0x9  }
0x362: {  	s1 =	sand.u32 $0x1FE800, s1  }
0x363: {  	s1 =	sadd.s32 s9, s1  }
0x364: {  	[hbm4b:s1+s31] =	stream.linear.scatter [tilespmem:s18], [sflag:$0x1], $0x4000, $0x38;
	[tilespmem:$0x1C200] =	vst v63  }
0x365: {  	p3 =	sgt.s32 s25, $0x5;
	s1 =	simm.s32 $0x14  }
0x366: {  	s1 =	simm.s32 @!p3 $0x28  }
0x367: {  	s1 =	sor.u32 s14, s1  }
0x368: {  	s1 =	sshll.u32 s1, $0x9  }
0x369: {  	s1 =	sand.u32 $0x1FF800, s1  }
0x36a: {  	s1 =	sadd.s32 s9, s1  }
0x36b: {  	[hbm4b:s1+s31] =	stream.linear.scatter [tilespmem:s18], [sflag:$0x1], $0x4000, $0x38;
	[tilespmem:$0x1C200] =	vst v63  }
0x36c: {  	p3 =	sgt.s32 s25, $0x6;
	s1 =	simm.s32 $0x18  }
0x36d: {  	s1 =	simm.s32 @!p3 $0x2C  }
0x36e: {  	s1 =	sor.u32 s14, s1  }
0x36f: {  	s1 =	sshll.u32 s1, $0x9  }
0x370: {  	s1 =	sand.u32 $0x1FF800, s1  }
0x371: {  	s1 =	sadd.s32 s9, s1  }
0x372: {  	[hbm4b:s1+s31] =	stream.linear.scatter [tilespmem:s18], [sflag:$0x1], $0x4000, $0x38;
	[tilespmem:$0x1C200] =	vst v63  }
0x373: {  	p3 =	sgt.s32 s25, $0x7;
	s1 =	simm.s32 $0x1C  }
0x374: {  	s1 =	simm.s32 @!p3 $0x30  }
0x375: {  	s1 =	sor.u32 s14, s1  }
0x376: {  	s1 =	sshll.u32 s1, $0x9  }
0x377: {  	s1 =	sand.u32 $0x1FF800, s1  }
0x378: {  	s1 =	sadd.s32 s9, s1  }
0x379: {  	[hbm4b:s1+s31] =	stream.linear.scatter [tilespmem:s18], [sflag:$0x1], $0x4000, $0x38;
	[tilespmem:$0x1C200] =	vst v63  }
0x37a: {  	p3 =	sgt.s32 s25, $0x8;
	s1 =	simm.s32 $0x20  }
0x37b: {  	s1 =	simm.s32 @!p3 $0x34  }
0x37c: {  	s1 =	sor.u32 s14, s1  }
0x37d: {  	s1 =	sshll.u32 s1, $0x9  }
0x37e: {  	s1 =	sand.u32 $0x1FE800, s1  }
0x37f: {  	s1 =	sadd.s32 s9, s1  }
0x380: {  	[hbm4b:s1+s31] =	stream.linear.scatter [tilespmem:s18], [sflag:$0x1], $0x4000, $0x38;
	[tilespmem:$0x1C200] =	vst v63  }
0x381: {  	p3 =	sgt.s32 s25, $0x9;
	s1 =	simm.s32 $0x24  }
0x382: {  	s23 =	sshll.u32 s28, $0x2;
	s1 =	simm.s32 @!p3 $0x38  }
0x383: {  	s26 =	sadd.s32 $0x3F, s23;
	s1 =	sor.u32 s14, s1  }
0x384: {  	s7 =	simm.s32 $0x28;
	p3 =	sgt.s32 s25, $0xA;
	s1 =	sshll.u32 s1, $0x9  }
0x385: {  	s16 =	sshra.s32 s26, $0x1F;
	s7 =	simm.s32 @!p3 $0x3C;
	s1 =	sand.u32 $0x1FF800, s1  }
0x386: {  	s17 =	sshrl.u32 s16, $0x1A;
	s7 =	sor.u32 s14, s7;
	s1 =	sadd.s32 s9, s1  }
0x387: {  	[hbm4b:s1+s31] =	stream.linear.scatter [tilespmem:s18], [sflag:$0x1], $0x4000, $0x38;
	[tilespmem:$0x1C200] =	vst v63  }
0x388: {  	s7 =	sshll.u32 s7, $0x9;
	s1 =	sadd.s32 s17, s26  }
0x389: {  	s7 =	sand.u32 $0x1FF800, s7;
	s1 =	sshra.s32 s1, $0x6  }
0x38a: {  	s19 =	sadd.s32 s9, s7;
	s17 =	sadd.s32 s16, s1  }
0x38b: {  	[hbm4b:s19+s31] =	stream.linear.scatter [tilespmem:s18], [sflag:$0x1], $0x4000, $0x38;
	[tilespmem:$0x1C200] =	vst v63  }
0x38c: {  	s1 =	simm.s32 $0x1;
	p3 =	slt.s32 s17, $0x2  }
0x38d: {  	s23 =	sshll.u32 s28, $0x1;
	s1 =	simm.s32 @!p3 $0x0  }
0x38e: {  	s7 =	sadd.s32 $0x3F, s23;
	s1 =	sor.u32 s1, s15  }
0x38f: {  	s26 =	sshra.s32 s7, $0x1F;
	s1 =	sshll.u32 s1, $0x9  }
0x390: {  	s19 =	sshrl.u32 s26, $0x1A;
	s1 =	sand.u32 $0x1FA00, s1  }
0x391: {  	s16 =	simm.s32 $0x2;
	s7 =	sadd.s32 s19, s7;
	s1 =	sadd.s32 s4, s1  }
0x392: {  	[hbm4b:s1+s31] =	stream.linear.scatter [tilespmem:s18], [sflag:$0x1], $0x1000, $0x38;
	[tilespmem:$0x1C200] =	vst v63  }
0x393: {  	p3 =	sgt.s32 s17, $0x2;
	s7 =	sshra.s32 s7, $0x6;
	s1 =	simm.s32 $0x1  }
0x394: {  	s19 =	rddreg [dreg:$0xa];
	s23 =	sadd.s32 s26, s7;
	s1 =	simm.s32 @!p3 $0x2  }
0x395: {  	s7 =	sadd.s32 $0xFFFFFFFA, s2;
	p3 =	sgt.s32 s17, $0x3;
	s1 =	sor.u32 s15, s1  }
0x396: {  	s26 =	ssub.s32 $0x3F, s12;
	s16 =	simm.s32 @!p3 $0x3;
	s1 =	sshll.u32 s1, $0x9  }
0x397: {  	v6 =	vadd.s32 s26, v0;
	s26 =	sshll.u32 s13, $0x6;
	s16 =	sor.u32 s15, s16;
	s1 =	sadd.s32 s4, s1  }
0x398: {  	[hbm4b:s1+s31] =	stream.linear.scatter [tilespmem:s18], [sflag:$0x1], $0x1000, $0x38;
	[tilespmem:$0x1C200] =	vst v63  }
0x399: {  	p3 =	slt.s32 s23, $0x2;
	s16 =	sshll.u32 s16, $0x9;
	s1 =	simm.s32 $0x1  }
0x39a: {  	s16 =	sadd.s32 s4, s16;
	s1 =	simm.s32 @!p3 $0x0;
	p3 =	sgt.s32 s7, $0x0  }
0x39b: {  	[hbm4b:s16+s31] =	stream.linear.scatter [tilespmem:s18], [sflag:$0x1], $0x1000, $0x38;
	[tilespmem:$0x1C200] =	vst v63  }
0x39c: {  	s1 =	sor.u32 s1, s19;
	s7 =	simm.s32 @!p3 $0x0;
	p3 =	slt.s32 s25, $0xB  }
0x39d: {  	s16 =	ssub.s32 $0x4F, s12;
	s19 =	ssub.s32 $0x5F, s12;
	s12 =	ssub.s32 $0x6F, s12  }
0x39e: {  	vm0 =	vgt.s32 v6, $0x0;
	s1 =	sshll.u32 s1, $0x9;
	s7 =	smin.u32 s7, $0x33;
	s25 =	simm.s32 @!p3 $0xB  }
0x39f: {  	v2 =	vnsel vm0, $0x0, v6;
	v7 =	vadd.s32 s16, v0;
	v8 =	vadd.s32 s19, v0;
	s1 =	sadd.s32 s3, s1;
	s16 =	sor.u32 s26, s7;
	s19 =	sshll.u32 s25, $0x8  }
0x3a0: {  	vm3 =	vlt.u32 v6, $0xD;
	v2 =	vmin.u32 v2, $0xC;
	v9 =	vadd.s32 s12, v0;
	[hbm4b:s1+s31] =	stream.linear.scatter [tilespmem:s18], [sflag:$0x1], $0x1000, $0x38;
	[tilespmem:$0x1C200] =	vst v63  }
0x3a1: {  	vm0 =	vgt.s32 v7, $0x0;
	vm1 =	vgt.s32 v9, $0x0;
	vm2 =	vlt.u32 v7, $0xD;
	s1 =	ssub.s32 s16, s19  }
0x3a2: {  	s2 =	ssub.s32 s7, s2;
	v3 =	vnsel vm0, $0x0, v7;
	vm0 =	vgt.s32 v8, $0x0;
	v10 =	vnsel vm1, $0x0, v9;
	s1 =	sshll.u32 s1, $0x8  }
0x3a3: {  	s26 =	ssub.s32 s13, s28;
	s29 =	sshll.u32 s25, $0x2;
	vm1 =	vlt.u32 v8, $0xD;
	v4 =	vmin.u32 v3, $0xC;
	v3 =	vnsel vm0, $0x0, v8;
	s1 =	sshra.s32 s1, $0x2  }
0x3a4: {  	s30 =	sadd.s32 $0x6, s2;
	s2 =	sadd.s32 $0x7, s26;
	vm0 =	vlt.u32 v9, $0xD;
	v5 =	vmin.u32 v3, $0xC;
	v3 =	vmin.u32 v10, $0xC;
	s12 =	sadd.s32 $0x8220, s1  }
.LBB2_12:
0x3a5: {  	s1 =	sadd.s32 s31, s2  }
0x3a6: {  	p4 =	sgt.s32 s1, $0x0  }
0x3a7: {  	p3 =	slt.u32 s1, $0xD;
	s1 =	simm.s32 @!p4 $0x0  }
0x3a8: {  	s16 =	sadd.s32 $0x0, s30;
	s1 =	smin.u32 s1, $0xC  }
0x3a9: {  	p4 =	sgt.s32 s16, $0x0;
	v6 =	vmov s1  }
0x3aa: {  	p5 =	slt.u32 s16, $0xD;
	s16 =	simm.s32 @!p4 $0x0;
	v6 =	vmul.u32 $0xD, v6  }
0x3ab: {  	s26 =	smin.u32 s16, $0xC  }
0x3ac: {  	v7 =	vadd.s32 s26, v6  }
0x3ad: {  	v7 =	vshll.u32 v7, $0x4  }
0x3ae: {  	v8 =	vbroadcast v7, $0x0;
	_ =	sdelay $0x1  }
0x3af: {  	v7 =	vor.u32 v2, v8;
	_ =	sdelay $0x4  }
0x3b0: {  	s1 =	simm.f32 $1.000000000e+00;
	v9 =	vld.idx.msk [tilespmem:v7+s24+$0x0], $0xffff  }
0x3b1: {  	s1 =	simm.s32 @!p5 $0x0  }
0x3b2: {  	s1 =	simm.s32 @!p3 $0x0  }
0x3b3: {  	v10 =	vor.u32 v4, v8;
	v7 =	vmov s1  }
0x3b4: {  	v11 =	vnsel vm3, $0x0, v7  }
0x3b5: {  	v9 =	vmul.f32 v9, v11;
	_ =	sdelay $0x1  }
0x3b6: {  	[tilespmem:s12+$0xFFFFFFE0] =	vst v9  }
0x3b7: {  	v9 =	vld.idx.msk [tilespmem:v10+s24+$0x0], $0xffff;
	_ =	sdelay $0x2  }
0x3b8: {  	v10 =	vor.u32 v5, v8  }
0x3b9: {  	v11 =	vnsel vm2, $0x0, v7  }
0x3ba: {  	v9 =	vmul.f32 v9, v11;
	_ =	sdelay $0x1  }
0x3bb: {  	[tilespmem:s12+$0xFFFFFFF0] =	vst v9  }
0x3bc: {  	v9 =	vld.idx.msk [tilespmem:v10+s24+$0x0], $0xffff;
	_ =	sdelay $0x2  }
0x3bd: {  	v8 =	vor.u32 v3, v8  }
0x3be: {  	s16 =	simm.s32 $0x2;
	s26 =	sadd.s32 $0x1, s30;
	s1 =	smov.u32 s12;
	v10 =	vnsel vm1, $0x0, v7  }
.LBB2_13:
0x3bf: {  	p4 =	sne.s32 s16, $0xC;
	p5 =	sgt.s32 s26, $0x0;
	v9 =	vmul.f32 v9, v10;
	s19 =	smov.u32 s26  }
0x3c0: {  	s19 =	simm.s32 @!p5 $0x0  }
0x3c1: {  	s19 =	smin.u32 s19, $0xC;
	[tilespmem:s1+$0x0] =	vst v9  }
0x3c2: {  	v9 =	vadd.s32 s19, v6;
	v8 =	vld.idx.msk [tilespmem:v8+s24+$0x0], $0xffff  }
0x3c3: {  	v9 =	vshll.u32 v9, $0x4  }
0x3c4: {  	v10 =	vbroadcast v9, $0x0;
	_ =	sdelay $0x1  }
0x3c5: {  	v9 =	vor.u32 v2, v10  }
0x3c6: {  	v7 =	vnsel vm0, $0x0, v7  }
0x3c7: {  	v7 =	vmul.f32 v8, v7;
	_ =	sdelay $0x1  }
0x3c8: {  	[tilespmem:s1+$0x10] =	vst v7  }
0x3c9: {  	v8 =	vld.idx.msk [tilespmem:v9+s24+$0x0], $0xffff  }
0x3ca: {  	p5 =	slt.u32 s26, $0xD;
	s19 =	simm.f32 $1.000000000e+00  }
0x3cb: {  	s19 =	simm.s32 @!p5 $0x0  }
0x3cc: {  	s19 =	simm.s32 @!p3 $0x0  }
0x3cd: {  	v7 =	vmov s19;
	v9 =	vor.u32 v4, v10  }
0x3ce: {  	v11 =	vnsel vm3, $0x0, v7  }
0x3cf: {  	v8 =	vmul.f32 v8, v11  }
0x3d0: {  	s1 =	sadd.s32 $0x40, s1  }
0x3d1: {  	[tilespmem:s1+$0xFFFFFFE0] =	vst v8  }
0x3d2: {  	v8 =	vld.idx.msk [tilespmem:v9+s24+$0x0], $0xffff;
	_ =	sdelay $0x3  }
0x3d3: {  	v9 =	vor.u32 v5, v10  }
0x3d4: {  	v11 =	vnsel vm2, $0x0, v7  }
0x3d5: {  	v8 =	vmul.f32 v8, v11;
	_ =	sdelay $0x1  }
0x3d6: {  	[tilespmem:s1+$0xFFFFFFF0] =	vst v8  }
0x3d7: {  	v9 =	vld.idx.msk [tilespmem:v9+s24+$0x0], $0xffff  }
.Ltmp7:
0x3d8: {  	(pc) =	sbr.rel @p4 .LBB2_13-.Ltmp7, $3  }
0x3d9: {  	_ =	sdelay $0x1  }
0x3da: {  	v8 =	vor.u32 v3, v10  }
0x3db: {  	s26 =	sadd.s32 s16, s30;
	s16 =	sadd.s32 $0x1, s16;
	v10 =	vnsel vm1, $0x0, v7  }
0x3dc: {  	p4 =	sgt.s32 s26, $0x0;
	s16 =	smov.u32 s26  }
0x3dd: {  	v9 =	vmul.f32 v9, v10;
	s16 =	simm.s32 @!p4 $0x0  }
0x3de: {  	s16 =	smin.u32 s16, $0xC  }
0x3df: {  	[tilespmem:s1+$0x0] =	vst v9;
	v6 =	vadd.s32 s16, v6  }
0x3e0: {  	v8 =	vld.idx.msk [tilespmem:v8+s24+$0x0], $0xffff;
	v6 =	vshll.u32 v6, $0x4  }
0x3e1: {  	v6 =	vbroadcast v6, $0x0;
	_ =	sdelay $0x1  }
0x3e2: {  	v57 =	vor.u32 v2, v6  }
0x3e3: {  	v7 =	vnsel vm0, $0x0, v7  }
0x3e4: {  	v7 =	vmul.f32 v8, v7;
	_ =	sdelay $0x1  }
0x3e5: {  	[tilespmem:s1+$0x10] =	vst v7  }
0x3e6: {  	p4 =	slt.u32 s26, $0xD;
	s16 =	simm.f32 $1.000000000e+00;
	v7 =	vld.idx.msk [tilespmem:v57+s24+$0x0], $0xffff  }
0x3e7: {  	s16 =	simm.s32 @!p4 $0x0  }
0x3e8: {  	s16 =	simm.s32 @!p3 $0x0  }
0x3e9: {  	v58 =	vmov s16;
	v59 =	vor.u32 v4, v6  }
0x3ea: {  	v60 =	vnsel vm3, $0x0, v58  }
0x3eb: {  	v7 =	vmul.f32 v7, v60  }
0x3ec: {  	s26 =	sadd.s32 $0x40, s1  }
0x3ed: {  	[tilespmem:s26+$0xFFFFFFE0] =	vst v7  }
0x3ee: {  	v7 =	vld.idx.msk [tilespmem:v59+s24+$0x0], $0xffff;
	_ =	sdelay $0x2  }
0x3ef: {  	v61 =	vor.u32 v5, v6  }
0x3f0: {  	v62 =	vnsel vm2, $0x0, v58  }
0x3f1: {  	v7 =	vmul.f32 v7, v62;
	_ =	sdelay $0x1  }
0x3f2: {  	[tilespmem:s26+$0xFFFFFFF0] =	vst v7  }
0x3f3: {  	v7 =	vld.idx.msk [tilespmem:v61+s24+$0x0], $0xffff;
	_ =	sdelay $0x2  }
0x3f4: {  	v6 =	vor.u32 v3, v6  }
0x3f5: {  	v63 =	vnsel vm1, $0x0, v58  }
0x3f6: {  	v7 =	vmul.f32 v7, v63;
	_ =	sdelay $0x1  }
0x3f7: {  	[tilespmem:s26+$0x0] =	vst v7  }
0x3f8: {  	v6 =	vld.idx.msk [tilespmem:v6+s24+$0x0], $0xffff  }
0x3f9: {  	s31 =	sadd.s32 $0x1, s31  }
0x3fa: {  	p3 =	sne.s32 s31, $0xD  }
.Ltmp8:
0x3fb: {  	_ = 	snop;
	(pc) =	sbr.rel @p3 .LBB2_12-.Ltmp8, $3  }
0x3fc: {  	v7 =	vnsel vm0, $0x0, v58  }
0x3fd: {  	v6 =	vmul.f32 v6, v7;
	_ =	sdelay $0x1  }
0x3fe: {  	s12 =	sadd.s32 $0x1000, s12;
	[tilespmem:s26+$0x10] =	vst v6  }
0x3ff: {  	s1 =	sadd.s32 $0x0, s30  }
0x400: {  	p4 =	sgt.s32 s1, $0x0  }
0x401: {  	p3 =	slt.u32 s1, $0xD;
	s1 =	simm.s32 @!p4 $0x0  }
0x402: {  	s1 =	smin.u32 s1, $0xC  }
0x403: {  	v6 =	vmov s1  }
0x404: {  	s26 =	sadd.s32 $0x3F, s28;
	v6 =	vshll.u32 v6, $0x4  }
0x405: {  	s2 =	sand.u32 $0x3F, s26;
	v6 =	vbroadcast v6, $0x0  }
0x406: {  	s12 =	sshra.s32 s26, $0x1F;
	p6 =	slt.s32 s26, $0x1;
	p5 =	sne.s32 s2, $0x0  }
0x407: {  	s12 =	sshrl.u32 s12, $0x1A;
	p4 =	por !p6, !p5;
	v7 =	vor.u32 v2, v6  }
0x408: {  	s2 =	simm.s32 $0x1;
	s1 =	sadd.s32 s12, s26;
	p4 =	por !p4, !p4  }
0x409: {  	s1 =	sshra.s32 s1, $0x6;
	s2 =	simm.s32 @!p4 $0x0  }
0x40a: {  	s1 =	ssub.s32 s1, s2  }
0x40b: {  	s12 =	simm.f32 $1.000000000e+00;
	p4 =	sgt.s32 s1, $0x0;
	s1 =	simm.f32 $1.000000000e+00  }
0x40c: {  	s12 =	simm.s32 @!p4 $0x0;
	s1 =	simm.s32 @!p3 $0x0;
	v7 =	vld.idx.msk [tilespmem:v7+s6+$0x0], $0xffff  }
0x40d: {  	s16 =	smul.f32 s12, s1;
	_ =	sdelay $0x1  }
0x40e: {  	v9 =	vor.u32 v4, v6;
	v8 =	vmov s16  }
0x40f: {  	s31 =	sshll.u32 s7, $0x8;
	v10 =	vnsel vm3, $0x0, v8  }
0x410: {  	s28 =	sshrl.u32 s31, $0x2;
	v7 =	vmul.f32 v7, v10  }
0x411: {  	s26 =	sadd.s32 $0x6220, s28  }
0x412: {  	[tilespmem:s26+$0xFFFFEFE0] =	vst v7  }
0x413: {  	v7 =	vld.idx.msk [tilespmem:v9+s6+$0x0], $0xffff;
	_ =	sdelay $0x2  }
0x414: {  	v9 =	vor.u32 v5, v6  }
0x415: {  	v10 =	vnsel vm2, $0x0, v8  }
0x416: {  	v7 =	vmul.f32 v7, v10;
	_ =	sdelay $0x1  }
0x417: {  	[tilespmem:s26+$0xFFFFEFF0] =	vst v7  }
0x418: {  	v7 =	vld.idx.msk [tilespmem:v9+s6+$0x0], $0xffff;
	_ =	sdelay $0x2  }
0x419: {  	v9 =	vor.u32 v3, v6  }
0x41a: {  	v10 =	vnsel vm1, $0x0, v8  }
0x41b: {  	v7 =	vmul.f32 v7, v10;
	_ =	sdelay $0x1  }
0x41c: {  	[tilespmem:s26+$0xFFFFF000] =	vst v7  }
0x41d: {  	v7 =	vld.idx.msk [tilespmem:v9+s6+$0x0], $0xffff;
	_ =	sdelay $0x1  }
0x41e: {  	v9 =	vadd.s32 $0xD0, v6  }
0x41f: {  	v10 =	vor.u32 v2, v9  }
0x420: {  	v8 =	vnsel vm0, $0x0, v8  }
0x421: {  	v7 =	vmul.f32 v7, v8;
	_ =	sdelay $0x1  }
0x422: {  	p3 =	sgt.s32 s23, $0x0;
	s16 =	simm.f32 $1.000000000e+00;
	[tilespmem:s26+$0xFFFFF010] =	vst v7  }
0x423: {  	s16 =	simm.s32 @!p3 $0x0;
	v7 =	vld.idx.msk [tilespmem:v10+s6+$0x0], $0xffff  }
0x424: {  	s19 =	smul.f32 s16, s1;
	_ =	sdelay $0x1  }
0x425: {  	v8 =	vmov s19;
	v10 =	vor.u32 v4, v9  }
0x426: {  	v11 =	vnsel vm3, $0x0, v8  }
0x427: {  	v7 =	vmul.f32 v7, v11;
	_ =	sdelay $0x1  }
0x428: {  	[tilespmem:s26+$0xFFFFFFE0] =	vst v7  }
0x429: {  	v7 =	vld.idx.msk [tilespmem:v10+s6+$0x0], $0xffff;
	_ =	sdelay $0x2  }
0x42a: {  	v10 =	vor.u32 v5, v9  }
0x42b: {  	v11 =	vnsel vm2, $0x0, v8  }
0x42c: {  	v7 =	vmul.f32 v7, v11;
	_ =	sdelay $0x1  }
0x42d: {  	[tilespmem:s26+$0xFFFFFFF0] =	vst v7  }
0x42e: {  	v7 =	vld.idx.msk [tilespmem:v10+s6+$0x0], $0xffff;
	_ =	sdelay $0x2  }
0x42f: {  	v9 =	vor.u32 v3, v9  }
0x430: {  	v10 =	vnsel vm1, $0x0, v8  }
0x431: {  	v7 =	vmul.f32 v7, v10;
	_ =	sdelay $0x1  }
0x432: {  	[tilespmem:s26+$0x0] =	vst v7  }
0x433: {  	v7 =	vld.idx.msk [tilespmem:v9+s6+$0x0], $0xffff;
	_ =	sdelay $0x1  }
0x434: {  	v9 =	vadd.s32 $0x1A0, v6  }
0x435: {  	v6 =	vor.u32 v2, v9  }
0x436: {  	v8 =	vnsel vm0, $0x0, v8  }
0x437: {  	v7 =	vmul.f32 v7, v8;
	_ =	sdelay $0x1  }
0x438: {  	s7 =	simm.f32 $1.000000000e+00;
	p3 =	sgt.s32 s17, $0x0;
	[tilespmem:s26+$0x10] =	vst v7  }
0x439: {  	s7 =	simm.s32 @!p3 $0x0;
	v7 =	vld.idx.msk [tilespmem:v6+s6+$0x0], $0xffff  }
0x43a: {  	s1 =	smul.f32 s7, s1;
	_ =	sdelay $0x1  }
0x43b: {  	v8 =	vor.u32 v4, v9;
	v6 =	vmov s1  }
0x43c: {  	v10 =	vnsel vm3, $0x0, v6  }
0x43d: {  	v7 =	vmul.f32 v7, v10;
	_ =	sdelay $0x1  }
0x43e: {  	[tilespmem:s26+$0xFE0] =	vst v7  }
0x43f: {  	v7 =	vld.idx.msk [tilespmem:v8+s6+$0x0], $0xffff;
	_ =	sdelay $0x2  }
0x440: {  	v8 =	vor.u32 v5, v9  }
0x441: {  	v10 =	vnsel vm2, $0x0, v6  }
0x442: {  	v7 =	vmul.f32 v7, v10;
	_ =	sdelay $0x1  }
0x443: {  	[tilespmem:s26+$0xFF0] =	vst v7  }
0x444: {  	v8 =	vld.idx.msk [tilespmem:v8+s6+$0x0], $0xffff;
	_ =	sdelay $0x2  }
0x445: {  	v7 =	vor.u32 v3, v9  }
0x446: {  	s2 =	simm.s32 $0x2;
	s1 =	sadd.s32 $0x1, s30;
	v9 =	vnsel vm1, $0x0, v6  }
.LBB2_16:
0x447: {  	p3 =	sne.s32 s2, $0xC;
	p4 =	sgt.s32 s1, $0x0;
	v8 =	vmul.f32 v8, v9;
	s19 =	smov.u32 s1  }
0x448: {  	s19 =	simm.s32 @!p4 $0x0  }
0x449: {  	s19 =	smin.u32 s19, $0xC;
	[tilespmem:s26+$0x1000] =	vst v8  }
0x44a: {  	v8 =	vmov s19;
	v7 =	vld.idx.msk [tilespmem:v7+s6+$0x0], $0xffff  }
0x44b: {  	v8 =	vshll.u32 v8, $0x4  }
0x44c: {  	v8 =	vbroadcast v8, $0x0;
	_ =	sdelay $0x1  }
0x44d: {  	v9 =	vor.u32 v2, v8  }
0x44e: {  	v6 =	vnsel vm0, $0x0, v6  }
0x44f: {  	v6 =	vmul.f32 v7, v6;
	_ =	sdelay $0x1  }
0x450: {  	[tilespmem:s26+$0x1010] =	vst v6  }
0x451: {  	p4 =	slt.u32 s1, $0xD;
	s1 =	simm.f32 $1.000000000e+00;
	v6 =	vld.idx.msk [tilespmem:v9+s6+$0x0], $0xffff  }
0x452: {  	s1 =	simm.s32 @!p4 $0x0  }
0x453: {  	s19 =	smul.f32 s12, s1;
	_ =	sdelay $0x1  }
0x454: {  	v7 =	vmov s19;
	v9 =	vor.u32 v4, v8  }
0x455: {  	v10 =	vnsel vm3, $0x0, v7  }
0x456: {  	v6 =	vmul.f32 v6, v10  }
0x457: {  	s26 =	sadd.s32 $0x40, s26  }
0x458: {  	[tilespmem:s26+$0xFFFFEFE0] =	vst v6  }
0x459: {  	v6 =	vld.idx.msk [tilespmem:v9+s6+$0x0], $0xffff;
	_ =	sdelay $0x3  }
0x45a: {  	v9 =	vor.u32 v5, v8  }
0x45b: {  	v10 =	vnsel vm2, $0x0, v7  }
0x45c: {  	v6 =	vmul.f32 v6, v10;
	_ =	sdelay $0x1  }
0x45d: {  	[tilespmem:s26+$0xFFFFEFF0] =	vst v6  }
0x45e: {  	v6 =	vld.idx.msk [tilespmem:v9+s6+$0x0], $0xffff;
	_ =	sdelay $0x3  }
0x45f: {  	v9 =	vor.u32 v3, v8  }
0x460: {  	v10 =	vnsel vm1, $0x0, v7  }
0x461: {  	v6 =	vmul.f32 v6, v10;
	_ =	sdelay $0x1  }
0x462: {  	[tilespmem:s26+$0xFFFFF000] =	vst v6  }
0x463: {  	v6 =	vld.idx.msk [tilespmem:v9+s6+$0x0], $0xffff;
	_ =	sdelay $0x2  }
0x464: {  	v9 =	vadd.s32 $0xD0, v8  }
0x465: {  	v10 =	vor.u32 v2, v9  }
0x466: {  	v7 =	vnsel vm0, $0x0, v7  }
0x467: {  	v6 =	vmul.f32 v6, v7;
	_ =	sdelay $0x1  }
0x468: {  	[tilespmem:s26+$0xFFFFF010] =	vst v6  }
0x469: {  	v6 =	vld.idx.msk [tilespmem:v10+s6+$0x0], $0xffff;
	_ =	sdelay $0x1  }
0x46a: {  	s19 =	smul.f32 s16, s1;
	_ =	sdelay $0x1  }
0x46b: {  	v7 =	vmov s19;
	v10 =	vor.u32 v4, v9  }
0x46c: {  	v11 =	vnsel vm3, $0x0, v7  }
0x46d: {  	v6 =	vmul.f32 v6, v11;
	_ =	sdelay $0x1  }
0x46e: {  	[tilespmem:s26+$0xFFFFFFE0] =	vst v6  }
0x46f: {  	v6 =	vld.idx.msk [tilespmem:v10+s6+$0x0], $0xffff;
	_ =	sdelay $0x3  }
0x470: {  	v10 =	vor.u32 v5, v9  }
0x471: {  	v11 =	vnsel vm2, $0x0, v7  }
0x472: {  	v6 =	vmul.f32 v6, v11;
	_ =	sdelay $0x1  }
0x473: {  	[tilespmem:s26+$0xFFFFFFF0] =	vst v6  }
0x474: {  	v6 =	vld.idx.msk [tilespmem:v10+s6+$0x0], $0xffff;
	_ =	sdelay $0x3  }
0x475: {  	v9 =	vor.u32 v3, v9  }
0x476: {  	v10 =	vnsel vm1, $0x0, v7  }
0x477: {  	v6 =	vmul.f32 v6, v10;
	_ =	sdelay $0x1  }
0x478: {  	[tilespmem:s26+$0x0] =	vst v6  }
0x479: {  	v6 =	vld.idx.msk [tilespmem:v9+s6+$0x0], $0xffff;
	_ =	sdelay $0x2  }
0x47a: {  	v9 =	vadd.s32 $0x1A0, v8  }
0x47b: {  	v8 =	vor.u32 v2, v9  }
0x47c: {  	v7 =	vnsel vm0, $0x0, v7  }
0x47d: {  	v6 =	vmul.f32 v6, v7;
	_ =	sdelay $0x1  }
0x47e: {  	[tilespmem:s26+$0x10] =	vst v6  }
0x47f: {  	v7 =	vld.idx.msk [tilespmem:v8+s6+$0x0], $0xffff;
	_ =	sdelay $0x1  }
0x480: {  	s1 =	smul.f32 s7, s1;
	_ =	sdelay $0x1  }
0x481: {  	v6 =	vmov s1;
	v8 =	vor.u32 v4, v9  }
0x482: {  	v10 =	vnsel vm3, $0x0, v6  }
0x483: {  	v7 =	vmul.f32 v7, v10;
	_ =	sdelay $0x1  }
0x484: {  	[tilespmem:s26+$0xFE0] =	vst v7  }
0x485: {  	v7 =	vld.idx.msk [tilespmem:v8+s6+$0x0], $0xffff;
	_ =	sdelay $0x3  }
0x486: {  	v8 =	vor.u32 v5, v9  }
0x487: {  	v10 =	vnsel vm2, $0x0, v6  }
0x488: {  	v7 =	vmul.f32 v7, v10;
	_ =	sdelay $0x1  }
0x489: {  	[tilespmem:s26+$0xFF0] =	vst v7  }
0x48a: {  	v8 =	vld.idx.msk [tilespmem:v8+s6+$0x0], $0xffff  }
.Ltmp9:
0x48b: {  	(pc) =	sbr.rel @p3 .LBB2_16-.Ltmp9, $3  }
0x48c: {  	_ =	sdelay $0x1  }
0x48d: {  	v7 =	vor.u32 v3, v9  }
0x48e: {  	s1 =	sadd.s32 s2, s30;
	s2 =	sadd.s32 $0x1, s2;
	v9 =	vnsel vm1, $0x0, v6  }
0x48f: {  	p4 =	sgt.s32 s1, $0x0  }
0x490: {  	p3 =	slt.u32 s1, $0xD;
	v8 =	vmul.f32 v8, v9;
	s1 =	simm.s32 @!p4 $0x0  }
0x491: {  	s1 =	smin.u32 s1, $0xC  }
0x492: {  	[tilespmem:s26+$0x1000] =	vst v8;
	v43 =	vmov s1  }
0x493: {  	v7 =	vld.idx.msk [tilespmem:v7+s6+$0x0], $0xffff;
	v8 =	vshll.u32 v43, $0x4  }
0x494: {  	v8 =	vbroadcast v8, $0x0;
	_ =	sdelay $0x1  }
0x495: {  	v44 =	vor.u32 v2, v8  }
0x496: {  	v6 =	vnsel vm0, $0x0, v6  }
0x497: {  	v6 =	vmul.f32 v7, v6;
	_ =	sdelay $0x1  }
0x498: {  	s2 =	simm.f32 $1.000000000e+00;
	[tilespmem:s26+$0x1010] =	vst v6  }
0x499: {  	s2 =	simm.s32 @!p3 $0x0;
	v6 =	vld.idx.msk [tilespmem:v44+s6+$0x0], $0xffff  }
0x49a: {  	s19 =	smul.f32 s12, s2;
	_ =	sdelay $0x1  }
0x49b: {  	v45 =	vmov s19;
	v46 =	vor.u32 v4, v8  }
0x49c: {  	v10 =	vnsel vm3, $0x0, v45  }
0x49d: {  	v6 =	vmul.f32 v6, v10  }
0x49e: {  	s30 =	sadd.s32 $0x40, s26  }
0x49f: {  	[tilespmem:s30+$0xFFFFEFE0] =	vst v6  }
0x4a0: {  	v6 =	vld.idx.msk [tilespmem:v46+s6+$0x0], $0xffff;
	_ =	sdelay $0x2  }
0x4a1: {  	v47 =	vor.u32 v5, v8  }
0x4a2: {  	v48 =	vnsel vm2, $0x0, v45  }
0x4a3: {  	v6 =	vmul.f32 v6, v48;
	_ =	sdelay $0x1  }
0x4a4: {  	[tilespmem:s30+$0xFFFFEFF0] =	vst v6  }
0x4a5: {  	v6 =	vld.idx.msk [tilespmem:v47+s6+$0x0], $0xffff;
	_ =	sdelay $0x2  }
0x4a6: {  	v49 =	vor.u32 v3, v8  }
0x4a7: {  	v50 =	vnsel vm1, $0x0, v45  }
0x4a8: {  	v6 =	vmul.f32 v6, v50;
	_ =	sdelay $0x1  }
0x4a9: {  	[tilespmem:s30+$0xFFFFF000] =	vst v6  }
0x4aa: {  	v6 =	vld.idx.msk [tilespmem:v49+s6+$0x0], $0xffff;
	_ =	sdelay $0x1  }
0x4ab: {  	v51 =	vadd.s32 $0xD0, v8  }
0x4ac: {  	v52 =	vor.u32 v2, v51  }
0x4ad: {  	v7 =	vnsel vm0, $0x0, v45  }
0x4ae: {  	v6 =	vmul.f32 v6, v7;
	_ =	sdelay $0x1  }
0x4af: {  	[tilespmem:s30+$0xFFFFF010] =	vst v6  }
0x4b0: {  	v6 =	vld.idx.msk [tilespmem:v52+s6+$0x0], $0xffff  }
0x4b1: {  	s19 =	smul.f32 s16, s2;
	_ =	sdelay $0x1  }
0x4b2: {  	v53 =	vmov s19;
	v54 =	vor.u32 v4, v51  }
0x4b3: {  	v11 =	vnsel vm3, $0x0, v53  }
0x4b4: {  	v6 =	vmul.f32 v6, v11;
	_ =	sdelay $0x1  }
0x4b5: {  	[tilespmem:s30+$0xFFFFFFE0] =	vst v6  }
0x4b6: {  	v6 =	vld.idx.msk [tilespmem:v54+s6+$0x0], $0xffff;
	_ =	sdelay $0x2  }
0x4b7: {  	v55 =	vor.u32 v5, v51  }
0x4b8: {  	v56 =	vnsel vm2, $0x0, v53  }
0x4b9: {  	v6 =	vmul.f32 v6, v56;
	_ =	sdelay $0x1  }
0x4ba: {  	[tilespmem:s30+$0xFFFFFFF0] =	vst v6  }
0x4bb: {  	v6 =	vld.idx.msk [tilespmem:v55+s6+$0x0], $0xffff;
	_ =	sdelay $0x2  }
0x4bc: {  	v9 =	vor.u32 v3, v51  }
0x4bd: {  	v57 =	vnsel vm1, $0x0, v53  }
0x4be: {  	v6 =	vmul.f32 v6, v57;
	_ =	sdelay $0x1  }
0x4bf: {  	[tilespmem:s30+$0x0] =	vst v6  }
0x4c0: {  	v6 =	vld.idx.msk [tilespmem:v9+s6+$0x0], $0xffff;
	_ =	sdelay $0x1  }
0x4c1: {  	v8 =	vadd.s32 $0x1A0, v8  }
0x4c2: {  	v2 =	vor.u32 v2, v8  }
0x4c3: {  	v7 =	vnsel vm0, $0x0, v53  }
0x4c4: {  	v6 =	vmul.f32 v6, v7;
	_ =	sdelay $0x1  }
0x4c5: {  	[tilespmem:s30+$0x10] =	vst v6  }
0x4c6: {  	v2 =	vld.idx.msk [tilespmem:v2+s6+$0x0], $0xffff  }
0x4c7: {  	s2 =	smul.f32 s7, s2;
	_ =	sdelay $0x1  }
0x4c8: {  	v58 =	vmov s2;
	v59 =	vor.u32 v4, v8  }
0x4c9: {  	v60 =	vnsel vm3, $0x0, v58  }
0x4ca: {  	v2 =	vmul.f32 v2, v60;
	_ =	sdelay $0x1  }
0x4cb: {  	[tilespmem:s30+$0xFE0] =	vst v2  }
0x4cc: {  	v2 =	vld.idx.msk [tilespmem:v59+s6+$0x0], $0xffff;
	_ =	sdelay $0x2  }
0x4cd: {  	v61 =	vor.u32 v5, v8  }
0x4ce: {  	v62 =	vnsel vm2, $0x0, v58  }
0x4cf: {  	v2 =	vmul.f32 v2, v62;
	_ =	sdelay $0x1  }
0x4d0: {  	[tilespmem:s30+$0xFF0] =	vst v2  }
0x4d1: {  	v2 =	vld.idx.msk [tilespmem:v61+s6+$0x0], $0xffff;
	_ =	sdelay $0x2  }
0x4d2: {  	v3 =	vor.u32 v3, v8  }
0x4d3: {  	v63 =	vnsel vm1, $0x0, v58  }
0x4d4: {  	v2 =	vmul.f32 v2, v63;
	_ =	sdelay $0x1  }
0x4d5: {  	[tilespmem:s30+$0x1000] =	vst v2  }
0x4d6: {  	v2 =	vld.idx.msk [tilespmem:v3+s6+$0x0], $0xffff;
	_ =	sdelay $0x1  }
0x4d7: {  	p3 =	sgt.s32 s17, $0x1  }
0x4d8: {  	s17 =	simm.s32 @!p3 $0x1  }
0x4d9: {  	s12 =	simm.s32 $0x8200;
	s16 =	rddreg [dreg:$0x16];
	s26 =	sadd.s32 s14, s29;
	v3 =	vnsel vm0, $0x0, v58  }
0x4da: {  	p3 =	sgt.s32 s23, $0x1;
	s1 =	sadd.s32 s17, s16;
	s2 =	sshll.u32 s26, $0x9;
	v2 =	vmul.f32 v2, v3  }
0x4db: {  	s23 =	simm.s32 @!p3 $0x1;
	s1 =	sshll.u32 s1, $0x9;
	s2 =	sand.u32 $0x1FFFF800, s2  }
0x4dc: {  	s1 =	sand.u32 $0x1FFFFE00, s1;
	s29 =	sadd.s32 s9, s2;
	[tilespmem:s30+$0x1010] =	vst v2;
	s30 =	simm.s32 $0x0  }
0x4dd: {  	[hbm4b:s29+s30] =	stream.linear.scatter [tilespmem:s12], [sflag:$0x2], $0x14000, $0x38;
	[tilespmem:$0x1C200] =	vst v63  }
0x4de: {  	s17 =	simm.s32 $0x7200;
	s19 =	rddreg [dreg:$0x17];
	s1 =	sadd.s32 s4, s1  }
0x4df: {  	[hbm4b:s1+s30] =	stream.linear.scatter [tilespmem:s17], [sflag:$0x2], $0x1000, $0x38;
	[tilespmem:$0x1C200] =	vst v63  }
0x4e0: {  	s1 =	sadd.s32 s23, s19  }
0x4e1: {  	s1 =	sshll.u32 s1, $0x9  }
0x4e2: {  	s1 =	sand.u32 $0x1FFFFE00, s1  }
0x4e3: {  	s23 =	simm.s32 $0x6200;
	s1 =	sadd.s32 s3, s1  }
0x4e4: {  	[hbm4b:s1+s30] =	stream.linear.scatter [tilespmem:s23], [sflag:$0x2], $0x1000, $0x38;
	[tilespmem:$0x1C200] =	vst v63  }
0x4e5: {  	s26 =	rddreg [dreg:$0xb];
	s29 =	simm.s32 $0x5200  }
0x4e6: {  	[hbm4b:s26+s30] =	stream.linear.scatter [tilespmem:s29], [sflag:$0x2], $0x1000, $0x38;
	[tilespmem:$0x1C200] =	vst v63  }
0x4e7: {  	_ =	swait.ge [sflag:s21], $0x14000  }
0x4e8: {  	[sflag:s21] =	ssyncset.done $0x0  }
0x4e9: {  	s30 =	sshll.u32 s13, $0xE;
	[sflag:s21] =	ssyncadd.s32 $0xFFFEC000  }
0x4ea: {  	s1 =	sor.u32 s31, s30;
	s31 =	sshll.u32 s25, $0x10;
	_ =	swait.ge [sflag:s21], $0x1000  }
0x4eb: {  	s1 =	ssub.s32 s1, s31;
	[sflag:s21] =	ssyncset.done $0x0  }
0x4ec: {  	s1 =	sshra.s32 s1, $0x2;
	[sflag:s21] =	ssyncadd.s32 $0xFFFFF000  }
0x4ed: {  	s1 =	sadd.s32 $0x8200, s1;
	_ =	swait.ge [sflag:s21], $0x1000  }
0x4ee: {  	v2 =	vmov s1;
	[sflag:s21] =	ssyncset.done $0x0  }
0x4ef: {  	[sflag:s21] =	ssyncadd.s32 $0xFFFFF000  }
0x4f0: {  	_ =	swait.ge [sflag:s21], $0x1000  }
0x4f1: {  	[sflag:s21] =	ssyncset.done $0x0  }
0x4f2: {  	s2 =	simm.s32 $0x0;
	[sflag:s21] =	ssyncadd.s32 $0xFFFFF000  }
0x4f3: {  	[tilespmem:v2+s2+$0x0 ss:$0x1] =	vst.idx.msk $0xffff, v1  }
0x4f4: {  	[tilespmem:v2+s2+$0x10 ss:$0x1] =	vst.idx.msk $0xffff, v1  }
0x4f5: {  	[tilespmem:v2+s2+$0x20 ss:$0x1] =	vst.idx.msk $0xffff, v1  }
0x4f6: {  	s1 =	simm.s32 $0x4000;
	[tilespmem:v2+s2+$0x30 ss:$0x1] =	vst.idx.msk $0xffff, v1  }
.LBB2_18:
0x4f7: {  	s7 =	sshra.s32 s1, $0x2;
	p3 =	sne.s32 s1, $0x30000;
	[tilespmem:v2+s2+$0x40 ss:$0x1] =	vst.idx.msk $0xffff, v1  }
0x4f8: {  	[tilespmem:v2+s7+$0x0 ss:$0x1] =	vst.idx.msk $0xffff, v1  }
0x4f9: {  	[tilespmem:v2+s2+$0x50 ss:$0x1] =	vst.idx.msk $0xffff, v1  }
0x4fa: {  	[tilespmem:v2+s2+$0x60 ss:$0x1] =	vst.idx.msk $0xffff, v1  }
0x4fb: {  	[tilespmem:v2+s2+$0x70 ss:$0x1] =	vst.idx.msk $0xffff, v1  }
0x4fc: {  	[tilespmem:v2+s2+$0x80 ss:$0x1] =	vst.idx.msk $0xffff, v1  }
0x4fd: {  	[tilespmem:v2+s2+$0x90 ss:$0x1] =	vst.idx.msk $0xffff, v1  }
0x4fe: {  	[tilespmem:v2+s2+$0xA0 ss:$0x1] =	vst.idx.msk $0xffff, v1  }
0x4ff: {  	[tilespmem:v2+s2+$0xB0 ss:$0x1] =	vst.idx.msk $0xffff, v1  }
0x500: {  	[tilespmem:v2+s2+$0xC0 ss:$0x1] =	vst.idx.msk $0xffff, v1  }
0x501: {  	[tilespmem:v2+s2+$0xD0 ss:$0x1] =	vst.idx.msk $0xffff, v1  }
0x502: {  	[tilespmem:v2+s2+$0xE0 ss:$0x1] =	vst.idx.msk $0xffff, v1  }
0x503: {  	[tilespmem:v2+s2+$0xF0 ss:$0x1] =	vst.idx.msk $0xffff, v1  }
0x504: {  	[tilespmem:v2+s2+$0x100 ss:$0x1] =	vst.idx.msk $0xffff, v1  }
0x505: {  	[tilespmem:v2+s2+$0x110 ss:$0x1] =	vst.idx.msk $0xffff, v1  }
0x506: {  	[tilespmem:v2+s2+$0x120 ss:$0x1] =	vst.idx.msk $0xffff, v1  }
0x507: {  	[tilespmem:v2+s2+$0x130 ss:$0x1] =	vst.idx.msk $0xffff, v1  }
0x508: {  	[tilespmem:v2+s2+$0x140 ss:$0x1] =	vst.idx.msk $0xffff, v1  }
0x509: {  	[tilespmem:v2+s2+$0x150 ss:$0x1] =	vst.idx.msk $0xffff, v1  }
0x50a: {  	[tilespmem:v2+s2+$0x160 ss:$0x1] =	vst.idx.msk $0xffff, v1  }
0x50b: {  	[tilespmem:v2+s2+$0x170 ss:$0x1] =	vst.idx.msk $0xffff, v1  }
0x50c: {  	[tilespmem:v2+s2+$0x180 ss:$0x1] =	vst.idx.msk $0xffff, v1  }
0x50d: {  	[tilespmem:v2+s2+$0x190 ss:$0x1] =	vst.idx.msk $0xffff, v1  }
0x50e: {  	[tilespmem:v2+s2+$0x1A0 ss:$0x1] =	vst.idx.msk $0xffff, v1  }
0x50f: {  	[tilespmem:v2+s2+$0x1B0 ss:$0x1] =	vst.idx.msk $0xffff, v1  }
0x510: {  	[tilespmem:v2+s2+$0x1C0 ss:$0x1] =	vst.idx.msk $0xffff, v1  }
0x511: {  	[tilespmem:v2+s2+$0x1D0 ss:$0x1] =	vst.idx.msk $0xffff, v1  }
0x512: {  	[tilespmem:v2+s2+$0x1E0 ss:$0x1] =	vst.idx.msk $0xffff, v1  }
0x513: {  	[tilespmem:v2+s2+$0x1F0 ss:$0x1] =	vst.idx.msk $0xffff, v1  }
0x514: {  	[tilespmem:v2+s2+$0x200 ss:$0x1] =	vst.idx.msk $0xffff, v1  }
0x515: {  	[tilespmem:v2+s2+$0x210 ss:$0x1] =	vst.idx.msk $0xffff, v1  }
0x516: {  	[tilespmem:v2+s2+$0x220 ss:$0x1] =	vst.idx.msk $0xffff, v1  }
0x517: {  	[tilespmem:v2+s2+$0x230 ss:$0x1] =	vst.idx.msk $0xffff, v1  }
0x518: {  	[tilespmem:v2+s2+$0x240 ss:$0x1] =	vst.idx.msk $0xffff, v1  }
0x519: {  	[tilespmem:v2+s2+$0x250 ss:$0x1] =	vst.idx.msk $0xffff, v1  }
0x51a: {  	[tilespmem:v2+s2+$0x260 ss:$0x1] =	vst.idx.msk $0xffff, v1  }
0x51b: {  	[tilespmem:v2+s2+$0x270 ss:$0x1] =	vst.idx.msk $0xffff, v1  }
0x51c: {  	[tilespmem:v2+s2+$0x280 ss:$0x1] =	vst.idx.msk $0xffff, v1  }
0x51d: {  	[tilespmem:v2+s2+$0x290 ss:$0x1] =	vst.idx.msk $0xffff, v1  }
0x51e: {  	[tilespmem:v2+s2+$0x2A0 ss:$0x1] =	vst.idx.msk $0xffff, v1  }
0x51f: {  	[tilespmem:v2+s2+$0x2B0 ss:$0x1] =	vst.idx.msk $0xffff, v1  }
0x520: {  	[tilespmem:v2+s2+$0x2C0 ss:$0x1] =	vst.idx.msk $0xffff, v1  }
0x521: {  	[tilespmem:v2+s2+$0x2D0 ss:$0x1] =	vst.idx.msk $0xffff, v1  }
0x522: {  	[tilespmem:v2+s2+$0x2E0 ss:$0x1] =	vst.idx.msk $0xffff, v1  }
0x523: {  	[tilespmem:v2+s2+$0x2F0 ss:$0x1] =	vst.idx.msk $0xffff, v1  }
0x524: {  	[tilespmem:v2+s2+$0x300 ss:$0x1] =	vst.idx.msk $0xffff, v1  }
0x525: {  	[tilespmem:v2+s2+$0x310 ss:$0x1] =	vst.idx.msk $0xffff, v1  }
.Ltmp10:
0x526: {  	[tilespmem:v2+s2+$0x320 ss:$0x1] =	vst.idx.msk $0xffff, v1;
	(pc) =	sbr.rel @p3 .LBB2_18-.Ltmp10, $4  }
0x527: {  	[tilespmem:v2+s2+$0x330 ss:$0x1] =	vst.idx.msk $0xffff, v1;
	s2 =	smov.u32 s7  }
0x528: {  	[tilespmem:v2+s2+$0x10 ss:$0x1] =	vst.idx.msk $0xffff, v1  }
0x529: {  	[tilespmem:v2+s2+$0x20 ss:$0x1] =	vst.idx.msk $0xffff, v1  }
0x52a: {  	s1 =	sadd.s32 $0x4000, s1;
	[tilespmem:v2+s2+$0x30 ss:$0x1] =	vst.idx.msk $0xffff, v1  }
0x52b: {  	_ =	sdelay $0x3  }
0x52c: {  	[tilespmem:v2+s2+$0x40 ss:$0x1] =	vst.idx.msk $0xffff, v1  }
0x52d: {  	[tilespmem:v2+s2+$0x50 ss:$0x1] =	vst.idx.msk $0xffff, v1  }
0x52e: {  	[tilespmem:v2+s2+$0x60 ss:$0x1] =	vst.idx.msk $0xffff, v1  }
0x52f: {  	[tilespmem:v2+s2+$0x70 ss:$0x1] =	vst.idx.msk $0xffff, v1  }
0x530: {  	[tilespmem:v2+s2+$0x80 ss:$0x1] =	vst.idx.msk $0xffff, v1  }
0x531: {  	[tilespmem:v2+s2+$0x90 ss:$0x1] =	vst.idx.msk $0xffff, v1  }
0x532: {  	[tilespmem:v2+s2+$0xA0 ss:$0x1] =	vst.idx.msk $0xffff, v1  }
0x533: {  	[tilespmem:v2+s2+$0xB0 ss:$0x1] =	vst.idx.msk $0xffff, v1  }
0x534: {  	[tilespmem:v2+s2+$0xC0 ss:$0x1] =	vst.idx.msk $0xffff, v1  }
0x535: {  	[tilespmem:v2+s2+$0xD0 ss:$0x1] =	vst.idx.msk $0xffff, v1  }
0x536: {  	[tilespmem:v2+s2+$0xE0 ss:$0x1] =	vst.idx.msk $0xffff, v1  }
0x537: {  	[tilespmem:v2+s2+$0xF0 ss:$0x1] =	vst.idx.msk $0xffff, v1  }
0x538: {  	[tilespmem:v2+s2+$0x100 ss:$0x1] =	vst.idx.msk $0xffff, v1  }
0x539: {  	[tilespmem:v2+s2+$0x110 ss:$0x1] =	vst.idx.msk $0xffff, v1  }
0x53a: {  	[tilespmem:v2+s2+$0x120 ss:$0x1] =	vst.idx.msk $0xffff, v1  }
0x53b: {  	[tilespmem:v2+s2+$0x130 ss:$0x1] =	vst.idx.msk $0xffff, v1  }
0x53c: {  	[tilespmem:v2+s2+$0x140 ss:$0x1] =	vst.idx.msk $0xffff, v1  }
0x53d: {  	[tilespmem:v2+s2+$0x150 ss:$0x1] =	vst.idx.msk $0xffff, v1  }
0x53e: {  	[tilespmem:v2+s2+$0x160 ss:$0x1] =	vst.idx.msk $0xffff, v1  }
0x53f: {  	[tilespmem:v2+s2+$0x170 ss:$0x1] =	vst.idx.msk $0xffff, v1  }
0x540: {  	[tilespmem:v2+s2+$0x180 ss:$0x1] =	vst.idx.msk $0xffff, v1  }
0x541: {  	[tilespmem:v2+s2+$0x190 ss:$0x1] =	vst.idx.msk $0xffff, v1  }
0x542: {  	[tilespmem:v2+s2+$0x1A0 ss:$0x1] =	vst.idx.msk $0xffff, v1  }
0x543: {  	[tilespmem:v2+s2+$0x1B0 ss:$0x1] =	vst.idx.msk $0xffff, v1  }
0x544: {  	[tilespmem:v2+s2+$0x1C0 ss:$0x1] =	vst.idx.msk $0xffff, v1  }
0x545: {  	[tilespmem:v2+s2+$0x1D0 ss:$0x1] =	vst.idx.msk $0xffff, v1  }
0x546: {  	[tilespmem:v2+s2+$0x1E0 ss:$0x1] =	vst.idx.msk $0xffff, v1  }
0x547: {  	[tilespmem:v2+s2+$0x1F0 ss:$0x1] =	vst.idx.msk $0xffff, v1  }
0x548: {  	[tilespmem:v2+s2+$0x200 ss:$0x1] =	vst.idx.msk $0xffff, v1  }
0x549: {  	[tilespmem:v2+s2+$0x210 ss:$0x1] =	vst.idx.msk $0xffff, v1  }
0x54a: {  	[tilespmem:v2+s2+$0x220 ss:$0x1] =	vst.idx.msk $0xffff, v1  }
0x54b: {  	[tilespmem:v2+s2+$0x230 ss:$0x1] =	vst.idx.msk $0xffff, v1  }
0x54c: {  	[tilespmem:v2+s2+$0x240 ss:$0x1] =	vst.idx.msk $0xffff, v1  }
0x54d: {  	[tilespmem:v2+s2+$0x250 ss:$0x1] =	vst.idx.msk $0xffff, v1  }
0x54e: {  	[tilespmem:v2+s2+$0x260 ss:$0x1] =	vst.idx.msk $0xffff, v1  }
0x54f: {  	[tilespmem:v2+s2+$0x270 ss:$0x1] =	vst.idx.msk $0xffff, v1  }
0x550: {  	[tilespmem:v2+s2+$0x280 ss:$0x1] =	vst.idx.msk $0xffff, v1  }
0x551: {  	[tilespmem:v2+s2+$0x290 ss:$0x1] =	vst.idx.msk $0xffff, v1  }
0x552: {  	[tilespmem:v2+s2+$0x2A0 ss:$0x1] =	vst.idx.msk $0xffff, v1  }
0x553: {  	[tilespmem:v2+s2+$0x2B0 ss:$0x1] =	vst.idx.msk $0xffff, v1  }
0x554: {  	[tilespmem:v2+s2+$0x2C0 ss:$0x1] =	vst.idx.msk $0xffff, v1  }
0x555: {  	[tilespmem:v2+s2+$0x2D0 ss:$0x1] =	vst.idx.msk $0xffff, v1  }
0x556: {  	s1 =	sadd.s32 $0x7230, s28;
	[tilespmem:v2+s2+$0x2E0 ss:$0x1] =	vst.idx.msk $0xffff, v1  }
0x557: {  	v3 =	vmov s1;
	[tilespmem:v2+s2+$0x2F0 ss:$0x1] =	vst.idx.msk $0xffff, v1  }
0x558: {  	[tilespmem:v2+s2+$0x300 ss:$0x1] =	vst.idx.msk $0xffff, v1  }
0x559: {  	[tilespmem:v2+s2+$0x310 ss:$0x1] =	vst.idx.msk $0xffff, v1  }
0x55a: {  	[tilespmem:v2+s2+$0x320 ss:$0x1] =	vst.idx.msk $0xffff, v1  }
0x55b: {  	s1 =	simm.s32 $0x0;
	[tilespmem:v2+s2+$0x330 ss:$0x1] =	vst.idx.msk $0xffff, v1  }
0x55c: {  	[tilespmem:v3+s1+$0xFFFFDFD0 ss:$0x1] =	vst.idx.msk $0xffff, v1  }
0x55d: {  	[tilespmem:v3+s1+$0xFFFFDFE0 ss:$0x1] =	vst.idx.msk $0xffff, v1  }
0x55e: {  	[tilespmem:v3+s1+$0xFFFFDFF0 ss:$0x1] =	vst.idx.msk $0xffff, v1  }
0x55f: {  	[tilespmem:v3+s1+$0xFFFFE000 ss:$0x1] =	vst.idx.msk $0xffff, v1  }
0x560: {  	[tilespmem:v3+s1+$0xFFFFEFD0 ss:$0x1] =	vst.idx.msk $0xffff, v1  }
0x561: {  	[tilespmem:v3+s1+$0xFFFFEFE0 ss:$0x1] =	vst.idx.msk $0xffff, v1  }
0x562: {  	[tilespmem:v3+s1+$0xFFFFEFF0 ss:$0x1] =	vst.idx.msk $0xffff, v1  }
0x563: {  	[tilespmem:v3+s1+$0xFFFFF000 ss:$0x1] =	vst.idx.msk $0xffff, v1  }
0x564: {  	[tilespmem:v3+s1+$0xFFFFFFD0 ss:$0x1] =	vst.idx.msk $0xffff, v1  }
0x565: {  	[tilespmem:v3+s1+$0xFFFFFFE0 ss:$0x1] =	vst.idx.msk $0xffff, v1  }
0x566: {  	s2 =	simm.s32 $0x100;
	[tilespmem:v3+s1+$0xFFFFFFF0 ss:$0x1] =	vst.idx.msk $0xffff, v1  }
.LBB2_20:
0x567: {  	p3 =	sne.s32 s2, $0xC00;
	[tilespmem:v3+s1+$0x0 ss:$0x1] =	vst.idx.msk $0xffff, v1;
	s1 =	sshra.s32 s2, $0x2;
	s2 =	sadd.s32 $0x100, s2  }
0x568: {  	[tilespmem:v3+s1+$0xFFFFDFD0 ss:$0x1] =	vst.idx.msk $0xffff, v1  }
0x569: {  	[tilespmem:v3+s1+$0xFFFFDFE0 ss:$0x1] =	vst.idx.msk $0xffff, v1  }
0x56a: {  	[tilespmem:v3+s1+$0xFFFFDFF0 ss:$0x1] =	vst.idx.msk $0xffff, v1  }
0x56b: {  	[tilespmem:v3+s1+$0xFFFFE000 ss:$0x1] =	vst.idx.msk $0xffff, v1  }
0x56c: {  	[tilespmem:v3+s1+$0xFFFFEFD0 ss:$0x1] =	vst.idx.msk $0xffff, v1  }
0x56d: {  	[tilespmem:v3+s1+$0xFFFFEFE0 ss:$0x1] =	vst.idx.msk $0xffff, v1  }
.Ltmp11:
0x56e: {  	[tilespmem:v3+s1+$0xFFFFEFF0 ss:$0x1] =	vst.idx.msk $0xffff, v1;
	(pc) =	sbr.rel @p3 .LBB2_20-.Ltmp11, $4  }
0x56f: {  	[tilespmem:v3+s1+$0xFFFFF000 ss:$0x1] =	vst.idx.msk $0xffff, v1  }
0x570: {  	[tilespmem:v3+s1+$0xFFFFFFD0 ss:$0x1] =	vst.idx.msk $0xffff, v1  }
0x571: {  	[tilespmem:v3+s1+$0xFFFFFFE0 ss:$0x1] =	vst.idx.msk $0xffff, v1  }
0x572: {  	[tilespmem:v3+s1+$0xFFFFFFF0 ss:$0x1] =	vst.idx.msk $0xffff, v1  }
.Ltmp12:
0x573: {  	_ = 	snop;
	(pc) =	sbr.rel @p2 .LBB2_33-.Ltmp12, $2  }
0x574: {  	_ =	sdelay $0x2  }
0x575: {  	[tilespmem:v3+s1+$0x0 ss:$0x1] =	vst.idx.msk $0xffff, v1  }
0x576: {  	s1 =	rddreg [dreg:$0x13]  }
0x577: {  	v2 =	vld [tilespmem:s1+$0x0];
	_ =	sdelay $0x4  }
0x578: {  	(v2sf) =	vpush v2, $0x0  }
0x579: {  	(v2sf) =	vpush v2, $0x1  }
0x57a: {  	(v2sf) =	vpush v2, $0x2;
	_ =	sdelay $0xc  }
0x57b: {  	s31 =	spop (v2sf)  }
0x57c: {  	s2 =	spop (v2sf)  }
0x57d: {  	s30 =	spop (v2sf)  }
0x57e: {  	s7 =	sadd.s32 $0xFFFFFFF9, s30  }
0x57f: {  	p3 =	sgt.s32 s7, $0x0  }
0x580: {  	p4 =	slt.s32 s7, $0x1;
	s7 =	simm.s32 @!p3 $0x0  }
0x581: {  	s13 =	smin.u32 s7, $0x33  }
0x582: {  	s7 =	sand.u32 $0x3, s13  }
0x583: {  	p6 =	sne.s32 s7, $0x0  }
0x584: {  	s12 =	simm.s32 $0x1;
	p3 =	por !p4, !p6  }
0x585: {  	s19 =	ssub.s32 $0x3F, s31;
	s23 =	ssub.s32 $0x4F, s31;
	p3 =	por !p3, !p3  }
0x586: {  	s16 =	sadd.s32 $0xFFFFFFFA, s2;
	s17 =	sshrl.u32 s13, $0x2;
	s12 =	simm.s32 @!p3 $0x0  }
0x587: {  	s25 =	ssub.s32 $0x5F, s31;
	p3 =	sgt.s32 s16, $0x0;
	s17 =	ssub.s32 s17, s12  }
0x588: {  	s1 =	ssub.s32 $0x6F, s31;
	v6 =	vadd.s32 s19, v0;
	v7 =	vadd.s32 s23, v0;
	s16 =	simm.s32 @!p3 $0x0;
	p3 =	slt.s32 s17, $0xB  }
0x589: {  	v8 =	vadd.s32 s25, v0;
	v9 =	vadd.s32 s1, v0;
	vm0 =	vgt.s32 v6, $0x0;
	s26 =	sshll.u32 s13, $0x6;
	s7 =	smin.u32 s16, $0x33;
	s17 =	simm.s32 @!p3 $0xB  }
0x58a: {  	vm1 =	vgt.s32 v9, $0x0;
	vm2 =	vlt.u32 v7, $0xD;
	vm3 =	vlt.u32 v6, $0xD;
	s28 =	sor.u32 s26, s7;
	s29 =	sshll.u32 s17, $0x8  }
0x58b: {  	v2 =	vnsel vm0, $0x0, v6;
	vm0 =	vgt.s32 v7, $0x0;
	v10 =	vnsel vm1, $0x0, v9;
	s1 =	ssub.s32 s28, s29  }
0x58c: {  	vm1 =	vlt.u32 v8, $0xD;
	v3 =	vnsel vm0, $0x0, v7;
	vm0 =	vgt.s32 v8, $0x0;
	s31 =	ssub.s32 s13, s30;
	s1 =	sshll.u32 s1, $0x8  }
0x58d: {  	v2 =	vmin.u32 v2, $0xC;
	v4 =	vmin.u32 v3, $0xC;
	v3 =	vnsel vm0, $0x0, v8;
	s16 =	simm.s32 $0x0;
	s2 =	ssub.s32 s7, s2;
	s1 =	sshra.s32 s1, $0x2  }
0x58e: {  	vm0 =	vlt.u32 v9, $0xD;
	v5 =	vmin.u32 v3, $0xC;
	v3 =	vmin.u32 v10, $0xC;
	s25 =	sadd.s32 $0x6, s2;
	s2 =	sadd.s32 $0x7, s31;
	s12 =	sadd.s32 $0x8220, s1  }
.LBB2_23:
0x58f: {  	s1 =	sadd.s32 s16, s2  }
0x590: {  	p4 =	sgt.s32 s1, $0x0  }
0x591: {  	p3 =	slt.u32 s1, $0xD;
	s1 =	simm.s32 @!p4 $0x0  }
0x592: {  	s19 =	sadd.s32 $0x0, s25;
	s1 =	smin.u32 s1, $0xC  }
0x593: {  	p4 =	sgt.s32 s19, $0x0;
	v6 =	vmov s1  }
0x594: {  	p5 =	slt.u32 s19, $0xD;
	s19 =	simm.s32 @!p4 $0x0;
	v6 =	vmul.u32 $0xD, v6  }
0x595: {  	s31 =	smin.u32 s19, $0xC  }
0x596: {  	v7 =	vadd.s32 s31, v6  }
0x597: {  	v7 =	vshll.u32 v7, $0x4  }
0x598: {  	v8 =	vbroadcast v7, $0x0;
	_ =	sdelay $0x1  }
0x599: {  	v7 =	vor.u32 v2, v8;
	_ =	sdelay $0x4  }
0x59a: {  	s1 =	simm.f32 $1.000000000e+00;
	v9 =	vld.idx.msk [tilespmem:v7+s24+$0x0], $0xffff  }
0x59b: {  	s1 =	simm.s32 @!p5 $0x0  }
0x59c: {  	s1 =	simm.s32 @!p3 $0x0  }
0x59d: {  	v10 =	vor.u32 v4, v8;
	v7 =	vmov s1  }
0x59e: {  	v11 =	vnsel vm3, $0x0, v7  }
0x59f: {  	v9 =	vmul.f32 v9, v11;
	_ =	sdelay $0x1  }
0x5a0: {  	[tilespmem:s12+$0xFFFFFFE0] =	vst v9  }
0x5a1: {  	v9 =	vld.idx.msk [tilespmem:v10+s24+$0x0], $0xffff;
	_ =	sdelay $0x2  }
0x5a2: {  	v10 =	vor.u32 v5, v8  }
0x5a3: {  	v11 =	vnsel vm2, $0x0, v7  }
0x5a4: {  	v9 =	vmul.f32 v9, v11;
	_ =	sdelay $0x1  }
0x5a5: {  	[tilespmem:s12+$0xFFFFFFF0] =	vst v9  }
0x5a6: {  	v9 =	vld.idx.msk [tilespmem:v10+s24+$0x0], $0xffff;
	_ =	sdelay $0x2  }
0x5a7: {  	v8 =	vor.u32 v3, v8  }
0x5a8: {  	s26 =	sadd.s32 $0x1, s25;
	s23 =	simm.s32 $0x2;
	s1 =	smov.u32 s12;
	v10 =	vnsel vm1, $0x0, v7  }
.LBB2_24:
0x5a9: {  	p4 =	sne.s32 s23, $0xC;
	p5 =	sgt.s32 s26, $0x0;
	v9 =	vmul.f32 v9, v10;
	s19 =	smov.u32 s26  }
0x5aa: {  	s19 =	simm.s32 @!p5 $0x0  }
0x5ab: {  	s19 =	smin.u32 s19, $0xC;
	[tilespmem:s1+$0x0] =	vst v9  }
0x5ac: {  	v9 =	vadd.s32 s19, v6;
	v8 =	vld.idx.msk [tilespmem:v8+s24+$0x0], $0xffff  }
0x5ad: {  	v9 =	vshll.u32 v9, $0x4  }
0x5ae: {  	v10 =	vbroadcast v9, $0x0;
	_ =	sdelay $0x1  }
0x5af: {  	v9 =	vor.u32 v2, v10  }
0x5b0: {  	v7 =	vnsel vm0, $0x0, v7  }
0x5b1: {  	v7 =	vmul.f32 v8, v7;
	_ =	sdelay $0x1  }
0x5b2: {  	[tilespmem:s1+$0x10] =	vst v7  }
0x5b3: {  	v8 =	vld.idx.msk [tilespmem:v9+s24+$0x0], $0xffff  }
0x5b4: {  	p5 =	slt.u32 s26, $0xD;
	s19 =	simm.f32 $1.000000000e+00  }
0x5b5: {  	s19 =	simm.s32 @!p5 $0x0  }
0x5b6: {  	s19 =	simm.s32 @!p3 $0x0  }
0x5b7: {  	v7 =	vmov s19;
	v9 =	vor.u32 v4, v10  }
0x5b8: {  	v11 =	vnsel vm3, $0x0, v7  }
0x5b9: {  	v8 =	vmul.f32 v8, v11  }
0x5ba: {  	s1 =	sadd.s32 $0x40, s1  }
0x5bb: {  	[tilespmem:s1+$0xFFFFFFE0] =	vst v8  }
0x5bc: {  	v8 =	vld.idx.msk [tilespmem:v9+s24+$0x0], $0xffff;
	_ =	sdelay $0x3  }
0x5bd: {  	v9 =	vor.u32 v5, v10  }
0x5be: {  	v11 =	vnsel vm2, $0x0, v7  }
0x5bf: {  	v8 =	vmul.f32 v8, v11;
	_ =	sdelay $0x1  }
0x5c0: {  	[tilespmem:s1+$0xFFFFFFF0] =	vst v8  }
0x5c1: {  	v9 =	vld.idx.msk [tilespmem:v9+s24+$0x0], $0xffff  }
.Ltmp13:
0x5c2: {  	(pc) =	sbr.rel @p4 .LBB2_24-.Ltmp13, $3  }
0x5c3: {  	_ =	sdelay $0x1  }
0x5c4: {  	v8 =	vor.u32 v3, v10  }
0x5c5: {  	s26 =	sadd.s32 s23, s25;
	s23 =	sadd.s32 $0x1, s23;
	v10 =	vnsel vm1, $0x0, v7  }
0x5c6: {  	p4 =	sgt.s32 s26, $0x0;
	s19 =	smov.u32 s26  }
0x5c7: {  	v9 =	vmul.f32 v9, v10;
	s19 =	simm.s32 @!p4 $0x0  }
0x5c8: {  	s19 =	smin.u32 s19, $0xC  }
0x5c9: {  	[tilespmem:s1+$0x0] =	vst v9;
	v6 =	vadd.s32 s19, v6  }
0x5ca: {  	v8 =	vld.idx.msk [tilespmem:v8+s24+$0x0], $0xffff;
	v6 =	vshll.u32 v6, $0x4  }
0x5cb: {  	v6 =	vbroadcast v6, $0x0;
	_ =	sdelay $0x1  }
0x5cc: {  	v57 =	vor.u32 v2, v6  }
0x5cd: {  	v7 =	vnsel vm0, $0x0, v7  }
0x5ce: {  	v7 =	vmul.f32 v8, v7;
	_ =	sdelay $0x1  }
0x5cf: {  	[tilespmem:s1+$0x10] =	vst v7  }
0x5d0: {  	p4 =	slt.u32 s26, $0xD;
	s19 =	simm.f32 $1.000000000e+00;
	v7 =	vld.idx.msk [tilespmem:v57+s24+$0x0], $0xffff  }
0x5d1: {  	s19 =	simm.s32 @!p4 $0x0  }
0x5d2: {  	s19 =	simm.s32 @!p3 $0x0  }
0x5d3: {  	v58 =	vmov s19;
	v59 =	vor.u32 v4, v6  }
0x5d4: {  	v60 =	vnsel vm3, $0x0, v58  }
0x5d5: {  	v7 =	vmul.f32 v7, v60  }
0x5d6: {  	s31 =	sadd.s32 $0x40, s1  }
0x5d7: {  	[tilespmem:s31+$0xFFFFFFE0] =	vst v7  }
0x5d8: {  	v7 =	vld.idx.msk [tilespmem:v59+s24+$0x0], $0xffff;
	_ =	sdelay $0x2  }
0x5d9: {  	v61 =	vor.u32 v5, v6  }
0x5da: {  	v62 =	vnsel vm2, $0x0, v58  }
0x5db: {  	v7 =	vmul.f32 v7, v62;
	_ =	sdelay $0x1  }
0x5dc: {  	[tilespmem:s31+$0xFFFFFFF0] =	vst v7  }
0x5dd: {  	v7 =	vld.idx.msk [tilespmem:v61+s24+$0x0], $0xffff;
	_ =	sdelay $0x2  }
0x5de: {  	v6 =	vor.u32 v3, v6  }
0x5df: {  	v63 =	vnsel vm1, $0x0, v58  }
0x5e0: {  	v7 =	vmul.f32 v7, v63;
	_ =	sdelay $0x1  }
0x5e1: {  	[tilespmem:s31+$0x0] =	vst v7  }
0x5e2: {  	v6 =	vld.idx.msk [tilespmem:v6+s24+$0x0], $0xffff  }
0x5e3: {  	s16 =	sadd.s32 $0x1, s16  }
0x5e4: {  	p3 =	sne.s32 s16, $0xD  }
.Ltmp14:
0x5e5: {  	_ = 	snop;
	(pc) =	sbr.rel @p3 .LBB2_23-.Ltmp14, $3  }
0x5e6: {  	v7 =	vnsel vm0, $0x0, v58  }
0x5e7: {  	v6 =	vmul.f32 v6, v7;
	_ =	sdelay $0x1  }
0x5e8: {  	s12 =	sadd.s32 $0x1000, s12;
	[tilespmem:s31+$0x10] =	vst v6  }
0x5e9: {  	s1 =	sadd.s32 $0x0, s25  }
0x5ea: {  	p4 =	sgt.s32 s1, $0x0  }
0x5eb: {  	p3 =	slt.u32 s1, $0xD;
	s1 =	simm.s32 @!p4 $0x0  }
0x5ec: {  	s1 =	smin.u32 s1, $0xC  }
0x5ed: {  	v6 =	vmov s1  }
0x5ee: {  	s26 =	sadd.s32 $0x3F, s30;
	v6 =	vshll.u32 v6, $0x4  }
0x5ef: {  	s2 =	sand.u32 $0x3F, s26;
	v6 =	vbroadcast v6, $0x0  }
0x5f0: {  	s12 =	sshra.s32 s26, $0x1F;
	p6 =	slt.s32 s26, $0x1;
	p5 =	sne.s32 s2, $0x0  }
0x5f1: {  	s12 =	sshrl.u32 s12, $0x1A;
	p4 =	por !p6, !p5;
	v7 =	vor.u32 v2, v6  }
0x5f2: {  	s2 =	simm.s32 $0x1;
	s1 =	sadd.s32 s12, s26;
	p4 =	por !p4, !p4  }
0x5f3: {  	s1 =	sshra.s32 s1, $0x6;
	s2 =	simm.s32 @!p4 $0x0  }
0x5f4: {  	s1 =	ssub.s32 s1, s2  }
0x5f5: {  	s31 =	simm.f32 $1.000000000e+00;
	p4 =	sgt.s32 s1, $0x0;
	s1 =	simm.f32 $1.000000000e+00  }
0x5f6: {  	s31 =	simm.s32 @!p4 $0x0;
	s1 =	simm.s32 @!p3 $0x0;
	v7 =	vld.idx.msk [tilespmem:v7+s6+$0x0], $0xffff  }
0x5f7: {  	s16 =	smul.f32 s31, s1;
	_ =	sdelay $0x1  }
0x5f8: {  	v9 =	vor.u32 v4, v6;
	v8 =	vmov s16  }
0x5f9: {  	s28 =	sshll.u32 s7, $0x8;
	v10 =	vnsel vm3, $0x0, v8  }
0x5fa: {  	s23 =	sshrl.u32 s28, $0x2;
	v7 =	vmul.f32 v7, v10  }
0x5fb: {  	s12 =	sadd.s32 $0x6220, s23  }
0x5fc: {  	[tilespmem:s12+$0xFFFFEFE0] =	vst v7  }
0x5fd: {  	v7 =	vld.idx.msk [tilespmem:v9+s6+$0x0], $0xffff;
	_ =	sdelay $0x2  }
0x5fe: {  	v9 =	vor.u32 v5, v6  }
0x5ff: {  	v10 =	vnsel vm2, $0x0, v8  }
0x600: {  	v7 =	vmul.f32 v7, v10;
	_ =	sdelay $0x1  }
0x601: {  	[tilespmem:s12+$0xFFFFEFF0] =	vst v7  }
0x602: {  	v7 =	vld.idx.msk [tilespmem:v9+s6+$0x0], $0xffff;
	_ =	sdelay $0x2  }
0x603: {  	v9 =	vor.u32 v3, v6  }
0x604: {  	v10 =	vnsel vm1, $0x0, v8  }
0x605: {  	v7 =	vmul.f32 v7, v10;
	_ =	sdelay $0x1  }
0x606: {  	[tilespmem:s12+$0xFFFFF000] =	vst v7  }
0x607: {  	s19 =	sshll.u32 s30, $0x1;
	v7 =	vld.idx.msk [tilespmem:v9+s6+$0x0], $0xffff  }
0x608: {  	s2 =	sadd.s32 $0x3F, s19  }
0x609: {  	s26 =	sshra.s32 s2, $0x1F;
	v9 =	vadd.s32 $0xD0, v6  }
0x60a: {  	s16 =	sshrl.u32 s26, $0x1A;
	v10 =	vor.u32 v2, v9  }
0x60b: {  	s2 =	sadd.s32 s16, s2;
	v8 =	vnsel vm0, $0x0, v8  }
0x60c: {  	s2 =	sshra.s32 s2, $0x6;
	v7 =	vmul.f32 v7, v8  }
0x60d: {  	s29 =	sadd.s32 s26, s2  }
0x60e: {  	s16 =	simm.f32 $1.000000000e+00;
	p3 =	sgt.s32 s29, $0x0;
	[tilespmem:s12+$0xFFFFF010] =	vst v7  }
0x60f: {  	s16 =	simm.s32 @!p3 $0x0;
	v7 =	vld.idx.msk [tilespmem:v10+s6+$0x0], $0xffff  }
0x610: {  	s7 =	smul.f32 s16, s1;
	_ =	sdelay $0x1  }
0x611: {  	v8 =	vmov s7;
	v10 =	vor.u32 v4, v9  }
0x612: {  	v11 =	vnsel vm3, $0x0, v8  }
0x613: {  	v7 =	vmul.f32 v7, v11;
	_ =	sdelay $0x1  }
0x614: {  	[tilespmem:s12+$0xFFFFFFE0] =	vst v7  }
0x615: {  	v7 =	vld.idx.msk [tilespmem:v10+s6+$0x0], $0xffff;
	_ =	sdelay $0x2  }
0x616: {  	v10 =	vor.u32 v5, v9  }
0x617: {  	v11 =	vnsel vm2, $0x0, v8  }
0x618: {  	v7 =	vmul.f32 v7, v11;
	_ =	sdelay $0x1  }
0x619: {  	[tilespmem:s12+$0xFFFFFFF0] =	vst v7  }
0x61a: {  	v7 =	vld.idx.msk [tilespmem:v10+s6+$0x0], $0xffff;
	_ =	sdelay $0x2  }
0x61b: {  	v9 =	vor.u32 v3, v9  }
0x61c: {  	v10 =	vnsel vm1, $0x0, v8  }
0x61d: {  	v7 =	vmul.f32 v7, v10;
	_ =	sdelay $0x1  }
0x61e: {  	[tilespmem:s12+$0x0] =	vst v7  }
0x61f: {  	s19 =	sshll.u32 s30, $0x2;
	v7 =	vld.idx.msk [tilespmem:v9+s6+$0x0], $0xffff  }
0x620: {  	s2 =	sadd.s32 $0x3F, s19  }
0x621: {  	s26 =	sshra.s32 s2, $0x1F;
	v9 =	vadd.s32 $0x1A0, v6  }
0x622: {  	s19 =	sshrl.u32 s26, $0x1A;
	v6 =	vor.u32 v2, v9  }
0x623: {  	s2 =	sadd.s32 s19, s2;
	v8 =	vnsel vm0, $0x0, v8  }
0x624: {  	s2 =	sshra.s32 s2, $0x6;
	v7 =	vmul.f32 v7, v8  }
0x625: {  	s30 =	sadd.s32 s26, s2  }
0x626: {  	p3 =	sgt.s32 s30, $0x0;
	s7 =	simm.f32 $1.000000000e+00;
	[tilespmem:s12+$0x10] =	vst v7  }
0x627: {  	s7 =	simm.s32 @!p3 $0x0;
	v7 =	vld.idx.msk [tilespmem:v6+s6+$0x0], $0xffff  }
0x628: {  	s1 =	smul.f32 s7, s1;
	_ =	sdelay $0x1  }
0x629: {  	v8 =	vor.u32 v4, v9;
	v6 =	vmov s1  }
0x62a: {  	v10 =	vnsel vm3, $0x0, v6  }
0x62b: {  	v7 =	vmul.f32 v7, v10;
	_ =	sdelay $0x1  }
0x62c: {  	[tilespmem:s12+$0xFE0] =	vst v7  }
0x62d: {  	v7 =	vld.idx.msk [tilespmem:v8+s6+$0x0], $0xffff;
	_ =	sdelay $0x2  }
0x62e: {  	v8 =	vor.u32 v5, v9  }
0x62f: {  	v10 =	vnsel vm2, $0x0, v6  }
0x630: {  	v7 =	vmul.f32 v7, v10;
	_ =	sdelay $0x1  }
0x631: {  	[tilespmem:s12+$0xFF0] =	vst v7  }
0x632: {  	v8 =	vld.idx.msk [tilespmem:v8+s6+$0x0], $0xffff;
	_ =	sdelay $0x2  }
0x633: {  	v7 =	vor.u32 v3, v9  }
0x634: {  	s2 =	simm.s32 $0x2;
	s1 =	sadd.s32 $0x1, s25;
	v9 =	vnsel vm1, $0x0, v6  }
.LBB2_27:
0x635: {  	p3 =	sne.s32 s2, $0xC;
	p4 =	sgt.s32 s1, $0x0;
	v8 =	vmul.f32 v8, v9;
	s19 =	smov.u32 s1  }
0x636: {  	s19 =	simm.s32 @!p4 $0x0  }
0x637: {  	s19 =	smin.u32 s19, $0xC;
	[tilespmem:s12+$0x1000] =	vst v8  }
0x638: {  	v8 =	vmov s19;
	v7 =	vld.idx.msk [tilespmem:v7+s6+$0x0], $0xffff  }
0x639: {  	v8 =	vshll.u32 v8, $0x4  }
0x63a: {  	v8 =	vbroadcast v8, $0x0;
	_ =	sdelay $0x1  }
0x63b: {  	v9 =	vor.u32 v2, v8  }
0x63c: {  	v6 =	vnsel vm0, $0x0, v6  }
0x63d: {  	v6 =	vmul.f32 v7, v6;
	_ =	sdelay $0x1  }
0x63e: {  	[tilespmem:s12+$0x1010] =	vst v6  }
0x63f: {  	p4 =	slt.u32 s1, $0xD;
	s1 =	simm.f32 $1.000000000e+00;
	v6 =	vld.idx.msk [tilespmem:v9+s6+$0x0], $0xffff  }
0x640: {  	s1 =	simm.s32 @!p4 $0x0  }
0x641: {  	s19 =	smul.f32 s31, s1;
	_ =	sdelay $0x1  }
0x642: {  	v7 =	vmov s19;
	v9 =	vor.u32 v4, v8  }
0x643: {  	v10 =	vnsel vm3, $0x0, v7  }
0x644: {  	v6 =	vmul.f32 v6, v10  }
0x645: {  	s12 =	sadd.s32 $0x40, s12  }
0x646: {  	[tilespmem:s12+$0xFFFFEFE0] =	vst v6  }
0x647: {  	v6 =	vld.idx.msk [tilespmem:v9+s6+$0x0], $0xffff;
	_ =	sdelay $0x3  }
0x648: {  	v9 =	vor.u32 v5, v8  }
0x649: {  	v10 =	vnsel vm2, $0x0, v7  }
0x64a: {  	v6 =	vmul.f32 v6, v10;
	_ =	sdelay $0x1  }
0x64b: {  	[tilespmem:s12+$0xFFFFEFF0] =	vst v6  }
0x64c: {  	v6 =	vld.idx.msk [tilespmem:v9+s6+$0x0], $0xffff;
	_ =	sdelay $0x3  }
0x64d: {  	v9 =	vor.u32 v3, v8  }
0x64e: {  	v10 =	vnsel vm1, $0x0, v7  }
0x64f: {  	v6 =	vmul.f32 v6, v10;
	_ =	sdelay $0x1  }
0x650: {  	[tilespmem:s12+$0xFFFFF000] =	vst v6  }
0x651: {  	v6 =	vld.idx.msk [tilespmem:v9+s6+$0x0], $0xffff;
	_ =	sdelay $0x2  }
0x652: {  	v9 =	vadd.s32 $0xD0, v8  }
0x653: {  	v10 =	vor.u32 v2, v9  }
0x654: {  	v7 =	vnsel vm0, $0x0, v7  }
0x655: {  	v6 =	vmul.f32 v6, v7;
	_ =	sdelay $0x1  }
0x656: {  	[tilespmem:s12+$0xFFFFF010] =	vst v6  }
0x657: {  	v6 =	vld.idx.msk [tilespmem:v10+s6+$0x0], $0xffff;
	_ =	sdelay $0x1  }
0x658: {  	s19 =	smul.f32 s16, s1;
	_ =	sdelay $0x1  }
0x659: {  	v7 =	vmov s19;
	v10 =	vor.u32 v4, v9  }
0x65a: {  	v11 =	vnsel vm3, $0x0, v7  }
0x65b: {  	v6 =	vmul.f32 v6, v11;
	_ =	sdelay $0x1  }
0x65c: {  	[tilespmem:s12+$0xFFFFFFE0] =	vst v6  }
0x65d: {  	v6 =	vld.idx.msk [tilespmem:v10+s6+$0x0], $0xffff;
	_ =	sdelay $0x3  }
0x65e: {  	v10 =	vor.u32 v5, v9  }
0x65f: {  	v11 =	vnsel vm2, $0x0, v7  }
0x660: {  	v6 =	vmul.f32 v6, v11;
	_ =	sdelay $0x1  }
0x661: {  	[tilespmem:s12+$0xFFFFFFF0] =	vst v6  }
0x662: {  	v6 =	vld.idx.msk [tilespmem:v10+s6+$0x0], $0xffff;
	_ =	sdelay $0x3  }
0x663: {  	v9 =	vor.u32 v3, v9  }
0x664: {  	v10 =	vnsel vm1, $0x0, v7  }
0x665: {  	v6 =	vmul.f32 v6, v10;
	_ =	sdelay $0x1  }
0x666: {  	[tilespmem:s12+$0x0] =	vst v6  }
0x667: {  	v6 =	vld.idx.msk [tilespmem:v9+s6+$0x0], $0xffff;
	_ =	sdelay $0x2  }
0x668: {  	v9 =	vadd.s32 $0x1A0, v8  }
0x669: {  	v8 =	vor.u32 v2, v9  }
0x66a: {  	v7 =	vnsel vm0, $0x0, v7  }
0x66b: {  	v6 =	vmul.f32 v6, v7;
	_ =	sdelay $0x1  }
0x66c: {  	[tilespmem:s12+$0x10] =	vst v6  }
0x66d: {  	v7 =	vld.idx.msk [tilespmem:v8+s6+$0x0], $0xffff;
	_ =	sdelay $0x1  }
0x66e: {  	s1 =	smul.f32 s7, s1;
	_ =	sdelay $0x1  }
0x66f: {  	v6 =	vmov s1;
	v8 =	vor.u32 v4, v9  }
0x670: {  	v10 =	vnsel vm3, $0x0, v6  }
0x671: {  	v7 =	vmul.f32 v7, v10;
	_ =	sdelay $0x1  }
0x672: {  	[tilespmem:s12+$0xFE0] =	vst v7  }
0x673: {  	v7 =	vld.idx.msk [tilespmem:v8+s6+$0x0], $0xffff;
	_ =	sdelay $0x3  }
0x674: {  	v8 =	vor.u32 v5, v9  }
0x675: {  	v10 =	vnsel vm2, $0x0, v6  }
0x676: {  	v7 =	vmul.f32 v7, v10;
	_ =	sdelay $0x1  }
0x677: {  	[tilespmem:s12+$0xFF0] =	vst v7  }
0x678: {  	v8 =	vld.idx.msk [tilespmem:v8+s6+$0x0], $0xffff  }
.Ltmp15:
0x679: {  	(pc) =	sbr.rel @p3 .LBB2_27-.Ltmp15, $3  }
0x67a: {  	_ =	sdelay $0x1  }
0x67b: {  	v7 =	vor.u32 v3, v9  }
0x67c: {  	s1 =	sadd.s32 s2, s25;
	s2 =	sadd.s32 $0x1, s2;
	v9 =	vnsel vm1, $0x0, v6  }
0x67d: {  	p4 =	sgt.s32 s1, $0x0  }
0x67e: {  	p3 =	slt.u32 s1, $0xD;
	v8 =	vmul.f32 v8, v9;
	s1 =	simm.s32 @!p4 $0x0  }
0x67f: {  	s1 =	smin.u32 s1, $0xC  }
0x680: {  	[tilespmem:s12+$0x1000] =	vst v8;
	v43 =	vmov s1  }
0x681: {  	v7 =	vld.idx.msk [tilespmem:v7+s6+$0x0], $0xffff;
	v8 =	vshll.u32 v43, $0x4  }
0x682: {  	v8 =	vbroadcast v8, $0x0;
	_ =	sdelay $0x1  }
0x683: {  	v44 =	vor.u32 v2, v8  }
0x684: {  	v6 =	vnsel vm0, $0x0, v6  }
0x685: {  	v6 =	vmul.f32 v7, v6;
	_ =	sdelay $0x1  }
0x686: {  	s2 =	simm.f32 $1.000000000e+00;
	[tilespmem:s12+$0x1010] =	vst v6  }
0x687: {  	s2 =	simm.s32 @!p3 $0x0;
	v6 =	vld.idx.msk [tilespmem:v44+s6+$0x0], $0xffff  }
0x688: {  	s25 =	smul.f32 s31, s2;
	_ =	sdelay $0x1  }
0x689: {  	v45 =	vmov s25;
	v46 =	vor.u32 v4, v8  }
0x68a: {  	v10 =	vnsel vm3, $0x0, v45  }
0x68b: {  	v6 =	vmul.f32 v6, v10  }
0x68c: {  	s26 =	sadd.s32 $0x40, s12  }
0x68d: {  	[tilespmem:s26+$0xFFFFEFE0] =	vst v6  }
0x68e: {  	v6 =	vld.idx.msk [tilespmem:v46+s6+$0x0], $0xffff;
	_ =	sdelay $0x2  }
0x68f: {  	v47 =	vor.u32 v5, v8  }
0x690: {  	v48 =	vnsel vm2, $0x0, v45  }
0x691: {  	v6 =	vmul.f32 v6, v48;
	_ =	sdelay $0x1  }
0x692: {  	[tilespmem:s26+$0xFFFFEFF0] =	vst v6  }
0x693: {  	v6 =	vld.idx.msk [tilespmem:v47+s6+$0x0], $0xffff;
	_ =	sdelay $0x2  }
0x694: {  	v49 =	vor.u32 v3, v8  }
0x695: {  	v50 =	vnsel vm1, $0x0, v45  }
0x696: {  	v6 =	vmul.f32 v6, v50;
	_ =	sdelay $0x1  }
0x697: {  	[tilespmem:s26+$0xFFFFF000] =	vst v6  }
0x698: {  	v6 =	vld.idx.msk [tilespmem:v49+s6+$0x0], $0xffff;
	_ =	sdelay $0x1  }
0x699: {  	v51 =	vadd.s32 $0xD0, v8  }
0x69a: {  	v52 =	vor.u32 v2, v51  }
0x69b: {  	v7 =	vnsel vm0, $0x0, v45  }
0x69c: {  	v6 =	vmul.f32 v6, v7;
	_ =	sdelay $0x1  }
0x69d: {  	[tilespmem:s26+$0xFFFFF010] =	vst v6  }
0x69e: {  	v6 =	vld.idx.msk [tilespmem:v52+s6+$0x0], $0xffff  }
0x69f: {  	s31 =	smul.f32 s16, s2;
	_ =	sdelay $0x1  }
0x6a0: {  	v53 =	vmov s31;
	v54 =	vor.u32 v4, v51  }
0x6a1: {  	v11 =	vnsel vm3, $0x0, v53  }
0x6a2: {  	v6 =	vmul.f32 v6, v11;
	_ =	sdelay $0x1  }
0x6a3: {  	[tilespmem:s26+$0xFFFFFFE0] =	vst v6  }
0x6a4: {  	v6 =	vld.idx.msk [tilespmem:v54+s6+$0x0], $0xffff;
	_ =	sdelay $0x2  }
0x6a5: {  	v55 =	vor.u32 v5, v51  }
0x6a6: {  	v56 =	vnsel vm2, $0x0, v53  }
0x6a7: {  	v6 =	vmul.f32 v6, v56;
	_ =	sdelay $0x1  }
0x6a8: {  	[tilespmem:s26+$0xFFFFFFF0] =	vst v6  }
0x6a9: {  	v6 =	vld.idx.msk [tilespmem:v55+s6+$0x0], $0xffff;
	_ =	sdelay $0x2  }
0x6aa: {  	v9 =	vor.u32 v3, v51  }
0x6ab: {  	v57 =	vnsel vm1, $0x0, v53  }
0x6ac: {  	v6 =	vmul.f32 v6, v57;
	_ =	sdelay $0x1  }
0x6ad: {  	[tilespmem:s26+$0x0] =	vst v6  }
0x6ae: {  	v6 =	vld.idx.msk [tilespmem:v9+s6+$0x0], $0xffff;
	_ =	sdelay $0x1  }
0x6af: {  	v8 =	vadd.s32 $0x1A0, v8  }
0x6b0: {  	v2 =	vor.u32 v2, v8  }
0x6b1: {  	v7 =	vnsel vm0, $0x0, v53  }
0x6b2: {  	v6 =	vmul.f32 v6, v7;
	_ =	sdelay $0x1  }
0x6b3: {  	[tilespmem:s26+$0x10] =	vst v6  }
0x6b4: {  	v2 =	vld.idx.msk [tilespmem:v2+s6+$0x0], $0xffff  }
0x6b5: {  	s2 =	smul.f32 s7, s2;
	_ =	sdelay $0x1  }
0x6b6: {  	v58 =	vmov s2;
	v59 =	vor.u32 v4, v8  }
0x6b7: {  	v60 =	vnsel vm3, $0x0, v58  }
0x6b8: {  	v2 =	vmul.f32 v2, v60;
	_ =	sdelay $0x1  }
0x6b9: {  	[tilespmem:s26+$0xFE0] =	vst v2  }
0x6ba: {  	v2 =	vld.idx.msk [tilespmem:v59+s6+$0x0], $0xffff;
	_ =	sdelay $0x2  }
0x6bb: {  	v61 =	vor.u32 v5, v8  }
0x6bc: {  	v62 =	vnsel vm2, $0x0, v58  }
0x6bd: {  	v2 =	vmul.f32 v2, v62;
	_ =	sdelay $0x1  }
0x6be: {  	[tilespmem:s26+$0xFF0] =	vst v2  }
0x6bf: {  	v2 =	vld.idx.msk [tilespmem:v61+s6+$0x0], $0xffff;
	_ =	sdelay $0x2  }
0x6c0: {  	v3 =	vor.u32 v3, v8  }
0x6c1: {  	v63 =	vnsel vm1, $0x0, v58  }
0x6c2: {  	v2 =	vmul.f32 v2, v63;
	_ =	sdelay $0x1  }
0x6c3: {  	[tilespmem:s26+$0x1000] =	vst v2  }
0x6c4: {  	v2 =	vld.idx.msk [tilespmem:v3+s6+$0x0], $0xffff;
	_ =	sdelay $0x1  }
0x6c5: {  	p3 =	sgt.s32 s30, $0x1  }
0x6c6: {  	s19 =	rddreg [dreg:$0xc];
	s16 =	sshll.u32 s17, $0xE;
	s30 =	simm.s32 @!p3 $0x1  }
0x6c7: {  	p3 =	sgt.s32 s29, $0x1;
	s30 =	sshll.u32 s30, $0xC;
	s2 =	sadd.s32 s19, s16;
	v3 =	vnsel vm0, $0x0, v58  }
0x6c8: {  	s29 =	simm.s32 @!p3 $0x1;
	s31 =	rddreg [dreg:$0xd];
	s2 =	sshrl.u32 s2, $0x3;
	v2 =	vmul.f32 v2, v3  }
0x6c9: {  	s16 =	sshll.u32 s29, $0xC;
	s1 =	sadd.s32 s30, s31;
	s25 =	sadd.s32 s9, s2  }
0x6ca: {  	s2 =	simm.s32 $0x0;
	s1 =	sshrl.u32 s1, $0x3;
	[tilespmem:s26+$0x1010] =	vst v2;
	s26 =	simm.s32 $0x8200  }
0x6cb: {  	[hbm4b:s25+s2] =	stream.linear.scatter [tilespmem:s26], [sflag:$0x2], $0x14000, $0x38;
	[tilespmem:$0x1C200] =	vst v63  }
0x6cc: {  	s19 =	rddreg [dreg:$0xe];
	s1 =	sadd.s32 s4, s1;
	s12 =	simm.s32 $0x7200  }
0x6cd: {  	[hbm4b:s1+s2] =	stream.linear.scatter [tilespmem:s12], [sflag:$0x2], $0x1000, $0x38;
	[tilespmem:$0x1C200] =	vst v63  }
0x6ce: {  	s1 =	sadd.s32 s16, s19  }
0x6cf: {  	s1 =	sshrl.u32 s1, $0x3  }
0x6d0: {  	s25 =	simm.s32 $0x6200;
	s1 =	sadd.s32 s3, s1  }
0x6d1: {  	[hbm4b:s1+s2] =	stream.linear.scatter [tilespmem:s25], [sflag:$0x2], $0x1000, $0x38;
	[tilespmem:$0x1C200] =	vst v63  }
0x6d2: {  	s29 =	simm.s32 $0x5200;
	s26 =	rddreg [dreg:$0xf]  }
0x6d3: {  	[hbm4b:s26+s2] =	stream.linear.scatter [tilespmem:s29], [sflag:$0x2], $0x1000, $0x38;
	[tilespmem:$0x1C200] =	vst v63  }
0x6d4: {  	_ =	swait.ge [sflag:s21], $0x14000  }
0x6d5: {  	[sflag:s21] =	ssyncset.done $0x0  }
0x6d6: {  	s30 =	sshll.u32 s13, $0xE;
	[sflag:s21] =	ssyncadd.s32 $0xFFFEC000  }
0x6d7: {  	s31 =	sshll.u32 s17, $0x10;
	s1 =	sor.u32 s28, s30;
	_ =	swait.ge [sflag:s21], $0x1000  }
0x6d8: {  	s1 =	ssub.s32 s1, s31;
	[sflag:s21] =	ssyncset.done $0x0  }
0x6d9: {  	s1 =	sshra.s32 s1, $0x2;
	[sflag:s21] =	ssyncadd.s32 $0xFFFFF000  }
0x6da: {  	s1 =	sadd.s32 $0x8200, s1;
	_ =	swait.ge [sflag:s21], $0x1000  }
0x6db: {  	v2 =	vmov s1;
	[sflag:s21] =	ssyncset.done $0x0  }
0x6dc: {  	[sflag:s21] =	ssyncadd.s32 $0xFFFFF000  }
0x6dd: {  	_ =	swait.ge [sflag:s21], $0x1000  }
0x6de: {  	[sflag:s21] =	ssyncset.done $0x0  }
0x6df: {  	s2 =	simm.s32 $0x0;
	[sflag:s21] =	ssyncadd.s32 $0xFFFFF000  }
0x6e0: {  	[tilespmem:v2+s2+$0x0 ss:$0x1] =	vst.idx.msk $0xffff, v1  }
0x6e1: {  	[tilespmem:v2+s2+$0x10 ss:$0x1] =	vst.idx.msk $0xffff, v1  }
0x6e2: {  	[tilespmem:v2+s2+$0x20 ss:$0x1] =	vst.idx.msk $0xffff, v1  }
0x6e3: {  	s1 =	simm.s32 $0x4000;
	[tilespmem:v2+s2+$0x30 ss:$0x1] =	vst.idx.msk $0xffff, v1  }
.LBB2_29:
0x6e4: {  	s7 =	sshra.s32 s1, $0x2;
	p3 =	sne.s32 s1, $0x30000;
	[tilespmem:v2+s2+$0x40 ss:$0x1] =	vst.idx.msk $0xffff, v1  }
0x6e5: {  	[tilespmem:v2+s7+$0x0 ss:$0x1] =	vst.idx.msk $0xffff, v1  }
0x6e6: {  	[tilespmem:v2+s2+$0x50 ss:$0x1] =	vst.idx.msk $0xffff, v1  }
0x6e7: {  	[tilespmem:v2+s2+$0x60 ss:$0x1] =	vst.idx.msk $0xffff, v1  }
0x6e8: {  	[tilespmem:v2+s2+$0x70 ss:$0x1] =	vst.idx.msk $0xffff, v1  }
0x6e9: {  	[tilespmem:v2+s2+$0x80 ss:$0x1] =	vst.idx.msk $0xffff, v1  }
0x6ea: {  	[tilespmem:v2+s2+$0x90 ss:$0x1] =	vst.idx.msk $0xffff, v1  }
0x6eb: {  	[tilespmem:v2+s2+$0xA0 ss:$0x1] =	vst.idx.msk $0xffff, v1  }
0x6ec: {  	[tilespmem:v2+s2+$0xB0 ss:$0x1] =	vst.idx.msk $0xffff, v1  }
0x6ed: {  	[tilespmem:v2+s2+$0xC0 ss:$0x1] =	vst.idx.msk $0xffff, v1  }
0x6ee: {  	[tilespmem:v2+s2+$0xD0 ss:$0x1] =	vst.idx.msk $0xffff, v1  }
0x6ef: {  	[tilespmem:v2+s2+$0xE0 ss:$0x1] =	vst.idx.msk $0xffff, v1  }
0x6f0: {  	[tilespmem:v2+s2+$0xF0 ss:$0x1] =	vst.idx.msk $0xffff, v1  }
0x6f1: {  	[tilespmem:v2+s2+$0x100 ss:$0x1] =	vst.idx.msk $0xffff, v1  }
0x6f2: {  	[tilespmem:v2+s2+$0x110 ss:$0x1] =	vst.idx.msk $0xffff, v1  }
0x6f3: {  	[tilespmem:v2+s2+$0x120 ss:$0x1] =	vst.idx.msk $0xffff, v1  }
0x6f4: {  	[tilespmem:v2+s2+$0x130 ss:$0x1] =	vst.idx.msk $0xffff, v1  }
0x6f5: {  	[tilespmem:v2+s2+$0x140 ss:$0x1] =	vst.idx.msk $0xffff, v1  }
0x6f6: {  	[tilespmem:v2+s2+$0x150 ss:$0x1] =	vst.idx.msk $0xffff, v1  }
0x6f7: {  	[tilespmem:v2+s2+$0x160 ss:$0x1] =	vst.idx.msk $0xffff, v1  }
0x6f8: {  	[tilespmem:v2+s2+$0x170 ss:$0x1] =	vst.idx.msk $0xffff, v1  }
0x6f9: {  	[tilespmem:v2+s2+$0x180 ss:$0x1] =	vst.idx.msk $0xffff, v1  }
0x6fa: {  	[tilespmem:v2+s2+$0x190 ss:$0x1] =	vst.idx.msk $0xffff, v1  }
0x6fb: {  	[tilespmem:v2+s2+$0x1A0 ss:$0x1] =	vst.idx.msk $0xffff, v1  }
0x6fc: {  	[tilespmem:v2+s2+$0x1B0 ss:$0x1] =	vst.idx.msk $0xffff, v1  }
0x6fd: {  	[tilespmem:v2+s2+$0x1C0 ss:$0x1] =	vst.idx.msk $0xffff, v1  }
0x6fe: {  	[tilespmem:v2+s2+$0x1D0 ss:$0x1] =	vst.idx.msk $0xffff, v1  }
0x6ff: {  	[tilespmem:v2+s2+$0x1E0 ss:$0x1] =	vst.idx.msk $0xffff, v1  }
0x700: {  	[tilespmem:v2+s2+$0x1F0 ss:$0x1] =	vst.idx.msk $0xffff, v1  }
0x701: {  	[tilespmem:v2+s2+$0x200 ss:$0x1] =	vst.idx.msk $0xffff, v1  }
0x702: {  	[tilespmem:v2+s2+$0x210 ss:$0x1] =	vst.idx.msk $0xffff, v1  }
0x703: {  	[tilespmem:v2+s2+$0x220 ss:$0x1] =	vst.idx.msk $0xffff, v1  }
0x704: {  	[tilespmem:v2+s2+$0x230 ss:$0x1] =	vst.idx.msk $0xffff, v1  }
0x705: {  	[tilespmem:v2+s2+$0x240 ss:$0x1] =	vst.idx.msk $0xffff, v1  }
0x706: {  	[tilespmem:v2+s2+$0x250 ss:$0x1] =	vst.idx.msk $0xffff, v1  }
0x707: {  	[tilespmem:v2+s2+$0x260 ss:$0x1] =	vst.idx.msk $0xffff, v1  }
0x708: {  	[tilespmem:v2+s2+$0x270 ss:$0x1] =	vst.idx.msk $0xffff, v1  }
0x709: {  	[tilespmem:v2+s2+$0x280 ss:$0x1] =	vst.idx.msk $0xffff, v1  }
0x70a: {  	[tilespmem:v2+s2+$0x290 ss:$0x1] =	vst.idx.msk $0xffff, v1  }
0x70b: {  	[tilespmem:v2+s2+$0x2A0 ss:$0x1] =	vst.idx.msk $0xffff, v1  }
0x70c: {  	[tilespmem:v2+s2+$0x2B0 ss:$0x1] =	vst.idx.msk $0xffff, v1  }
0x70d: {  	[tilespmem:v2+s2+$0x2C0 ss:$0x1] =	vst.idx.msk $0xffff, v1  }
0x70e: {  	[tilespmem:v2+s2+$0x2D0 ss:$0x1] =	vst.idx.msk $0xffff, v1  }
0x70f: {  	[tilespmem:v2+s2+$0x2E0 ss:$0x1] =	vst.idx.msk $0xffff, v1  }
0x710: {  	[tilespmem:v2+s2+$0x2F0 ss:$0x1] =	vst.idx.msk $0xffff, v1  }
0x711: {  	[tilespmem:v2+s2+$0x300 ss:$0x1] =	vst.idx.msk $0xffff, v1  }
0x712: {  	[tilespmem:v2+s2+$0x310 ss:$0x1] =	vst.idx.msk $0xffff, v1  }
.Ltmp16:
0x713: {  	[tilespmem:v2+s2+$0x320 ss:$0x1] =	vst.idx.msk $0xffff, v1;
	(pc) =	sbr.rel @p3 .LBB2_29-.Ltmp16, $4  }
0x714: {  	[tilespmem:v2+s2+$0x330 ss:$0x1] =	vst.idx.msk $0xffff, v1;
	s2 =	smov.u32 s7  }
0x715: {  	[tilespmem:v2+s2+$0x10 ss:$0x1] =	vst.idx.msk $0xffff, v1  }
0x716: {  	[tilespmem:v2+s2+$0x20 ss:$0x1] =	vst.idx.msk $0xffff, v1  }
0x717: {  	s1 =	sadd.s32 $0x4000, s1;
	[tilespmem:v2+s2+$0x30 ss:$0x1] =	vst.idx.msk $0xffff, v1  }
0x718: {  	_ =	sdelay $0x3  }
0x719: {  	[tilespmem:v2+s2+$0x40 ss:$0x1] =	vst.idx.msk $0xffff, v1  }
0x71a: {  	[tilespmem:v2+s2+$0x50 ss:$0x1] =	vst.idx.msk $0xffff, v1  }
0x71b: {  	[tilespmem:v2+s2+$0x60 ss:$0x1] =	vst.idx.msk $0xffff, v1  }
0x71c: {  	[tilespmem:v2+s2+$0x70 ss:$0x1] =	vst.idx.msk $0xffff, v1  }
0x71d: {  	[tilespmem:v2+s2+$0x80 ss:$0x1] =	vst.idx.msk $0xffff, v1  }
0x71e: {  	[tilespmem:v2+s2+$0x90 ss:$0x1] =	vst.idx.msk $0xffff, v1  }
0x71f: {  	[tilespmem:v2+s2+$0xA0 ss:$0x1] =	vst.idx.msk $0xffff, v1  }
0x720: {  	[tilespmem:v2+s2+$0xB0 ss:$0x1] =	vst.idx.msk $0xffff, v1  }
0x721: {  	[tilespmem:v2+s2+$0xC0 ss:$0x1] =	vst.idx.msk $0xffff, v1  }
0x722: {  	[tilespmem:v2+s2+$0xD0 ss:$0x1] =	vst.idx.msk $0xffff, v1  }
0x723: {  	[tilespmem:v2+s2+$0xE0 ss:$0x1] =	vst.idx.msk $0xffff, v1  }
0x724: {  	[tilespmem:v2+s2+$0xF0 ss:$0x1] =	vst.idx.msk $0xffff, v1  }
0x725: {  	[tilespmem:v2+s2+$0x100 ss:$0x1] =	vst.idx.msk $0xffff, v1  }
0x726: {  	[tilespmem:v2+s2+$0x110 ss:$0x1] =	vst.idx.msk $0xffff, v1  }
0x727: {  	[tilespmem:v2+s2+$0x120 ss:$0x1] =	vst.idx.msk $0xffff, v1  }
0x728: {  	[tilespmem:v2+s2+$0x130 ss:$0x1] =	vst.idx.msk $0xffff, v1  }
0x729: {  	[tilespmem:v2+s2+$0x140 ss:$0x1] =	vst.idx.msk $0xffff, v1  }
0x72a: {  	[tilespmem:v2+s2+$0x150 ss:$0x1] =	vst.idx.msk $0xffff, v1  }
0x72b: {  	[tilespmem:v2+s2+$0x160 ss:$0x1] =	vst.idx.msk $0xffff, v1  }
0x72c: {  	[tilespmem:v2+s2+$0x170 ss:$0x1] =	vst.idx.msk $0xffff, v1  }
0x72d: {  	[tilespmem:v2+s2+$0x180 ss:$0x1] =	vst.idx.msk $0xffff, v1  }
0x72e: {  	[tilespmem:v2+s2+$0x190 ss:$0x1] =	vst.idx.msk $0xffff, v1  }
0x72f: {  	[tilespmem:v2+s2+$0x1A0 ss:$0x1] =	vst.idx.msk $0xffff, v1  }
0x730: {  	[tilespmem:v2+s2+$0x1B0 ss:$0x1] =	vst.idx.msk $0xffff, v1  }
0x731: {  	[tilespmem:v2+s2+$0x1C0 ss:$0x1] =	vst.idx.msk $0xffff, v1  }
0x732: {  	[tilespmem:v2+s2+$0x1D0 ss:$0x1] =	vst.idx.msk $0xffff, v1  }
0x733: {  	[tilespmem:v2+s2+$0x1E0 ss:$0x1] =	vst.idx.msk $0xffff, v1  }
0x734: {  	[tilespmem:v2+s2+$0x1F0 ss:$0x1] =	vst.idx.msk $0xffff, v1  }
0x735: {  	[tilespmem:v2+s2+$0x200 ss:$0x1] =	vst.idx.msk $0xffff, v1  }
0x736: {  	[tilespmem:v2+s2+$0x210 ss:$0x1] =	vst.idx.msk $0xffff, v1  }
0x737: {  	[tilespmem:v2+s2+$0x220 ss:$0x1] =	vst.idx.msk $0xffff, v1  }
0x738: {  	[tilespmem:v2+s2+$0x230 ss:$0x1] =	vst.idx.msk $0xffff, v1  }
0x739: {  	[tilespmem:v2+s2+$0x240 ss:$0x1] =	vst.idx.msk $0xffff, v1  }
0x73a: {  	[tilespmem:v2+s2+$0x250 ss:$0x1] =	vst.idx.msk $0xffff, v1  }
0x73b: {  	[tilespmem:v2+s2+$0x260 ss:$0x1] =	vst.idx.msk $0xffff, v1  }
0x73c: {  	[tilespmem:v2+s2+$0x270 ss:$0x1] =	vst.idx.msk $0xffff, v1  }
0x73d: {  	[tilespmem:v2+s2+$0x280 ss:$0x1] =	vst.idx.msk $0xffff, v1  }
0x73e: {  	[tilespmem:v2+s2+$0x290 ss:$0x1] =	vst.idx.msk $0xffff, v1  }
0x73f: {  	[tilespmem:v2+s2+$0x2A0 ss:$0x1] =	vst.idx.msk $0xffff, v1  }
0x740: {  	[tilespmem:v2+s2+$0x2B0 ss:$0x1] =	vst.idx.msk $0xffff, v1  }
0x741: {  	[tilespmem:v2+s2+$0x2C0 ss:$0x1] =	vst.idx.msk $0xffff, v1  }
0x742: {  	[tilespmem:v2+s2+$0x2D0 ss:$0x1] =	vst.idx.msk $0xffff, v1  }
0x743: {  	s1 =	sadd.s32 $0x7230, s23;
	[tilespmem:v2+s2+$0x2E0 ss:$0x1] =	vst.idx.msk $0xffff, v1  }
0x744: {  	v3 =	vmov s1;
	[tilespmem:v2+s2+$0x2F0 ss:$0x1] =	vst.idx.msk $0xffff, v1  }
0x745: {  	[tilespmem:v2+s2+$0x300 ss:$0x1] =	vst.idx.msk $0xffff, v1  }
0x746: {  	[tilespmem:v2+s2+$0x310 ss:$0x1] =	vst.idx.msk $0xffff, v1  }
0x747: {  	[tilespmem:v2+s2+$0x320 ss:$0x1] =	vst.idx.msk $0xffff, v1  }
0x748: {  	s1 =	simm.s32 $0x0;
	[tilespmem:v2+s2+$0x330 ss:$0x1] =	vst.idx.msk $0xffff, v1  }
0x749: {  	[tilespmem:v3+s1+$0xFFFFDFD0 ss:$0x1] =	vst.idx.msk $0xffff, v1  }
0x74a: {  	[tilespmem:v3+s1+$0xFFFFDFE0 ss:$0x1] =	vst.idx.msk $0xffff, v1  }
0x74b: {  	[tilespmem:v3+s1+$0xFFFFDFF0 ss:$0x1] =	vst.idx.msk $0xffff, v1  }
0x74c: {  	[tilespmem:v3+s1+$0xFFFFE000 ss:$0x1] =	vst.idx.msk $0xffff, v1  }
0x74d: {  	[tilespmem:v3+s1+$0xFFFFEFD0 ss:$0x1] =	vst.idx.msk $0xffff, v1  }
0x74e: {  	[tilespmem:v3+s1+$0xFFFFEFE0 ss:$0x1] =	vst.idx.msk $0xffff, v1  }
0x74f: {  	[tilespmem:v3+s1+$0xFFFFEFF0 ss:$0x1] =	vst.idx.msk $0xffff, v1  }
0x750: {  	[tilespmem:v3+s1+$0xFFFFF000 ss:$0x1] =	vst.idx.msk $0xffff, v1  }
0x751: {  	[tilespmem:v3+s1+$0xFFFFFFD0 ss:$0x1] =	vst.idx.msk $0xffff, v1  }
0x752: {  	[tilespmem:v3+s1+$0xFFFFFFE0 ss:$0x1] =	vst.idx.msk $0xffff, v1  }
0x753: {  	s2 =	simm.s32 $0x100;
	[tilespmem:v3+s1+$0xFFFFFFF0 ss:$0x1] =	vst.idx.msk $0xffff, v1  }
.LBB2_31:
0x754: {  	p3 =	sne.s32 s2, $0xC00;
	[tilespmem:v3+s1+$0x0 ss:$0x1] =	vst.idx.msk $0xffff, v1;
	s1 =	sshra.s32 s2, $0x2;
	s2 =	sadd.s32 $0x100, s2  }
0x755: {  	[tilespmem:v3+s1+$0xFFFFDFD0 ss:$0x1] =	vst.idx.msk $0xffff, v1  }
0x756: {  	[tilespmem:v3+s1+$0xFFFFDFE0 ss:$0x1] =	vst.idx.msk $0xffff, v1  }
0x757: {  	[tilespmem:v3+s1+$0xFFFFDFF0 ss:$0x1] =	vst.idx.msk $0xffff, v1  }
0x758: {  	[tilespmem:v3+s1+$0xFFFFE000 ss:$0x1] =	vst.idx.msk $0xffff, v1  }
0x759: {  	[tilespmem:v3+s1+$0xFFFFEFD0 ss:$0x1] =	vst.idx.msk $0xffff, v1  }
0x75a: {  	[tilespmem:v3+s1+$0xFFFFEFE0 ss:$0x1] =	vst.idx.msk $0xffff, v1  }
.Ltmp17:
0x75b: {  	[tilespmem:v3+s1+$0xFFFFEFF0 ss:$0x1] =	vst.idx.msk $0xffff, v1;
	(pc) =	sbr.rel @p3 .LBB2_31-.Ltmp17, $4  }
0x75c: {  	[tilespmem:v3+s1+$0xFFFFF000 ss:$0x1] =	vst.idx.msk $0xffff, v1  }
0x75d: {  	[tilespmem:v3+s1+$0xFFFFFFD0 ss:$0x1] =	vst.idx.msk $0xffff, v1  }
0x75e: {  	[tilespmem:v3+s1+$0xFFFFFFE0 ss:$0x1] =	vst.idx.msk $0xffff, v1  }
0x75f: {  	[tilespmem:v3+s1+$0xFFFFFFF0 ss:$0x1] =	vst.idx.msk $0xffff, v1  }
0x760: {  	_ =	sdelay $0x3  }
0x761: {  	[tilespmem:v3+s1+$0x0 ss:$0x1] =	vst.idx.msk $0xffff, v1  }
.LBB2_33:
.Ltmp18:
0x762: {  	(pc) =	sbr.rel @p0 .LBB2_36-.Ltmp18, $1  }
0x763: {  	_ =	sdelay $0x3  }
.Ltmp19:
0x764: {  	(pc) =	sbr.rel @p1 .LBB2_37-.Ltmp19, $1  }
0x765: {  	_ =	sdelay $0x3  }
0x766: {  	s1 =	sshrl.u32 s0, $0x2  }
0x767: {  	v2 =	vld [tilespmem:s1+$0x0];
	_ =	sdelay $0x4  }
0x768: {  	(v2sf) =	vpush v2, $0x2;
	_ =	sdelay $0xe  }
0x769: {  	s31 =	spop (v2sf)  }
0x76a: {  	s1 =	sadd.s32 $0xFFFFFFF9, s31  }
0x76b: {  	p3 =	sgt.s32 s1, $0x0  }
0x76c: {  	p4 =	slt.s32 s1, $0x1;
	s1 =	simm.s32 @!p3 $0x0  }
0x76d: {  	s1 =	smin.u32 s1, $0x33  }
0x76e: {  	s2 =	sand.u32 $0x3, s1  }
0x76f: {  	p6 =	sne.s32 s2, $0x0  }
0x770: {  	p3 =	por !p4, !p6  }
0x771: {  	s2 =	simm.s32 $0x1;
	p3 =	por !p3, !p3  }
0x772: {  	s1 =	sshrl.u32 s1, $0x2;
	s2 =	simm.s32 @!p3 $0x0  }
0x773: {  	s1 =	ssub.s32 s1, s2  }
0x774: {  	s2 =	simm.s32 $0x0;
	p3 =	sgt.s32 s1, $0x0  }
0x775: {  	s2 =	simm.s32 @!p3 $0x14  }
0x776: {  	s2 =	sor.u32 s0, s2  }
0x777: {  	s2 =	sshll.u32 s2, $0x9  }
0x778: {  	s2 =	sadd.s32 s9, s2  }
0x779: {  	[hbm4b:s2+s5] =	stream.linear.scatter [tilespmem:s18], [sflag:$0x1], $0x4000, $0x38;
	[tilespmem:$0x1C200] =	vst v63  }
0x77a: {  	p3 =	sgt.s32 s1, $0x1;
	s2 =	simm.s32 $0x4  }
0x77b: {  	s2 =	simm.s32 @!p3 $0x18  }
0x77c: {  	s2 =	sor.u32 s0, s2  }
0x77d: {  	s2 =	sshll.u32 s2, $0x9  }
0x77e: {  	s2 =	sadd.s32 s9, s2  }
0x77f: {  	[hbm4b:s2+s5] =	stream.linear.scatter [tilespmem:s18], [sflag:$0x1], $0x4000, $0x38;
	[tilespmem:$0x1C200] =	vst v63  }
0x780: {  	p3 =	sgt.s32 s1, $0x2;
	s2 =	simm.s32 $0x8  }
0x781: {  	s2 =	simm.s32 @!p3 $0x1C  }
0x782: {  	s2 =	sor.u32 s0, s2  }
0x783: {  	s2 =	sshll.u32 s2, $0x9  }
0x784: {  	s2 =	sadd.s32 s9, s2  }
0x785: {  	[hbm4b:s2+s5] =	stream.linear.scatter [tilespmem:s18], [sflag:$0x1], $0x4000, $0x38;
	[tilespmem:$0x1C200] =	vst v63  }
0x786: {  	p3 =	sgt.s32 s1, $0x3;
	s2 =	simm.s32 $0xC  }
0x787: {  	s2 =	simm.s32 @!p3 $0x20  }
0x788: {  	s2 =	sor.u32 s0, s2  }
0x789: {  	s2 =	sshll.u32 s2, $0x9  }
0x78a: {  	s2 =	sadd.s32 s9, s2  }
0x78b: {  	[hbm4b:s2+s5] =	stream.linear.scatter [tilespmem:s18], [sflag:$0x1], $0x4000, $0x38;
	[tilespmem:$0x1C200] =	vst v63  }
0x78c: {  	p3 =	sgt.s32 s1, $0x4;
	s2 =	simm.s32 $0x10  }
0x78d: {  	s2 =	simm.s32 @!p3 $0x24;
	p3 =	sgt.s32 s1, $0x5;
	s1 =	simm.s32 $0x14  }
0x78e: {  	s2 =	sor.u32 s0, s2;
	s1 =	simm.s32 @!p3 $0x28  }
0x78f: {  	s2 =	sshll.u32 s2, $0x9;
	s1 =	sor.u32 s0, s1  }
0x790: {  	s2 =	sadd.s32 s9, s2;
	s1 =	sshll.u32 s1, $0x9  }
0x791: {  	[hbm4b:s2+s5] =	stream.linear.scatter [tilespmem:s18], [sflag:$0x1], $0x4000, $0x38;
	[tilespmem:$0x1C200] =	vst v63  }
0x792: {  	s1 =	sadd.s32 s9, s1  }
0x793: {  	[hbm4b:s1+s5] =	stream.linear.scatter [tilespmem:s18], [sflag:$0x1], $0x4000, $0x38;
	[tilespmem:$0x1C200] =	vst v63  }
0x794: {  	_ =	swait.ge [sflag:s20], $0x4000  }
0x795: {  	[sflag:s20] =	ssyncset.done $0x0  }
0x796: {  	[sflag:s20] =	ssyncadd.s32 $0xFFFFC000  }
0x797: {  	_ =	swait.ge [sflag:s20], $0x4000  }
0x798: {  	[sflag:s20] =	ssyncset.done $0x0  }
0x799: {  	[sflag:s20] =	ssyncadd.s32 $0xFFFFC000  }
0x79a: {  	_ =	swait.ge [sflag:s20], $0x4000  }
0x79b: {  	[sflag:s20] =	ssyncset.done $0x0  }
0x79c: {  	[sflag:s20] =	ssyncadd.s32 $0xFFFFC000  }
0x79d: {  	_ =	swait.ge [sflag:s20], $0x4000  }
0x79e: {  	[sflag:s20] =	ssyncset.done $0x0  }
0x79f: {  	[sflag:s20] =	ssyncadd.s32 $0xFFFFC000  }
0x7a0: {  	_ =	swait.ge [sflag:s20], $0x4000  }
.Ltmp20:
0x7a1: {  	[sflag:s20] =	ssyncset.done $0x0;
	(pc) =	sbr.rel .LBB2_37-.Ltmp20, $4  }
0x7a2: {  	[sflag:s20] =	ssyncadd.s32 $0xFFFFC000  }
0x7a3: {  	_ =	swait.ge [sflag:s20], $0x4000  }
0x7a4: {  	[sflag:s20] =	ssyncset.done $0x0  }
0x7a5: {  	[sflag:s20] =	ssyncadd.s32 $0xFFFFC000  }
.LBB2_38:
0x7a6: {  	_ =	sfence.sel $0x180000  }
0x7a7: {  	[bflag:$0x0] =	sbarrier.arrive $0xFFFF  }
0x7a8: {  	_ =	strace $0x90000047  }
0x7a9: {  	s0 =	stileid.u32;
	[bflag:$0x2] =	sbarrier.arrive $0xFFFF  }
0x7aa: {  	p0 =	sne.s32 s0, $0x0;
	s0 =	rddreg [dreg:$0x5]  }
0x7ab: {  	s0 =	sadd.s32 @!p0 $0x100000, s0  }
0x7ac: {  	[sflag:s0] =	ssyncadd.tile.s32 @!p0 $0x1;
	_ =	shalt  }
.Lfunc_end2:
_tile_overlayer_lowered:
.L_overlay_start_2:
0x7ad: {  	(tag) =	ssettag $0x2  }
0x7ae: {  	s0 =	rddreg [dreg:$0x0];
	s2 =	stileid.u32  }
0x7af: {  	s1 =	rddreg [dreg:$0x1];
	p0 =	sne.s32 s2, $0x0  }
0x7b0: {  	s3 =	rddreg [dreg:$0x2];
	[bflag:$0x3] =	sbarrier.arrive $0xFFFF;
	s2 =	simm.s32 @!p0 $0x1C03  }
0x7b1: {  	[timem:s3], [sflag:s2] =	dma.local @!p0 [hbm:s0], s1  }
0x7b2: {  	s0 =	simm.s32 @!p0 $0x3  }
0x7b3: {  	_ =	swait.ge @!p0 [sflag:s0], s1  }
0x7b4: {  	s1 =	ssub.s32 @!p0 $0x0, s1;
	[sflag:s0] =	ssyncset.done @!p0 $0x0  }
0x7b5: {  	[sflag:s0] =	ssyncadd.s32 @!p0 s1  }
0x7b6: {  	[bflag:$0x3] =	sbarrier.arrive $0xFFFF  }
0x7b7: {  	_ =	shalt  }

</sc_bundles>
